<compile_context>
chip_gen: v7x
topology: tpu7x:2x2x1
jax: 0.10.2.dev20260603
libtpu: 0.0.44.dev20260713+nightly
codegen_flags: <defaults>
</compile_context>

<pallas_src>
import functools

import jax
import jax.numpy as jnp
import numpy as np
from jax import lax
from jax.experimental import pallas as pl
from jax.experimental.pallas import tpu as pltpu
from jax.experimental.pallas import tpu_sc as plsc

_H, _W = 240, 320
_C = 9
_B = 4
_N = 2000000
_HW = _H * _W

_TCCHUNK = 80000
_CHUNK = 2000
_NCHUNKS = _N // _CHUNK
_GROUPS = _CHUNK // 16
_SLAB = 3200
_ROLES_PER_B = _HW // _SLAB
_NCH = 30
_ACCW = _NCH * _SLAB

_VG_OFF = 18 * _SLAB
_EF_OFF = 27 * _SLAB
_EC0_OFF = 28 * _SLAB
_EC1_OFF = 29 * _SLAB


def _boundspass_body(ev_ref, bnd_ref):
    i = pl.program_id(0)
    t = ev_ref[2, :]
    b = ev_ref[4, :]

    @pl.when(i == 0)
    def _init():
        for j in range(16):
            bnd_ref[j] = 0.0

    bnd_ref[0] = jnp.maximum(bnd_ref[0], jnp.max(t))
    bnd_ref[1] = bnd_ref[1] + jnp.sum((b < 1.0).astype(jnp.float32))
    bnd_ref[2] = bnd_ref[2] + jnp.sum((b < 2.0).astype(jnp.float32))
    bnd_ref[3] = bnd_ref[3] + jnp.sum((b < 3.0).astype(jnp.float32))


def _packpass_body(ev_ref, bnd_ref, key_ref, v0_ref, v1_ref):
    x = ev_ref[0, :]
    y = ev_ref[1, :]
    t = ev_ref[2, :]
    p = ev_ref[3, :]
    b = ev_ref[4, :]
    tmax = bnd_ref[0]
    tn = t / tmax
    jf = jnp.floor(tn * 8.0)
    ts0 = tn - jf * 0.125
    ts1 = tn - (jf + 1.0) * 0.125
    w0 = jnp.where(ts0 > 0.0, 1.0 - 8.0 * ts0, 0.0)
    w1 = jnp.where(ts1 < 0.0, 8.0 * ts1 + 1.0, 0.0)
    v0_ref[0, 0, :] = tn * w0
    v1_ref[0, 0, :] = tn * w1
    cf = jnp.clip(jnp.floor(tn * 9.0), 0.0, 8.0)
    g_lo = cf / 9.0
    g_hi = (cf + 1.0) / 9.0
    cf = jnp.where(tn <= g_lo, cf - 1.0, jnp.where(tn > g_hi, cf + 1.0, cf))
    s = (x + 320.0 * y).astype(jnp.int32)
    key = (s + b.astype(jnp.int32) * 131072 + p.astype(jnp.int32) * 524288
           + jf.astype(jnp.int32) * 1048576 + cf.astype(jnp.int32) * 16777216)
    key_ref[0, 0, :] = key


def _prepass(events):
    ev_t = events.T
    bounds = pl.pallas_call(
        _boundspass_body,
        grid=(_N // _TCCHUNK,),
        in_specs=[pl.BlockSpec((5, _TCCHUNK), lambda i: (0, i))],
        out_specs=pl.BlockSpec(memory_space=pltpu.MemorySpace.SMEM),
        out_shape=jax.ShapeDtypeStruct((16,), jnp.float32),
    )(ev_t)
    keys, v0, v1 = pl.pallas_call(
        _packpass_body,
        grid=(_N // _TCCHUNK,),
        in_specs=[
            pl.BlockSpec((5, _TCCHUNK), lambda i: (0, i)),
            pl.BlockSpec(memory_space=pltpu.MemorySpace.SMEM),
        ],
        out_specs=[
            pl.BlockSpec((1, 1, _TCCHUNK), lambda i: (i, 0, 0)),
            pl.BlockSpec((1, 1, _TCCHUNK), lambda i: (i, 0, 0)),
            pl.BlockSpec((1, 1, _TCCHUNK), lambda i: (i, 0, 0)),
        ],
        out_shape=[
            jax.ShapeDtypeStruct((_N // _TCCHUNK, 1, _TCCHUNK), jnp.int32),
            jax.ShapeDtypeStruct((_N // _TCCHUNK, 1, _TCCHUNK), jnp.float32),
            jax.ShapeDtypeStruct((_N // _TCCHUNK, 1, _TCCHUNK), jnp.float32),
        ],
    )(ev_t, bounds)
    return keys, v0, v1, bounds


def _sc_body(keys_hbm, v0_hbm, v1_hbm, bnd_hbm, out_hbm,
             kbuf, abuf, bbuf, acc, bndbuf, sem):
    cid = lax.axis_index("c")
    sid = lax.axis_index("s")
    wid = sid * 2 + cid

    lidx = lax.iota(jnp.int32, 16)
    zeros = jnp.zeros((16,), jnp.float32)
    ones = jnp.ones((16,), jnp.float32)

    pltpu.sync_copy(bnd_hbm, bndbuf)
    bndv = bndbuf[...]
    b1 = jnp.max(jnp.where(lidx == 1, bndv, 0.0))
    b2 = jnp.max(jnp.where(lidx == 2, bndv, 0.0))
    b3 = jnp.max(jnp.where(lidx == 3, bndv, 0.0))

    def pass_body(pnum, _):
        role = pnum * 32 + wid
        batch = role // _ROLES_PER_B
        slab_start = (role - batch * _ROLES_PER_B) * _SLAB
        memb_base = batch * 131072 + slab_start

        def zero_body(j, _):
            acc[pl.ds(j * 16, 16)] = zeros
            return 0

        lax.fori_loop(0, _ACCW // 16, zero_body, 0)

        start_f = jnp.where(
            batch == 0, 0.0,
            jnp.where(batch == 1, b1, jnp.where(batch == 2, b2, b3)))
        end_f = jnp.where(
            batch == 0, b1,
            jnp.where(batch == 1, b2, jnp.where(batch == 2, b3, float(_N))))
        c_lo = jnp.maximum(
            (start_f * (1.0 / _CHUNK)).astype(jnp.int32) - 1, 0)
        c_hi = jnp.minimum(
            (end_f * (1.0 / _CHUNK)).astype(jnp.int32) + 2, _NCHUNKS)

        def start_fetch(ci, slot):
            src = pl.ds(ci * _CHUNK, _CHUNK)
            dst = pl.ds(slot * _CHUNK, _CHUNK)
            pltpu.async_copy(keys_hbm.at[src], kbuf.at[dst], sem)
            pltpu.async_copy(v0_hbm.at[src], abuf.at[dst], sem)
            pltpu.async_copy(v1_hbm.at[src], bbuf.at[dst], sem)

        start_fetch(c_lo, 0)

        def chunk_body(ci_rel, _):
            ci = c_lo + ci_rel
            slot = ci_rel & 1
            boff = slot * _CHUNK

            @pl.when(ci + 1 < c_hi)
            def _prefetch():
                start_fetch(ci + 1, 1 - slot)

            dst = pl.ds(boff, _CHUNK)
            src0 = pl.ds(0, _CHUNK)
            pltpu.make_async_copy(keys_hbm.at[src0], kbuf.at[dst], sem).wait()
            pltpu.make_async_copy(v0_hbm.at[src0], abuf.at[dst], sem).wait()
            pltpu.make_async_copy(v1_hbm.at[src0], bbuf.at[dst], sem).wait()

            def group_body(g, _):
                off = pl.ds(boff + g * 16, 16)
                key = kbuf[off]
                va = abuf[off]
                vb = bbuf[off]
                diff = (key & 0x7FFFF) - memb_base
                m = diff.astype(jnp.uint32) < _SLAB
                pi = (key >> 19) & 1
                jfi = (key >> 20) & 15
                cvg = key >> 24
                p32 = pi * _SLAB
                idx0 = p32 * 9 + jfi * _SLAB + diff
                idxvg = cvg * _SLAB + (diff + _VG_OFF)
                idxec = p32 + (diff + _EC0_OFF)
                plsc.addupdate_scatter(acc, [idx0], va, mask=m)
                plsc.addupdate_scatter(acc, [idx0 + _SLAB], vb, mask=m)
                plsc.addupdate_scatter(acc, [idxvg], ones, mask=m)
                plsc.addupdate_scatter(acc, [idxec], ones, mask=m)
                return 0

            lax.fori_loop(0, _GROUPS, group_body, 0, unroll=25)
            return 0

        lax.fori_loop(0, c_hi - c_lo, chunk_body, 0)

        def vgfin(j, _):
            off = _VG_OFF + j * 16
            v = acc[pl.ds(off, 16)]
            acc[pl.ds(off, 16)] = jnp.where(v > 0.0, 1.0, v)
            return 0

        lax.fori_loop(0, 9 * _SLAB // 16, vgfin, 0)

        def effin(j, _):
            o = j * 16
            acc[pl.ds(_EF_OFF + o, 16)] = (
                acc[pl.ds(_EC0_OFF + o, 16)] + acc[pl.ds(_EC1_OFF + o, 16)])
            return 0

        lax.fori_loop(0, _SLAB // 16, effin, 0)

        row0 = batch * _NCH
        for ch in range(_NCH):
            pltpu.sync_copy(
                acc.at[pl.ds(ch * _SLAB, _SLAB)],
                out_hbm.at[row0 + ch, pl.ds(slab_start, _SLAB)])
        return 0

    lax.fori_loop(0, 3, pass_body, 0)


def _make_sc_kernel():
    mesh = plsc.VectorSubcoreMesh(core_axis_name="c", subcore_axis_name="s")
    return functools.partial(
        pl.kernel,
        mesh=mesh,
        compiler_params=pltpu.CompilerParams(needs_layout_passes=False),
        out_type=jax.ShapeDtypeStruct((_B * _NCH, _HW), jnp.float32),
        scratch_types=[
            pltpu.VMEM((2 * _CHUNK,), jnp.int32),
            pltpu.VMEM((2 * _CHUNK,), jnp.float32),
            pltpu.VMEM((2 * _CHUNK,), jnp.float32),
            pltpu.VMEM((_ACCW,), jnp.float32),
            pltpu.VMEM((16,), jnp.float32),
            pltpu.SemaphoreType.DMA,
        ],
    )


def kernel(events):
    keys, v0, v1, bounds = _prepass(events)
    sc = _make_sc_kernel()(_sc_body)
    out = sc(keys.reshape(_N), v0.reshape(_N), v1.reshape(_N), bounds)
    return out.reshape(_B, _NCH, _H, _W)

# --- scband reference (transcript-rebuilt; emitter-appended) ---
"""Pipeline reference for scband-quantization-layer-event-feature-62027917689289 (READ-ONLY COPY).

The authoritative reference and input builder live on the scoring server;
editing this copy changes nothing except your own understanding.
"""

import jax, jax.numpy as jnp
import numpy as np

_H, _W = 240, 320
_C = 9
_N = 2000000
_B = 4


def trilinear_kernel(ts, num_channels):
    gt = jnp.where(ts > 0, 1.0 - (num_channels - 1) * ts, jnp.zeros_like(ts))
    gt = jnp.where(ts < 0, (num_channels - 1) * ts + 1.0, gt)
    gt = jnp.where(ts < -1.0 / (num_channels - 1), 0.0, gt)
    gt = jnp.where(ts > 1.0 / (num_channels - 1), 0.0, gt)
    return gt


def setup_inputs(seed: int = 0):
    key = jax.random.key(seed)
    k1, k2, k3, k4, k5 = jax.random.split(key, 5)
    x = jax.random.randint(k1, (_N,), 0, _W).astype(jnp.float32)
    y = jax.random.randint(k2, (_N,), 0, _H).astype(jnp.float32)
    t = jax.random.uniform(k3, (_N,), minval=1e-4, maxval=1.0, dtype=jnp.float32)
    p = jax.random.randint(k4, (_N,), 0, 2).astype(jnp.float32)
    b = jnp.sort(jax.random.randint(k5, (_N,), 0, _B)).astype(jnp.float32)
    b = b.at[-1].set(float(_B - 1))
    events = jnp.stack([x, y, t, p, b], axis=1)
    return {"events": events}


def reference(events):
    H, W, C = _H, _W, _C
    B = _B
    x = events[:, 0]
    y = events[:, 1]
    t = events[:, 2]
    p = events[:, 3]
    b = events[:, 4]
    t = t / t.max()
    # --- EST (ValueLayer trilinear kernel weighting, scatter-add per temporal bin) ---
    vox = jnp.zeros(2 * C * H * W * B, dtype=jnp.float32)
    idx_before_bins = x + W * y + W * H * C * p + W * H * C * 2 * b
    for i_bin in range(C):
        values = t * trilinear_kernel(t - i_bin / (C - 1), C)
        idx = (idx_before_bins + W * H * i_bin).astype(jnp.int32)
        vox = vox.at[idx].add(values)
    vox = vox.reshape(-1, 2, C, H, W)
    est = jnp.concatenate([vox[:, 0], vox[:, 1]], axis=1)
    # --- VoxGrid (binary occupancy per temporal bin) ---
    vg = jnp.zeros(C * H * W * B, dtype=jnp.float32)
    for i_bin in range(C):
        mask = (t > i_bin / C) & (t <= (i_bin + 1) / C)
        idx = (x + W * y + W * H * i_bin + C * H * W * b).astype(jnp.int32)
        idx = jnp.where(mask, idx, 0)
        vg = vg.at[idx].add(mask.astype(jnp.float32))
    vg = jnp.where(vg > 0, 1.0, vg).reshape(-1, C, H, W)
    # --- EventCount (per-polarity histogram) ---
    ec = jnp.zeros(2 * H * W * B, dtype=jnp.float32)
    idx_ec = (x + W * y + W * H * p + W * H * 2 * b).astype(jnp.int32)
    ec = ec.at[idx_ec].add(jnp.ones_like(x))
    ec = ec.reshape(-1, 2, H, W)
    # --- EventFrame (polarity-summed count) ---
    ef = ec.sum(axis=1).reshape(-1, 1, H, W)
    return jnp.concatenate([est, vg, ef, ec], axis=1)

if __name__ == "__main__":
    import jax
    _d = setup_inputs()
    print(jax.jit(kernel)(*tuple(_d.values())))

</pallas_src>

<mosaic_0001>
#map = affine_map<(d0, d1) -> (0)>
#map1 = affine_map<(d0, d1) -> (0, 0)>
module attributes {stable_mosaic.version = 14 : i64} {
  func.func @_sc_body(%arg0: i32, %arg1: i32, %arg2: memref<2000000xi32, #tpu.memory_space<hbm>>, %arg3: memref<2000000xf32, #tpu.memory_space<hbm>>, %arg4: memref<2000000xf32, #tpu.memory_space<hbm>>, %arg5: memref<16xf32, #tpu.memory_space<hbm>>, %arg6: memref<120x76800xf32, #tpu.memory_space<hbm>>, %arg7: memref<4000xi32, #tpu.memory_space<vmem>>, %arg8: memref<4000xf32, #tpu.memory_space<vmem>>, %arg9: memref<4000xf32, #tpu.memory_space<vmem>>, %arg10: memref<96000xf32, #tpu.memory_space<vmem>>, %arg11: memref<16xf32, #tpu.memory_space<vmem>>, %arg12: memref<!tpu.dma_semaphore, #tpu.memory_space<semaphore_mem>>) attributes {dimension_semantics = [#tpu.dimension_semantics<core_parallel>, #tpu.dimension_semantics<subcore_parallel>], iteration_bounds = array<i64: 2, 16>, scalar_prefetch = 0 : i64, scratch_operands = 6 : i64, tpu.core_type = #tpu.core_type<sc_vector_subcore>, window_params = [{transform_indices = #map}, {transform_indices = #map}, {transform_indices = #map}, {transform_indices = #map}, {transform_indices = #map1}]} {
    %mul3A = arith.constant 2 : i32
    %mul3A_0 = arith.muli %arg1, %mul3A : i32
    %add3A = arith.addi %mul3A_0, %arg0 : i32
    %iota3A = tpu.iota {dimensions = array<i32: 0>} : vector<16xi32>
    %broadcast_in_dim3A = arith.constant 0.000000e+00 : f32
    %broadcast_in_dim3A_1 = vector.broadcast %broadcast_in_dim3A : f32 to vector<16xf32>
    %broadcast_in_dim3A_2 = arith.constant 1.000000e+00 : f32
    %broadcast_in_dim3A_3 = vector.broadcast %broadcast_in_dim3A_2 : f32 to vector<16xf32>
    "tpu.region"() ({
      %run_scoped3A = tpu.sem_alloc : memref<!tpu.dma_semaphore, #tpu.memory_space<semaphore_mem>>
      tpu.enqueue_dma source(%arg5 : memref<16xf32, #tpu.memory_space<hbm>>) target(%arg11 : memref<16xf32, #tpu.memory_space<vmem>>) target_semaphore(%run_scoped3A : memref<!tpu.dma_semaphore, #tpu.memory_space<semaphore_mem>>)
      tpu.wait_dma2 semaphore(%run_scoped3A : memref<!tpu.dma_semaphore, #tpu.memory_space<semaphore_mem>>) src(%arg5 : memref<16xf32, #tpu.memory_space<hbm>>) dst(%arg11 : memref<16xf32, #tpu.memory_space<vmem>>)
      tpu.yield
    }) : () -> ()
    %get3A = arith.constant 0 : index
    %get3A_4 = tpu.vector_load %arg11[%get3A] {strides = array<i32>} : memref<16xf32, #tpu.memory_space<vmem>>, vector<16xf32>,
    %eq3A = arith.constant 1 : i32
    %eq3A_5 = vector.broadcast %eq3A : i32 to vector<16xi32>
    %eq3A_6 = arith.cmpi eq, %iota3A, %eq3A_5 : vector<16xi32>
    %jit3A = arith.constant 0.000000e+00 : f32
    %broadcast_in_dim3A_7 = vector.broadcast %jit3A : f32 to vector<16xf32>
    %select_n3A = arith.select %eq3A_6, %get3A_4, %broadcast_in_dim3A_7 : vector<16xi1>, vector<16xf32>
    %reduce_max3A = arith.constant true
    %reduce_max3A_8 = vector.broadcast %reduce_max3A : i1 to vector<16xi1>
    %reduce_max3A_9 = tpu.scan <max>, %select_n3A masked %reduce_max3A_8 : vector<16xf32>, vector<16xi1> -> vector<16xf32>
    %reduce_max3A_10 = vector.extract %reduce_max3A_9[15] : f32 from vector<16xf32>
    %eq3A_11 = arith.constant 2 : i32
    %eq3A_12 = vector.broadcast %eq3A_11 : i32 to vector<16xi32>
    %eq3A_13 = arith.cmpi eq, %iota3A, %eq3A_12 : vector<16xi32>
    %jit3A_14 = arith.constant 0.000000e+00 : f32
    %broadcast_in_dim3A_15 = vector.broadcast %jit3A_14 : f32 to vector<16xf32>
    %select_n3A_16 = arith.select %eq3A_13, %get3A_4, %broadcast_in_dim3A_15 : vector<16xi1>, vector<16xf32>
    %reduce_max3A_17 = arith.constant true
    %reduce_max3A_18 = vector.broadcast %reduce_max3A_17 : i1 to vector<16xi1>
    %reduce_max3A_19 = tpu.scan <max>, %select_n3A_16 masked %reduce_max3A_18 : vector<16xf32>, vector<16xi1> -> vector<16xf32>
    %reduce_max3A_20 = vector.extract %reduce_max3A_19[15] : f32 from vector<16xf32>
    %eq3A_21 = arith.constant 3 : i32
    %eq3A_22 = vector.broadcast %eq3A_21 : i32 to vector<16xi32>
    %eq3A_23 = arith.cmpi eq, %iota3A, %eq3A_22 : vector<16xi32>
    %jit3A_24 = arith.constant 0.000000e+00 : f32
    %broadcast_in_dim3A_25 = vector.broadcast %jit3A_24 : f32 to vector<16xf32>
    %select_n3A_26 = arith.select %eq3A_23, %get3A_4, %broadcast_in_dim3A_25 : vector<16xi1>, vector<16xf32>
    %reduce_max3A_27 = arith.constant true
    %reduce_max3A_28 = vector.broadcast %reduce_max3A_27 : i1 to vector<16xi1>
    %reduce_max3A_29 = tpu.scan <max>, %select_n3A_26 masked %reduce_max3A_28 : vector<16xf32>, vector<16xi1> -> vector<16xf32>
    %reduce_max3A_30 = vector.extract %reduce_max3A_29[15] : f32 from vector<16xf32>
    %scan3A = arith.constant 0 : i32
    %scan3A_31 = arith.constant 0 : i32
    %scan3A_32 = arith.constant 3 : i32
    %scan3A_33 = arith.addi %scan3A_31, %scan3A_32 : i32
    %scan3A_34 = arith.constant 1 : i32
    %scan3A_35 = scf.for %scan3A_37 = %scan3A_31 to %scan3A_33 step %scan3A_34 iter_args(%scan3A_38 = %scan3A) -> (i32)  : i32 {
      %mul3A_39 = arith.constant 32 : i32
      %mul3A_40 = arith.muli %scan3A_37, %mul3A_39 : i32
      %add3A_41 = arith.addi %mul3A_40, %add3A : i32
      %jit3A_42 = arith.constant 24 : i32
      %div3A = arith.divsi %add3A_41, %jit3A_42 : i32
      %sign3A = arith.constant 0 : i32
      %sign3A_43 = arith.cmpi sgt, %add3A_41, %sign3A : i32
      %sign3A_44 = arith.extui %sign3A_43 : i1 to i32
      %sign3A_45 = arith.constant 0 : i32
      %sign3A_46 = arith.cmpi slt, %add3A_41, %sign3A_45 : i32
      %sign3A_47 = arith.extui %sign3A_46 : i1 to i32
      %sign3A_48 = arith.subi %sign3A_44, %sign3A_47 : i32
      %sign3A_49 = arith.constant 0 : i32
      %sign3A_50 = arith.cmpi sgt, %jit3A_42, %sign3A_49 : i32
      %sign3A_51 = arith.extui %sign3A_50 : i1 to i32
      %sign3A_52 = arith.constant 0 : i32
      %sign3A_53 = arith.cmpi slt, %jit3A_42, %sign3A_52 : i32
      %sign3A_54 = arith.extui %sign3A_53 : i1 to i32
      %sign3A_55 = arith.subi %sign3A_51, %sign3A_54 : i32
      %ne3A = arith.cmpi ne, %sign3A_48, %sign3A_55 : i32
      %rem3A = arith.remsi %add3A_41, %jit3A_42 : i32
      %ne3A_56 = arith.constant 0 : i32
      %ne3A_57 = arith.cmpi ne, %rem3A, %ne3A_56 : i32
      %and3A = arith.andi %ne3A, %ne3A_57 : i1
      %sub3A = arith.constant 1 : i32
      %sub3A_58 = arith.subi %div3A, %sub3A : i32
      %select_n3A_59 = arith.select %and3A, %sub3A_58, %div3A : i32
      %mul3A_60 = arith.constant 24 : i32
      %mul3A_61 = arith.muli %select_n3A_59, %mul3A_60 : i32
      %sub3A_62 = arith.subi %add3A_41, %mul3A_61 : i32
      %mul3A_63 = arith.constant 3200 : i32
      %mul3A_64 = arith.muli %sub3A_62, %mul3A_63 : i32
      %mul3A_65 = arith.constant 131072 : i32
      %mul3A_66 = arith.muli %select_n3A_59, %mul3A_65 : i32
      %add3A_67 = arith.addi %mul3A_66, %mul3A_64 : i32
      %scan3A_68 = arith.constant 0 : i32
      %scan3A_69 = arith.constant 0 : i32
      %scan3A_70 = arith.constant 6000 : i32
      %scan3A_71 = arith.addi %scan3A_69, %scan3A_70 : i32
      %scan3A_72 = arith.constant 1 : i32
      %scan3A_73 = scf.for %scan3A_214 = %scan3A_69 to %scan3A_71 step %scan3A_72 iter_args(%scan3A_215 = %scan3A_68) -> (i32)  : i32 {
        %mul3A_216 = arith.constant 16 : i32
        %mul3A_217 = arith.muli %scan3A_214, %mul3A_216 : i32
        %swap3A = arith.index_cast %mul3A_217 : i32 to index
        %swap3A_218 = tpu.vector_load %arg10[%swap3A] {strides = array<i32>} : memref<96000xf32, #tpu.memory_space<vmem>>, vector<16xf32>,
        tpu.vector_store %arg10[%swap3A], %broadcast_in_dim3A_1 {strides = array<i32>} : memref<96000xf32, #tpu.memory_space<vmem>>, vector<16xf32>,
        %scan3A_219 = arith.constant 0 : i32
        scf.yield %scan3A_219 : i32
      }
      %scan3A_74 = arith.constant 6000 : i32
      %eq3A_75 = arith.constant 0 : i32
      %eq3A_76 = arith.cmpi eq, %select_n3A_59, %eq3A_75 : i32
      %eq3A_77 = arith.constant 1 : i32
      %eq3A_78 = arith.cmpi eq, %select_n3A_59, %eq3A_77 : i32
      %eq3A_79 = arith.constant 2 : i32
      %eq3A_80 = arith.cmpi eq, %select_n3A_59, %eq3A_79 : i32
      %select_n3A_81 = arith.select %eq3A_80, %reduce_max3A_20, %reduce_max3A_30 : f32
      %select_n3A_82 = arith.select %eq3A_78, %reduce_max3A_10, %select_n3A_81 : f32
      %jit3A_83 = arith.constant 0.000000e+00 : f32
      %select_n3A_84 = arith.select %eq3A_76, %jit3A_83, %select_n3A_82 : f32
      %eq3A_85 = arith.constant 0 : i32
      %eq3A_86 = arith.cmpi eq, %select_n3A_59, %eq3A_85 : i32
      %eq3A_87 = arith.constant 1 : i32
      %eq3A_88 = arith.cmpi eq, %select_n3A_59, %eq3A_87 : i32
      %eq3A_89 = arith.constant 2 : i32
      %eq3A_90 = arith.cmpi eq, %select_n3A_59, %eq3A_89 : i32
      %jit3A_91 = arith.constant 2.000000e+06 : f32
      %select_n3A_92 = arith.select %eq3A_90, %reduce_max3A_30, %jit3A_91 : f32
      %select_n3A_93 = arith.select %eq3A_88, %reduce_max3A_20, %select_n3A_92 : f32
      %select_n3A_94 = arith.select %eq3A_86, %reduce_max3A_10, %select_n3A_93 : f32
      %mul3A_95 = arith.constant 5.000000e-04 : f32
      %mul3A_96 = arith.mulf %select_n3A_84, %mul3A_95 : f32
      %convert_element_type3A = arith.fptosi %mul3A_96 : f32 to i32
      %sub3A_97 = arith.constant 1 : i32
      %sub3A_98 = arith.subi %convert_element_type3A, %sub3A_97 : i32
      %max3A = arith.constant 0 : i32
      %max3A_99 = arith.maxsi %sub3A_98, %max3A : i32
      %mul3A_100 = arith.constant 5.000000e-04 : f32
      %mul3A_101 = arith.mulf %select_n3A_94, %mul3A_100 : f32
      %convert_element_type3A_102 = arith.fptosi %mul3A_101 : f32 to i32
      %add3A_103 = arith.constant 2 : i32
      %add3A_104 = arith.addi %convert_element_type3A_102, %add3A_103 : i32
      %min3A = arith.constant 1000 : i32
      %min3A_105 = arith.minsi %add3A_104, %min3A : i32
      %mul3A_106 = arith.constant 2000 : i32
      %mul3A_107 = arith.muli %max3A_99, %mul3A_106 : i32
      %dma_start3A = arith.constant 0 : i32
      %dma_start3A_108 = tpu.memref_slice %arg7[%dma_start3A] : memref<4000xi32, #tpu.memory_space<vmem>> -> memref<2000xi32, #tpu.memory_space<vmem>>
      %dma_start3A_109 = tpu.memref_slice %arg2[%mul3A_107] : memref<2000000xi32, #tpu.memory_space<hbm>> -> memref<2000xi32, #tpu.memory_space<hbm>>
      %dma_start3A_110 = arith.constant 0 : i32
      %dma_start3A_111 = tpu.memref_slice %arg7[%dma_start3A_110] : memref<4000xi32, #tpu.memory_space<vmem>> -> memref<2000xi32, #tpu.memory_space<vmem>>
      %dma_start3A_112 = tpu.memref_slice %arg2[%mul3A_107] : memref<2000000xi32, #tpu.memory_space<hbm>> -> memref<2000xi32, #tpu.memory_space<hbm>>
      tpu.enqueue_dma source(%dma_start3A_112 : memref<2000xi32, #tpu.memory_space<hbm>>) target(%dma_start3A_111 : memref<2000xi32, #tpu.memory_space<vmem>>) target_semaphore(%arg12 : memref<!tpu.dma_semaphore, #tpu.memory_space<semaphore_mem>>)
      %dma_start3A_113 = arith.constant 0 : i32
      %dma_start3A_114 = tpu.memref_slice %arg8[%dma_start3A_113] : memref<4000xf32, #tpu.memory_space<vmem>> -> memref<2000xf32, #tpu.memory_space<vmem>>
      %dma_start3A_115 = tpu.memref_slice %arg3[%mul3A_107] : memref<2000000xf32, #tpu.memory_space<hbm>> -> memref<2000xf32, #tpu.memory_space<hbm>>
      %dma_start3A_116 = arith.constant 0 : i32
      %dma_start3A_117 = tpu.memref_slice %arg8[%dma_start3A_116] : memref<4000xf32, #tpu.memory_space<vmem>> -> memref<2000xf32, #tpu.memory_space<vmem>>
      %dma_start3A_118 = tpu.memref_slice %arg3[%mul3A_107] : memref<2000000xf32, #tpu.memory_space<hbm>> -> memref<2000xf32, #tpu.memory_space<hbm>>
      tpu.enqueue_dma source(%dma_start3A_118 : memref<2000xf32, #tpu.memory_space<hbm>>) target(%dma_start3A_117 : memref<2000xf32, #tpu.memory_space<vmem>>) target_semaphore(%arg12 : memref<!tpu.dma_semaphore, #tpu.memory_space<semaphore_mem>>)
      %dma_start3A_119 = arith.constant 0 : i32
      %dma_start3A_120 = tpu.memref_slice %arg9[%dma_start3A_119] : memref<4000xf32, #tpu.memory_space<vmem>> -> memref<2000xf32, #tpu.memory_space<vmem>>
      %dma_start3A_121 = tpu.memref_slice %arg4[%mul3A_107] : memref<2000000xf32, #tpu.memory_space<hbm>> -> memref<2000xf32, #tpu.memory_space<hbm>>
      %dma_start3A_122 = arith.constant 0 : i32
      %dma_start3A_123 = tpu.memref_slice %arg9[%dma_start3A_122] : memref<4000xf32, #tpu.memory_space<vmem>> -> memref<2000xf32, #tpu.memory_space<vmem>>
      %dma_start3A_124 = tpu.memref_slice %arg4[%mul3A_107] : memref<2000000xf32, #tpu.memory_space<hbm>> -> memref<2000xf32, #tpu.memory_space<hbm>>
      tpu.enqueue_dma source(%dma_start3A_124 : memref<2000xf32, #tpu.memory_space<hbm>>) target(%dma_start3A_123 : memref<2000xf32, #tpu.memory_space<vmem>>) target_semaphore(%arg12 : memref<!tpu.dma_semaphore, #tpu.memory_space<semaphore_mem>>)
      %sub3A_125 = arith.subi %min3A_105, %max3A_99 : i32
      %while3A = arith.constant 0 : i32
      %while3A_126 = arith.constant 0 : i32
      %while3A_127 = arith.subi %sub3A_125, %while3A : i32
      %while3A_128 = arith.addi %while3A, %while3A_127 : i32
      %while3A_129 = arith.constant 1 : i32
      %while3A_130 = arith.divsi %while3A_127, %while3A_129 : i32
      %while3A_131 = arith.muli %while3A_130, %while3A_129 : i32
      %while3A_132 = arith.addi %while3A, %while3A_131 : i32
      %while3A_133 = arith.constant 1 : i32
      %while3A_134 = scf.for %while3A_214 = %while3A to %while3A_132 step %while3A_133 iter_args(%while3A_215 = %while3A_126) -> (i32)  : i32 {
        %add3A_216 = arith.addi %max3A_99, %while3A_214 : i32
        %and3A_217 = arith.constant 1 : i32
        %and3A_218 = arith.andi %while3A_214, %and3A_217 : i32
        %mul3A_219 = arith.constant 2000 : i32
        %mul3A_220 = arith.muli %and3A_218, %mul3A_219 : i32
        %add3A_221 = arith.constant 1 : i32
        %add3A_222 = arith.addi %add3A_216, %add3A_221 : i32
        %lt3A = arith.cmpi slt, %add3A_222, %min3A_105 : i32
        %convert_element_type3A_223 = arith.extui %lt3A : i1 to i32
        %cond3A = arith.constant 0 : i32
        %cond3A_224 = arith.cmpi ne, %convert_element_type3A_223, %cond3A : i32
        scf.if %cond3A_224 {
          %add3A_250 = arith.constant 1 : i32
          %add3A_251 = arith.addi %add3A_216, %add3A_250 : i32
          %sub3A_252 = arith.constant 1 : i32
          %sub3A_253 = arith.subi %sub3A_252, %and3A_218 : i32
          %mul3A_254 = arith.constant 2000 : i32
          %mul3A_255 = arith.muli %add3A_251, %mul3A_254 : i32
          %mul3A_256 = arith.constant 2000 : i32
          %mul3A_257 = arith.muli %sub3A_253, %mul3A_256 : i32
          %dma_start3A_258 = tpu.memref_slice %arg7[%mul3A_257] : memref<4000xi32, #tpu.memory_space<vmem>> -> memref<2000xi32, #tpu.memory_space<vmem>>
          %dma_start3A_259 = tpu.memref_slice %arg2[%mul3A_255] : memref<2000000xi32, #tpu.memory_space<hbm>> -> memref<2000xi32, #tpu.memory_space<hbm>>
          %dma_start3A_260 = tpu.memref_slice %arg7[%mul3A_257] : memref<4000xi32, #tpu.memory_space<vmem>> -> memref<2000xi32, #tpu.memory_space<vmem>>
          %dma_start3A_261 = tpu.memref_slice %arg2[%mul3A_255] : memref<2000000xi32, #tpu.memory_space<hbm>> -> memref<2000xi32, #tpu.memory_space<hbm>>
          tpu.enqueue_dma source(%dma_start3A_261 : memref<2000xi32, #tpu.memory_space<hbm>>) target(%dma_start3A_260 : memref<2000xi32, #tpu.memory_space<vmem>>) target_semaphore(%arg12 : memref<!tpu.dma_semaphore, #tpu.memory_space<semaphore_mem>>)
          %dma_start3A_262 = tpu.memref_slice %arg8[%mul3A_257] : memref<4000xf32, #tpu.memory_space<vmem>> -> memref<2000xf32, #tpu.memory_space<vmem>>
          %dma_start3A_263 = tpu.memref_slice %arg3[%mul3A_255] : memref<2000000xf32, #tpu.memory_space<hbm>> -> memref<2000xf32, #tpu.memory_space<hbm>>
          %dma_start3A_264 = tpu.memref_slice %arg8[%mul3A_257] : memref<4000xf32, #tpu.memory_space<vmem>> -> memref<2000xf32, #tpu.memory_space<vmem>>
          %dma_start3A_265 = tpu.memref_slice %arg3[%mul3A_255] : memref<2000000xf32, #tpu.memory_space<hbm>> -> memref<2000xf32, #tpu.memory_space<hbm>>
          tpu.enqueue_dma source(%dma_start3A_265 : memref<2000xf32, #tpu.memory_space<hbm>>) target(%dma_start3A_264 : memref<2000xf32, #tpu.memory_space<vmem>>) target_semaphore(%arg12 : memref<!tpu.dma_semaphore, #tpu.memory_space<semaphore_mem>>)
          %dma_start3A_266 = tpu.memref_slice %arg9[%mul3A_257] : memref<4000xf32, #tpu.memory_space<vmem>> -> memref<2000xf32, #tpu.memory_space<vmem>>
          %dma_start3A_267 = tpu.memref_slice %arg4[%mul3A_255] : memref<2000000xf32, #tpu.memory_space<hbm>> -> memref<2000xf32, #tpu.memory_space<hbm>>
          %dma_start3A_268 = tpu.memref_slice %arg9[%mul3A_257] : memref<4000xf32, #tpu.memory_space<vmem>> -> memref<2000xf32, #tpu.memory_space<vmem>>
          %dma_start3A_269 = tpu.memref_slice %arg4[%mul3A_255] : memref<2000000xf32, #tpu.memory_space<hbm>> -> memref<2000xf32, #tpu.memory_space<hbm>>
          tpu.enqueue_dma source(%dma_start3A_269 : memref<2000xf32, #tpu.memory_space<hbm>>) target(%dma_start3A_268 : memref<2000xf32, #tpu.memory_space<vmem>>) target_semaphore(%arg12 : memref<!tpu.dma_semaphore, #tpu.memory_space<semaphore_mem>>)
        } else {
        }
        %dma_wait3A = tpu.memref_slice %arg7[%mul3A_220] : memref<4000xi32, #tpu.memory_space<vmem>> -> memref<2000xi32, #tpu.memory_space<vmem>>
        %dma_wait3A_225 = arith.constant 0 : i32
        %dma_wait3A_226 = tpu.memref_slice %arg2[%dma_wait3A_225] : memref<2000000xi32, #tpu.memory_space<hbm>> -> memref<2000xi32, #tpu.memory_space<hbm>>
        %dma_wait3A_227 = tpu.memref_slice %arg7[%mul3A_220] : memref<4000xi32, #tpu.memory_space<vmem>> -> memref<2000xi32, #tpu.memory_space<vmem>>
        %dma_wait3A_228 = arith.constant 0 : i32
        %dma_wait3A_229 = tpu.memref_slice %arg2[%dma_wait3A_228] : memref<2000000xi32, #tpu.memory_space<hbm>> -> memref<2000xi32, #tpu.memory_space<hbm>>
        tpu.wait_dma2 semaphore(%arg12 : memref<!tpu.dma_semaphore, #tpu.memory_space<semaphore_mem>>) src(%dma_wait3A_229 : memref<2000xi32, #tpu.memory_space<hbm>>) dst(%dma_wait3A_227 : memref<2000xi32, #tpu.memory_space<vmem>>)
        %dma_wait3A_230 = tpu.memref_slice %arg8[%mul3A_220] : memref<4000xf32, #tpu.memory_space<vmem>> -> memref<2000xf32, #tpu.memory_space<vmem>>
        %dma_wait3A_231 = arith.constant 0 : i32
        %dma_wait3A_232 = tpu.memref_slice %arg3[%dma_wait3A_231] : memref<2000000xf32, #tpu.memory_space<hbm>> -> memref<2000xf32, #tpu.memory_space<hbm>>
        %dma_wait3A_233 = tpu.memref_slice %arg8[%mul3A_220] : memref<4000xf32, #tpu.memory_space<vmem>> -> memref<2000xf32, #tpu.memory_space<vmem>>
        %dma_wait3A_234 = arith.constant 0 : i32
        %dma_wait3A_235 = tpu.memref_slice %arg3[%dma_wait3A_234] : memref<2000000xf32, #tpu.memory_space<hbm>> -> memref<2000xf32, #tpu.memory_space<hbm>>
        tpu.wait_dma2 semaphore(%arg12 : memref<!tpu.dma_semaphore, #tpu.memory_space<semaphore_mem>>) src(%dma_wait3A_235 : memref<2000xf32, #tpu.memory_space<hbm>>) dst(%dma_wait3A_233 : memref<2000xf32, #tpu.memory_space<vmem>>)
        %dma_wait3A_236 = tpu.memref_slice %arg9[%mul3A_220] : memref<4000xf32, #tpu.memory_space<vmem>> -> memref<2000xf32, #tpu.memory_space<vmem>>
        %dma_wait3A_237 = arith.constant 0 : i32
        %dma_wait3A_238 = tpu.memref_slice %arg4[%dma_wait3A_237] : memref<2000000xf32, #tpu.memory_space<hbm>> -> memref<2000xf32, #tpu.memory_space<hbm>>
        %dma_wait3A_239 = tpu.memref_slice %arg9[%mul3A_220] : memref<4000xf32, #tpu.memory_space<vmem>> -> memref<2000xf32, #tpu.memory_space<vmem>>
        %dma_wait3A_240 = arith.constant 0 : i32
        %dma_wait3A_241 = tpu.memref_slice %arg4[%dma_wait3A_240] : memref<2000000xf32, #tpu.memory_space<hbm>> -> memref<2000xf32, #tpu.memory_space<hbm>>
        tpu.wait_dma2 semaphore(%arg12 : memref<!tpu.dma_semaphore, #tpu.memory_space<semaphore_mem>>) src(%dma_wait3A_241 : memref<2000xf32, #tpu.memory_space<hbm>>) dst(%dma_wait3A_239 : memref<2000xf32, #tpu.memory_space<vmem>>)
        %scan3A_242 = arith.constant 0 : i32
        %scan3A_243 = arith.constant 0 : i32
        %scan3A_244 = arith.constant 125 : i32
        %scan3A_245 = arith.addi %scan3A_243, %scan3A_244 : i32
        %scan3A_246 = arith.constant 25 : i32
        %scan3A_247 = scf.for %scan3A_250 = %scan3A_243 to %scan3A_245 step %scan3A_246 iter_args(%scan3A_251 = %scan3A_242) -> (i32)  : i32 {
          %mul3A_252 = arith.constant 16 : i32
          %mul3A_253 = arith.muli %scan3A_250, %mul3A_252 : i32
          %add3A_254 = arith.addi %mul3A_220, %mul3A_253 : i32
          %get3A_255 = arith.index_cast %add3A_254 : i32 to index
          %get3A_256 = tpu.vector_load %arg7[%get3A_255] {strides = array<i32>} : memref<4000xi32, #tpu.memory_space<vmem>>, vector<16xi32>,
          %get3A_257 = arith.index_cast %add3A_254 : i32 to index
          %get3A_258 = tpu.vector_load %arg8[%get3A_257] {strides = array<i32>} : memref<4000xf32, #tpu.memory_space<vmem>>, vector<16xf32>,
          %get3A_259 = arith.index_cast %add3A_254 : i32 to index
          %get3A_260 = tpu.vector_load %arg9[%get3A_259] {strides = array<i32>} : memref<4000xf32, #tpu.memory_space<vmem>>, vector<16xf32>,
          %and3A_261 = arith.constant 524287 : i32
          %and3A_262 = vector.broadcast %and3A_261 : i32 to vector<16xi32>
          %and3A_263 = arith.andi %get3A_256, %and3A_262 : vector<16xi32>
          %sub3A_264 = vector.broadcast %add3A_67 : i32 to vector<16xi32>
          %sub3A_265 = arith.subi %and3A_263, %sub3A_264 : vector<16xi32>
          %lt3A_266 = arith.constant 3200 : i32
          %lt3A_267 = vector.broadcast %lt3A_266 : i32 to vector<16xi32>
          %lt3A_268 = arith.cmpi ult, %sub3A_265, %lt3A_267 : vector<16xi32>
          %shift_right_arithmetic3A = arith.constant 19 : i32
          %shift_right_arithmetic3A_269 = vector.broadcast %shift_right_arithmetic3A : i32 to vector<16xi32>
          %shift_right_arithmetic3A_270 = arith.shrsi %get3A_256, %shift_right_arithmetic3A_269 : vector<16xi32>
          %and3A_271 = arith.constant 1 : i32
          %and3A_272 = vector.broadcast %and3A_271 : i32 to vector<16xi32>
          %and3A_273 = arith.andi %shift_right_arithmetic3A_270, %and3A_272 : vector<16xi32>
          %shift_right_arithmetic3A_274 = arith.constant 20 : i32
          %shift_right_arithmetic3A_275 = vector.broadcast %shift_right_arithmetic3A_274 : i32 to vector<16xi32>
          %shift_right_arithmetic3A_276 = arith.shrsi %get3A_256, %shift_right_arithmetic3A_275 : vector<16xi32>
          %and3A_277 = arith.constant 15 : i32
          %and3A_278 = vector.broadcast %and3A_277 : i32 to vector<16xi32>
          %and3A_279 = arith.andi %shift_right_arithmetic3A_276, %and3A_278 : vector<16xi32>
          %shift_right_arithmetic3A_280 = arith.constant 24 : i32
          %shift_right_arithmetic3A_281 = vector.broadcast %shift_right_arithmetic3A_280 : i32 to vector<16xi32>
          %shift_right_arithmetic3A_282 = arith.shrsi %get3A_256, %shift_right_arithmetic3A_281 : vector<16xi32>
          %mul3A_283 = arith.constant 3200 : i32
          %mul3A_284 = vector.broadcast %mul3A_283 : i32 to vector<16xi32>
          %mul3A_285 = arith.muli %and3A_273, %mul3A_284 : vector<16xi32>
          %mul3A_286 = arith.constant 9 : i32
          %mul3A_287 = vector.broadcast %mul3A_286 : i32 to vector<16xi32>
          %mul3A_288 = arith.muli %mul3A_285, %mul3A_287 : vector<16xi32>
          %mul3A_289 = arith.constant 3200 : i32
          %mul3A_290 = vector.broadcast %mul3A_289 : i32 to vector<16xi32>
          %mul3A_291 = arith.muli %and3A_279, %mul3A_290 : vector<16xi32>
          %add3A_292 = arith.addi %mul3A_288, %mul3A_291 : vector<16xi32>
          %add3A_293 = arith.addi %add3A_292, %sub3A_265 : vector<16xi32>
          %mul3A_294 = arith.constant 3200 : i32
          %mul3A_295 = vector.broadcast %mul3A_294 : i32 to vector<16xi32>
          %mul3A_296 = arith.muli %shift_right_arithmetic3A_282, %mul3A_295 : vector<16xi32>
          %add3A_297 = arith.constant 57600 : i32
          %add3A_298 = vector.broadcast %add3A_297 : i32 to vector<16xi32>
          %add3A_299 = arith.addi %sub3A_265, %add3A_298 : vector<16xi32>
          %add3A_300 = arith.addi %mul3A_296, %add3A_299 : vector<16xi32>
          %add3A_301 = arith.constant 89600 : i32
          %add3A_302 = vector.broadcast %add3A_301 : i32 to vector<16xi32>
          %add3A_303 = arith.addi %sub3A_265, %add3A_302 : vector<16xi32>
          %add3A_304 = arith.addi %mul3A_285, %add3A_303 : vector<16xi32>
          tpu.vector_store_idx %arg10[%add3A_293], %get3A_258 masked %lt3A_268 {add = true} : memref<96000xf32, #tpu.memory_space<vmem>>[vector<16xi32>], vector<16xf32>, vector<16xi1>
          %add3A_305 = arith.constant 3200 : i32
          %add3A_306 = vector.broadcast %add3A_305 : i32 to vector<16xi32>
          %add3A_307 = arith.addi %add3A_293, %add3A_306 : vector<16xi32>
          tpu.vector_store_idx %arg10[%add3A_307], %get3A_260 masked %lt3A_268 {add = true} : memref<96000xf32, #tpu.memory_space<vmem>>[vector<16xi32>], vector<16xf32>, vector<16xi1>
          tpu.vector_store_idx %arg10[%add3A_300], %broadcast_in_dim3A_3 masked %lt3A_268 {add = true} : memref<96000xf32, #tpu.memory_space<vmem>>[vector<16xi32>], vector<16xf32>, vector<16xi1>
          tpu.vector_store_idx %arg10[%add3A_304], %broadcast_in_dim3A_3 masked %lt3A_268 {add = true} : memref<96000xf32, #tpu.memory_space<vmem>>[vector<16xi32>], vector<16xf32>, vector<16xi1>
          %scan3A_308 = arith.constant 0 : i32
          %scan3A_309 = arith.constant 1 : i32
          %scan3A_310 = arith.addi %scan3A_250, %scan3A_309 : i32
          %mul3A_311 = arith.constant 16 : i32
          %mul3A_312 = arith.muli %scan3A_310, %mul3A_311 : i32
          %add3A_313 = arith.addi %mul3A_220, %mul3A_312 : i32
          %get3A_314 = arith.index_cast %add3A_313 : i32 to index
          %get3A_315 = tpu.vector_load %arg7[%get3A_314] {strides = array<i32>} : memref<4000xi32, #tpu.memory_space<vmem>>, vector<16xi32>,
          %get3A_316 = arith.index_cast %add3A_313 : i32 to index
          %get3A_317 = tpu.vector_load %arg8[%get3A_316] {strides = array<i32>} : memref<4000xf32, #tpu.memory_space<vmem>>, vector<16xf32>,
          %get3A_318 = arith.index_cast %add3A_313 : i32 to index
          %get3A_319 = tpu.vector_load %arg9[%get3A_318] {strides = array<i32>} : memref<4000xf32, #tpu.memory_space<vmem>>, vector<16xf32>,
          %and3A_320 = arith.constant 524287 : i32
          %and3A_321 = vector.broadcast %and3A_320 : i32 to vector<16xi32>
          %and3A_322 = arith.andi %get3A_315, %and3A_321 : vector<16xi32>
          %sub3A_323 = vector.broadcast %add3A_67 : i32 to vector<16xi32>
          %sub3A_324 = arith.subi %and3A_322, %sub3A_323 : vector<16xi32>
          %lt3A_325 = arith.constant 3200 : i32
          %lt3A_326 = vector.broadcast %lt3A_325 : i32 to vector<16xi32>
          %lt3A_327 = arith.cmpi ult, %sub3A_324, %lt3A_326 : vector<16xi32>
          %shift_right_arithmetic3A_328 = arith.constant 19 : i32
          %shift_right_arithmetic3A_329 = vector.broadcast %shift_right_arithmetic3A_328 : i32 to vector<16xi32>
          %shift_right_arithmetic3A_330 = arith.shrsi %get3A_315, %shift_right_arithmetic3A_329 : vector<16xi32>
          %and3A_331 = arith.constant 1 : i32
          %and3A_332 = vector.broadcast %and3A_331 : i32 to vector<16xi32>
          %and3A_333 = arith.andi %shift_right_arithmetic3A_330, %and3A_332 : vector<16xi32>
          %shift_right_arithmetic3A_334 = arith.constant 20 : i32
          %shift_right_arithmetic3A_335 = vector.broadcast %shift_right_arithmetic3A_334 : i32 to vector<16xi32>
          %shift_right_arithmetic3A_336 = arith.shrsi %get3A_315, %shift_right_arithmetic3A_335 : vector<16xi32>
          %and3A_337 = arith.constant 15 : i32
          %and3A_338 = vector.broadcast %and3A_337 : i32 to vector<16xi32>
          %and3A_339 = arith.andi %shift_right_arithmetic3A_336, %and3A_338 : vector<16xi32>
          %shift_right_arithmetic3A_340 = arith.constant 24 : i32
          %shift_right_arithmetic3A_341 = vector.broadcast %shift_right_arithmetic3A_340 : i32 to vector<16xi32>
          %shift_right_arithmetic3A_342 = arith.shrsi %get3A_315, %shift_right_arithmetic3A_341 : vector<16xi32>
          %mul3A_343 = arith.constant 3200 : i32
          %mul3A_344 = vector.broadcast %mul3A_343 : i32 to vector<16xi32>
          %mul3A_345 = arith.muli %and3A_333, %mul3A_344 : vector<16xi32>
          %mul3A_346 = arith.constant 9 : i32
          %mul3A_347 = vector.broadcast %mul3A_346 : i32 to vector<16xi32>
          %mul3A_348 = arith.muli %mul3A_345, %mul3A_347 : vector<16xi32>
          %mul3A_349 = arith.constant 3200 : i32
          %mul3A_350 = vector.broadcast %mul3A_349 : i32 to vector<16xi32>
          %mul3A_351 = arith.muli %and3A_339, %mul3A_350 : vector<16xi32>
          %add3A_352 = arith.addi %mul3A_348, %mul3A_351 : vector<16xi32>
          %add3A_353 = arith.addi %add3A_352, %sub3A_324 : vector<16xi32>
          %mul3A_354 = arith.constant 3200 : i32
          %mul3A_355 = vector.broadcast %mul3A_354 : i32 to vector<16xi32>
          %mul3A_356 = arith.muli %shift_right_arithmetic3A_342, %mul3A_355 : vector<16xi32>
          %add3A_357 = arith.constant 57600 : i32
          %add3A_358 = vector.broadcast %add3A_357 : i32 to vector<16xi32>
          %add3A_359 = arith.addi %sub3A_324, %add3A_358 : vector<16xi32>
          %add3A_360 = arith.addi %mul3A_356, %add3A_359 : vector<16xi32>
          %add3A_361 = arith.constant 89600 : i32
          %add3A_362 = vector.broadcast %add3A_361 : i32 to vector<16xi32>
          %add3A_363 = arith.addi %sub3A_324, %add3A_362 : vector<16xi32>
          %add3A_364 = arith.addi %mul3A_345, %add3A_363 : vector<16xi32>
          tpu.vector_store_idx %arg10[%add3A_353], %get3A_317 masked %lt3A_327 {add = true} : memref<96000xf32, #tpu.memory_space<vmem>>[vector<16xi32>], vector<16xf32>, vector<16xi1>
          %add3A_365 = arith.constant 3200 : i32
          %add3A_366 = vector.broadcast %add3A_365 : i32 to vector<16xi32>
          %add3A_367 = arith.addi %add3A_353, %add3A_366 : vector<16xi32>
          tpu.vector_store_idx %arg10[%add3A_367], %get3A_319 masked %lt3A_327 {add = true} : memref<96000xf32, #tpu.memory_space<vmem>>[vector<16xi32>], vector<16xf32>, vector<16xi1>
          tpu.vector_store_idx %arg10[%add3A_360], %broadcast_in_dim3A_3 masked %lt3A_327 {add = true} : memref<96000xf32, #tpu.memory_space<vmem>>[vector<16xi32>], vector<16xf32>, vector<16xi1>
          tpu.vector_store_idx %arg10[%add3A_364], %broadcast_in_dim3A_3 masked %lt3A_327 {add = true} : memref<96000xf32, #tpu.memory_space<vmem>>[vector<16xi32>], vector<16xf32>, vector<16xi1>
          %scan3A_368 = arith.constant 0 : i32
          %scan3A_369 = arith.constant 2 : i32
          %scan3A_370 = arith.addi %scan3A_250, %scan3A_369 : i32
          %mul3A_371 = arith.constant 16 : i32
          %mul3A_372 = arith.muli %scan3A_370, %mul3A_371 : i32
          %add3A_373 = arith.addi %mul3A_220, %mul3A_372 : i32
          %get3A_374 = arith.index_cast %add3A_373 : i32 to index
          %get3A_375 = tpu.vector_load %arg7[%get3A_374] {strides = array<i32>} : memref<4000xi32, #tpu.memory_space<vmem>>, vector<16xi32>,
          %get3A_376 = arith.index_cast %add3A_373 : i32 to index
          %get3A_377 = tpu.vector_load %arg8[%get3A_376] {strides = array<i32>} : memref<4000xf32, #tpu.memory_space<vmem>>, vector<16xf32>,
          %get3A_378 = arith.index_cast %add3A_373 : i32 to index
          %get3A_379 = tpu.vector_load %arg9[%get3A_378] {strides = array<i32>} : memref<4000xf32, #tpu.memory_space<vmem>>, vector<16xf32>,
          %and3A_380 = arith.constant 524287 : i32
          %and3A_381 = vector.broadcast %and3A_380 : i32 to vector<16xi32>
          %and3A_382 = arith.andi %get3A_375, %and3A_381 : vector<16xi32>
          %sub3A_383 = vector.broadcast %add3A_67 : i32 to vector<16xi32>
          %sub3A_384 = arith.subi %and3A_382, %sub3A_383 : vector<16xi32>
          %lt3A_385 = arith.constant 3200 : i32
          %lt3A_386 = vector.broadcast %lt3A_385 : i32 to vector<16xi32>
          %lt3A_387 = arith.cmpi ult, %sub3A_384, %lt3A_386 : vector<16xi32>
          %shift_right_arithmetic3A_388 = arith.constant 19 : i32
          %shift_right_arithmetic3A_389 = vector.broadcast %shift_right_arithmetic3A_388 : i32 to vector<16xi32>
          %shift_right_arithmetic3A_390 = arith.shrsi %get3A_375, %shift_right_arithmetic3A_389 : vector<16xi32>
          %and3A_391 = arith.constant 1 : i32
          %and3A_392 = vector.broadcast %and3A_391 : i32 to vector<16xi32>
          %and3A_393 = arith.andi %shift_right_arithmetic3A_390, %and3A_392 : vector<16xi32>
          %shift_right_arithmetic3A_394 = arith.constant 20 : i32
          %shift_right_arithmetic3A_395 = vector.broadcast %shift_right_arithmetic3A_394 : i32 to vector<16xi32>
          %shift_right_arithmetic3A_396 = arith.shrsi %get3A_375, %shift_right_arithmetic3A_395 : vector<16xi32>
          %and3A_397 = arith.constant 15 : i32
          %and3A_398 = vector.broadcast %and3A_397 : i32 to vector<16xi32>
          %and3A_399 = arith.andi %shift_right_arithmetic3A_396, %and3A_398 : vector<16xi32>
          %shift_right_arithmetic3A_400 = arith.constant 24 : i32
          %shift_right_arithmetic3A_401 = vector.broadcast %shift_right_arithmetic3A_400 : i32 to vector<16xi32>
          %shift_right_arithmetic3A_402 = arith.shrsi %get3A_375, %shift_right_arithmetic3A_401 : vector<16xi32>
          %mul3A_403 = arith.constant 3200 : i32
          %mul3A_404 = vector.broadcast %mul3A_403 : i32 to vector<16xi32>
          %mul3A_405 = arith.muli %and3A_393, %mul3A_404 : vector<16xi32>
          %mul3A_406 = arith.constant 9 : i32
          %mul3A_407 = vector.broadcast %mul3A_406 : i32 to vector<16xi32>
          %mul3A_408 = arith.muli %mul3A_405, %mul3A_407 : vector<16xi32>
          %mul3A_409 = arith.constant 3200 : i32
          %mul3A_410 = vector.broadcast %mul3A_409 : i32 to vector<16xi32>
          %mul3A_411 = arith.muli %and3A_399, %mul3A_410 : vector<16xi32>
          %add3A_412 = arith.addi %mul3A_408, %mul3A_411 : vector<16xi32>
          %add3A_413 = arith.addi %add3A_412, %sub3A_384 : vector<16xi32>
          %mul3A_414 = arith.constant 3200 : i32
          %mul3A_415 = vector.broadcast %mul3A_414 : i32 to vector<16xi32>
          %mul3A_416 = arith.muli %shift_right_arithmetic3A_402, %mul3A_415 : vector<16xi32>
          %add3A_417 = arith.constant 57600 : i32
          %add3A_418 = vector.broadcast %add3A_417 : i32 to vector<16xi32>
          %add3A_419 = arith.addi %sub3A_384, %add3A_418 : vector<16xi32>
          %add3A_420 = arith.addi %mul3A_416, %add3A_419 : vector<16xi32>
          %add3A_421 = arith.constant 89600 : i32
          %add3A_422 = vector.broadcast %add3A_421 : i32 to vector<16xi32>
          %add3A_423 = arith.addi %sub3A_384, %add3A_422 : vector<16xi32>
          %add3A_424 = arith.addi %mul3A_405, %add3A_423 : vector<16xi32>
          tpu.vector_store_idx %arg10[%add3A_413], %get3A_377 masked %lt3A_387 {add = true} : memref<96000xf32, #tpu.memory_space<vmem>>[vector<16xi32>], vector<16xf32>, vector<16xi1>
          %add3A_425 = arith.constant 3200 : i32
          %add3A_426 = vector.broadcast %add3A_425 : i32 to vector<16xi32>
          %add3A_427 = arith.addi %add3A_413, %add3A_426 : vector<16xi32>
          tpu.vector_store_idx %arg10[%add3A_427], %get3A_379 masked %lt3A_387 {add = true} : memref<96000xf32, #tpu.memory_space<vmem>>[vector<16xi32>], vector<16xf32>, vector<16xi1>
          tpu.vector_store_idx %arg10[%add3A_420], %broadcast_in_dim3A_3 masked %lt3A_387 {add = true} : memref<96000xf32, #tpu.memory_space<vmem>>[vector<16xi32>], vector<16xf32>, vector<16xi1>
          tpu.vector_store_idx %arg10[%add3A_424], %broadcast_in_dim3A_3 masked %lt3A_387 {add = true} : memref<96000xf32, #tpu.memory_space<vmem>>[vector<16xi32>], vector<16xf32>, vector<16xi1>
          %scan3A_428 = arith.constant 0 : i32
          %scan3A_429 = arith.constant 3 : i32
          %scan3A_430 = arith.addi %scan3A_250, %scan3A_429 : i32
          %mul3A_431 = arith.constant 16 : i32
          %mul3A_432 = arith.muli %scan3A_430, %mul3A_431 : i32
          %add3A_433 = arith.addi %mul3A_220, %mul3A_432 : i32
          %get3A_434 = arith.index_cast %add3A_433 : i32 to index
          %get3A_435 = tpu.vector_load %arg7[%get3A_434] {strides = array<i32>} : memref<4000xi32, #tpu.memory_space<vmem>>, vector<16xi32>,
          %get3A_436 = arith.index_cast %add3A_433 : i32 to index
          %get3A_437 = tpu.vector_load %arg8[%get3A_436] {strides = array<i32>} : memref<4000xf32, #tpu.memory_space<vmem>>, vector<16xf32>,
          %get3A_438 = arith.index_cast %add3A_433 : i32 to index
          %get3A_439 = tpu.vector_load %arg9[%get3A_438] {strides = array<i32>} : memref<4000xf32, #tpu.memory_space<vmem>>, vector<16xf32>,
          %and3A_440 = arith.constant 524287 : i32
          %and3A_441 = vector.broadcast %and3A_440 : i32 to vector<16xi32>
          %and3A_442 = arith.andi %get3A_435, %and3A_441 : vector<16xi32>
          %sub3A_443 = vector.broadcast %add3A_67 : i32 to vector<16xi32>
          %sub3A_444 = arith.subi %and3A_442, %sub3A_443 : vector<16xi32>
          %lt3A_445 = arith.constant 3200 : i32
          %lt3A_446 = vector.broadcast %lt3A_445 : i32 to vector<16xi32>
          %lt3A_447 = arith.cmpi ult, %sub3A_444, %lt3A_446 : vector<16xi32>
          %shift_right_arithmetic3A_448 = arith.constant 19 : i32
          %shift_right_arithmetic3A_449 = vector.broadcast %shift_right_arithmetic3A_448 : i32 to vector<16xi32>
          %shift_right_arithmetic3A_450 = arith.shrsi %get3A_435, %shift_right_arithmetic3A_449 : vector<16xi32>
          %and3A_451 = arith.constant 1 : i32
          %and3A_452 = vector.broadcast %and3A_451 : i32 to vector<16xi32>
          %and3A_453 = arith.andi %shift_right_arithmetic3A_450, %and3A_452 : vector<16xi32>
          %shift_right_arithmetic3A_454 = arith.constant 20 : i32
          %shift_right_arithmetic3A_455 = vector.broadcast %shift_right_arithmetic3A_454 : i32 to vector<16xi32>
          %shift_right_arithmetic3A_456 = arith.shrsi %get3A_435, %shift_right_arithmetic3A_455 : vector<16xi32>
          %and3A_457 = arith.constant 15 : i32
          %and3A_458 = vector.broadcast %and3A_457 : i32 to vector<16xi32>
          %and3A_459 = arith.andi %shift_right_arithmetic3A_456, %and3A_458 : vector<16xi32>
          %shift_right_arithmetic3A_460 = arith.constant 24 : i32
          %shift_right_arithmetic3A_461 = vector.broadcast %shift_right_arithmetic3A_460 : i32 to vector<16xi32>
          %shift_right_arithmetic3A_462 = arith.shrsi %get3A_435, %shift_right_arithmetic3A_461 : vector<16xi32>
          %mul3A_463 = arith.constant 3200 : i32
          %mul3A_464 = vector.broadcast %mul3A_463 : i32 to vector<16xi32>
          %mul3A_465 = arith.muli %and3A_453, %mul3A_464 : vector<16xi32>
          %mul3A_466 = arith.constant 9 : i32
          %mul3A_467 = vector.broadcast %mul3A_466 : i32 to vector<16xi32>
          %mul3A_468 = arith.muli %mul3A_465, %mul3A_467 : vector<16xi32>
          %mul3A_469 = arith.constant 3200 : i32
          %mul3A_470 = vector.broadcast %mul3A_469 : i32 to vector<16xi32>
          %mul3A_471 = arith.muli %and3A_459, %mul3A_470 : vector<16xi32>
          %add3A_472 = arith.addi %mul3A_468, %mul3A_471 : vector<16xi32>
          %add3A_473 = arith.addi %add3A_472, %sub3A_444 : vector<16xi32>
          %mul3A_474 = arith.constant 3200 : i32
          %mul3A_475 = vector.broadcast %mul3A_474 : i32 to vector<16xi32>
          %mul3A_476 = arith.muli %shift_right_arithmetic3A_462, %mul3A_475 : vector<16xi32>
          %add3A_477 = arith.constant 57600 : i32
          %add3A_478 = vector.broadcast %add3A_477 : i32 to vector<16xi32>
          %add3A_479 = arith.addi %sub3A_444, %add3A_478 : vector<16xi32>
          %add3A_480 = arith.addi %mul3A_476, %add3A_479 : vector<16xi32>
          %add3A_481 = arith.constant 89600 : i32
          %add3A_482 = vector.broadcast %add3A_481 : i32 to vector<16xi32>
          %add3A_483 = arith.addi %sub3A_444, %add3A_482 : vector<16xi32>
          %add3A_484 = arith.addi %mul3A_465, %add3A_483 : vector<16xi32>
          tpu.vector_store_idx %arg10[%add3A_473], %get3A_437 masked %lt3A_447 {add = true} : memref<96000xf32, #tpu.memory_space<vmem>>[vector<16xi32>], vector<16xf32>, vector<16xi1>
          %add3A_485 = arith.constant 3200 : i32
          %add3A_486 = vector.broadcast %add3A_485 : i32 to vector<16xi32>
          %add3A_487 = arith.addi %add3A_473, %add3A_486 : vector<16xi32>
          tpu.vector_store_idx %arg10[%add3A_487], %get3A_439 masked %lt3A_447 {add = true} : memref<96000xf32, #tpu.memory_space<vmem>>[vector<16xi32>], vector<16xf32>, vector<16xi1>
          tpu.vector_store_idx %arg10[%add3A_480], %broadcast_in_dim3A_3 masked %lt3A_447 {add = true} : memref<96000xf32, #tpu.memory_space<vmem>>[vector<16xi32>], vector<16xf32>, vector<16xi1>
          tpu.vector_store_idx %arg10[%add3A_484], %broadcast_in_dim3A_3 masked %lt3A_447 {add = true} : memref<96000xf32, #tpu.memory_space<vmem>>[vector<16xi32>], vector<16xf32>, vector<16xi1>
          %scan3A_488 = arith.constant 0 : i32
          %scan3A_489 = arith.constant 4 : i32
          %scan3A_490 = arith.addi %scan3A_250, %scan3A_489 : i32
          %mul3A_491 = arith.constant 16 : i32
          %mul3A_492 = arith.muli %scan3A_490, %mul3A_491 : i32
          %add3A_493 = arith.addi %mul3A_220, %mul3A_492 : i32
          %get3A_494 = arith.index_cast %add3A_493 : i32 to index
          %get3A_495 = tpu.vector_load %arg7[%get3A_494] {strides = array<i32>} : memref<4000xi32, #tpu.memory_space<vmem>>, vector<16xi32>,
          %get3A_496 = arith.index_cast %add3A_493 : i32 to index
          %get3A_497 = tpu.vector_load %arg8[%get3A_496] {strides = array<i32>} : memref<4000xf32, #tpu.memory_space<vmem>>, vector<16xf32>,
          %get3A_498 = arith.index_cast %add3A_493 : i32 to index
          %get3A_499 = tpu.vector_load %arg9[%get3A_498] {strides = array<i32>} : memref<4000xf32, #tpu.memory_space<vmem>>, vector<16xf32>,
          %and3A_500 = arith.constant 524287 : i32
          %and3A_501 = vector.broadcast %and3A_500 : i32 to vector<16xi32>
          %and3A_502 = arith.andi %get3A_495, %and3A_501 : vector<16xi32>
          %sub3A_503 = vector.broadcast %add3A_67 : i32 to vector<16xi32>
          %sub3A_504 = arith.subi %and3A_502, %sub3A_503 : vector<16xi32>
          %lt3A_505 = arith.constant 3200 : i32
          %lt3A_506 = vector.broadcast %lt3A_505 : i32 to vector<16xi32>
          %lt3A_507 = arith.cmpi ult, %sub3A_504, %lt3A_506 : vector<16xi32>
          %shift_right_arithmetic3A_508 = arith.constant 19 : i32
          %shift_right_arithmetic3A_509 = vector.broadcast %shift_right_arithmetic3A_508 : i32 to vector<16xi32>
          %shift_right_arithmetic3A_510 = arith.shrsi %get3A_495, %shift_right_arithmetic3A_509 : vector<16xi32>
          %and3A_511 = arith.constant 1 : i32
          %and3A_512 = vector.broadcast %and3A_511 : i32 to vector<16xi32>
          %and3A_513 = arith.andi %shift_right_arithmetic3A_510, %and3A_512 : vector<16xi32>
          %shift_right_arithmetic3A_514 = arith.constant 20 : i32
          %shift_right_arithmetic3A_515 = vector.broadcast %shift_right_arithmetic3A_514 : i32 to vector<16xi32>
          %shift_right_arithmetic3A_516 = arith.shrsi %get3A_495, %shift_right_arithmetic3A_515 : vector<16xi32>
          %and3A_517 = arith.constant 15 : i32
          %and3A_518 = vector.broadcast %and3A_517 : i32 to vector<16xi32>
          %and3A_519 = arith.andi %shift_right_arithmetic3A_516, %and3A_518 : vector<16xi32>
          %shift_right_arithmetic3A_520 = arith.constant 24 : i32
          %shift_right_arithmetic3A_521 = vector.broadcast %shift_right_arithmetic3A_520 : i32 to vector<16xi32>
          %shift_right_arithmetic3A_522 = arith.shrsi %get3A_495, %shift_right_arithmetic3A_521 : vector<16xi32>
          %mul3A_523 = arith.constant 3200 : i32
          %mul3A_524 = vector.broadcast %mul3A_523 : i32 to vector<16xi32>
          %mul3A_525 = arith.muli %and3A_513, %mul3A_524 : vector<16xi32>
          %mul3A_526 = arith.constant 9 : i32
          %mul3A_527 = vector.broadcast %mul3A_526 : i32 to vector<16xi32>
          %mul3A_528 = arith.muli %mul3A_525, %mul3A_527 : vector<16xi32>
          %mul3A_529 = arith.constant 3200 : i32
          %mul3A_530 = vector.broadcast %mul3A_529 : i32 to vector<16xi32>
          %mul3A_531 = arith.muli %and3A_519, %mul3A_530 : vector<16xi32>
          %add3A_532 = arith.addi %mul3A_528, %mul3A_531 : vector<16xi32>
          %add3A_533 = arith.addi %add3A_532, %sub3A_504 : vector<16xi32>
          %mul3A_534 = arith.constant 3200 : i32
          %mul3A_535 = vector.broadcast %mul3A_534 : i32 to vector<16xi32>
          %mul3A_536 = arith.muli %shift_right_arithmetic3A_522, %mul3A_535 : vector<16xi32>
          %add3A_537 = arith.constant 57600 : i32
          %add3A_538 = vector.broadcast %add3A_537 : i32 to vector<16xi32>
          %add3A_539 = arith.addi %sub3A_504, %add3A_538 : vector<16xi32>
          %add3A_540 = arith.addi %mul3A_536, %add3A_539 : vector<16xi32>
          %add3A_541 = arith.constant 89600 : i32
          %add3A_542 = vector.broadcast %add3A_541 : i32 to vector<16xi32>
          %add3A_543 = arith.addi %sub3A_504, %add3A_542 : vector<16xi32>
          %add3A_544 = arith.addi %mul3A_525, %add3A_543 : vector<16xi32>
          tpu.vector_store_idx %arg10[%add3A_533], %get3A_497 masked %lt3A_507 {add = true} : memref<96000xf32, #tpu.memory_space<vmem>>[vector<16xi32>], vector<16xf32>, vector<16xi1>
          %add3A_545 = arith.constant 3200 : i32
          %add3A_546 = vector.broadcast %add3A_545 : i32 to vector<16xi32>
          %add3A_547 = arith.addi %add3A_533, %add3A_546 : vector<16xi32>
          tpu.vector_store_idx %arg10[%add3A_547], %get3A_499 masked %lt3A_507 {add = true} : memref<96000xf32, #tpu.memory_space<vmem>>[vector<16xi32>], vector<16xf32>, vector<16xi1>
          tpu.vector_store_idx %arg10[%add3A_540], %broadcast_in_dim3A_3 masked %lt3A_507 {add = true} : memref<96000xf32, #tpu.memory_space<vmem>>[vector<16xi32>], vector<16xf32>, vector<16xi1>
          tpu.vector_store_idx %arg10[%add3A_544], %broadcast_in_dim3A_3 masked %lt3A_507 {add = true} : memref<96000xf32, #tpu.memory_space<vmem>>[vector<16xi32>], vector<16xf32>, vector<16xi1>
          %scan3A_548 = arith.constant 0 : i32
          %scan3A_549 = arith.constant 5 : i32
          %scan3A_550 = arith.addi %scan3A_250, %scan3A_549 : i32
          %mul3A_551 = arith.constant 16 : i32
          %mul3A_552 = arith.muli %scan3A_550, %mul3A_551 : i32
          %add3A_553 = arith.addi %mul3A_220, %mul3A_552 : i32
          %get3A_554 = arith.index_cast %add3A_553 : i32 to index
          %get3A_555 = tpu.vector_load %arg7[%get3A_554] {strides = array<i32>} : memref<4000xi32, #tpu.memory_space<vmem>>, vector<16xi32>,
          %get3A_556 = arith.index_cast %add3A_553 : i32 to index
          %get3A_557 = tpu.vector_load %arg8[%get3A_556] {strides = array<i32>} : memref<4000xf32, #tpu.memory_space<vmem>>, vector<16xf32>,
          %get3A_558 = arith.index_cast %add3A_553 : i32 to index
          %get3A_559 = tpu.vector_load %arg9[%get3A_558] {strides = array<i32>} : memref<4000xf32, #tpu.memory_space<vmem>>, vector<16xf32>,
          %and3A_560 = arith.constant 524287 : i32
          %and3A_561 = vector.broadcast %and3A_560 : i32 to vector<16xi32>
          %and3A_562 = arith.andi %get3A_555, %and3A_561 : vector<16xi32>
          %sub3A_563 = vector.broadcast %add3A_67 : i32 to vector<16xi32>
          %sub3A_564 = arith.subi %and3A_562, %sub3A_563 : vector<16xi32>
          %lt3A_565 = arith.constant 3200 : i32
          %lt3A_566 = vector.broadcast %lt3A_565 : i32 to vector<16xi32>
          %lt3A_567 = arith.cmpi ult, %sub3A_564, %lt3A_566 : vector<16xi32>
          %shift_right_arithmetic3A_568 = arith.constant 19 : i32
          %shift_right_arithmetic3A_569 = vector.broadcast %shift_right_arithmetic3A_568 : i32 to vector<16xi32>
          %shift_right_arithmetic3A_570 = arith.shrsi %get3A_555, %shift_right_arithmetic3A_569 : vector<16xi32>
          %and3A_571 = arith.constant 1 : i32
          %and3A_572 = vector.broadcast %and3A_571 : i32 to vector<16xi32>
          %and3A_573 = arith.andi %shift_right_arithmetic3A_570, %and3A_572 : vector<16xi32>
          %shift_right_arithmetic3A_574 = arith.constant 20 : i32
          %shift_right_arithmetic3A_575 = vector.broadcast %shift_right_arithmetic3A_574 : i32 to vector<16xi32>
          %shift_right_arithmetic3A_576 = arith.shrsi %get3A_555, %shift_right_arithmetic3A_575 : vector<16xi32>
          %and3A_577 = arith.constant 15 : i32
          %and3A_578 = vector.broadcast %and3A_577 : i32 to vector<16xi32>
          %and3A_579 = arith.andi %shift_right_arithmetic3A_576, %and3A_578 : vector<16xi32>
          %shift_right_arithmetic3A_580 = arith.constant 24 : i32
          %shift_right_arithmetic3A_581 = vector.broadcast %shift_right_arithmetic3A_580 : i32 to vector<16xi32>
          %shift_right_arithmetic3A_582 = arith.shrsi %get3A_555, %shift_right_arithmetic3A_581 : vector<16xi32>
          %mul3A_583 = arith.constant 3200 : i32
          %mul3A_584 = vector.broadcast %mul3A_583 : i32 to vector<16xi32>
          %mul3A_585 = arith.muli %and3A_573, %mul3A_584 : vector<16xi32>
          %mul3A_586 = arith.constant 9 : i32
          %mul3A_587 = vector.broadcast %mul3A_586 : i32 to vector<16xi32>
          %mul3A_588 = arith.muli %mul3A_585, %mul3A_587 : vector<16xi32>
          %mul3A_589 = arith.constant 3200 : i32
          %mul3A_590 = vector.broadcast %mul3A_589 : i32 to vector<16xi32>
          %mul3A_591 = arith.muli %and3A_579, %mul3A_590 : vector<16xi32>
          %add3A_592 = arith.addi %mul3A_588, %mul3A_591 : vector<16xi32>
          %add3A_593 = arith.addi %add3A_592, %sub3A_564 : vector<16xi32>
          %mul3A_594 = arith.constant 3200 : i32
          %mul3A_595 = vector.broadcast %mul3A_594 : i32 to vector<16xi32>
          %mul3A_596 = arith.muli %shift_right_arithmetic3A_582, %mul3A_595 : vector<16xi32>
          %add3A_597 = arith.constant 57600 : i32
          %add3A_598 = vector.broadcast %add3A_597 : i32 to vector<16xi32>
          %add3A_599 = arith.addi %sub3A_564, %add3A_598 : vector<16xi32>
          %add3A_600 = arith.addi %mul3A_596, %add3A_599 : vector<16xi32>
          %add3A_601 = arith.constant 89600 : i32
          %add3A_602 = vector.broadcast %add3A_601 : i32 to vector<16xi32>
          %add3A_603 = arith.addi %sub3A_564, %add3A_602 : vector<16xi32>
          %add3A_604 = arith.addi %mul3A_585, %add3A_603 : vector<16xi32>
          tpu.vector_store_idx %arg10[%add3A_593], %get3A_557 masked %lt3A_567 {add = true} : memref<96000xf32, #tpu.memory_space<vmem>>[vector<16xi32>], vector<16xf32>, vector<16xi1>
          %add3A_605 = arith.constant 3200 : i32
          %add3A_606 = vector.broadcast %add3A_605 : i32 to vector<16xi32>
          %add3A_607 = arith.addi %add3A_593, %add3A_606 : vector<16xi32>
          tpu.vector_store_idx %arg10[%add3A_607], %get3A_559 masked %lt3A_567 {add = true} : memref<96000xf32, #tpu.memory_space<vmem>>[vector<16xi32>], vector<16xf32>, vector<16xi1>
          tpu.vector_store_idx %arg10[%add3A_600], %broadcast_in_dim3A_3 masked %lt3A_567 {add = true} : memref<96000xf32, #tpu.memory_space<vmem>>[vector<16xi32>], vector<16xf32>, vector<16xi1>
          tpu.vector_store_idx %arg10[%add3A_604], %broadcast_in_dim3A_3 masked %lt3A_567 {add = true} : memref<96000xf32, #tpu.memory_space<vmem>>[vector<16xi32>], vector<16xf32>, vector<16xi1>
          %scan3A_608 = arith.constant 0 : i32
          %scan3A_609 = arith.constant 6 : i32
          %scan3A_610 = arith.addi %scan3A_250, %scan3A_609 : i32
          %mul3A_611 = arith.constant 16 : i32
          %mul3A_612 = arith.muli %scan3A_610, %mul3A_611 : i32
          %add3A_613 = arith.addi %mul3A_220, %mul3A_612 : i32
          %get3A_614 = arith.index_cast %add3A_613 : i32 to index
          %get3A_615 = tpu.vector_load %arg7[%get3A_614] {strides = array<i32>} : memref<4000xi32, #tpu.memory_space<vmem>>, vector<16xi32>,
          %get3A_616 = arith.index_cast %add3A_613 : i32 to index
          %get3A_617 = tpu.vector_load %arg8[%get3A_616] {strides = array<i32>} : memref<4000xf32, #tpu.memory_space<vmem>>, vector<16xf32>,
          %get3A_618 = arith.index_cast %add3A_613 : i32 to index
          %get3A_619 = tpu.vector_load %arg9[%get3A_618] {strides = array<i32>} : memref<4000xf32, #tpu.memory_space<vmem>>, vector<16xf32>,
          %and3A_620 = arith.constant 524287 : i32
          %and3A_621 = vector.broadcast %and3A_620 : i32 to vector<16xi32>
          %and3A_622 = arith.andi %get3A_615, %and3A_621 : vector<16xi32>
          %sub3A_623 = vector.broadcast %add3A_67 : i32 to vector<16xi32>
          %sub3A_624 = arith.subi %and3A_622, %sub3A_623 : vector<16xi32>
          %lt3A_625 = arith.constant 3200 : i32
          %lt3A_626 = vector.broadcast %lt3A_625 : i32 to vector<16xi32>
          %lt3A_627 = arith.cmpi ult, %sub3A_624, %lt3A_626 : vector<16xi32>
          %shift_right_arithmetic3A_628 = arith.constant 19 : i32
          %shift_right_arithmetic3A_629 = vector.broadcast %shift_right_arithmetic3A_628 : i32 to vector<16xi32>
          %shift_right_arithmetic3A_630 = arith.shrsi %get3A_615, %shift_right_arithmetic3A_629 : vector<16xi32>
          %and3A_631 = arith.constant 1 : i32
          %and3A_632 = vector.broadcast %and3A_631 : i32 to vector<16xi32>
          %and3A_633 = arith.andi %shift_right_arithmetic3A_630, %and3A_632 : vector<16xi32>
          %shift_right_arithmetic3A_634 = arith.constant 20 : i32
          %shift_right_arithmetic3A_635 = vector.broadcast %shift_right_arithmetic3A_634 : i32 to vector<16xi32>
          %shift_right_arithmetic3A_636 = arith.shrsi %get3A_615, %shift_right_arithmetic3A_635 : vector<16xi32>
          %and3A_637 = arith.constant 15 : i32
          %and3A_638 = vector.broadcast %and3A_637 : i32 to vector<16xi32>
          %and3A_639 = arith.andi %shift_right_arithmetic3A_636, %and3A_638 : vector<16xi32>
          %shift_right_arithmetic3A_640 = arith.constant 24 : i32
          %shift_right_arithmetic3A_641 = vector.broadcast %shift_right_arithmetic3A_640 : i32 to vector<16xi32>
          %shift_right_arithmetic3A_642 = arith.shrsi %get3A_615, %shift_right_arithmetic3A_641 : vector<16xi32>
          %mul3A_643 = arith.constant 3200 : i32
          %mul3A_644 = vector.broadcast %mul3A_643 : i32 to vector<16xi32>
          %mul3A_645 = arith.muli %and3A_633, %mul3A_644 : vector<16xi32>
          %mul3A_646 = arith.constant 9 : i32
          %mul3A_647 = vector.broadcast %mul3A_646 : i32 to vector<16xi32>
          %mul3A_648 = arith.muli %mul3A_645, %mul3A_647 : vector<16xi32>
          %mul3A_649 = arith.constant 3200 : i32
          %mul3A_650 = vector.broadcast %mul3A_649 : i32 to vector<16xi32>
          %mul3A_651 = arith.muli %and3A_639, %mul3A_650 : vector<16xi32>
          %add3A_652 = arith.addi %mul3A_648, %mul3A_651 : vector<16xi32>
          %add3A_653 = arith.addi %add3A_652, %sub3A_624 : vector<16xi32>
          %mul3A_654 = arith.constant 3200 : i32
          %mul3A_655 = vector.broadcast %mul3A_654 : i32 to vector<16xi32>
          %mul3A_656 = arith.muli %shift_right_arithmetic3A_642, %mul3A_655 : vector<16xi32>
          %add3A_657 = arith.constant 57600 : i32
          %add3A_658 = vector.broadcast %add3A_657 : i32 to vector<16xi32>
          %add3A_659 = arith.addi %sub3A_624, %add3A_658 : vector<16xi32>
          %add3A_660 = arith.addi %mul3A_656, %add3A_659 : vector<16xi32>
          %add3A_661 = arith.constant 89600 : i32
          %add3A_662 = vector.broadcast %add3A_661 : i32 to vector<16xi32>
          %add3A_663 = arith.addi %sub3A_624, %add3A_662 : vector<16xi32>
          %add3A_664 = arith.addi %mul3A_645, %add3A_663 : vector<16xi32>
          tpu.vector_store_idx %arg10[%add3A_653], %get3A_617 masked %lt3A_627 {add = true} : memref<96000xf32, #tpu.memory_space<vmem>>[vector<16xi32>], vector<16xf32>, vector<16xi1>
          %add3A_665 = arith.constant 3200 : i32
          %add3A_666 = vector.broadcast %add3A_665 : i32 to vector<16xi32>
          %add3A_667 = arith.addi %add3A_653, %add3A_666 : vector<16xi32>
          tpu.vector_store_idx %arg10[%add3A_667], %get3A_619 masked %lt3A_627 {add = true} : memref<96000xf32, #tpu.memory_space<vmem>>[vector<16xi32>], vector<16xf32>, vector<16xi1>
          tpu.vector_store_idx %arg10[%add3A_660], %broadcast_in_dim3A_3 masked %lt3A_627 {add = true} : memref<96000xf32, #tpu.memory_space<vmem>>[vector<16xi32>], vector<16xf32>, vector<16xi1>
          tpu.vector_store_idx %arg10[%add3A_664], %broadcast_in_dim3A_3 masked %lt3A_627 {add = true} : memref<96000xf32, #tpu.memory_space<vmem>>[vector<16xi32>], vector<16xf32>, vector<16xi1>
          %scan3A_668 = arith.constant 0 : i32
          %scan3A_669 = arith.constant 7 : i32
          %scan3A_670 = arith.addi %scan3A_250, %scan3A_669 : i32
          %mul3A_671 = arith.constant 16 : i32
          %mul3A_672 = arith.muli %scan3A_670, %mul3A_671 : i32
          %add3A_673 = arith.addi %mul3A_220, %mul3A_672 : i32
          %get3A_674 = arith.index_cast %add3A_673 : i32 to index
          %get3A_675 = tpu.vector_load %arg7[%get3A_674] {strides = array<i32>} : memref<4000xi32, #tpu.memory_space<vmem>>, vector<16xi32>,
          %get3A_676 = arith.index_cast %add3A_673 : i32 to index
          %get3A_677 = tpu.vector_load %arg8[%get3A_676] {strides = array<i32>} : memref<4000xf32, #tpu.memory_space<vmem>>, vector<16xf32>,
          %get3A_678 = arith.index_cast %add3A_673 : i32 to index
          %get3A_679 = tpu.vector_load %arg9[%get3A_678] {strides = array<i32>} : memref<4000xf32, #tpu.memory_space<vmem>>, vector<16xf32>,
          %and3A_680 = arith.constant 524287 : i32
          %and3A_681 = vector.broadcast %and3A_680 : i32 to vector<16xi32>
          %and3A_682 = arith.andi %get3A_675, %and3A_681 : vector<16xi32>
          %sub3A_683 = vector.broadcast %add3A_67 : i32 to vector<16xi32>
          %sub3A_684 = arith.subi %and3A_682, %sub3A_683 : vector<16xi32>
          %lt3A_685 = arith.constant 3200 : i32
          %lt3A_686 = vector.broadcast %lt3A_685 : i32 to vector<16xi32>
          %lt3A_687 = arith.cmpi ult, %sub3A_684, %lt3A_686 : vector<16xi32>
          %shift_right_arithmetic3A_688 = arith.constant 19 : i32
          %shift_right_arithmetic3A_689 = vector.broadcast %shift_right_arithmetic3A_688 : i32 to vector<16xi32>
          %shift_right_arithmetic3A_690 = arith.shrsi %get3A_675, %shift_right_arithmetic3A_689 : vector<16xi32>
          %and3A_691 = arith.constant 1 : i32
          %and3A_692 = vector.broadcast %and3A_691 : i32 to vector<16xi32>
          %and3A_693 = arith.andi %shift_right_arithmetic3A_690, %and3A_692 : vector<16xi32>
          %shift_right_arithmetic3A_694 = arith.constant 20 : i32
          %shift_right_arithmetic3A_695 = vector.broadcast %shift_right_arithmetic3A_694 : i32 to vector<16xi32>
          %shift_right_arithmetic3A_696 = arith.shrsi %get3A_675, %shift_right_arithmetic3A_695 : vector<16xi32>
          %and3A_697 = arith.constant 15 : i32
          %and3A_698 = vector.broadcast %and3A_697 : i32 to vector<16xi32>
          %and3A_699 = arith.andi %shift_right_arithmetic3A_696, %and3A_698 : vector<16xi32>
          %shift_right_arithmetic3A_700 = arith.constant 24 : i32
          %shift_right_arithmetic3A_701 = vector.broadcast %shift_right_arithmetic3A_700 : i32 to vector<16xi32>
          %shift_right_arithmetic3A_702 = arith.shrsi %get3A_675, %shift_right_arithmetic3A_701 : vector<16xi32>
          %mul3A_703 = arith.constant 3200 : i32
          %mul3A_704 = vector.broadcast %mul3A_703 : i32 to vector<16xi32>
          %mul3A_705 = arith.muli %and3A_693, %mul3A_704 : vector<16xi32>
          %mul3A_706 = arith.constant 9 : i32
          %mul3A_707 = vector.broadcast %mul3A_706 : i32 to vector<16xi32>
          %mul3A_708 = arith.muli %mul3A_705, %mul3A_707 : vector<16xi32>
          %mul3A_709 = arith.constant 3200 : i32
          %mul3A_710 = vector.broadcast %mul3A_709 : i32 to vector<16xi32>
          %mul3A_711 = arith.muli %and3A_699, %mul3A_710 : vector<16xi32>
          %add3A_712 = arith.addi %mul3A_708, %mul3A_711 : vector<16xi32>
          %add3A_713 = arith.addi %add3A_712, %sub3A_684 : vector<16xi32>
          %mul3A_714 = arith.constant 3200 : i32
          %mul3A_715 = vector.broadcast %mul3A_714 : i32 to vector<16xi32>
          %mul3A_716 = arith.muli %shift_right_arithmetic3A_702, %mul3A_715 : vector<16xi32>
          %add3A_717 = arith.constant 57600 : i32
          %add3A_718 = vector.broadcast %add3A_717 : i32 to vector<16xi32>
          %add3A_719 = arith.addi %sub3A_684, %add3A_718 : vector<16xi32>
          %add3A_720 = arith.addi %mul3A_716, %add3A_719 : vector<16xi32>
          %add3A_721 = arith.constant 89600 : i32
          %add3A_722 = vector.broadcast %add3A_721 : i32 to vector<16xi32>
          %add3A_723 = arith.addi %sub3A_684, %add3A_722 : vector<16xi32>
          %add3A_724 = arith.addi %mul3A_705, %add3A_723 : vector<16xi32>
          tpu.vector_store_idx %arg10[%add3A_713], %get3A_677 masked %lt3A_687 {add = true} : memref<96000xf32, #tpu.memory_space<vmem>>[vector<16xi32>], vector<16xf32>, vector<16xi1>
          %add3A_725 = arith.constant 3200 : i32
          %add3A_726 = vector.broadcast %add3A_725 : i32 to vector<16xi32>
          %add3A_727 = arith.addi %add3A_713, %add3A_726 : vector<16xi32>
          tpu.vector_store_idx %arg10[%add3A_727], %get3A_679 masked %lt3A_687 {add = true} : memref<96000xf32, #tpu.memory_space<vmem>>[vector<16xi32>], vector<16xf32>, vector<16xi1>
          tpu.vector_store_idx %arg10[%add3A_720], %broadcast_in_dim3A_3 masked %lt3A_687 {add = true} : memref<96000xf32, #tpu.memory_space<vmem>>[vector<16xi32>], vector<16xf32>, vector<16xi1>
          tpu.vector_store_idx %arg10[%add3A_724], %broadcast_in_dim3A_3 masked %lt3A_687 {add = true} : memref<96000xf32, #tpu.memory_space<vmem>>[vector<16xi32>], vector<16xf32>, vector<16xi1>
          %scan3A_728 = arith.constant 0 : i32
          %scan3A_729 = arith.constant 8 : i32
          %scan3A_730 = arith.addi %scan3A_250, %scan3A_729 : i32
          %mul3A_731 = arith.constant 16 : i32
          %mul3A_732 = arith.muli %scan3A_730, %mul3A_731 : i32
          %add3A_733 = arith.addi %mul3A_220, %mul3A_732 : i32
          %get3A_734 = arith.index_cast %add3A_733 : i32 to index
          %get3A_735 = tpu.vector_load %arg7[%get3A_734] {strides = array<i32>} : memref<4000xi32, #tpu.memory_space<vmem>>, vector<16xi32>,
          %get3A_736 = arith.index_cast %add3A_733 : i32 to index
          %get3A_737 = tpu.vector_load %arg8[%get3A_736] {strides = array<i32>} : memref<4000xf32, #tpu.memory_space<vmem>>, vector<16xf32>,
          %get3A_738 = arith.index_cast %add3A_733 : i32 to index
          %get3A_739 = tpu.vector_load %arg9[%get3A_738] {strides = array<i32>} : memref<4000xf32, #tpu.memory_space<vmem>>, vector<16xf32>,
          %and3A_740 = arith.constant 524287 : i32
          %and3A_741 = vector.broadcast %and3A_740 : i32 to vector<16xi32>
          %and3A_742 = arith.andi %get3A_735, %and3A_741 : vector<16xi32>
          %sub3A_743 = vector.broadcast %add3A_67 : i32 to vector<16xi32>
          %sub3A_744 = arith.subi %and3A_742, %sub3A_743 : vector<16xi32>
          %lt3A_745 = arith.constant 3200 : i32
          %lt3A_746 = vector.broadcast %lt3A_745 : i32 to vector<16xi32>
          %lt3A_747 = arith.cmpi ult, %sub3A_744, %lt3A_746 : vector<16xi32>
          %shift_right_arithmetic3A_748 = arith.constant 19 : i32
          %shift_right_arithmetic3A_749 = vector.broadcast %shift_right_arithmetic3A_748 : i32 to vector<16xi32>
          %shift_right_arithmetic3A_750 = arith.shrsi %get3A_735, %shift_right_arithmetic3A_749 : vector<16xi32>
          %and3A_751 = arith.constant 1 : i32
          %and3A_752 = vector.broadcast %and3A_751 : i32 to vector<16xi32>
          %and3A_753 = arith.andi %shift_right_arithmetic3A_750, %and3A_752 : vector<16xi32>
          %shift_right_arithmetic3A_754 = arith.constant 20 : i32
          %shift_right_arithmetic3A_755 = vector.broadcast %shift_right_arithmetic3A_754 : i32 to vector<16xi32>
          %shift_right_arithmetic3A_756 = arith.shrsi %get3A_735, %shift_right_arithmetic3A_755 : vector<16xi32>
          %and3A_757 = arith.constant 15 : i32
          %and3A_758 = vector.broadcast %and3A_757 : i32 to vector<16xi32>
          %and3A_759 = arith.andi %shift_right_arithmetic3A_756, %and3A_758 : vector<16xi32>
          %shift_right_arithmetic3A_760 = arith.constant 24 : i32
          %shift_right_arithmetic3A_761 = vector.broadcast %shift_right_arithmetic3A_760 : i32 to vector<16xi32>
          %shift_right_arithmetic3A_762 = arith.shrsi %get3A_735, %shift_right_arithmetic3A_761 : vector<16xi32>
          %mul3A_763 = arith.constant 3200 : i32
          %mul3A_764 = vector.broadcast %mul3A_763 : i32 to vector<16xi32>
          %mul3A_765 = arith.muli %and3A_753, %mul3A_764 : vector<16xi32>
          %mul3A_766 = arith.constant 9 : i32
          %mul3A_767 = vector.broadcast %mul3A_766 : i32 to vector<16xi32>
          %mul3A_768 = arith.muli %mul3A_765, %mul3A_767 : vector<16xi32>
          %mul3A_769 = arith.constant 3200 : i32
          %mul3A_770 = vector.broadcast %mul3A_769 : i32 to vector<16xi32>
          %mul3A_771 = arith.muli %and3A_759, %mul3A_770 : vector<16xi32>
          %add3A_772 = arith.addi %mul3A_768, %mul3A_771 : vector<16xi32>
          %add3A_773 = arith.addi %add3A_772, %sub3A_744 : vector<16xi32>
          %mul3A_774 = arith.constant 3200 : i32
          %mul3A_775 = vector.broadcast %mul3A_774 : i32 to vector<16xi32>
          %mul3A_776 = arith.muli %shift_right_arithmetic3A_762, %mul3A_775 : vector<16xi32>
          %add3A_777 = arith.constant 57600 : i32
          %add3A_778 = vector.broadcast %add3A_777 : i32 to vector<16xi32>
          %add3A_779 = arith.addi %sub3A_744, %add3A_778 : vector<16xi32>
          %add3A_780 = arith.addi %mul3A_776, %add3A_779 : vector<16xi32>
          %add3A_781 = arith.constant 89600 : i32
          %add3A_782 = vector.broadcast %add3A_781 : i32 to vector<16xi32>
          %add3A_783 = arith.addi %sub3A_744, %add3A_782 : vector<16xi32>
          %add3A_784 = arith.addi %mul3A_765, %add3A_783 : vector<16xi32>
          tpu.vector_store_idx %arg10[%add3A_773], %get3A_737 masked %lt3A_747 {add = true} : memref<96000xf32, #tpu.memory_space<vmem>>[vector<16xi32>], vector<16xf32>, vector<16xi1>
          %add3A_785 = arith.constant 3200 : i32
          %add3A_786 = vector.broadcast %add3A_785 : i32 to vector<16xi32>
          %add3A_787 = arith.addi %add3A_773, %add3A_786 : vector<16xi32>
          tpu.vector_store_idx %arg10[%add3A_787], %get3A_739 masked %lt3A_747 {add = true} : memref<96000xf32, #tpu.memory_space<vmem>>[vector<16xi32>], vector<16xf32>, vector<16xi1>
          tpu.vector_store_idx %arg10[%add3A_780], %broadcast_in_dim3A_3 masked %lt3A_747 {add = true} : memref<96000xf32, #tpu.memory_space<vmem>>[vector<16xi32>], vector<16xf32>, vector<16xi1>
          tpu.vector_store_idx %arg10[%add3A_784], %broadcast_in_dim3A_3 masked %lt3A_747 {add = true} : memref<96000xf32, #tpu.memory_space<vmem>>[vector<16xi32>], vector<16xf32>, vector<16xi1>
          %scan3A_788 = arith.constant 0 : i32
          %scan3A_789 = arith.constant 9 : i32
          %scan3A_790 = arith.addi %scan3A_250, %scan3A_789 : i32
          %mul3A_791 = arith.constant 16 : i32
          %mul3A_792 = arith.muli %scan3A_790, %mul3A_791 : i32
          %add3A_793 = arith.addi %mul3A_220, %mul3A_792 : i32
          %get3A_794 = arith.index_cast %add3A_793 : i32 to index
          %get3A_795 = tpu.vector_load %arg7[%get3A_794] {strides = array<i32>} : memref<4000xi32, #tpu.memory_space<vmem>>, vector<16xi32>,
          %get3A_796 = arith.index_cast %add3A_793 : i32 to index
          %get3A_797 = tpu.vector_load %arg8[%get3A_796] {strides = array<i32>} : memref<4000xf32, #tpu.memory_space<vmem>>, vector<16xf32>,
          %get3A_798 = arith.index_cast %add3A_793 : i32 to index
          %get3A_799 = tpu.vector_load %arg9[%get3A_798] {strides = array<i32>} : memref<4000xf32, #tpu.memory_space<vmem>>, vector<16xf32>,
          %and3A_800 = arith.constant 524287 : i32
          %and3A_801 = vector.broadcast %and3A_800 : i32 to vector<16xi32>
          %and3A_802 = arith.andi %get3A_795, %and3A_801 : vector<16xi32>
          %sub3A_803 = vector.broadcast %add3A_67 : i32 to vector<16xi32>
          %sub3A_804 = arith.subi %and3A_802, %sub3A_803 : vector<16xi32>
          %lt3A_805 = arith.constant 3200 : i32
          %lt3A_806 = vector.broadcast %lt3A_805 : i32 to vector<16xi32>
          %lt3A_807 = arith.cmpi ult, %sub3A_804, %lt3A_806 : vector<16xi32>
          %shift_right_arithmetic3A_808 = arith.constant 19 : i32
          %shift_right_arithmetic3A_809 = vector.broadcast %shift_right_arithmetic3A_808 : i32 to vector<16xi32>
          %shift_right_arithmetic3A_810 = arith.shrsi %get3A_795, %shift_right_arithmetic3A_809 : vector<16xi32>
          %and3A_811 = arith.constant 1 : i32
          %and3A_812 = vector.broadcast %and3A_811 : i32 to vector<16xi32>
          %and3A_813 = arith.andi %shift_right_arithmetic3A_810, %and3A_812 : vector<16xi32>
          %shift_right_arithmetic3A_814 = arith.constant 20 : i32
          %shift_right_arithmetic3A_815 = vector.broadcast %shift_right_arithmetic3A_814 : i32 to vector<16xi32>
          %shift_right_arithmetic3A_816 = arith.shrsi %get3A_795, %shift_right_arithmetic3A_815 : vector<16xi32>
          %and3A_817 = arith.constant 15 : i32
          %and3A_818 = vector.broadcast %and3A_817 : i32 to vector<16xi32>
          %and3A_819 = arith.andi %shift_right_arithmetic3A_816, %and3A_818 : vector<16xi32>
          %shift_right_arithmetic3A_820 = arith.constant 24 : i32
          %shift_right_arithmetic3A_821 = vector.broadcast %shift_right_arithmetic3A_820 : i32 to vector<16xi32>
          %shift_right_arithmetic3A_822 = arith.shrsi %get3A_795, %shift_right_arithmetic3A_821 : vector<16xi32>
          %mul3A_823 = arith.constant 3200 : i32
          %mul3A_824 = vector.broadcast %mul3A_823 : i32 to vector<16xi32>
          %mul3A_825 = arith.muli %and3A_813, %mul3A_824 : vector<16xi32>
          %mul3A_826 = arith.constant 9 : i32
          %mul3A_827 = vector.broadcast %mul3A_826 : i32 to vector<16xi32>
          %mul3A_828 = arith.muli %mul3A_825, %mul3A_827 : vector<16xi32>
          %mul3A_829 = arith.constant 3200 : i32
          %mul3A_830 = vector.broadcast %mul3A_829 : i32 to vector<16xi32>
          %mul3A_831 = arith.muli %and3A_819, %mul3A_830 : vector<16xi32>
          %add3A_832 = arith.addi %mul3A_828, %mul3A_831 : vector<16xi32>
          %add3A_833 = arith.addi %add3A_832, %sub3A_804 : vector<16xi32>
          %mul3A_834 = arith.constant 3200 : i32
          %mul3A_835 = vector.broadcast %mul3A_834 : i32 to vector<16xi32>
          %mul3A_836 = arith.muli %shift_right_arithmetic3A_822, %mul3A_835 : vector<16xi32>
          %add3A_837 = arith.constant 57600 : i32
          %add3A_838 = vector.broadcast %add3A_837 : i32 to vector<16xi32>
          %add3A_839 = arith.addi %sub3A_804, %add3A_838 : vector<16xi32>
          %add3A_840 = arith.addi %mul3A_836, %add3A_839 : vector<16xi32>
          %add3A_841 = arith.constant 89600 : i32
          %add3A_842 = vector.broadcast %add3A_841 : i32 to vector<16xi32>
          %add3A_843 = arith.addi %sub3A_804, %add3A_842 : vector<16xi32>
          %add3A_844 = arith.addi %mul3A_825, %add3A_843 : vector<16xi32>
          tpu.vector_store_idx %arg10[%add3A_833], %get3A_797 masked %lt3A_807 {add = true} : memref<96000xf32, #tpu.memory_space<vmem>>[vector<16xi32>], vector<16xf32>, vector<16xi1>
          %add3A_845 = arith.constant 3200 : i32
          %add3A_846 = vector.broadcast %add3A_845 : i32 to vector<16xi32>
          %add3A_847 = arith.addi %add3A_833, %add3A_846 : vector<16xi32>
          tpu.vector_store_idx %arg10[%add3A_847], %get3A_799 masked %lt3A_807 {add = true} : memref<96000xf32, #tpu.memory_space<vmem>>[vector<16xi32>], vector<16xf32>, vector<16xi1>
          tpu.vector_store_idx %arg10[%add3A_840], %broadcast_in_dim3A_3 masked %lt3A_807 {add = true} : memref<96000xf32, #tpu.memory_space<vmem>>[vector<16xi32>], vector<16xf32>, vector<16xi1>
          tpu.vector_store_idx %arg10[%add3A_844], %broadcast_in_dim3A_3 masked %lt3A_807 {add = true} : memref<96000xf32, #tpu.memory_space<vmem>>[vector<16xi32>], vector<16xf32>, vector<16xi1>
          %scan3A_848 = arith.constant 0 : i32
          %scan3A_849 = arith.constant 10 : i32
          %scan3A_850 = arith.addi %scan3A_250, %scan3A_849 : i32
          %mul3A_851 = arith.constant 16 : i32
          %mul3A_852 = arith.muli %scan3A_850, %mul3A_851 : i32
          %add3A_853 = arith.addi %mul3A_220, %mul3A_852 : i32
          %get3A_854 = arith.index_cast %add3A_853 : i32 to index
          %get3A_855 = tpu.vector_load %arg7[%get3A_854] {strides = array<i32>} : memref<4000xi32, #tpu.memory_space<vmem>>, vector<16xi32>,
          %get3A_856 = arith.index_cast %add3A_853 : i32 to index
          %get3A_857 = tpu.vector_load %arg8[%get3A_856] {strides = array<i32>} : memref<4000xf32, #tpu.memory_space<vmem>>, vector<16xf32>,
          %get3A_858 = arith.index_cast %add3A_853 : i32 to index
          %get3A_859 = tpu.vector_load %arg9[%get3A_858] {strides = array<i32>} : memref<4000xf32, #tpu.memory_space<vmem>>, vector<16xf32>,
          %and3A_860 = arith.constant 524287 : i32
          %and3A_861 = vector.broadcast %and3A_860 : i32 to vector<16xi32>
          %and3A_862 = arith.andi %get3A_855, %and3A_861 : vector<16xi32>
          %sub3A_863 = vector.broadcast %add3A_67 : i32 to vector<16xi32>
          %sub3A_864 = arith.subi %and3A_862, %sub3A_863 : vector<16xi32>
          %lt3A_865 = arith.constant 3200 : i32
          %lt3A_866 = vector.broadcast %lt3A_865 : i32 to vector<16xi32>
          %lt3A_867 = arith.cmpi ult, %sub3A_864, %lt3A_866 : vector<16xi32>
          %shift_right_arithmetic3A_868 = arith.constant 19 : i32
          %shift_right_arithmetic3A_869 = vector.broadcast %shift_right_arithmetic3A_868 : i32 to vector<16xi32>
          %shift_right_arithmetic3A_870 = arith.shrsi %get3A_855, %shift_right_arithmetic3A_869 : vector<16xi32>
          %and3A_871 = arith.constant 1 : i32
          %and3A_872 = vector.broadcast %and3A_871 : i32 to vector<16xi32>
          %and3A_873 = arith.andi %shift_right_arithmetic3A_870, %and3A_872 : vector<16xi32>
          %shift_right_arithmetic3A_874 = arith.constant 20 : i32
          %shift_right_arithmetic3A_875 = vector.broadcast %shift_right_arithmetic3A_874 : i32 to vector<16xi32>
          %shift_right_arithmetic3A_876 = arith.shrsi %get3A_855, %shift_right_arithmetic3A_875 : vector<16xi32>
          %and3A_877 = arith.constant 15 : i32
          %and3A_878 = vector.broadcast %and3A_877 : i32 to vector<16xi32>
          %and3A_879 = arith.andi %shift_right_arithmetic3A_876, %and3A_878 : vector<16xi32>
          %shift_right_arithmetic3A_880 = arith.constant 24 : i32
          %shift_right_arithmetic3A_881 = vector.broadcast %shift_right_arithmetic3A_880 : i32 to vector<16xi32>
          %shift_right_arithmetic3A_882 = arith.shrsi %get3A_855, %shift_right_arithmetic3A_881 : vector<16xi32>
          %mul3A_883 = arith.constant 3200 : i32
          %mul3A_884 = vector.broadcast %mul3A_883 : i32 to vector<16xi32>
          %mul3A_885 = arith.muli %and3A_873, %mul3A_884 : vector<16xi32>
          %mul3A_886 = arith.constant 9 : i32
          %mul3A_887 = vector.broadcast %mul3A_886 : i32 to vector<16xi32>
          %mul3A_888 = arith.muli %mul3A_885, %mul3A_887 : vector<16xi32>
          %mul3A_889 = arith.constant 3200 : i32
          %mul3A_890 = vector.broadcast %mul3A_889 : i32 to vector<16xi32>
          %mul3A_891 = arith.muli %and3A_879, %mul3A_890 : vector<16xi32>
          %add3A_892 = arith.addi %mul3A_888, %mul3A_891 : vector<16xi32>
          %add3A_893 = arith.addi %add3A_892, %sub3A_864 : vector<16xi32>
          %mul3A_894 = arith.constant 3200 : i32
          %mul3A_895 = vector.broadcast %mul3A_894 : i32 to vector<16xi32>
          %mul3A_896 = arith.muli %shift_right_arithmetic3A_882, %mul3A_895 : vector<16xi32>
          %add3A_897 = arith.constant 57600 : i32
          %add3A_898 = vector.broadcast %add3A_897 : i32 to vector<16xi32>
          %add3A_899 = arith.addi %sub3A_864, %add3A_898 : vector<16xi32>
          %add3A_900 = arith.addi %mul3A_896, %add3A_899 : vector<16xi32>
          %add3A_901 = arith.constant 89600 : i32
          %add3A_902 = vector.broadcast %add3A_901 : i32 to vector<16xi32>
          %add3A_903 = arith.addi %sub3A_864, %add3A_902 : vector<16xi32>
          %add3A_904 = arith.addi %mul3A_885, %add3A_903 : vector<16xi32>
          tpu.vector_store_idx %arg10[%add3A_893], %get3A_857 masked %lt3A_867 {add = true} : memref<96000xf32, #tpu.memory_space<vmem>>[vector<16xi32>], vector<16xf32>, vector<16xi1>
          %add3A_905 = arith.constant 3200 : i32
          %add3A_906 = vector.broadcast %add3A_905 : i32 to vector<16xi32>
          %add3A_907 = arith.addi %add3A_893, %add3A_906 : vector<16xi32>
          tpu.vector_store_idx %arg10[%add3A_907], %get3A_859 masked %lt3A_867 {add = true} : memref<96000xf32, #tpu.memory_space<vmem>>[vector<16xi32>], vector<16xf32>, vector<16xi1>
          tpu.vector_store_idx %arg10[%add3A_900], %broadcast_in_dim3A_3 masked %lt3A_867 {add = true} : memref<96000xf32, #tpu.memory_space<vmem>>[vector<16xi32>], vector<16xf32>, vector<16xi1>
          tpu.vector_store_idx %arg10[%add3A_904], %broadcast_in_dim3A_3 masked %lt3A_867 {add = true} : memref<96000xf32, #tpu.memory_space<vmem>>[vector<16xi32>], vector<16xf32>, vector<16xi1>
          %scan3A_908 = arith.constant 0 : i32
          %scan3A_909 = arith.constant 11 : i32
          %scan3A_910 = arith.addi %scan3A_250, %scan3A_909 : i32
          %mul3A_911 = arith.constant 16 : i32
          %mul3A_912 = arith.muli %scan3A_910, %mul3A_911 : i32
          %add3A_913 = arith.addi %mul3A_220, %mul3A_912 : i32
          %get3A_914 = arith.index_cast %add3A_913 : i32 to index
          %get3A_915 = tpu.vector_load %arg7[%get3A_914] {strides = array<i32>} : memref<4000xi32, #tpu.memory_space<vmem>>, vector<16xi32>,
          %get3A_916 = arith.index_cast %add3A_913 : i32 to index
          %get3A_917 = tpu.vector_load %arg8[%get3A_916] {strides = array<i32>} : memref<4000xf32, #tpu.memory_space<vmem>>, vector<16xf32>,
          %get3A_918 = arith.index_cast %add3A_913 : i32 to index
          %get3A_919 = tpu.vector_load %arg9[%get3A_918] {strides = array<i32>} : memref<4000xf32, #tpu.memory_space<vmem>>, vector<16xf32>,
          %and3A_920 = arith.constant 524287 : i32
          %and3A_921 = vector.broadcast %and3A_920 : i32 to vector<16xi32>
          %and3A_922 = arith.andi %get3A_915, %and3A_921 : vector<16xi32>
          %sub3A_923 = vector.broadcast %add3A_67 : i32 to vector<16xi32>
          %sub3A_924 = arith.subi %and3A_922, %sub3A_923 : vector<16xi32>
          %lt3A_925 = arith.constant 3200 : i32
          %lt3A_926 = vector.broadcast %lt3A_925 : i32 to vector<16xi32>
          %lt3A_927 = arith.cmpi ult, %sub3A_924, %lt3A_926 : vector<16xi32>
          %shift_right_arithmetic3A_928 = arith.constant 19 : i32
          %shift_right_arithmetic3A_929 = vector.broadcast %shift_right_arithmetic3A_928 : i32 to vector<16xi32>
          %shift_right_arithmetic3A_930 = arith.shrsi %get3A_915, %shift_right_arithmetic3A_929 : vector<16xi32>
          %and3A_931 = arith.constant 1 : i32
          %and3A_932 = vector.broadcast %and3A_931 : i32 to vector<16xi32>
          %and3A_933 = arith.andi %shift_right_arithmetic3A_930, %and3A_932 : vector<16xi32>
          %shift_right_arithmetic3A_934 = arith.constant 20 : i32
          %shift_right_arithmetic3A_935 = vector.broadcast %shift_right_arithmetic3A_934 : i32 to vector<16xi32>
          %shift_right_arithmetic3A_936 = arith.shrsi %get3A_915, %shift_right_arithmetic3A_935 : vector<16xi32>
          %and3A_937 = arith.constant 15 : i32
          %and3A_938 = vector.broadcast %and3A_937 : i32 to vector<16xi32>
          %and3A_939 = arith.andi %shift_right_arithmetic3A_936, %and3A_938 : vector<16xi32>
          %shift_right_arithmetic3A_940 = arith.constant 24 : i32
          %shift_right_arithmetic3A_941 = vector.broadcast %shift_right_arithmetic3A_940 : i32 to vector<16xi32>
          %shift_right_arithmetic3A_942 = arith.shrsi %get3A_915, %shift_right_arithmetic3A_941 : vector<16xi32>
          %mul3A_943 = arith.constant 3200 : i32
          %mul3A_944 = vector.broadcast %mul3A_943 : i32 to vector<16xi32>
          %mul3A_945 = arith.muli %and3A_933, %mul3A_944 : vector<16xi32>
          %mul3A_946 = arith.constant 9 : i32
          %mul3A_947 = vector.broadcast %mul3A_946 : i32 to vector<16xi32>
          %mul3A_948 = arith.muli %mul3A_945, %mul3A_947 : vector<16xi32>
          %mul3A_949 = arith.constant 3200 : i32
          %mul3A_950 = vector.broadcast %mul3A_949 : i32 to vector<16xi32>
          %mul3A_951 = arith.muli %and3A_939, %mul3A_950 : vector<16xi32>
          %add3A_952 = arith.addi %mul3A_948, %mul3A_951 : vector<16xi32>
          %add3A_953 = arith.addi %add3A_952, %sub3A_924 : vector<16xi32>
          %mul3A_954 = arith.constant 3200 : i32
          %mul3A_955 = vector.broadcast %mul3A_954 : i32 to vector<16xi32>
          %mul3A_956 = arith.muli %shift_right_arithmetic3A_942, %mul3A_955 : vector<16xi32>
          %add3A_957 = arith.constant 57600 : i32
          %add3A_958 = vector.broadcast %add3A_957 : i32 to vector<16xi32>
          %add3A_959 = arith.addi %sub3A_924, %add3A_958 : vector<16xi32>
          %add3A_960 = arith.addi %mul3A_956, %add3A_959 : vector<16xi32>
          %add3A_961 = arith.constant 89600 : i32
          %add3A_962 = vector.broadcast %add3A_961 : i32 to vector<16xi32>
          %add3A_963 = arith.addi %sub3A_924, %add3A_962 : vector<16xi32>
          %add3A_964 = arith.addi %mul3A_945, %add3A_963 : vector<16xi32>
          tpu.vector_store_idx %arg10[%add3A_953], %get3A_917 masked %lt3A_927 {add = true} : memref<96000xf32, #tpu.memory_space<vmem>>[vector<16xi32>], vector<16xf32>, vector<16xi1>
          %add3A_965 = arith.constant 3200 : i32
          %add3A_966 = vector.broadcast %add3A_965 : i32 to vector<16xi32>
          %add3A_967 = arith.addi %add3A_953, %add3A_966 : vector<16xi32>
          tpu.vector_store_idx %arg10[%add3A_967], %get3A_919 masked %lt3A_927 {add = true} : memref<96000xf32, #tpu.memory_space<vmem>>[vector<16xi32>], vector<16xf32>, vector<16xi1>
          tpu.vector_store_idx %arg10[%add3A_960], %broadcast_in_dim3A_3 masked %lt3A_927 {add = true} : memref<96000xf32, #tpu.memory_space<vmem>>[vector<16xi32>], vector<16xf32>, vector<16xi1>
          tpu.vector_store_idx %arg10[%add3A_964], %broadcast_in_dim3A_3 masked %lt3A_927 {add = true} : memref<96000xf32, #tpu.memory_space<vmem>>[vector<16xi32>], vector<16xf32>, vector<16xi1>
          %scan3A_968 = arith.constant 0 : i32
          %scan3A_969 = arith.constant 12 : i32
          %scan3A_970 = arith.addi %scan3A_250, %scan3A_969 : i32
          %mul3A_971 = arith.constant 16 : i32
          %mul3A_972 = arith.muli %scan3A_970, %mul3A_971 : i32
          %add3A_973 = arith.addi %mul3A_220, %mul3A_972 : i32
          %get3A_974 = arith.index_cast %add3A_973 : i32 to index
          %get3A_975 = tpu.vector_load %arg7[%get3A_974] {strides = array<i32>} : memref<4000xi32, #tpu.memory_space<vmem>>, vector<16xi32>,
          %get3A_976 = arith.index_cast %add3A_973 : i32 to index
          %get3A_977 = tpu.vector_load %arg8[%get3A_976] {strides = array<i32>} : memref<4000xf32, #tpu.memory_space<vmem>>, vector<16xf32>,
          %get3A_978 = arith.index_cast %add3A_973 : i32 to index
          %get3A_979 = tpu.vector_load %arg9[%get3A_978] {strides = array<i32>} : memref<4000xf32, #tpu.memory_space<vmem>>, vector<16xf32>,
          %and3A_980 = arith.constant 524287 : i32
          %and3A_981 = vector.broadcast %and3A_980 : i32 to vector<16xi32>
          %and3A_982 = arith.andi %get3A_975, %and3A_981 : vector<16xi32>
          %sub3A_983 = vector.broadcast %add3A_67 : i32 to vector<16xi32>
          %sub3A_984 = arith.subi %and3A_982, %sub3A_983 : vector<16xi32>
          %lt3A_985 = arith.constant 3200 : i32
          %lt3A_986 = vector.broadcast %lt3A_985 : i32 to vector<16xi32>
          %lt3A_987 = arith.cmpi ult, %sub3A_984, %lt3A_986 : vector<16xi32>
          %shift_right_arithmetic3A_988 = arith.constant 19 : i32
          %shift_right_arithmetic3A_989 = vector.broadcast %shift_right_arithmetic3A_988 : i32 to vector<16xi32>
          %shift_right_arithmetic3A_990 = arith.shrsi %get3A_975, %shift_right_arithmetic3A_989 : vector<16xi32>
          %and3A_991 = arith.constant 1 : i32
          %and3A_992 = vector.broadcast %and3A_991 : i32 to vector<16xi32>
          %and3A_993 = arith.andi %shift_right_arithmetic3A_990, %and3A_992 : vector<16xi32>
          %shift_right_arithmetic3A_994 = arith.constant 20 : i32
          %shift_right_arithmetic3A_995 = vector.broadcast %shift_right_arithmetic3A_994 : i32 to vector<16xi32>
          %shift_right_arithmetic3A_996 = arith.shrsi %get3A_975, %shift_right_arithmetic3A_995 : vector<16xi32>
          %and3A_997 = arith.constant 15 : i32
          %and3A_998 = vector.broadcast %and3A_997 : i32 to vector<16xi32>
          %and3A_999 = arith.andi %shift_right_arithmetic3A_996, %and3A_998 : vector<16xi32>
          %shift_right_arithmetic3A_1000 = arith.constant 24 : i32
          %shift_right_arithmetic3A_1001 = vector.broadcast %shift_right_arithmetic3A_1000 : i32 to vector<16xi32>
          %shift_right_arithmetic3A_1002 = arith.shrsi %get3A_975, %shift_right_arithmetic3A_1001 : vector<16xi32>
          %mul3A_1003 = arith.constant 3200 : i32
          %mul3A_1004 = vector.broadcast %mul3A_1003 : i32 to vector<16xi32>
          %mul3A_1005 = arith.muli %and3A_993, %mul3A_1004 : vector<16xi32>
          %mul3A_1006 = arith.constant 9 : i32
          %mul3A_1007 = vector.broadcast %mul3A_1006 : i32 to vector<16xi32>
          %mul3A_1008 = arith.muli %mul3A_1005, %mul3A_1007 : vector<16xi32>
          %mul3A_1009 = arith.constant 3200 : i32
          %mul3A_1010 = vector.broadcast %mul3A_1009 : i32 to vector<16xi32>
          %mul3A_1011 = arith.muli %and3A_999, %mul3A_1010 : vector<16xi32>
          %add3A_1012 = arith.addi %mul3A_1008, %mul3A_1011 : vector<16xi32>
          %add3A_1013 = arith.addi %add3A_1012, %sub3A_984 : vector<16xi32>
          %mul3A_1014 = arith.constant 3200 : i32
          %mul3A_1015 = vector.broadcast %mul3A_1014 : i32 to vector<16xi32>
          %mul3A_1016 = arith.muli %shift_right_arithmetic3A_1002, %mul3A_1015 : vector<16xi32>
          %add3A_1017 = arith.constant 57600 : i32
          %add3A_1018 = vector.broadcast %add3A_1017 : i32 to vector<16xi32>
          %add3A_1019 = arith.addi %sub3A_984, %add3A_1018 : vector<16xi32>
          %add3A_1020 = arith.addi %mul3A_1016, %add3A_1019 : vector<16xi32>
          %add3A_1021 = arith.constant 89600 : i32
          %add3A_1022 = vector.broadcast %add3A_1021 : i32 to vector<16xi32>
          %add3A_1023 = arith.addi %sub3A_984, %add3A_1022 : vector<16xi32>
          %add3A_1024 = arith.addi %mul3A_1005, %add3A_1023 : vector<16xi32>
          tpu.vector_store_idx %arg10[%add3A_1013], %get3A_977 masked %lt3A_987 {add = true} : memref<96000xf32, #tpu.memory_space<vmem>>[vector<16xi32>], vector<16xf32>, vector<16xi1>
          %add3A_1025 = arith.constant 3200 : i32
          %add3A_1026 = vector.broadcast %add3A_1025 : i32 to vector<16xi32>
          %add3A_1027 = arith.addi %add3A_1013, %add3A_1026 : vector<16xi32>
          tpu.vector_store_idx %arg10[%add3A_1027], %get3A_979 masked %lt3A_987 {add = true} : memref<96000xf32, #tpu.memory_space<vmem>>[vector<16xi32>], vector<16xf32>, vector<16xi1>
          tpu.vector_store_idx %arg10[%add3A_1020], %broadcast_in_dim3A_3 masked %lt3A_987 {add = true} : memref<96000xf32, #tpu.memory_space<vmem>>[vector<16xi32>], vector<16xf32>, vector<16xi1>
          tpu.vector_store_idx %arg10[%add3A_1024], %broadcast_in_dim3A_3 masked %lt3A_987 {add = true} : memref<96000xf32, #tpu.memory_space<vmem>>[vector<16xi32>], vector<16xf32>, vector<16xi1>
          %scan3A_1028 = arith.constant 0 : i32
          %scan3A_1029 = arith.constant 13 : i32
          %scan3A_1030 = arith.addi %scan3A_250, %scan3A_1029 : i32
          %mul3A_1031 = arith.constant 16 : i32
          %mul3A_1032 = arith.muli %scan3A_1030, %mul3A_1031 : i32
          %add3A_1033 = arith.addi %mul3A_220, %mul3A_1032 : i32
          %get3A_1034 = arith.index_cast %add3A_1033 : i32 to index
          %get3A_1035 = tpu.vector_load %arg7[%get3A_1034] {strides = array<i32>} : memref<4000xi32, #tpu.memory_space<vmem>>, vector<16xi32>,
          %get3A_1036 = arith.index_cast %add3A_1033 : i32 to index
          %get3A_1037 = tpu.vector_load %arg8[%get3A_1036] {strides = array<i32>} : memref<4000xf32, #tpu.memory_space<vmem>>, vector<16xf32>,
          %get3A_1038 = arith.index_cast %add3A_1033 : i32 to index
          %get3A_1039 = tpu.vector_load %arg9[%get3A_1038] {strides = array<i32>} : memref<4000xf32, #tpu.memory_space<vmem>>, vector<16xf32>,
          %and3A_1040 = arith.constant 524287 : i32
          %and3A_1041 = vector.broadcast %and3A_1040 : i32 to vector<16xi32>
          %and3A_1042 = arith.andi %get3A_1035, %and3A_1041 : vector<16xi32>
          %sub3A_1043 = vector.broadcast %add3A_67 : i32 to vector<16xi32>
          %sub3A_1044 = arith.subi %and3A_1042, %sub3A_1043 : vector<16xi32>
          %lt3A_1045 = arith.constant 3200 : i32
          %lt3A_1046 = vector.broadcast %lt3A_1045 : i32 to vector<16xi32>
          %lt3A_1047 = arith.cmpi ult, %sub3A_1044, %lt3A_1046 : vector<16xi32>
          %shift_right_arithmetic3A_1048 = arith.constant 19 : i32
          %shift_right_arithmetic3A_1049 = vector.broadcast %shift_right_arithmetic3A_1048 : i32 to vector<16xi32>
          %shift_right_arithmetic3A_1050 = arith.shrsi %get3A_1035, %shift_right_arithmetic3A_1049 : vector<16xi32>
          %and3A_1051 = arith.constant 1 : i32
          %and3A_1052 = vector.broadcast %and3A_1051 : i32 to vector<16xi32>
          %and3A_1053 = arith.andi %shift_right_arithmetic3A_1050, %and3A_1052 : vector<16xi32>
          %shift_right_arithmetic3A_1054 = arith.constant 20 : i32
          %shift_right_arithmetic3A_1055 = vector.broadcast %shift_right_arithmetic3A_1054 : i32 to vector<16xi32>
          %shift_right_arithmetic3A_1056 = arith.shrsi %get3A_1035, %shift_right_arithmetic3A_1055 : vector<16xi32>
          %and3A_1057 = arith.constant 15 : i32
          %and3A_1058 = vector.broadcast %and3A_1057 : i32 to vector<16xi32>
          %and3A_1059 = arith.andi %shift_right_arithmetic3A_1056, %and3A_1058 : vector<16xi32>
          %shift_right_arithmetic3A_1060 = arith.constant 24 : i32
          %shift_right_arithmetic3A_1061 = vector.broadcast %shift_right_arithmetic3A_1060 : i32 to vector<16xi32>
          %shift_right_arithmetic3A_1062 = arith.shrsi %get3A_1035, %shift_right_arithmetic3A_1061 : vector<16xi32>
          %mul3A_1063 = arith.constant 3200 : i32
          %mul3A_1064 = vector.broadcast %mul3A_1063 : i32 to vector<16xi32>
          %mul3A_1065 = arith.muli %and3A_1053, %mul3A_1064 : vector<16xi32>
          %mul3A_1066 = arith.constant 9 : i32
          %mul3A_1067 = vector.broadcast %mul3A_1066 : i32 to vector<16xi32>
          %mul3A_1068 = arith.muli %mul3A_1065, %mul3A_1067 : vector<16xi32>
          %mul3A_1069 = arith.constant 3200 : i32
          %mul3A_1070 = vector.broadcast %mul3A_1069 : i32 to vector<16xi32>
          %mul3A_1071 = arith.muli %and3A_1059, %mul3A_1070 : vector<16xi32>
          %add3A_1072 = arith.addi %mul3A_1068, %mul3A_1071 : vector<16xi32>
          %add3A_1073 = arith.addi %add3A_1072, %sub3A_1044 : vector<16xi32>
          %mul3A_1074 = arith.constant 3200 : i32
          %mul3A_1075 = vector.broadcast %mul3A_1074 : i32 to vector<16xi32>
          %mul3A_1076 = arith.muli %shift_right_arithmetic3A_1062, %mul3A_1075 : vector<16xi32>
          %add3A_1077 = arith.constant 57600 : i32
          %add3A_1078 = vector.broadcast %add3A_1077 : i32 to vector<16xi32>
          %add3A_1079 = arith.addi %sub3A_1044, %add3A_1078 : vector<16xi32>
          %add3A_1080 = arith.addi %mul3A_1076, %add3A_1079 : vector<16xi32>
          %add3A_1081 = arith.constant 89600 : i32
          %add3A_1082 = vector.broadcast %add3A_1081 : i32 to vector<16xi32>
          %add3A_1083 = arith.addi %sub3A_1044, %add3A_1082 : vector<16xi32>
          %add3A_1084 = arith.addi %mul3A_1065, %add3A_1083 : vector<16xi32>
          tpu.vector_store_idx %arg10[%add3A_1073], %get3A_1037 masked %lt3A_1047 {add = true} : memref<96000xf32, #tpu.memory_space<vmem>>[vector<16xi32>], vector<16xf32>, vector<16xi1>
          %add3A_1085 = arith.constant 3200 : i32
          %add3A_1086 = vector.broadcast %add3A_1085 : i32 to vector<16xi32>
          %add3A_1087 = arith.addi %add3A_1073, %add3A_1086 : vector<16xi32>
          tpu.vector_store_idx %arg10[%add3A_1087], %get3A_1039 masked %lt3A_1047 {add = true} : memref<96000xf32, #tpu.memory_space<vmem>>[vector<16xi32>], vector<16xf32>, vector<16xi1>
          tpu.vector_store_idx %arg10[%add3A_1080], %broadcast_in_dim3A_3 masked %lt3A_1047 {add = true} : memref<96000xf32, #tpu.memory_space<vmem>>[vector<16xi32>], vector<16xf32>, vector<16xi1>
          tpu.vector_store_idx %arg10[%add3A_1084], %broadcast_in_dim3A_3 masked %lt3A_1047 {add = true} : memref<96000xf32, #tpu.memory_space<vmem>>[vector<16xi32>], vector<16xf32>, vector<16xi1>
          %scan3A_1088 = arith.constant 0 : i32
          %scan3A_1089 = arith.constant 14 : i32
          %scan3A_1090 = arith.addi %scan3A_250, %scan3A_1089 : i32
          %mul3A_1091 = arith.constant 16 : i32
          %mul3A_1092 = arith.muli %scan3A_1090, %mul3A_1091 : i32
          %add3A_1093 = arith.addi %mul3A_220, %mul3A_1092 : i32
          %get3A_1094 = arith.index_cast %add3A_1093 : i32 to index
          %get3A_1095 = tpu.vector_load %arg7[%get3A_1094] {strides = array<i32>} : memref<4000xi32, #tpu.memory_space<vmem>>, vector<16xi32>,
          %get3A_1096 = arith.index_cast %add3A_1093 : i32 to index
          %get3A_1097 = tpu.vector_load %arg8[%get3A_1096] {strides = array<i32>} : memref<4000xf32, #tpu.memory_space<vmem>>, vector<16xf32>,
          %get3A_1098 = arith.index_cast %add3A_1093 : i32 to index
          %get3A_1099 = tpu.vector_load %arg9[%get3A_1098] {strides = array<i32>} : memref<4000xf32, #tpu.memory_space<vmem>>, vector<16xf32>,
          %and3A_1100 = arith.constant 524287 : i32
          %and3A_1101 = vector.broadcast %and3A_1100 : i32 to vector<16xi32>
          %and3A_1102 = arith.andi %get3A_1095, %and3A_1101 : vector<16xi32>
          %sub3A_1103 = vector.broadcast %add3A_67 : i32 to vector<16xi32>
          %sub3A_1104 = arith.subi %and3A_1102, %sub3A_1103 : vector<16xi32>
          %lt3A_1105 = arith.constant 3200 : i32
          %lt3A_1106 = vector.broadcast %lt3A_1105 : i32 to vector<16xi32>
          %lt3A_1107 = arith.cmpi ult, %sub3A_1104, %lt3A_1106 : vector<16xi32>
          %shift_right_arithmetic3A_1108 = arith.constant 19 : i32
          %shift_right_arithmetic3A_1109 = vector.broadcast %shift_right_arithmetic3A_1108 : i32 to vector<16xi32>
          %shift_right_arithmetic3A_1110 = arith.shrsi %get3A_1095, %shift_right_arithmetic3A_1109 : vector<16xi32>
          %and3A_1111 = arith.constant 1 : i32
          %and3A_1112 = vector.broadcast %and3A_1111 : i32 to vector<16xi32>
          %and3A_1113 = arith.andi %shift_right_arithmetic3A_1110, %and3A_1112 : vector<16xi32>
          %shift_right_arithmetic3A_1114 = arith.constant 20 : i32
          %shift_right_arithmetic3A_1115 = vector.broadcast %shift_right_arithmetic3A_1114 : i32 to vector<16xi32>
          %shift_right_arithmetic3A_1116 = arith.shrsi %get3A_1095, %shift_right_arithmetic3A_1115 : vector<16xi32>
          %and3A_1117 = arith.constant 15 : i32
          %and3A_1118 = vector.broadcast %and3A_1117 : i32 to vector<16xi32>
          %and3A_1119 = arith.andi %shift_right_arithmetic3A_1116, %and3A_1118 : vector<16xi32>
          %shift_right_arithmetic3A_1120 = arith.constant 24 : i32
          %shift_right_arithmetic3A_1121 = vector.broadcast %shift_right_arithmetic3A_1120 : i32 to vector<16xi32>
          %shift_right_arithmetic3A_1122 = arith.shrsi %get3A_1095, %shift_right_arithmetic3A_1121 : vector<16xi32>
          %mul3A_1123 = arith.constant 3200 : i32
          %mul3A_1124 = vector.broadcast %mul3A_1123 : i32 to vector<16xi32>
          %mul3A_1125 = arith.muli %and3A_1113, %mul3A_1124 : vector<16xi32>
          %mul3A_1126 = arith.constant 9 : i32
          %mul3A_1127 = vector.broadcast %mul3A_1126 : i32 to vector<16xi32>
          %mul3A_1128 = arith.muli %mul3A_1125, %mul3A_1127 : vector<16xi32>
          %mul3A_1129 = arith.constant 3200 : i32
          %mul3A_1130 = vector.broadcast %mul3A_1129 : i32 to vector<16xi32>
          %mul3A_1131 = arith.muli %and3A_1119, %mul3A_1130 : vector<16xi32>
          %add3A_1132 = arith.addi %mul3A_1128, %mul3A_1131 : vector<16xi32>
          %add3A_1133 = arith.addi %add3A_1132, %sub3A_1104 : vector<16xi32>
          %mul3A_1134 = arith.constant 3200 : i32
          %mul3A_1135 = vector.broadcast %mul3A_1134 : i32 to vector<16xi32>
          %mul3A_1136 = arith.muli %shift_right_arithmetic3A_1122, %mul3A_1135 : vector<16xi32>
          %add3A_1137 = arith.constant 57600 : i32
          %add3A_1138 = vector.broadcast %add3A_1137 : i32 to vector<16xi32>
          %add3A_1139 = arith.addi %sub3A_1104, %add3A_1138 : vector<16xi32>
          %add3A_1140 = arith.addi %mul3A_1136, %add3A_1139 : vector<16xi32>
          %add3A_1141 = arith.constant 89600 : i32
          %add3A_1142 = vector.broadcast %add3A_1141 : i32 to vector<16xi32>
          %add3A_1143 = arith.addi %sub3A_1104, %add3A_1142 : vector<16xi32>
          %add3A_1144 = arith.addi %mul3A_1125, %add3A_1143 : vector<16xi32>
          tpu.vector_store_idx %arg10[%add3A_1133], %get3A_1097 masked %lt3A_1107 {add = true} : memref<96000xf32, #tpu.memory_space<vmem>>[vector<16xi32>], vector<16xf32>, vector<16xi1>
          %add3A_1145 = arith.constant 3200 : i32
          %add3A_1146 = vector.broadcast %add3A_1145 : i32 to vector<16xi32>
          %add3A_1147 = arith.addi %add3A_1133, %add3A_1146 : vector<16xi32>
          tpu.vector_store_idx %arg10[%add3A_1147], %get3A_1099 masked %lt3A_1107 {add = true} : memref<96000xf32, #tpu.memory_space<vmem>>[vector<16xi32>], vector<16xf32>, vector<16xi1>
          tpu.vector_store_idx %arg10[%add3A_1140], %broadcast_in_dim3A_3 masked %lt3A_1107 {add = true} : memref<96000xf32, #tpu.memory_space<vmem>>[vector<16xi32>], vector<16xf32>, vector<16xi1>
          tpu.vector_store_idx %arg10[%add3A_1144], %broadcast_in_dim3A_3 masked %lt3A_1107 {add = true} : memref<96000xf32, #tpu.memory_space<vmem>>[vector<16xi32>], vector<16xf32>, vector<16xi1>
          %scan3A_1148 = arith.constant 0 : i32
          %scan3A_1149 = arith.constant 15 : i32
          %scan3A_1150 = arith.addi %scan3A_250, %scan3A_1149 : i32
          %mul3A_1151 = arith.constant 16 : i32
          %mul3A_1152 = arith.muli %scan3A_1150, %mul3A_1151 : i32
          %add3A_1153 = arith.addi %mul3A_220, %mul3A_1152 : i32
          %get3A_1154 = arith.index_cast %add3A_1153 : i32 to index
          %get3A_1155 = tpu.vector_load %arg7[%get3A_1154] {strides = array<i32>} : memref<4000xi32, #tpu.memory_space<vmem>>, vector<16xi32>,
          %get3A_1156 = arith.index_cast %add3A_1153 : i32 to index
          %get3A_1157 = tpu.vector_load %arg8[%get3A_1156] {strides = array<i32>} : memref<4000xf32, #tpu.memory_space<vmem>>, vector<16xf32>,
          %get3A_1158 = arith.index_cast %add3A_1153 : i32 to index
          %get3A_1159 = tpu.vector_load %arg9[%get3A_1158] {strides = array<i32>} : memref<4000xf32, #tpu.memory_space<vmem>>, vector<16xf32>,
          %and3A_1160 = arith.constant 524287 : i32
          %and3A_1161 = vector.broadcast %and3A_1160 : i32 to vector<16xi32>
          %and3A_1162 = arith.andi %get3A_1155, %and3A_1161 : vector<16xi32>
          %sub3A_1163 = vector.broadcast %add3A_67 : i32 to vector<16xi32>
          %sub3A_1164 = arith.subi %and3A_1162, %sub3A_1163 : vector<16xi32>
          %lt3A_1165 = arith.constant 3200 : i32
          %lt3A_1166 = vector.broadcast %lt3A_1165 : i32 to vector<16xi32>
          %lt3A_1167 = arith.cmpi ult, %sub3A_1164, %lt3A_1166 : vector<16xi32>
          %shift_right_arithmetic3A_1168 = arith.constant 19 : i32
          %shift_right_arithmetic3A_1169 = vector.broadcast %shift_right_arithmetic3A_1168 : i32 to vector<16xi32>
          %shift_right_arithmetic3A_1170 = arith.shrsi %get3A_1155, %shift_right_arithmetic3A_1169 : vector<16xi32>
          %and3A_1171 = arith.constant 1 : i32
          %and3A_1172 = vector.broadcast %and3A_1171 : i32 to vector<16xi32>
          %and3A_1173 = arith.andi %shift_right_arithmetic3A_1170, %and3A_1172 : vector<16xi32>
          %shift_right_arithmetic3A_1174 = arith.constant 20 : i32
          %shift_right_arithmetic3A_1175 = vector.broadcast %shift_right_arithmetic3A_1174 : i32 to vector<16xi32>
          %shift_right_arithmetic3A_1176 = arith.shrsi %get3A_1155, %shift_right_arithmetic3A_1175 : vector<16xi32>
          %and3A_1177 = arith.constant 15 : i32
          %and3A_1178 = vector.broadcast %and3A_1177 : i32 to vector<16xi32>
          %and3A_1179 = arith.andi %shift_right_arithmetic3A_1176, %and3A_1178 : vector<16xi32>
          %shift_right_arithmetic3A_1180 = arith.constant 24 : i32
          %shift_right_arithmetic3A_1181 = vector.broadcast %shift_right_arithmetic3A_1180 : i32 to vector<16xi32>
          %shift_right_arithmetic3A_1182 = arith.shrsi %get3A_1155, %shift_right_arithmetic3A_1181 : vector<16xi32>
          %mul3A_1183 = arith.constant 3200 : i32
          %mul3A_1184 = vector.broadcast %mul3A_1183 : i32 to vector<16xi32>
          %mul3A_1185 = arith.muli %and3A_1173, %mul3A_1184 : vector<16xi32>
          %mul3A_1186 = arith.constant 9 : i32
          %mul3A_1187 = vector.broadcast %mul3A_1186 : i32 to vector<16xi32>
          %mul3A_1188 = arith.muli %mul3A_1185, %mul3A_1187 : vector<16xi32>
          %mul3A_1189 = arith.constant 3200 : i32
          %mul3A_1190 = vector.broadcast %mul3A_1189 : i32 to vector<16xi32>
          %mul3A_1191 = arith.muli %and3A_1179, %mul3A_1190 : vector<16xi32>
          %add3A_1192 = arith.addi %mul3A_1188, %mul3A_1191 : vector<16xi32>
          %add3A_1193 = arith.addi %add3A_1192, %sub3A_1164 : vector<16xi32>
          %mul3A_1194 = arith.constant 3200 : i32
          %mul3A_1195 = vector.broadcast %mul3A_1194 : i32 to vector<16xi32>
          %mul3A_1196 = arith.muli %shift_right_arithmetic3A_1182, %mul3A_1195 : vector<16xi32>
          %add3A_1197 = arith.constant 57600 : i32
          %add3A_1198 = vector.broadcast %add3A_1197 : i32 to vector<16xi32>
          %add3A_1199 = arith.addi %sub3A_1164, %add3A_1198 : vector<16xi32>
          %add3A_1200 = arith.addi %mul3A_1196, %add3A_1199 : vector<16xi32>
          %add3A_1201 = arith.constant 89600 : i32
          %add3A_1202 = vector.broadcast %add3A_1201 : i32 to vector<16xi32>
          %add3A_1203 = arith.addi %sub3A_1164, %add3A_1202 : vector<16xi32>
          %add3A_1204 = arith.addi %mul3A_1185, %add3A_1203 : vector<16xi32>
          tpu.vector_store_idx %arg10[%add3A_1193], %get3A_1157 masked %lt3A_1167 {add = true} : memref<96000xf32, #tpu.memory_space<vmem>>[vector<16xi32>], vector<16xf32>, vector<16xi1>
          %add3A_1205 = arith.constant 3200 : i32
          %add3A_1206 = vector.broadcast %add3A_1205 : i32 to vector<16xi32>
          %add3A_1207 = arith.addi %add3A_1193, %add3A_1206 : vector<16xi32>
          tpu.vector_store_idx %arg10[%add3A_1207], %get3A_1159 masked %lt3A_1167 {add = true} : memref<96000xf32, #tpu.memory_space<vmem>>[vector<16xi32>], vector<16xf32>, vector<16xi1>
          tpu.vector_store_idx %arg10[%add3A_1200], %broadcast_in_dim3A_3 masked %lt3A_1167 {add = true} : memref<96000xf32, #tpu.memory_space<vmem>>[vector<16xi32>], vector<16xf32>, vector<16xi1>
          tpu.vector_store_idx %arg10[%add3A_1204], %broadcast_in_dim3A_3 masked %lt3A_1167 {add = true} : memref<96000xf32, #tpu.memory_space<vmem>>[vector<16xi32>], vector<16xf32>, vector<16xi1>
          %scan3A_1208 = arith.constant 0 : i32
          %scan3A_1209 = arith.constant 16 : i32
          %scan3A_1210 = arith.addi %scan3A_250, %scan3A_1209 : i32
          %mul3A_1211 = arith.constant 16 : i32
          %mul3A_1212 = arith.muli %scan3A_1210, %mul3A_1211 : i32
          %add3A_1213 = arith.addi %mul3A_220, %mul3A_1212 : i32
          %get3A_1214 = arith.index_cast %add3A_1213 : i32 to index
          %get3A_1215 = tpu.vector_load %arg7[%get3A_1214] {strides = array<i32>} : memref<4000xi32, #tpu.memory_space<vmem>>, vector<16xi32>,
          %get3A_1216 = arith.index_cast %add3A_1213 : i32 to index
          %get3A_1217 = tpu.vector_load %arg8[%get3A_1216] {strides = array<i32>} : memref<4000xf32, #tpu.memory_space<vmem>>, vector<16xf32>,
          %get3A_1218 = arith.index_cast %add3A_1213 : i32 to index
          %get3A_1219 = tpu.vector_load %arg9[%get3A_1218] {strides = array<i32>} : memref<4000xf32, #tpu.memory_space<vmem>>, vector<16xf32>,
          %and3A_1220 = arith.constant 524287 : i32
          %and3A_1221 = vector.broadcast %and3A_1220 : i32 to vector<16xi32>
          %and3A_1222 = arith.andi %get3A_1215, %and3A_1221 : vector<16xi32>
          %sub3A_1223 = vector.broadcast %add3A_67 : i32 to vector<16xi32>
          %sub3A_1224 = arith.subi %and3A_1222, %sub3A_1223 : vector<16xi32>
          %lt3A_1225 = arith.constant 3200 : i32
          %lt3A_1226 = vector.broadcast %lt3A_1225 : i32 to vector<16xi32>
          %lt3A_1227 = arith.cmpi ult, %sub3A_1224, %lt3A_1226 : vector<16xi32>
          %shift_right_arithmetic3A_1228 = arith.constant 19 : i32
          %shift_right_arithmetic3A_1229 = vector.broadcast %shift_right_arithmetic3A_1228 : i32 to vector<16xi32>
          %shift_right_arithmetic3A_1230 = arith.shrsi %get3A_1215, %shift_right_arithmetic3A_1229 : vector<16xi32>
          %and3A_1231 = arith.constant 1 : i32
          %and3A_1232 = vector.broadcast %and3A_1231 : i32 to vector<16xi32>
          %and3A_1233 = arith.andi %shift_right_arithmetic3A_1230, %and3A_1232 : vector<16xi32>
          %shift_right_arithmetic3A_1234 = arith.constant 20 : i32
          %shift_right_arithmetic3A_1235 = vector.broadcast %shift_right_arithmetic3A_1234 : i32 to vector<16xi32>
          %shift_right_arithmetic3A_1236 = arith.shrsi %get3A_1215, %shift_right_arithmetic3A_1235 : vector<16xi32>
          %and3A_1237 = arith.constant 15 : i32
          %and3A_1238 = vector.broadcast %and3A_1237 : i32 to vector<16xi32>
          %and3A_1239 = arith.andi %shift_right_arithmetic3A_1236, %and3A_1238 : vector<16xi32>
          %shift_right_arithmetic3A_1240 = arith.constant 24 : i32
          %shift_right_arithmetic3A_1241 = vector.broadcast %shift_right_arithmetic3A_1240 : i32 to vector<16xi32>
          %shift_right_arithmetic3A_1242 = arith.shrsi %get3A_1215, %shift_right_arithmetic3A_1241 : vector<16xi32>
          %mul3A_1243 = arith.constant 3200 : i32
          %mul3A_1244 = vector.broadcast %mul3A_1243 : i32 to vector<16xi32>
          %mul3A_1245 = arith.muli %and3A_1233, %mul3A_1244 : vector<16xi32>
          %mul3A_1246 = arith.constant 9 : i32
          %mul3A_1247 = vector.broadcast %mul3A_1246 : i32 to vector<16xi32>
          %mul3A_1248 = arith.muli %mul3A_1245, %mul3A_1247 : vector<16xi32>
          %mul3A_1249 = arith.constant 3200 : i32
          %mul3A_1250 = vector.broadcast %mul3A_1249 : i32 to vector<16xi32>
          %mul3A_1251 = arith.muli %and3A_1239, %mul3A_1250 : vector<16xi32>
          %add3A_1252 = arith.addi %mul3A_1248, %mul3A_1251 : vector<16xi32>
          %add3A_1253 = arith.addi %add3A_1252, %sub3A_1224 : vector<16xi32>
          %mul3A_1254 = arith.constant 3200 : i32
          %mul3A_1255 = vector.broadcast %mul3A_1254 : i32 to vector<16xi32>
          %mul3A_1256 = arith.muli %shift_right_arithmetic3A_1242, %mul3A_1255 : vector<16xi32>
          %add3A_1257 = arith.constant 57600 : i32
          %add3A_1258 = vector.broadcast %add3A_1257 : i32 to vector<16xi32>
          %add3A_1259 = arith.addi %sub3A_1224, %add3A_1258 : vector<16xi32>
          %add3A_1260 = arith.addi %mul3A_1256, %add3A_1259 : vector<16xi32>
          %add3A_1261 = arith.constant 89600 : i32
          %add3A_1262 = vector.broadcast %add3A_1261 : i32 to vector<16xi32>
          %add3A_1263 = arith.addi %sub3A_1224, %add3A_1262 : vector<16xi32>
          %add3A_1264 = arith.addi %mul3A_1245, %add3A_1263 : vector<16xi32>
          tpu.vector_store_idx %arg10[%add3A_1253], %get3A_1217 masked %lt3A_1227 {add = true} : memref<96000xf32, #tpu.memory_space<vmem>>[vector<16xi32>], vector<16xf32>, vector<16xi1>
          %add3A_1265 = arith.constant 3200 : i32
          %add3A_1266 = vector.broadcast %add3A_1265 : i32 to vector<16xi32>
          %add3A_1267 = arith.addi %add3A_1253, %add3A_1266 : vector<16xi32>
          tpu.vector_store_idx %arg10[%add3A_1267], %get3A_1219 masked %lt3A_1227 {add = true} : memref<96000xf32, #tpu.memory_space<vmem>>[vector<16xi32>], vector<16xf32>, vector<16xi1>
          tpu.vector_store_idx %arg10[%add3A_1260], %broadcast_in_dim3A_3 masked %lt3A_1227 {add = true} : memref<96000xf32, #tpu.memory_space<vmem>>[vector<16xi32>], vector<16xf32>, vector<16xi1>
          tpu.vector_store_idx %arg10[%add3A_1264], %broadcast_in_dim3A_3 masked %lt3A_1227 {add = true} : memref<96000xf32, #tpu.memory_space<vmem>>[vector<16xi32>], vector<16xf32>, vector<16xi1>
          %scan3A_1268 = arith.constant 0 : i32
          %scan3A_1269 = arith.constant 17 : i32
          %scan3A_1270 = arith.addi %scan3A_250, %scan3A_1269 : i32
          %mul3A_1271 = arith.constant 16 : i32
          %mul3A_1272 = arith.muli %scan3A_1270, %mul3A_1271 : i32
          %add3A_1273 = arith.addi %mul3A_220, %mul3A_1272 : i32
          %get3A_1274 = arith.index_cast %add3A_1273 : i32 to index
          %get3A_1275 = tpu.vector_load %arg7[%get3A_1274] {strides = array<i32>} : memref<4000xi32, #tpu.memory_space<vmem>>, vector<16xi32>,
          %get3A_1276 = arith.index_cast %add3A_1273 : i32 to index
          %get3A_1277 = tpu.vector_load %arg8[%get3A_1276] {strides = array<i32>} : memref<4000xf32, #tpu.memory_space<vmem>>, vector<16xf32>,
          %get3A_1278 = arith.index_cast %add3A_1273 : i32 to index
          %get3A_1279 = tpu.vector_load %arg9[%get3A_1278] {strides = array<i32>} : memref<4000xf32, #tpu.memory_space<vmem>>, vector<16xf32>,
          %and3A_1280 = arith.constant 524287 : i32
          %and3A_1281 = vector.broadcast %and3A_1280 : i32 to vector<16xi32>
          %and3A_1282 = arith.andi %get3A_1275, %and3A_1281 : vector<16xi32>
          %sub3A_1283 = vector.broadcast %add3A_67 : i32 to vector<16xi32>
          %sub3A_1284 = arith.subi %and3A_1282, %sub3A_1283 : vector<16xi32>
          %lt3A_1285 = arith.constant 3200 : i32
          %lt3A_1286 = vector.broadcast %lt3A_1285 : i32 to vector<16xi32>
          %lt3A_1287 = arith.cmpi ult, %sub3A_1284, %lt3A_1286 : vector<16xi32>
          %shift_right_arithmetic3A_1288 = arith.constant 19 : i32
          %shift_right_arithmetic3A_1289 = vector.broadcast %shift_right_arithmetic3A_1288 : i32 to vector<16xi32>
          %shift_right_arithmetic3A_1290 = arith.shrsi %get3A_1275, %shift_right_arithmetic3A_1289 : vector<16xi32>
          %and3A_1291 = arith.constant 1 : i32
          %and3A_1292 = vector.broadcast %and3A_1291 : i32 to vector<16xi32>
          %and3A_1293 = arith.andi %shift_right_arithmetic3A_1290, %and3A_1292 : vector<16xi32>
          %shift_right_arithmetic3A_1294 = arith.constant 20 : i32
          %shift_right_arithmetic3A_1295 = vector.broadcast %shift_right_arithmetic3A_1294 : i32 to vector<16xi32>
          %shift_right_arithmetic3A_1296 = arith.shrsi %get3A_1275, %shift_right_arithmetic3A_1295 : vector<16xi32>
          %and3A_1297 = arith.constant 15 : i32
          %and3A_1298 = vector.broadcast %and3A_1297 : i32 to vector<16xi32>
          %and3A_1299 = arith.andi %shift_right_arithmetic3A_1296, %and3A_1298 : vector<16xi32>
          %shift_right_arithmetic3A_1300 = arith.constant 24 : i32
          %shift_right_arithmetic3A_1301 = vector.broadcast %shift_right_arithmetic3A_1300 : i32 to vector<16xi32>
          %shift_right_arithmetic3A_1302 = arith.shrsi %get3A_1275, %shift_right_arithmetic3A_1301 : vector<16xi32>
          %mul3A_1303 = arith.constant 3200 : i32
          %mul3A_1304 = vector.broadcast %mul3A_1303 : i32 to vector<16xi32>
          %mul3A_1305 = arith.muli %and3A_1293, %mul3A_1304 : vector<16xi32>
          %mul3A_1306 = arith.constant 9 : i32
          %mul3A_1307 = vector.broadcast %mul3A_1306 : i32 to vector<16xi32>
          %mul3A_1308 = arith.muli %mul3A_1305, %mul3A_1307 : vector<16xi32>
          %mul3A_1309 = arith.constant 3200 : i32
          %mul3A_1310 = vector.broadcast %mul3A_1309 : i32 to vector<16xi32>
          %mul3A_1311 = arith.muli %and3A_1299, %mul3A_1310 : vector<16xi32>
          %add3A_1312 = arith.addi %mul3A_1308, %mul3A_1311 : vector<16xi32>
          %add3A_1313 = arith.addi %add3A_1312, %sub3A_1284 : vector<16xi32>
          %mul3A_1314 = arith.constant 3200 : i32
          %mul3A_1315 = vector.broadcast %mul3A_1314 : i32 to vector<16xi32>
          %mul3A_1316 = arith.muli %shift_right_arithmetic3A_1302, %mul3A_1315 : vector<16xi32>
          %add3A_1317 = arith.constant 57600 : i32
          %add3A_1318 = vector.broadcast %add3A_1317 : i32 to vector<16xi32>
          %add3A_1319 = arith.addi %sub3A_1284, %add3A_1318 : vector<16xi32>
          %add3A_1320 = arith.addi %mul3A_1316, %add3A_1319 : vector<16xi32>
          %add3A_1321 = arith.constant 89600 : i32
          %add3A_1322 = vector.broadcast %add3A_1321 : i32 to vector<16xi32>
          %add3A_1323 = arith.addi %sub3A_1284, %add3A_1322 : vector<16xi32>
          %add3A_1324 = arith.addi %mul3A_1305, %add3A_1323 : vector<16xi32>
          tpu.vector_store_idx %arg10[%add3A_1313], %get3A_1277 masked %lt3A_1287 {add = true} : memref<96000xf32, #tpu.memory_space<vmem>>[vector<16xi32>], vector<16xf32>, vector<16xi1>
          %add3A_1325 = arith.constant 3200 : i32
          %add3A_1326 = vector.broadcast %add3A_1325 : i32 to vector<16xi32>
          %add3A_1327 = arith.addi %add3A_1313, %add3A_1326 : vector<16xi32>
          tpu.vector_store_idx %arg10[%add3A_1327], %get3A_1279 masked %lt3A_1287 {add = true} : memref<96000xf32, #tpu.memory_space<vmem>>[vector<16xi32>], vector<16xf32>, vector<16xi1>
          tpu.vector_store_idx %arg10[%add3A_1320], %broadcast_in_dim3A_3 masked %lt3A_1287 {add = true} : memref<96000xf32, #tpu.memory_space<vmem>>[vector<16xi32>], vector<16xf32>, vector<16xi1>
          tpu.vector_store_idx %arg10[%add3A_1324], %broadcast_in_dim3A_3 masked %lt3A_1287 {add = true} : memref<96000xf32, #tpu.memory_space<vmem>>[vector<16xi32>], vector<16xf32>, vector<16xi1>
          %scan3A_1328 = arith.constant 0 : i32
          %scan3A_1329 = arith.constant 18 : i32
          %scan3A_1330 = arith.addi %scan3A_250, %scan3A_1329 : i32
          %mul3A_1331 = arith.constant 16 : i32
          %mul3A_1332 = arith.muli %scan3A_1330, %mul3A_1331 : i32
          %add3A_1333 = arith.addi %mul3A_220, %mul3A_1332 : i32
          %get3A_1334 = arith.index_cast %add3A_1333 : i32 to index
          %get3A_1335 = tpu.vector_load %arg7[%get3A_1334] {strides = array<i32>} : memref<4000xi32, #tpu.memory_space<vmem>>, vector<16xi32>,
          %get3A_1336 = arith.index_cast %add3A_1333 : i32 to index
          %get3A_1337 = tpu.vector_load %arg8[%get3A_1336] {strides = array<i32>} : memref<4000xf32, #tpu.memory_space<vmem>>, vector<16xf32>,
          %get3A_1338 = arith.index_cast %add3A_1333 : i32 to index
          %get3A_1339 = tpu.vector_load %arg9[%get3A_1338] {strides = array<i32>} : memref<4000xf32, #tpu.memory_space<vmem>>, vector<16xf32>,
          %and3A_1340 = arith.constant 524287 : i32
          %and3A_1341 = vector.broadcast %and3A_1340 : i32 to vector<16xi32>
          %and3A_1342 = arith.andi %get3A_1335, %and3A_1341 : vector<16xi32>
          %sub3A_1343 = vector.broadcast %add3A_67 : i32 to vector<16xi32>
          %sub3A_1344 = arith.subi %and3A_1342, %sub3A_1343 : vector<16xi32>
          %lt3A_1345 = arith.constant 3200 : i32
          %lt3A_1346 = vector.broadcast %lt3A_1345 : i32 to vector<16xi32>
          %lt3A_1347 = arith.cmpi ult, %sub3A_1344, %lt3A_1346 : vector<16xi32>
          %shift_right_arithmetic3A_1348 = arith.constant 19 : i32
          %shift_right_arithmetic3A_1349 = vector.broadcast %shift_right_arithmetic3A_1348 : i32 to vector<16xi32>
          %shift_right_arithmetic3A_1350 = arith.shrsi %get3A_1335, %shift_right_arithmetic3A_1349 : vector<16xi32>
          %and3A_1351 = arith.constant 1 : i32
          %and3A_1352 = vector.broadcast %and3A_1351 : i32 to vector<16xi32>
          %and3A_1353 = arith.andi %shift_right_arithmetic3A_1350, %and3A_1352 : vector<16xi32>
          %shift_right_arithmetic3A_1354 = arith.constant 20 : i32
          %shift_right_arithmetic3A_1355 = vector.broadcast %shift_right_arithmetic3A_1354 : i32 to vector<16xi32>
          %shift_right_arithmetic3A_1356 = arith.shrsi %get3A_1335, %shift_right_arithmetic3A_1355 : vector<16xi32>
          %and3A_1357 = arith.constant 15 : i32
          %and3A_1358 = vector.broadcast %and3A_1357 : i32 to vector<16xi32>
          %and3A_1359 = arith.andi %shift_right_arithmetic3A_1356, %and3A_1358 : vector<16xi32>
          %shift_right_arithmetic3A_1360 = arith.constant 24 : i32
          %shift_right_arithmetic3A_1361 = vector.broadcast %shift_right_arithmetic3A_1360 : i32 to vector<16xi32>
          %shift_right_arithmetic3A_1362 = arith.shrsi %get3A_1335, %shift_right_arithmetic3A_1361 : vector<16xi32>
          %mul3A_1363 = arith.constant 3200 : i32
          %mul3A_1364 = vector.broadcast %mul3A_1363 : i32 to vector<16xi32>
          %mul3A_1365 = arith.muli %and3A_1353, %mul3A_1364 : vector<16xi32>
          %mul3A_1366 = arith.constant 9 : i32
          %mul3A_1367 = vector.broadcast %mul3A_1366 : i32 to vector<16xi32>
          %mul3A_1368 = arith.muli %mul3A_1365, %mul3A_1367 : vector<16xi32>
          %mul3A_1369 = arith.constant 3200 : i32
          %mul3A_1370 = vector.broadcast %mul3A_1369 : i32 to vector<16xi32>
          %mul3A_1371 = arith.muli %and3A_1359, %mul3A_1370 : vector<16xi32>
          %add3A_1372 = arith.addi %mul3A_1368, %mul3A_1371 : vector<16xi32>
          %add3A_1373 = arith.addi %add3A_1372, %sub3A_1344 : vector<16xi32>
          %mul3A_1374 = arith.constant 3200 : i32
          %mul3A_1375 = vector.broadcast %mul3A_1374 : i32 to vector<16xi32>
          %mul3A_1376 = arith.muli %shift_right_arithmetic3A_1362, %mul3A_1375 : vector<16xi32>
          %add3A_1377 = arith.constant 57600 : i32
          %add3A_1378 = vector.broadcast %add3A_1377 : i32 to vector<16xi32>
          %add3A_1379 = arith.addi %sub3A_1344, %add3A_1378 : vector<16xi32>
          %add3A_1380 = arith.addi %mul3A_1376, %add3A_1379 : vector<16xi32>
          %add3A_1381 = arith.constant 89600 : i32
          %add3A_1382 = vector.broadcast %add3A_1381 : i32 to vector<16xi32>
          %add3A_1383 = arith.addi %sub3A_1344, %add3A_1382 : vector<16xi32>
          %add3A_1384 = arith.addi %mul3A_1365, %add3A_1383 : vector<16xi32>
          tpu.vector_store_idx %arg10[%add3A_1373], %get3A_1337 masked %lt3A_1347 {add = true} : memref<96000xf32, #tpu.memory_space<vmem>>[vector<16xi32>], vector<16xf32>, vector<16xi1>
          %add3A_1385 = arith.constant 3200 : i32
          %add3A_1386 = vector.broadcast %add3A_1385 : i32 to vector<16xi32>
          %add3A_1387 = arith.addi %add3A_1373, %add3A_1386 : vector<16xi32>
          tpu.vector_store_idx %arg10[%add3A_1387], %get3A_1339 masked %lt3A_1347 {add = true} : memref<96000xf32, #tpu.memory_space<vmem>>[vector<16xi32>], vector<16xf32>, vector<16xi1>
          tpu.vector_store_idx %arg10[%add3A_1380], %broadcast_in_dim3A_3 masked %lt3A_1347 {add = true} : memref<96000xf32, #tpu.memory_space<vmem>>[vector<16xi32>], vector<16xf32>, vector<16xi1>
          tpu.vector_store_idx %arg10[%add3A_1384], %broadcast_in_dim3A_3 masked %lt3A_1347 {add = true} : memref<96000xf32, #tpu.memory_space<vmem>>[vector<16xi32>], vector<16xf32>, vector<16xi1>
          %scan3A_1388 = arith.constant 0 : i32
          %scan3A_1389 = arith.constant 19 : i32
          %scan3A_1390 = arith.addi %scan3A_250, %scan3A_1389 : i32
          %mul3A_1391 = arith.constant 16 : i32
          %mul3A_1392 = arith.muli %scan3A_1390, %mul3A_1391 : i32
          %add3A_1393 = arith.addi %mul3A_220, %mul3A_1392 : i32
          %get3A_1394 = arith.index_cast %add3A_1393 : i32 to index
          %get3A_1395 = tpu.vector_load %arg7[%get3A_1394] {strides = array<i32>} : memref<4000xi32, #tpu.memory_space<vmem>>, vector<16xi32>,
          %get3A_1396 = arith.index_cast %add3A_1393 : i32 to index
          %get3A_1397 = tpu.vector_load %arg8[%get3A_1396] {strides = array<i32>} : memref<4000xf32, #tpu.memory_space<vmem>>, vector<16xf32>,
          %get3A_1398 = arith.index_cast %add3A_1393 : i32 to index
          %get3A_1399 = tpu.vector_load %arg9[%get3A_1398] {strides = array<i32>} : memref<4000xf32, #tpu.memory_space<vmem>>, vector<16xf32>,
          %and3A_1400 = arith.constant 524287 : i32
          %and3A_1401 = vector.broadcast %and3A_1400 : i32 to vector<16xi32>
          %and3A_1402 = arith.andi %get3A_1395, %and3A_1401 : vector<16xi32>
          %sub3A_1403 = vector.broadcast %add3A_67 : i32 to vector<16xi32>
          %sub3A_1404 = arith.subi %and3A_1402, %sub3A_1403 : vector<16xi32>
          %lt3A_1405 = arith.constant 3200 : i32
          %lt3A_1406 = vector.broadcast %lt3A_1405 : i32 to vector<16xi32>
          %lt3A_1407 = arith.cmpi ult, %sub3A_1404, %lt3A_1406 : vector<16xi32>
          %shift_right_arithmetic3A_1408 = arith.constant 19 : i32
          %shift_right_arithmetic3A_1409 = vector.broadcast %shift_right_arithmetic3A_1408 : i32 to vector<16xi32>
          %shift_right_arithmetic3A_1410 = arith.shrsi %get3A_1395, %shift_right_arithmetic3A_1409 : vector<16xi32>
          %and3A_1411 = arith.constant 1 : i32
          %and3A_1412 = vector.broadcast %and3A_1411 : i32 to vector<16xi32>
          %and3A_1413 = arith.andi %shift_right_arithmetic3A_1410, %and3A_1412 : vector<16xi32>
          %shift_right_arithmetic3A_1414 = arith.constant 20 : i32
          %shift_right_arithmetic3A_1415 = vector.broadcast %shift_right_arithmetic3A_1414 : i32 to vector<16xi32>
          %shift_right_arithmetic3A_1416 = arith.shrsi %get3A_1395, %shift_right_arithmetic3A_1415 : vector<16xi32>
          %and3A_1417 = arith.constant 15 : i32
          %and3A_1418 = vector.broadcast %and3A_1417 : i32 to vector<16xi32>
          %and3A_1419 = arith.andi %shift_right_arithmetic3A_1416, %and3A_1418 : vector<16xi32>
          %shift_right_arithmetic3A_1420 = arith.constant 24 : i32
          %shift_right_arithmetic3A_1421 = vector.broadcast %shift_right_arithmetic3A_1420 : i32 to vector<16xi32>
          %shift_right_arithmetic3A_1422 = arith.shrsi %get3A_1395, %shift_right_arithmetic3A_1421 : vector<16xi32>
          %mul3A_1423 = arith.constant 3200 : i32
          %mul3A_1424 = vector.broadcast %mul3A_1423 : i32 to vector<16xi32>
          %mul3A_1425 = arith.muli %and3A_1413, %mul3A_1424 : vector<16xi32>
          %mul3A_1426 = arith.constant 9 : i32
          %mul3A_1427 = vector.broadcast %mul3A_1426 : i32 to vector<16xi32>
          %mul3A_1428 = arith.muli %mul3A_1425, %mul3A_1427 : vector<16xi32>
          %mul3A_1429 = arith.constant 3200 : i32
          %mul3A_1430 = vector.broadcast %mul3A_1429 : i32 to vector<16xi32>
          %mul3A_1431 = arith.muli %and3A_1419, %mul3A_1430 : vector<16xi32>
          %add3A_1432 = arith.addi %mul3A_1428, %mul3A_1431 : vector<16xi32>
          %add3A_1433 = arith.addi %add3A_1432, %sub3A_1404 : vector<16xi32>
          %mul3A_1434 = arith.constant 3200 : i32
          %mul3A_1435 = vector.broadcast %mul3A_1434 : i32 to vector<16xi32>
          %mul3A_1436 = arith.muli %shift_right_arithmetic3A_1422, %mul3A_1435 : vector<16xi32>
          %add3A_1437 = arith.constant 57600 : i32
          %add3A_1438 = vector.broadcast %add3A_1437 : i32 to vector<16xi32>
          %add3A_1439 = arith.addi %sub3A_1404, %add3A_1438 : vector<16xi32>
          %add3A_1440 = arith.addi %mul3A_1436, %add3A_1439 : vector<16xi32>
          %add3A_1441 = arith.constant 89600 : i32
          %add3A_1442 = vector.broadcast %add3A_1441 : i32 to vector<16xi32>
          %add3A_1443 = arith.addi %sub3A_1404, %add3A_1442 : vector<16xi32>
          %add3A_1444 = arith.addi %mul3A_1425, %add3A_1443 : vector<16xi32>
          tpu.vector_store_idx %arg10[%add3A_1433], %get3A_1397 masked %lt3A_1407 {add = true} : memref<96000xf32, #tpu.memory_space<vmem>>[vector<16xi32>], vector<16xf32>, vector<16xi1>
          %add3A_1445 = arith.constant 3200 : i32
          %add3A_1446 = vector.broadcast %add3A_1445 : i32 to vector<16xi32>
          %add3A_1447 = arith.addi %add3A_1433, %add3A_1446 : vector<16xi32>
          tpu.vector_store_idx %arg10[%add3A_1447], %get3A_1399 masked %lt3A_1407 {add = true} : memref<96000xf32, #tpu.memory_space<vmem>>[vector<16xi32>], vector<16xf32>, vector<16xi1>
          tpu.vector_store_idx %arg10[%add3A_1440], %broadcast_in_dim3A_3 masked %lt3A_1407 {add = true} : memref<96000xf32, #tpu.memory_space<vmem>>[vector<16xi32>], vector<16xf32>, vector<16xi1>
          tpu.vector_store_idx %arg10[%add3A_1444], %broadcast_in_dim3A_3 masked %lt3A_1407 {add = true} : memref<96000xf32, #tpu.memory_space<vmem>>[vector<16xi32>], vector<16xf32>, vector<16xi1>
          %scan3A_1448 = arith.constant 0 : i32
          %scan3A_1449 = arith.constant 20 : i32
          %scan3A_1450 = arith.addi %scan3A_250, %scan3A_1449 : i32
          %mul3A_1451 = arith.constant 16 : i32
          %mul3A_1452 = arith.muli %scan3A_1450, %mul3A_1451 : i32
          %add3A_1453 = arith.addi %mul3A_220, %mul3A_1452 : i32
          %get3A_1454 = arith.index_cast %add3A_1453 : i32 to index
          %get3A_1455 = tpu.vector_load %arg7[%get3A_1454] {strides = array<i32>} : memref<4000xi32, #tpu.memory_space<vmem>>, vector<16xi32>,
          %get3A_1456 = arith.index_cast %add3A_1453 : i32 to index
          %get3A_1457 = tpu.vector_load %arg8[%get3A_1456] {strides = array<i32>} : memref<4000xf32, #tpu.memory_space<vmem>>, vector<16xf32>,
          %get3A_1458 = arith.index_cast %add3A_1453 : i32 to index
          %get3A_1459 = tpu.vector_load %arg9[%get3A_1458] {strides = array<i32>} : memref<4000xf32, #tpu.memory_space<vmem>>, vector<16xf32>,
          %and3A_1460 = arith.constant 524287 : i32
          %and3A_1461 = vector.broadcast %and3A_1460 : i32 to vector<16xi32>
          %and3A_1462 = arith.andi %get3A_1455, %and3A_1461 : vector<16xi32>
          %sub3A_1463 = vector.broadcast %add3A_67 : i32 to vector<16xi32>
          %sub3A_1464 = arith.subi %and3A_1462, %sub3A_1463 : vector<16xi32>
          %lt3A_1465 = arith.constant 3200 : i32
          %lt3A_1466 = vector.broadcast %lt3A_1465 : i32 to vector<16xi32>
          %lt3A_1467 = arith.cmpi ult, %sub3A_1464, %lt3A_1466 : vector<16xi32>
          %shift_right_arithmetic3A_1468 = arith.constant 19 : i32
          %shift_right_arithmetic3A_1469 = vector.broadcast %shift_right_arithmetic3A_1468 : i32 to vector<16xi32>
          %shift_right_arithmetic3A_1470 = arith.shrsi %get3A_1455, %shift_right_arithmetic3A_1469 : vector<16xi32>
          %and3A_1471 = arith.constant 1 : i32
          %and3A_1472 = vector.broadcast %and3A_1471 : i32 to vector<16xi32>
          %and3A_1473 = arith.andi %shift_right_arithmetic3A_1470, %and3A_1472 : vector<16xi32>
          %shift_right_arithmetic3A_1474 = arith.constant 20 : i32
          %shift_right_arithmetic3A_1475 = vector.broadcast %shift_right_arithmetic3A_1474 : i32 to vector<16xi32>
          %shift_right_arithmetic3A_1476 = arith.shrsi %get3A_1455, %shift_right_arithmetic3A_1475 : vector<16xi32>
          %and3A_1477 = arith.constant 15 : i32
          %and3A_1478 = vector.broadcast %and3A_1477 : i32 to vector<16xi32>
          %and3A_1479 = arith.andi %shift_right_arithmetic3A_1476, %and3A_1478 : vector<16xi32>
          %shift_right_arithmetic3A_1480 = arith.constant 24 : i32
          %shift_right_arithmetic3A_1481 = vector.broadcast %shift_right_arithmetic3A_1480 : i32 to vector<16xi32>
          %shift_right_arithmetic3A_1482 = arith.shrsi %get3A_1455, %shift_right_arithmetic3A_1481 : vector<16xi32>
          %mul3A_1483 = arith.constant 3200 : i32
          %mul3A_1484 = vector.broadcast %mul3A_1483 : i32 to vector<16xi32>
          %mul3A_1485 = arith.muli %and3A_1473, %mul3A_1484 : vector<16xi32>
          %mul3A_1486 = arith.constant 9 : i32
          %mul3A_1487 = vector.broadcast %mul3A_1486 : i32 to vector<16xi32>
          %mul3A_1488 = arith.muli %mul3A_1485, %mul3A_1487 : vector<16xi32>
          %mul3A_1489 = arith.constant 3200 : i32
          %mul3A_1490 = vector.broadcast %mul3A_1489 : i32 to vector<16xi32>
          %mul3A_1491 = arith.muli %and3A_1479, %mul3A_1490 : vector<16xi32>
          %add3A_1492 = arith.addi %mul3A_1488, %mul3A_1491 : vector<16xi32>
          %add3A_1493 = arith.addi %add3A_1492, %sub3A_1464 : vector<16xi32>
          %mul3A_1494 = arith.constant 3200 : i32
          %mul3A_1495 = vector.broadcast %mul3A_1494 : i32 to vector<16xi32>
          %mul3A_1496 = arith.muli %shift_right_arithmetic3A_1482, %mul3A_1495 : vector<16xi32>
          %add3A_1497 = arith.constant 57600 : i32
          %add3A_1498 = vector.broadcast %add3A_1497 : i32 to vector<16xi32>
          %add3A_1499 = arith.addi %sub3A_1464, %add3A_1498 : vector<16xi32>
          %add3A_1500 = arith.addi %mul3A_1496, %add3A_1499 : vector<16xi32>
          %add3A_1501 = arith.constant 89600 : i32
          %add3A_1502 = vector.broadcast %add3A_1501 : i32 to vector<16xi32>
          %add3A_1503 = arith.addi %sub3A_1464, %add3A_1502 : vector<16xi32>
          %add3A_1504 = arith.addi %mul3A_1485, %add3A_1503 : vector<16xi32>
          tpu.vector_store_idx %arg10[%add3A_1493], %get3A_1457 masked %lt3A_1467 {add = true} : memref<96000xf32, #tpu.memory_space<vmem>>[vector<16xi32>], vector<16xf32>, vector<16xi1>
          %add3A_1505 = arith.constant 3200 : i32
          %add3A_1506 = vector.broadcast %add3A_1505 : i32 to vector<16xi32>
          %add3A_1507 = arith.addi %add3A_1493, %add3A_1506 : vector<16xi32>
          tpu.vector_store_idx %arg10[%add3A_1507], %get3A_1459 masked %lt3A_1467 {add = true} : memref<96000xf32, #tpu.memory_space<vmem>>[vector<16xi32>], vector<16xf32>, vector<16xi1>
          tpu.vector_store_idx %arg10[%add3A_1500], %broadcast_in_dim3A_3 masked %lt3A_1467 {add = true} : memref<96000xf32, #tpu.memory_space<vmem>>[vector<16xi32>], vector<16xf32>, vector<16xi1>
          tpu.vector_store_idx %arg10[%add3A_1504], %broadcast_in_dim3A_3 masked %lt3A_1467 {add = true} : memref<96000xf32, #tpu.memory_space<vmem>>[vector<16xi32>], vector<16xf32>, vector<16xi1>
          %scan3A_1508 = arith.constant 0 : i32
          %scan3A_1509 = arith.constant 21 : i32
          %scan3A_1510 = arith.addi %scan3A_250, %scan3A_1509 : i32
          %mul3A_1511 = arith.constant 16 : i32
          %mul3A_1512 = arith.muli %scan3A_1510, %mul3A_1511 : i32
          %add3A_1513 = arith.addi %mul3A_220, %mul3A_1512 : i32
          %get3A_1514 = arith.index_cast %add3A_1513 : i32 to index
          %get3A_1515 = tpu.vector_load %arg7[%get3A_1514] {strides = array<i32>} : memref<4000xi32, #tpu.memory_space<vmem>>, vector<16xi32>,
          %get3A_1516 = arith.index_cast %add3A_1513 : i32 to index
          %get3A_1517 = tpu.vector_load %arg8[%get3A_1516] {strides = array<i32>} : memref<4000xf32, #tpu.memory_space<vmem>>, vector<16xf32>,
          %get3A_1518 = arith.index_cast %add3A_1513 : i32 to index
          %get3A_1519 = tpu.vector_load %arg9[%get3A_1518] {strides = array<i32>} : memref<4000xf32, #tpu.memory_space<vmem>>, vector<16xf32>,
          %and3A_1520 = arith.constant 524287 : i32
          %and3A_1521 = vector.broadcast %and3A_1520 : i32 to vector<16xi32>
          %and3A_1522 = arith.andi %get3A_1515, %and3A_1521 : vector<16xi32>
          %sub3A_1523 = vector.broadcast %add3A_67 : i32 to vector<16xi32>
          %sub3A_1524 = arith.subi %and3A_1522, %sub3A_1523 : vector<16xi32>
          %lt3A_1525 = arith.constant 3200 : i32
          %lt3A_1526 = vector.broadcast %lt3A_1525 : i32 to vector<16xi32>
          %lt3A_1527 = arith.cmpi ult, %sub3A_1524, %lt3A_1526 : vector<16xi32>
          %shift_right_arithmetic3A_1528 = arith.constant 19 : i32
          %shift_right_arithmetic3A_1529 = vector.broadcast %shift_right_arithmetic3A_1528 : i32 to vector<16xi32>
          %shift_right_arithmetic3A_1530 = arith.shrsi %get3A_1515, %shift_right_arithmetic3A_1529 : vector<16xi32>
          %and3A_1531 = arith.constant 1 : i32
          %and3A_1532 = vector.broadcast %and3A_1531 : i32 to vector<16xi32>
          %and3A_1533 = arith.andi %shift_right_arithmetic3A_1530, %and3A_1532 : vector<16xi32>
          %shift_right_arithmetic3A_1534 = arith.constant 20 : i32
          %shift_right_arithmetic3A_1535 = vector.broadcast %shift_right_arithmetic3A_1534 : i32 to vector<16xi32>
          %shift_right_arithmetic3A_1536 = arith.shrsi %get3A_1515, %shift_right_arithmetic3A_1535 : vector<16xi32>
          %and3A_1537 = arith.constant 15 : i32
          %and3A_1538 = vector.broadcast %and3A_1537 : i32 to vector<16xi32>
          %and3A_1539 = arith.andi %shift_right_arithmetic3A_1536, %and3A_1538 : vector<16xi32>
          %shift_right_arithmetic3A_1540 = arith.constant 24 : i32
          %shift_right_arithmetic3A_1541 = vector.broadcast %shift_right_arithmetic3A_1540 : i32 to vector<16xi32>
          %shift_right_arithmetic3A_1542 = arith.shrsi %get3A_1515, %shift_right_arithmetic3A_1541 : vector<16xi32>
          %mul3A_1543 = arith.constant 3200 : i32
          %mul3A_1544 = vector.broadcast %mul3A_1543 : i32 to vector<16xi32>
          %mul3A_1545 = arith.muli %and3A_1533, %mul3A_1544 : vector<16xi32>
          %mul3A_1546 = arith.constant 9 : i32
          %mul3A_1547 = vector.broadcast %mul3A_1546 : i32 to vector<16xi32>
          %mul3A_1548 = arith.muli %mul3A_1545, %mul3A_1547 : vector<16xi32>
          %mul3A_1549 = arith.constant 3200 : i32
          %mul3A_1550 = vector.broadcast %mul3A_1549 : i32 to vector<16xi32>
          %mul3A_1551 = arith.muli %and3A_1539, %mul3A_1550 : vector<16xi32>
          %add3A_1552 = arith.addi %mul3A_1548, %mul3A_1551 : vector<16xi32>
          %add3A_1553 = arith.addi %add3A_1552, %sub3A_1524 : vector<16xi32>
          %mul3A_1554 = arith.constant 3200 : i32
          %mul3A_1555 = vector.broadcast %mul3A_1554 : i32 to vector<16xi32>
          %mul3A_1556 = arith.muli %shift_right_arithmetic3A_1542, %mul3A_1555 : vector<16xi32>
          %add3A_1557 = arith.constant 57600 : i32
          %add3A_1558 = vector.broadcast %add3A_1557 : i32 to vector<16xi32>
          %add3A_1559 = arith.addi %sub3A_1524, %add3A_1558 : vector<16xi32>
          %add3A_1560 = arith.addi %mul3A_1556, %add3A_1559 : vector<16xi32>
          %add3A_1561 = arith.constant 89600 : i32
          %add3A_1562 = vector.broadcast %add3A_1561 : i32 to vector<16xi32>
          %add3A_1563 = arith.addi %sub3A_1524, %add3A_1562 : vector<16xi32>
          %add3A_1564 = arith.addi %mul3A_1545, %add3A_1563 : vector<16xi32>
          tpu.vector_store_idx %arg10[%add3A_1553], %get3A_1517 masked %lt3A_1527 {add = true} : memref<96000xf32, #tpu.memory_space<vmem>>[vector<16xi32>], vector<16xf32>, vector<16xi1>
          %add3A_1565 = arith.constant 3200 : i32
          %add3A_1566 = vector.broadcast %add3A_1565 : i32 to vector<16xi32>
          %add3A_1567 = arith.addi %add3A_1553, %add3A_1566 : vector<16xi32>
          tpu.vector_store_idx %arg10[%add3A_1567], %get3A_1519 masked %lt3A_1527 {add = true} : memref<96000xf32, #tpu.memory_space<vmem>>[vector<16xi32>], vector<16xf32>, vector<16xi1>
          tpu.vector_store_idx %arg10[%add3A_1560], %broadcast_in_dim3A_3 masked %lt3A_1527 {add = true} : memref<96000xf32, #tpu.memory_space<vmem>>[vector<16xi32>], vector<16xf32>, vector<16xi1>
          tpu.vector_store_idx %arg10[%add3A_1564], %broadcast_in_dim3A_3 masked %lt3A_1527 {add = true} : memref<96000xf32, #tpu.memory_space<vmem>>[vector<16xi32>], vector<16xf32>, vector<16xi1>
          %scan3A_1568 = arith.constant 0 : i32
          %scan3A_1569 = arith.constant 22 : i32
          %scan3A_1570 = arith.addi %scan3A_250, %scan3A_1569 : i32
          %mul3A_1571 = arith.constant 16 : i32
          %mul3A_1572 = arith.muli %scan3A_1570, %mul3A_1571 : i32
          %add3A_1573 = arith.addi %mul3A_220, %mul3A_1572 : i32
          %get3A_1574 = arith.index_cast %add3A_1573 : i32 to index
          %get3A_1575 = tpu.vector_load %arg7[%get3A_1574] {strides = array<i32>} : memref<4000xi32, #tpu.memory_space<vmem>>, vector<16xi32>,
          %get3A_1576 = arith.index_cast %add3A_1573 : i32 to index
          %get3A_1577 = tpu.vector_load %arg8[%get3A_1576] {strides = array<i32>} : memref<4000xf32, #tpu.memory_space<vmem>>, vector<16xf32>,
          %get3A_1578 = arith.index_cast %add3A_1573 : i32 to index
          %get3A_1579 = tpu.vector_load %arg9[%get3A_1578] {strides = array<i32>} : memref<4000xf32, #tpu.memory_space<vmem>>, vector<16xf32>,
          %and3A_1580 = arith.constant 524287 : i32
          %and3A_1581 = vector.broadcast %and3A_1580 : i32 to vector<16xi32>
          %and3A_1582 = arith.andi %get3A_1575, %and3A_1581 : vector<16xi32>
          %sub3A_1583 = vector.broadcast %add3A_67 : i32 to vector<16xi32>
          %sub3A_1584 = arith.subi %and3A_1582, %sub3A_1583 : vector<16xi32>
          %lt3A_1585 = arith.constant 3200 : i32
          %lt3A_1586 = vector.broadcast %lt3A_1585 : i32 to vector<16xi32>
          %lt3A_1587 = arith.cmpi ult, %sub3A_1584, %lt3A_1586 : vector<16xi32>
          %shift_right_arithmetic3A_1588 = arith.constant 19 : i32
          %shift_right_arithmetic3A_1589 = vector.broadcast %shift_right_arithmetic3A_1588 : i32 to vector<16xi32>
          %shift_right_arithmetic3A_1590 = arith.shrsi %get3A_1575, %shift_right_arithmetic3A_1589 : vector<16xi32>
          %and3A_1591 = arith.constant 1 : i32
          %and3A_1592 = vector.broadcast %and3A_1591 : i32 to vector<16xi32>
          %and3A_1593 = arith.andi %shift_right_arithmetic3A_1590, %and3A_1592 : vector<16xi32>
          %shift_right_arithmetic3A_1594 = arith.constant 20 : i32
          %shift_right_arithmetic3A_1595 = vector.broadcast %shift_right_arithmetic3A_1594 : i32 to vector<16xi32>
          %shift_right_arithmetic3A_1596 = arith.shrsi %get3A_1575, %shift_right_arithmetic3A_1595 : vector<16xi32>
          %and3A_1597 = arith.constant 15 : i32
          %and3A_1598 = vector.broadcast %and3A_1597 : i32 to vector<16xi32>
          %and3A_1599 = arith.andi %shift_right_arithmetic3A_1596, %and3A_1598 : vector<16xi32>
          %shift_right_arithmetic3A_1600 = arith.constant 24 : i32
          %shift_right_arithmetic3A_1601 = vector.broadcast %shift_right_arithmetic3A_1600 : i32 to vector<16xi32>
          %shift_right_arithmetic3A_1602 = arith.shrsi %get3A_1575, %shift_right_arithmetic3A_1601 : vector<16xi32>
          %mul3A_1603 = arith.constant 3200 : i32
          %mul3A_1604 = vector.broadcast %mul3A_1603 : i32 to vector<16xi32>
          %mul3A_1605 = arith.muli %and3A_1593, %mul3A_1604 : vector<16xi32>
          %mul3A_1606 = arith.constant 9 : i32
          %mul3A_1607 = vector.broadcast %mul3A_1606 : i32 to vector<16xi32>
          %mul3A_1608 = arith.muli %mul3A_1605, %mul3A_1607 : vector<16xi32>
          %mul3A_1609 = arith.constant 3200 : i32
          %mul3A_1610 = vector.broadcast %mul3A_1609 : i32 to vector<16xi32>
          %mul3A_1611 = arith.muli %and3A_1599, %mul3A_1610 : vector<16xi32>
          %add3A_1612 = arith.addi %mul3A_1608, %mul3A_1611 : vector<16xi32>
          %add3A_1613 = arith.addi %add3A_1612, %sub3A_1584 : vector<16xi32>
          %mul3A_1614 = arith.constant 3200 : i32
          %mul3A_1615 = vector.broadcast %mul3A_1614 : i32 to vector<16xi32>
          %mul3A_1616 = arith.muli %shift_right_arithmetic3A_1602, %mul3A_1615 : vector<16xi32>
          %add3A_1617 = arith.constant 57600 : i32
          %add3A_1618 = vector.broadcast %add3A_1617 : i32 to vector<16xi32>
          %add3A_1619 = arith.addi %sub3A_1584, %add3A_1618 : vector<16xi32>
          %add3A_1620 = arith.addi %mul3A_1616, %add3A_1619 : vector<16xi32>
          %add3A_1621 = arith.constant 89600 : i32
          %add3A_1622 = vector.broadcast %add3A_1621 : i32 to vector<16xi32>
          %add3A_1623 = arith.addi %sub3A_1584, %add3A_1622 : vector<16xi32>
          %add3A_1624 = arith.addi %mul3A_1605, %add3A_1623 : vector<16xi32>
          tpu.vector_store_idx %arg10[%add3A_1613], %get3A_1577 masked %lt3A_1587 {add = true} : memref<96000xf32, #tpu.memory_space<vmem>>[vector<16xi32>], vector<16xf32>, vector<16xi1>
          %add3A_1625 = arith.constant 3200 : i32
          %add3A_1626 = vector.broadcast %add3A_1625 : i32 to vector<16xi32>
          %add3A_1627 = arith.addi %add3A_1613, %add3A_1626 : vector<16xi32>
          tpu.vector_store_idx %arg10[%add3A_1627], %get3A_1579 masked %lt3A_1587 {add = true} : memref<96000xf32, #tpu.memory_space<vmem>>[vector<16xi32>], vector<16xf32>, vector<16xi1>
          tpu.vector_store_idx %arg10[%add3A_1620], %broadcast_in_dim3A_3 masked %lt3A_1587 {add = true} : memref<96000xf32, #tpu.memory_space<vmem>>[vector<16xi32>], vector<16xf32>, vector<16xi1>
          tpu.vector_store_idx %arg10[%add3A_1624], %broadcast_in_dim3A_3 masked %lt3A_1587 {add = true} : memref<96000xf32, #tpu.memory_space<vmem>>[vector<16xi32>], vector<16xf32>, vector<16xi1>
          %scan3A_1628 = arith.constant 0 : i32
          %scan3A_1629 = arith.constant 23 : i32
          %scan3A_1630 = arith.addi %scan3A_250, %scan3A_1629 : i32
          %mul3A_1631 = arith.constant 16 : i32
          %mul3A_1632 = arith.muli %scan3A_1630, %mul3A_1631 : i32
          %add3A_1633 = arith.addi %mul3A_220, %mul3A_1632 : i32
          %get3A_1634 = arith.index_cast %add3A_1633 : i32 to index
          %get3A_1635 = tpu.vector_load %arg7[%get3A_1634] {strides = array<i32>} : memref<4000xi32, #tpu.memory_space<vmem>>, vector<16xi32>,
          %get3A_1636 = arith.index_cast %add3A_1633 : i32 to index
          %get3A_1637 = tpu.vector_load %arg8[%get3A_1636] {strides = array<i32>} : memref<4000xf32, #tpu.memory_space<vmem>>, vector<16xf32>,
          %get3A_1638 = arith.index_cast %add3A_1633 : i32 to index
          %get3A_1639 = tpu.vector_load %arg9[%get3A_1638] {strides = array<i32>} : memref<4000xf32, #tpu.memory_space<vmem>>, vector<16xf32>,
          %and3A_1640 = arith.constant 524287 : i32
          %and3A_1641 = vector.broadcast %and3A_1640 : i32 to vector<16xi32>
          %and3A_1642 = arith.andi %get3A_1635, %and3A_1641 : vector<16xi32>
          %sub3A_1643 = vector.broadcast %add3A_67 : i32 to vector<16xi32>
          %sub3A_1644 = arith.subi %and3A_1642, %sub3A_1643 : vector<16xi32>
          %lt3A_1645 = arith.constant 3200 : i32
          %lt3A_1646 = vector.broadcast %lt3A_1645 : i32 to vector<16xi32>
          %lt3A_1647 = arith.cmpi ult, %sub3A_1644, %lt3A_1646 : vector<16xi32>
          %shift_right_arithmetic3A_1648 = arith.constant 19 : i32
          %shift_right_arithmetic3A_1649 = vector.broadcast %shift_right_arithmetic3A_1648 : i32 to vector<16xi32>
          %shift_right_arithmetic3A_1650 = arith.shrsi %get3A_1635, %shift_right_arithmetic3A_1649 : vector<16xi32>
          %and3A_1651 = arith.constant 1 : i32
          %and3A_1652 = vector.broadcast %and3A_1651 : i32 to vector<16xi32>
          %and3A_1653 = arith.andi %shift_right_arithmetic3A_1650, %and3A_1652 : vector<16xi32>
          %shift_right_arithmetic3A_1654 = arith.constant 20 : i32
          %shift_right_arithmetic3A_1655 = vector.broadcast %shift_right_arithmetic3A_1654 : i32 to vector<16xi32>
          %shift_right_arithmetic3A_1656 = arith.shrsi %get3A_1635, %shift_right_arithmetic3A_1655 : vector<16xi32>
          %and3A_1657 = arith.constant 15 : i32
          %and3A_1658 = vector.broadcast %and3A_1657 : i32 to vector<16xi32>
          %and3A_1659 = arith.andi %shift_right_arithmetic3A_1656, %and3A_1658 : vector<16xi32>
          %shift_right_arithmetic3A_1660 = arith.constant 24 : i32
          %shift_right_arithmetic3A_1661 = vector.broadcast %shift_right_arithmetic3A_1660 : i32 to vector<16xi32>
          %shift_right_arithmetic3A_1662 = arith.shrsi %get3A_1635, %shift_right_arithmetic3A_1661 : vector<16xi32>
          %mul3A_1663 = arith.constant 3200 : i32
          %mul3A_1664 = vector.broadcast %mul3A_1663 : i32 to vector<16xi32>
          %mul3A_1665 = arith.muli %and3A_1653, %mul3A_1664 : vector<16xi32>
          %mul3A_1666 = arith.constant 9 : i32
          %mul3A_1667 = vector.broadcast %mul3A_1666 : i32 to vector<16xi32>
          %mul3A_1668 = arith.muli %mul3A_1665, %mul3A_1667 : vector<16xi32>
          %mul3A_1669 = arith.constant 3200 : i32
          %mul3A_1670 = vector.broadcast %mul3A_1669 : i32 to vector<16xi32>
          %mul3A_1671 = arith.muli %and3A_1659, %mul3A_1670 : vector<16xi32>
          %add3A_1672 = arith.addi %mul3A_1668, %mul3A_1671 : vector<16xi32>
          %add3A_1673 = arith.addi %add3A_1672, %sub3A_1644 : vector<16xi32>
          %mul3A_1674 = arith.constant 3200 : i32
          %mul3A_1675 = vector.broadcast %mul3A_1674 : i32 to vector<16xi32>
          %mul3A_1676 = arith.muli %shift_right_arithmetic3A_1662, %mul3A_1675 : vector<16xi32>
          %add3A_1677 = arith.constant 57600 : i32
          %add3A_1678 = vector.broadcast %add3A_1677 : i32 to vector<16xi32>
          %add3A_1679 = arith.addi %sub3A_1644, %add3A_1678 : vector<16xi32>
          %add3A_1680 = arith.addi %mul3A_1676, %add3A_1679 : vector<16xi32>
          %add3A_1681 = arith.constant 89600 : i32
          %add3A_1682 = vector.broadcast %add3A_1681 : i32 to vector<16xi32>
          %add3A_1683 = arith.addi %sub3A_1644, %add3A_1682 : vector<16xi32>
          %add3A_1684 = arith.addi %mul3A_1665, %add3A_1683 : vector<16xi32>
          tpu.vector_store_idx %arg10[%add3A_1673], %get3A_1637 masked %lt3A_1647 {add = true} : memref<96000xf32, #tpu.memory_space<vmem>>[vector<16xi32>], vector<16xf32>, vector<16xi1>
          %add3A_1685 = arith.constant 3200 : i32
          %add3A_1686 = vector.broadcast %add3A_1685 : i32 to vector<16xi32>
          %add3A_1687 = arith.addi %add3A_1673, %add3A_1686 : vector<16xi32>
          tpu.vector_store_idx %arg10[%add3A_1687], %get3A_1639 masked %lt3A_1647 {add = true} : memref<96000xf32, #tpu.memory_space<vmem>>[vector<16xi32>], vector<16xf32>, vector<16xi1>
          tpu.vector_store_idx %arg10[%add3A_1680], %broadcast_in_dim3A_3 masked %lt3A_1647 {add = true} : memref<96000xf32, #tpu.memory_space<vmem>>[vector<16xi32>], vector<16xf32>, vector<16xi1>
          tpu.vector_store_idx %arg10[%add3A_1684], %broadcast_in_dim3A_3 masked %lt3A_1647 {add = true} : memref<96000xf32, #tpu.memory_space<vmem>>[vector<16xi32>], vector<16xf32>, vector<16xi1>
          %scan3A_1688 = arith.constant 0 : i32
          %scan3A_1689 = arith.constant 24 : i32
          %scan3A_1690 = arith.addi %scan3A_250, %scan3A_1689 : i32
          %mul3A_1691 = arith.constant 16 : i32
          %mul3A_1692 = arith.muli %scan3A_1690, %mul3A_1691 : i32
          %add3A_1693 = arith.addi %mul3A_220, %mul3A_1692 : i32
          %get3A_1694 = arith.index_cast %add3A_1693 : i32 to index
          %get3A_1695 = tpu.vector_load %arg7[%get3A_1694] {strides = array<i32>} : memref<4000xi32, #tpu.memory_space<vmem>>, vector<16xi32>,
          %get3A_1696 = arith.index_cast %add3A_1693 : i32 to index
          %get3A_1697 = tpu.vector_load %arg8[%get3A_1696] {strides = array<i32>} : memref<4000xf32, #tpu.memory_space<vmem>>, vector<16xf32>,
          %get3A_1698 = arith.index_cast %add3A_1693 : i32 to index
          %get3A_1699 = tpu.vector_load %arg9[%get3A_1698] {strides = array<i32>} : memref<4000xf32, #tpu.memory_space<vmem>>, vector<16xf32>,
          %and3A_1700 = arith.constant 524287 : i32
          %and3A_1701 = vector.broadcast %and3A_1700 : i32 to vector<16xi32>
          %and3A_1702 = arith.andi %get3A_1695, %and3A_1701 : vector<16xi32>
          %sub3A_1703 = vector.broadcast %add3A_67 : i32 to vector<16xi32>
          %sub3A_1704 = arith.subi %and3A_1702, %sub3A_1703 : vector<16xi32>
          %lt3A_1705 = arith.constant 3200 : i32
          %lt3A_1706 = vector.broadcast %lt3A_1705 : i32 to vector<16xi32>
          %lt3A_1707 = arith.cmpi ult, %sub3A_1704, %lt3A_1706 : vector<16xi32>
          %shift_right_arithmetic3A_1708 = arith.constant 19 : i32
          %shift_right_arithmetic3A_1709 = vector.broadcast %shift_right_arithmetic3A_1708 : i32 to vector<16xi32>
          %shift_right_arithmetic3A_1710 = arith.shrsi %get3A_1695, %shift_right_arithmetic3A_1709 : vector<16xi32>
          %and3A_1711 = arith.constant 1 : i32
          %and3A_1712 = vector.broadcast %and3A_1711 : i32 to vector<16xi32>
          %and3A_1713 = arith.andi %shift_right_arithmetic3A_1710, %and3A_1712 : vector<16xi32>
          %shift_right_arithmetic3A_1714 = arith.constant 20 : i32
          %shift_right_arithmetic3A_1715 = vector.broadcast %shift_right_arithmetic3A_1714 : i32 to vector<16xi32>
          %shift_right_arithmetic3A_1716 = arith.shrsi %get3A_1695, %shift_right_arithmetic3A_1715 : vector<16xi32>
          %and3A_1717 = arith.constant 15 : i32
          %and3A_1718 = vector.broadcast %and3A_1717 : i32 to vector<16xi32>
          %and3A_1719 = arith.andi %shift_right_arithmetic3A_1716, %and3A_1718 : vector<16xi32>
          %shift_right_arithmetic3A_1720 = arith.constant 24 : i32
          %shift_right_arithmetic3A_1721 = vector.broadcast %shift_right_arithmetic3A_1720 : i32 to vector<16xi32>
          %shift_right_arithmetic3A_1722 = arith.shrsi %get3A_1695, %shift_right_arithmetic3A_1721 : vector<16xi32>
          %mul3A_1723 = arith.constant 3200 : i32
          %mul3A_1724 = vector.broadcast %mul3A_1723 : i32 to vector<16xi32>
          %mul3A_1725 = arith.muli %and3A_1713, %mul3A_1724 : vector<16xi32>
          %mul3A_1726 = arith.constant 9 : i32
          %mul3A_1727 = vector.broadcast %mul3A_1726 : i32 to vector<16xi32>
          %mul3A_1728 = arith.muli %mul3A_1725, %mul3A_1727 : vector<16xi32>
          %mul3A_1729 = arith.constant 3200 : i32
          %mul3A_1730 = vector.broadcast %mul3A_1729 : i32 to vector<16xi32>
          %mul3A_1731 = arith.muli %and3A_1719, %mul3A_1730 : vector<16xi32>
          %add3A_1732 = arith.addi %mul3A_1728, %mul3A_1731 : vector<16xi32>
          %add3A_1733 = arith.addi %add3A_1732, %sub3A_1704 : vector<16xi32>
          %mul3A_1734 = arith.constant 3200 : i32
          %mul3A_1735 = vector.broadcast %mul3A_1734 : i32 to vector<16xi32>
          %mul3A_1736 = arith.muli %shift_right_arithmetic3A_1722, %mul3A_1735 : vector<16xi32>
          %add3A_1737 = arith.constant 57600 : i32
          %add3A_1738 = vector.broadcast %add3A_1737 : i32 to vector<16xi32>
          %add3A_1739 = arith.addi %sub3A_1704, %add3A_1738 : vector<16xi32>
          %add3A_1740 = arith.addi %mul3A_1736, %add3A_1739 : vector<16xi32>
          %add3A_1741 = arith.constant 89600 : i32
          %add3A_1742 = vector.broadcast %add3A_1741 : i32 to vector<16xi32>
          %add3A_1743 = arith.addi %sub3A_1704, %add3A_1742 : vector<16xi32>
          %add3A_1744 = arith.addi %mul3A_1725, %add3A_1743 : vector<16xi32>
          tpu.vector_store_idx %arg10[%add3A_1733], %get3A_1697 masked %lt3A_1707 {add = true} : memref<96000xf32, #tpu.memory_space<vmem>>[vector<16xi32>], vector<16xf32>, vector<16xi1>
          %add3A_1745 = arith.constant 3200 : i32
          %add3A_1746 = vector.broadcast %add3A_1745 : i32 to vector<16xi32>
          %add3A_1747 = arith.addi %add3A_1733, %add3A_1746 : vector<16xi32>
          tpu.vector_store_idx %arg10[%add3A_1747], %get3A_1699 masked %lt3A_1707 {add = true} : memref<96000xf32, #tpu.memory_space<vmem>>[vector<16xi32>], vector<16xf32>, vector<16xi1>
          tpu.vector_store_idx %arg10[%add3A_1740], %broadcast_in_dim3A_3 masked %lt3A_1707 {add = true} : memref<96000xf32, #tpu.memory_space<vmem>>[vector<16xi32>], vector<16xf32>, vector<16xi1>
          tpu.vector_store_idx %arg10[%add3A_1744], %broadcast_in_dim3A_3 masked %lt3A_1707 {add = true} : memref<96000xf32, #tpu.memory_space<vmem>>[vector<16xi32>], vector<16xf32>, vector<16xi1>
          %scan3A_1748 = arith.constant 0 : i32
          scf.yield %scan3A_1748 : i32
        }
        %scan3A_248 = arith.constant 125 : i32
        %while3A_249 = arith.constant 0 : i32
        scf.yield %while3A_249 : i32
      }
      %while3A_135 = arith.constant 1 : i32
      %while3A_136 = scf.for %while3A_214 = %while3A_132 to %while3A_128 step %while3A_135 iter_args(%while3A_215 = %while3A_134) -> (i32)  : i32 {
        %add3A_216 = arith.addi %max3A_99, %while3A_214 : i32
        %and3A_217 = arith.constant 1 : i32
        %and3A_218 = arith.andi %while3A_214, %and3A_217 : i32
        %mul3A_219 = arith.constant 2000 : i32
        %mul3A_220 = arith.muli %and3A_218, %mul3A_219 : i32
        %add3A_221 = arith.constant 1 : i32
        %add3A_222 = arith.addi %add3A_216, %add3A_221 : i32
        %lt3A = arith.cmpi slt, %add3A_222, %min3A_105 : i32
        %convert_element_type3A_223 = arith.extui %lt3A : i1 to i32
        %cond3A = arith.constant 0 : i32
        %cond3A_224 = arith.cmpi ne, %convert_element_type3A_223, %cond3A : i32
        scf.if %cond3A_224 {
          %add3A_250 = arith.constant 1 : i32
          %add3A_251 = arith.addi %add3A_216, %add3A_250 : i32
          %sub3A_252 = arith.constant 1 : i32
          %sub3A_253 = arith.subi %sub3A_252, %and3A_218 : i32
          %mul3A_254 = arith.constant 2000 : i32
          %mul3A_255 = arith.muli %add3A_251, %mul3A_254 : i32
          %mul3A_256 = arith.constant 2000 : i32
          %mul3A_257 = arith.muli %sub3A_253, %mul3A_256 : i32
          %dma_start3A_258 = tpu.memref_slice %arg7[%mul3A_257] : memref<4000xi32, #tpu.memory_space<vmem>> -> memref<2000xi32, #tpu.memory_space<vmem>>
          %dma_start3A_259 = tpu.memref_slice %arg2[%mul3A_255] : memref<2000000xi32, #tpu.memory_space<hbm>> -> memref<2000xi32, #tpu.memory_space<hbm>>
          %dma_start3A_260 = tpu.memref_slice %arg7[%mul3A_257] : memref<4000xi32, #tpu.memory_space<vmem>> -> memref<2000xi32, #tpu.memory_space<vmem>>
          %dma_start3A_261 = tpu.memref_slice %arg2[%mul3A_255] : memref<2000000xi32, #tpu.memory_space<hbm>> -> memref<2000xi32, #tpu.memory_space<hbm>>
          tpu.enqueue_dma source(%dma_start3A_261 : memref<2000xi32, #tpu.memory_space<hbm>>) target(%dma_start3A_260 : memref<2000xi32, #tpu.memory_space<vmem>>) target_semaphore(%arg12 : memref<!tpu.dma_semaphore, #tpu.memory_space<semaphore_mem>>)
          %dma_start3A_262 = tpu.memref_slice %arg8[%mul3A_257] : memref<4000xf32, #tpu.memory_space<vmem>> -> memref<2000xf32, #tpu.memory_space<vmem>>
          %dma_start3A_263 = tpu.memref_slice %arg3[%mul3A_255] : memref<2000000xf32, #tpu.memory_space<hbm>> -> memref<2000xf32, #tpu.memory_space<hbm>>
          %dma_start3A_264 = tpu.memref_slice %arg8[%mul3A_257] : memref<4000xf32, #tpu.memory_space<vmem>> -> memref<2000xf32, #tpu.memory_space<vmem>>
          %dma_start3A_265 = tpu.memref_slice %arg3[%mul3A_255] : memref<2000000xf32, #tpu.memory_space<hbm>> -> memref<2000xf32, #tpu.memory_space<hbm>>
          tpu.enqueue_dma source(%dma_start3A_265 : memref<2000xf32, #tpu.memory_space<hbm>>) target(%dma_start3A_264 : memref<2000xf32, #tpu.memory_space<vmem>>) target_semaphore(%arg12 : memref<!tpu.dma_semaphore, #tpu.memory_space<semaphore_mem>>)
          %dma_start3A_266 = tpu.memref_slice %arg9[%mul3A_257] : memref<4000xf32, #tpu.memory_space<vmem>> -> memref<2000xf32, #tpu.memory_space<vmem>>
          %dma_start3A_267 = tpu.memref_slice %arg4[%mul3A_255] : memref<2000000xf32, #tpu.memory_space<hbm>> -> memref<2000xf32, #tpu.memory_space<hbm>>
          %dma_start3A_268 = tpu.memref_slice %arg9[%mul3A_257] : memref<4000xf32, #tpu.memory_space<vmem>> -> memref<2000xf32, #tpu.memory_space<vmem>>
          %dma_start3A_269 = tpu.memref_slice %arg4[%mul3A_255] : memref<2000000xf32, #tpu.memory_space<hbm>> -> memref<2000xf32, #tpu.memory_space<hbm>>
          tpu.enqueue_dma source(%dma_start3A_269 : memref<2000xf32, #tpu.memory_space<hbm>>) target(%dma_start3A_268 : memref<2000xf32, #tpu.memory_space<vmem>>) target_semaphore(%arg12 : memref<!tpu.dma_semaphore, #tpu.memory_space<semaphore_mem>>)
        } else {
        }
        %dma_wait3A = tpu.memref_slice %arg7[%mul3A_220] : memref<4000xi32, #tpu.memory_space<vmem>> -> memref<2000xi32, #tpu.memory_space<vmem>>
        %dma_wait3A_225 = arith.constant 0 : i32
        %dma_wait3A_226 = tpu.memref_slice %arg2[%dma_wait3A_225] : memref<2000000xi32, #tpu.memory_space<hbm>> -> memref<2000xi32, #tpu.memory_space<hbm>>
        %dma_wait3A_227 = tpu.memref_slice %arg7[%mul3A_220] : memref<4000xi32, #tpu.memory_space<vmem>> -> memref<2000xi32, #tpu.memory_space<vmem>>
        %dma_wait3A_228 = arith.constant 0 : i32
        %dma_wait3A_229 = tpu.memref_slice %arg2[%dma_wait3A_228] : memref<2000000xi32, #tpu.memory_space<hbm>> -> memref<2000xi32, #tpu.memory_space<hbm>>
        tpu.wait_dma2 semaphore(%arg12 : memref<!tpu.dma_semaphore, #tpu.memory_space<semaphore_mem>>) src(%dma_wait3A_229 : memref<2000xi32, #tpu.memory_space<hbm>>) dst(%dma_wait3A_227 : memref<2000xi32, #tpu.memory_space<vmem>>)
        %dma_wait3A_230 = tpu.memref_slice %arg8[%mul3A_220] : memref<4000xf32, #tpu.memory_space<vmem>> -> memref<2000xf32, #tpu.memory_space<vmem>>
        %dma_wait3A_231 = arith.constant 0 : i32
        %dma_wait3A_232 = tpu.memref_slice %arg3[%dma_wait3A_231] : memref<2000000xf32, #tpu.memory_space<hbm>> -> memref<2000xf32, #tpu.memory_space<hbm>>
        %dma_wait3A_233 = tpu.memref_slice %arg8[%mul3A_220] : memref<4000xf32, #tpu.memory_space<vmem>> -> memref<2000xf32, #tpu.memory_space<vmem>>
        %dma_wait3A_234 = arith.constant 0 : i32
        %dma_wait3A_235 = tpu.memref_slice %arg3[%dma_wait3A_234] : memref<2000000xf32, #tpu.memory_space<hbm>> -> memref<2000xf32, #tpu.memory_space<hbm>>
        tpu.wait_dma2 semaphore(%arg12 : memref<!tpu.dma_semaphore, #tpu.memory_space<semaphore_mem>>) src(%dma_wait3A_235 : memref<2000xf32, #tpu.memory_space<hbm>>) dst(%dma_wait3A_233 : memref<2000xf32, #tpu.memory_space<vmem>>)
        %dma_wait3A_236 = tpu.memref_slice %arg9[%mul3A_220] : memref<4000xf32, #tpu.memory_space<vmem>> -> memref<2000xf32, #tpu.memory_space<vmem>>
        %dma_wait3A_237 = arith.constant 0 : i32
        %dma_wait3A_238 = tpu.memref_slice %arg4[%dma_wait3A_237] : memref<2000000xf32, #tpu.memory_space<hbm>> -> memref<2000xf32, #tpu.memory_space<hbm>>
        %dma_wait3A_239 = tpu.memref_slice %arg9[%mul3A_220] : memref<4000xf32, #tpu.memory_space<vmem>> -> memref<2000xf32, #tpu.memory_space<vmem>>
        %dma_wait3A_240 = arith.constant 0 : i32
        %dma_wait3A_241 = tpu.memref_slice %arg4[%dma_wait3A_240] : memref<2000000xf32, #tpu.memory_space<hbm>> -> memref<2000xf32, #tpu.memory_space<hbm>>
        tpu.wait_dma2 semaphore(%arg12 : memref<!tpu.dma_semaphore, #tpu.memory_space<semaphore_mem>>) src(%dma_wait3A_241 : memref<2000xf32, #tpu.memory_space<hbm>>) dst(%dma_wait3A_239 : memref<2000xf32, #tpu.memory_space<vmem>>)
        %scan3A_242 = arith.constant 0 : i32
        %scan3A_243 = arith.constant 0 : i32
        %scan3A_244 = arith.constant 125 : i32
        %scan3A_245 = arith.addi %scan3A_243, %scan3A_244 : i32
        %scan3A_246 = arith.constant 25 : i32
        %scan3A_247 = scf.for %scan3A_250 = %scan3A_243 to %scan3A_245 step %scan3A_246 iter_args(%scan3A_251 = %scan3A_242) -> (i32)  : i32 {
          %mul3A_252 = arith.constant 16 : i32
          %mul3A_253 = arith.muli %scan3A_250, %mul3A_252 : i32
          %add3A_254 = arith.addi %mul3A_220, %mul3A_253 : i32
          %get3A_255 = arith.index_cast %add3A_254 : i32 to index
          %get3A_256 = tpu.vector_load %arg7[%get3A_255] {strides = array<i32>} : memref<4000xi32, #tpu.memory_space<vmem>>, vector<16xi32>,
          %get3A_257 = arith.index_cast %add3A_254 : i32 to index
          %get3A_258 = tpu.vector_load %arg8[%get3A_257] {strides = array<i32>} : memref<4000xf32, #tpu.memory_space<vmem>>, vector<16xf32>,
          %get3A_259 = arith.index_cast %add3A_254 : i32 to index
          %get3A_260 = tpu.vector_load %arg9[%get3A_259] {strides = array<i32>} : memref<4000xf32, #tpu.memory_space<vmem>>, vector<16xf32>,
          %and3A_261 = arith.constant 524287 : i32
          %and3A_262 = vector.broadcast %and3A_261 : i32 to vector<16xi32>
          %and3A_263 = arith.andi %get3A_256, %and3A_262 : vector<16xi32>
          %sub3A_264 = vector.broadcast %add3A_67 : i32 to vector<16xi32>
          %sub3A_265 = arith.subi %and3A_263, %sub3A_264 : vector<16xi32>
          %lt3A_266 = arith.constant 3200 : i32
          %lt3A_267 = vector.broadcast %lt3A_266 : i32 to vector<16xi32>
          %lt3A_268 = arith.cmpi ult, %sub3A_265, %lt3A_267 : vector<16xi32>
          %shift_right_arithmetic3A = arith.constant 19 : i32
          %shift_right_arithmetic3A_269 = vector.broadcast %shift_right_arithmetic3A : i32 to vector<16xi32>
          %shift_right_arithmetic3A_270 = arith.shrsi %get3A_256, %shift_right_arithmetic3A_269 : vector<16xi32>
          %and3A_271 = arith.constant 1 : i32
          %and3A_272 = vector.broadcast %and3A_271 : i32 to vector<16xi32>
          %and3A_273 = arith.andi %shift_right_arithmetic3A_270, %and3A_272 : vector<16xi32>
          %shift_right_arithmetic3A_274 = arith.constant 20 : i32
          %shift_right_arithmetic3A_275 = vector.broadcast %shift_right_arithmetic3A_274 : i32 to vector<16xi32>
          %shift_right_arithmetic3A_276 = arith.shrsi %get3A_256, %shift_right_arithmetic3A_275 : vector<16xi32>
          %and3A_277 = arith.constant 15 : i32
          %and3A_278 = vector.broadcast %and3A_277 : i32 to vector<16xi32>
          %and3A_279 = arith.andi %shift_right_arithmetic3A_276, %and3A_278 : vector<16xi32>
          %shift_right_arithmetic3A_280 = arith.constant 24 : i32
          %shift_right_arithmetic3A_281 = vector.broadcast %shift_right_arithmetic3A_280 : i32 to vector<16xi32>
          %shift_right_arithmetic3A_282 = arith.shrsi %get3A_256, %shift_right_arithmetic3A_281 : vector<16xi32>
          %mul3A_283 = arith.constant 3200 : i32
          %mul3A_284 = vector.broadcast %mul3A_283 : i32 to vector<16xi32>
          %mul3A_285 = arith.muli %and3A_273, %mul3A_284 : vector<16xi32>
          %mul3A_286 = arith.constant 9 : i32
          %mul3A_287 = vector.broadcast %mul3A_286 : i32 to vector<16xi32>
          %mul3A_288 = arith.muli %mul3A_285, %mul3A_287 : vector<16xi32>
          %mul3A_289 = arith.constant 3200 : i32
          %mul3A_290 = vector.broadcast %mul3A_289 : i32 to vector<16xi32>
          %mul3A_291 = arith.muli %and3A_279, %mul3A_290 : vector<16xi32>
          %add3A_292 = arith.addi %mul3A_288, %mul3A_291 : vector<16xi32>
          %add3A_293 = arith.addi %add3A_292, %sub3A_265 : vector<16xi32>
          %mul3A_294 = arith.constant 3200 : i32
          %mul3A_295 = vector.broadcast %mul3A_294 : i32 to vector<16xi32>
          %mul3A_296 = arith.muli %shift_right_arithmetic3A_282, %mul3A_295 : vector<16xi32>
          %add3A_297 = arith.constant 57600 : i32
          %add3A_298 = vector.broadcast %add3A_297 : i32 to vector<16xi32>
          %add3A_299 = arith.addi %sub3A_265, %add3A_298 : vector<16xi32>
          %add3A_300 = arith.addi %mul3A_296, %add3A_299 : vector<16xi32>
          %add3A_301 = arith.constant 89600 : i32
          %add3A_302 = vector.broadcast %add3A_301 : i32 to vector<16xi32>
          %add3A_303 = arith.addi %sub3A_265, %add3A_302 : vector<16xi32>
          %add3A_304 = arith.addi %mul3A_285, %add3A_303 : vector<16xi32>
          tpu.vector_store_idx %arg10[%add3A_293], %get3A_258 masked %lt3A_268 {add = true} : memref<96000xf32, #tpu.memory_space<vmem>>[vector<16xi32>], vector<16xf32>, vector<16xi1>
          %add3A_305 = arith.constant 3200 : i32
          %add3A_306 = vector.broadcast %add3A_305 : i32 to vector<16xi32>
          %add3A_307 = arith.addi %add3A_293, %add3A_306 : vector<16xi32>
          tpu.vector_store_idx %arg10[%add3A_307], %get3A_260 masked %lt3A_268 {add = true} : memref<96000xf32, #tpu.memory_space<vmem>>[vector<16xi32>], vector<16xf32>, vector<16xi1>
          tpu.vector_store_idx %arg10[%add3A_300], %broadcast_in_dim3A_3 masked %lt3A_268 {add = true} : memref<96000xf32, #tpu.memory_space<vmem>>[vector<16xi32>], vector<16xf32>, vector<16xi1>
          tpu.vector_store_idx %arg10[%add3A_304], %broadcast_in_dim3A_3 masked %lt3A_268 {add = true} : memref<96000xf32, #tpu.memory_space<vmem>>[vector<16xi32>], vector<16xf32>, vector<16xi1>
          %scan3A_308 = arith.constant 0 : i32
          %scan3A_309 = arith.constant 1 : i32
          %scan3A_310 = arith.addi %scan3A_250, %scan3A_309 : i32
          %mul3A_311 = arith.constant 16 : i32
          %mul3A_312 = arith.muli %scan3A_310, %mul3A_311 : i32
          %add3A_313 = arith.addi %mul3A_220, %mul3A_312 : i32
          %get3A_314 = arith.index_cast %add3A_313 : i32 to index
          %get3A_315 = tpu.vector_load %arg7[%get3A_314] {strides = array<i32>} : memref<4000xi32, #tpu.memory_space<vmem>>, vector<16xi32>,
          %get3A_316 = arith.index_cast %add3A_313 : i32 to index
          %get3A_317 = tpu.vector_load %arg8[%get3A_316] {strides = array<i32>} : memref<4000xf32, #tpu.memory_space<vmem>>, vector<16xf32>,
          %get3A_318 = arith.index_cast %add3A_313 : i32 to index
          %get3A_319 = tpu.vector_load %arg9[%get3A_318] {strides = array<i32>} : memref<4000xf32, #tpu.memory_space<vmem>>, vector<16xf32>,
          %and3A_320 = arith.constant 524287 : i32
          %and3A_321 = vector.broadcast %and3A_320 : i32 to vector<16xi32>
          %and3A_322 = arith.andi %get3A_315, %and3A_321 : vector<16xi32>
          %sub3A_323 = vector.broadcast %add3A_67 : i32 to vector<16xi32>
          %sub3A_324 = arith.subi %and3A_322, %sub3A_323 : vector<16xi32>
          %lt3A_325 = arith.constant 3200 : i32
          %lt3A_326 = vector.broadcast %lt3A_325 : i32 to vector<16xi32>
          %lt3A_327 = arith.cmpi ult, %sub3A_324, %lt3A_326 : vector<16xi32>
          %shift_right_arithmetic3A_328 = arith.constant 19 : i32
          %shift_right_arithmetic3A_329 = vector.broadcast %shift_right_arithmetic3A_328 : i32 to vector<16xi32>
          %shift_right_arithmetic3A_330 = arith.shrsi %get3A_315, %shift_right_arithmetic3A_329 : vector<16xi32>
          %and3A_331 = arith.constant 1 : i32
          %and3A_332 = vector.broadcast %and3A_331 : i32 to vector<16xi32>
          %and3A_333 = arith.andi %shift_right_arithmetic3A_330, %and3A_332 : vector<16xi32>
          %shift_right_arithmetic3A_334 = arith.constant 20 : i32
          %shift_right_arithmetic3A_335 = vector.broadcast %shift_right_arithmetic3A_334 : i32 to vector<16xi32>
          %shift_right_arithmetic3A_336 = arith.shrsi %get3A_315, %shift_right_arithmetic3A_335 : vector<16xi32>
          %and3A_337 = arith.constant 15 : i32
          %and3A_338 = vector.broadcast %and3A_337 : i32 to vector<16xi32>
          %and3A_339 = arith.andi %shift_right_arithmetic3A_336, %and3A_338 : vector<16xi32>
          %shift_right_arithmetic3A_340 = arith.constant 24 : i32
          %shift_right_arithmetic3A_341 = vector.broadcast %shift_right_arithmetic3A_340 : i32 to vector<16xi32>
          %shift_right_arithmetic3A_342 = arith.shrsi %get3A_315, %shift_right_arithmetic3A_341 : vector<16xi32>
          %mul3A_343 = arith.constant 3200 : i32
          %mul3A_344 = vector.broadcast %mul3A_343 : i32 to vector<16xi32>
          %mul3A_345 = arith.muli %and3A_333, %mul3A_344 : vector<16xi32>
          %mul3A_346 = arith.constant 9 : i32
          %mul3A_347 = vector.broadcast %mul3A_346 : i32 to vector<16xi32>
          %mul3A_348 = arith.muli %mul3A_345, %mul3A_347 : vector<16xi32>
          %mul3A_349 = arith.constant 3200 : i32
          %mul3A_350 = vector.broadcast %mul3A_349 : i32 to vector<16xi32>
          %mul3A_351 = arith.muli %and3A_339, %mul3A_350 : vector<16xi32>
          %add3A_352 = arith.addi %mul3A_348, %mul3A_351 : vector<16xi32>
          %add3A_353 = arith.addi %add3A_352, %sub3A_324 : vector<16xi32>
          %mul3A_354 = arith.constant 3200 : i32
          %mul3A_355 = vector.broadcast %mul3A_354 : i32 to vector<16xi32>
          %mul3A_356 = arith.muli %shift_right_arithmetic3A_342, %mul3A_355 : vector<16xi32>
          %add3A_357 = arith.constant 57600 : i32
          %add3A_358 = vector.broadcast %add3A_357 : i32 to vector<16xi32>
          %add3A_359 = arith.addi %sub3A_324, %add3A_358 : vector<16xi32>
          %add3A_360 = arith.addi %mul3A_356, %add3A_359 : vector<16xi32>
          %add3A_361 = arith.constant 89600 : i32
          %add3A_362 = vector.broadcast %add3A_361 : i32 to vector<16xi32>
          %add3A_363 = arith.addi %sub3A_324, %add3A_362 : vector<16xi32>
          %add3A_364 = arith.addi %mul3A_345, %add3A_363 : vector<16xi32>
          tpu.vector_store_idx %arg10[%add3A_353], %get3A_317 masked %lt3A_327 {add = true} : memref<96000xf32, #tpu.memory_space<vmem>>[vector<16xi32>], vector<16xf32>, vector<16xi1>
          %add3A_365 = arith.constant 3200 : i32
          %add3A_366 = vector.broadcast %add3A_365 : i32 to vector<16xi32>
          %add3A_367 = arith.addi %add3A_353, %add3A_366 : vector<16xi32>
          tpu.vector_store_idx %arg10[%add3A_367], %get3A_319 masked %lt3A_327 {add = true} : memref<96000xf32, #tpu.memory_space<vmem>>[vector<16xi32>], vector<16xf32>, vector<16xi1>
          tpu.vector_store_idx %arg10[%add3A_360], %broadcast_in_dim3A_3 masked %lt3A_327 {add = true} : memref<96000xf32, #tpu.memory_space<vmem>>[vector<16xi32>], vector<16xf32>, vector<16xi1>
          tpu.vector_store_idx %arg10[%add3A_364], %broadcast_in_dim3A_3 masked %lt3A_327 {add = true} : memref<96000xf32, #tpu.memory_space<vmem>>[vector<16xi32>], vector<16xf32>, vector<16xi1>
          %scan3A_368 = arith.constant 0 : i32
          %scan3A_369 = arith.constant 2 : i32
          %scan3A_370 = arith.addi %scan3A_250, %scan3A_369 : i32
          %mul3A_371 = arith.constant 16 : i32
          %mul3A_372 = arith.muli %scan3A_370, %mul3A_371 : i32
          %add3A_373 = arith.addi %mul3A_220, %mul3A_372 : i32
          %get3A_374 = arith.index_cast %add3A_373 : i32 to index
          %get3A_375 = tpu.vector_load %arg7[%get3A_374] {strides = array<i32>} : memref<4000xi32, #tpu.memory_space<vmem>>, vector<16xi32>,
          %get3A_376 = arith.index_cast %add3A_373 : i32 to index
          %get3A_377 = tpu.vector_load %arg8[%get3A_376] {strides = array<i32>} : memref<4000xf32, #tpu.memory_space<vmem>>, vector<16xf32>,
          %get3A_378 = arith.index_cast %add3A_373 : i32 to index
          %get3A_379 = tpu.vector_load %arg9[%get3A_378] {strides = array<i32>} : memref<4000xf32, #tpu.memory_space<vmem>>, vector<16xf32>,
          %and3A_380 = arith.constant 524287 : i32
          %and3A_381 = vector.broadcast %and3A_380 : i32 to vector<16xi32>
          %and3A_382 = arith.andi %get3A_375, %and3A_381 : vector<16xi32>
          %sub3A_383 = vector.broadcast %add3A_67 : i32 to vector<16xi32>
          %sub3A_384 = arith.subi %and3A_382, %sub3A_383 : vector<16xi32>
          %lt3A_385 = arith.constant 3200 : i32
          %lt3A_386 = vector.broadcast %lt3A_385 : i32 to vector<16xi32>
          %lt3A_387 = arith.cmpi ult, %sub3A_384, %lt3A_386 : vector<16xi32>
          %shift_right_arithmetic3A_388 = arith.constant 19 : i32
          %shift_right_arithmetic3A_389 = vector.broadcast %shift_right_arithmetic3A_388 : i32 to vector<16xi32>
          %shift_right_arithmetic3A_390 = arith.shrsi %get3A_375, %shift_right_arithmetic3A_389 : vector<16xi32>
          %and3A_391 = arith.constant 1 : i32
          %and3A_392 = vector.broadcast %and3A_391 : i32 to vector<16xi32>
          %and3A_393 = arith.andi %shift_right_arithmetic3A_390, %and3A_392 : vector<16xi32>
          %shift_right_arithmetic3A_394 = arith.constant 20 : i32
          %shift_right_arithmetic3A_395 = vector.broadcast %shift_right_arithmetic3A_394 : i32 to vector<16xi32>
          %shift_right_arithmetic3A_396 = arith.shrsi %get3A_375, %shift_right_arithmetic3A_395 : vector<16xi32>
          %and3A_397 = arith.constant 15 : i32
          %and3A_398 = vector.broadcast %and3A_397 : i32 to vector<16xi32>
          %and3A_399 = arith.andi %shift_right_arithmetic3A_396, %and3A_398 : vector<16xi32>
          %shift_right_arithmetic3A_400 = arith.constant 24 : i32
          %shift_right_arithmetic3A_401 = vector.broadcast %shift_right_arithmetic3A_400 : i32 to vector<16xi32>
          %shift_right_arithmetic3A_402 = arith.shrsi %get3A_375, %shift_right_arithmetic3A_401 : vector<16xi32>
          %mul3A_403 = arith.constant 3200 : i32
          %mul3A_404 = vector.broadcast %mul3A_403 : i32 to vector<16xi32>
          %mul3A_405 = arith.muli %and3A_393, %mul3A_404 : vector<16xi32>
          %mul3A_406 = arith.constant 9 : i32
          %mul3A_407 = vector.broadcast %mul3A_406 : i32 to vector<16xi32>
          %mul3A_408 = arith.muli %mul3A_405, %mul3A_407 : vector<16xi32>
          %mul3A_409 = arith.constant 3200 : i32
          %mul3A_410 = vector.broadcast %mul3A_409 : i32 to vector<16xi32>
          %mul3A_411 = arith.muli %and3A_399, %mul3A_410 : vector<16xi32>
          %add3A_412 = arith.addi %mul3A_408, %mul3A_411 : vector<16xi32>
          %add3A_413 = arith.addi %add3A_412, %sub3A_384 : vector<16xi32>
          %mul3A_414 = arith.constant 3200 : i32
          %mul3A_415 = vector.broadcast %mul3A_414 : i32 to vector<16xi32>
          %mul3A_416 = arith.muli %shift_right_arithmetic3A_402, %mul3A_415 : vector<16xi32>
          %add3A_417 = arith.constant 57600 : i32
          %add3A_418 = vector.broadcast %add3A_417 : i32 to vector<16xi32>
          %add3A_419 = arith.addi %sub3A_384, %add3A_418 : vector<16xi32>
          %add3A_420 = arith.addi %mul3A_416, %add3A_419 : vector<16xi32>
          %add3A_421 = arith.constant 89600 : i32
          %add3A_422 = vector.broadcast %add3A_421 : i32 to vector<16xi32>
          %add3A_423 = arith.addi %sub3A_384, %add3A_422 : vector<16xi32>
          %add3A_424 = arith.addi %mul3A_405, %add3A_423 : vector<16xi32>
          tpu.vector_store_idx %arg10[%add3A_413], %get3A_377 masked %lt3A_387 {add = true} : memref<96000xf32, #tpu.memory_space<vmem>>[vector<16xi32>], vector<16xf32>, vector<16xi1>
          %add3A_425 = arith.constant 3200 : i32
          %add3A_426 = vector.broadcast %add3A_425 : i32 to vector<16xi32>
          %add3A_427 = arith.addi %add3A_413, %add3A_426 : vector<16xi32>
          tpu.vector_store_idx %arg10[%add3A_427], %get3A_379 masked %lt3A_387 {add = true} : memref<96000xf32, #tpu.memory_space<vmem>>[vector<16xi32>], vector<16xf32>, vector<16xi1>
          tpu.vector_store_idx %arg10[%add3A_420], %broadcast_in_dim3A_3 masked %lt3A_387 {add = true} : memref<96000xf32, #tpu.memory_space<vmem>>[vector<16xi32>], vector<16xf32>, vector<16xi1>
          tpu.vector_store_idx %arg10[%add3A_424], %broadcast_in_dim3A_3 masked %lt3A_387 {add = true} : memref<96000xf32, #tpu.memory_space<vmem>>[vector<16xi32>], vector<16xf32>, vector<16xi1>
          %scan3A_428 = arith.constant 0 : i32
          %scan3A_429 = arith.constant 3 : i32
          %scan3A_430 = arith.addi %scan3A_250, %scan3A_429 : i32
          %mul3A_431 = arith.constant 16 : i32
          %mul3A_432 = arith.muli %scan3A_430, %mul3A_431 : i32
          %add3A_433 = arith.addi %mul3A_220, %mul3A_432 : i32
          %get3A_434 = arith.index_cast %add3A_433 : i32 to index
          %get3A_435 = tpu.vector_load %arg7[%get3A_434] {strides = array<i32>} : memref<4000xi32, #tpu.memory_space<vmem>>, vector<16xi32>,
          %get3A_436 = arith.index_cast %add3A_433 : i32 to index
          %get3A_437 = tpu.vector_load %arg8[%get3A_436] {strides = array<i32>} : memref<4000xf32, #tpu.memory_space<vmem>>, vector<16xf32>,
          %get3A_438 = arith.index_cast %add3A_433 : i32 to index
          %get3A_439 = tpu.vector_load %arg9[%get3A_438] {strides = array<i32>} : memref<4000xf32, #tpu.memory_space<vmem>>, vector<16xf32>,
          %and3A_440 = arith.constant 524287 : i32
          %and3A_441 = vector.broadcast %and3A_440 : i32 to vector<16xi32>
          %and3A_442 = arith.andi %get3A_435, %and3A_441 : vector<16xi32>
          %sub3A_443 = vector.broadcast %add3A_67 : i32 to vector<16xi32>
          %sub3A_444 = arith.subi %and3A_442, %sub3A_443 : vector<16xi32>
          %lt3A_445 = arith.constant 3200 : i32
          %lt3A_446 = vector.broadcast %lt3A_445 : i32 to vector<16xi32>
          %lt3A_447 = arith.cmpi ult, %sub3A_444, %lt3A_446 : vector<16xi32>
          %shift_right_arithmetic3A_448 = arith.constant 19 : i32
          %shift_right_arithmetic3A_449 = vector.broadcast %shift_right_arithmetic3A_448 : i32 to vector<16xi32>
          %shift_right_arithmetic3A_450 = arith.shrsi %get3A_435, %shift_right_arithmetic3A_449 : vector<16xi32>
          %and3A_451 = arith.constant 1 : i32
          %and3A_452 = vector.broadcast %and3A_451 : i32 to vector<16xi32>
          %and3A_453 = arith.andi %shift_right_arithmetic3A_450, %and3A_452 : vector<16xi32>
          %shift_right_arithmetic3A_454 = arith.constant 20 : i32
          %shift_right_arithmetic3A_455 = vector.broadcast %shift_right_arithmetic3A_454 : i32 to vector<16xi32>
          %shift_right_arithmetic3A_456 = arith.shrsi %get3A_435, %shift_right_arithmetic3A_455 : vector<16xi32>
          %and3A_457 = arith.constant 15 : i32
          %and3A_458 = vector.broadcast %and3A_457 : i32 to vector<16xi32>
          %and3A_459 = arith.andi %shift_right_arithmetic3A_456, %and3A_458 : vector<16xi32>
          %shift_right_arithmetic3A_460 = arith.constant 24 : i32
          %shift_right_arithmetic3A_461 = vector.broadcast %shift_right_arithmetic3A_460 : i32 to vector<16xi32>
          %shift_right_arithmetic3A_462 = arith.shrsi %get3A_435, %shift_right_arithmetic3A_461 : vector<16xi32>
          %mul3A_463 = arith.constant 3200 : i32
          %mul3A_464 = vector.broadcast %mul3A_463 : i32 to vector<16xi32>
          %mul3A_465 = arith.muli %and3A_453, %mul3A_464 : vector<16xi32>
          %mul3A_466 = arith.constant 9 : i32
          %mul3A_467 = vector.broadcast %mul3A_466 : i32 to vector<16xi32>
          %mul3A_468 = arith.muli %mul3A_465, %mul3A_467 : vector<16xi32>
          %mul3A_469 = arith.constant 3200 : i32
          %mul3A_470 = vector.broadcast %mul3A_469 : i32 to vector<16xi32>
          %mul3A_471 = arith.muli %and3A_459, %mul3A_470 : vector<16xi32>
          %add3A_472 = arith.addi %mul3A_468, %mul3A_471 : vector<16xi32>
          %add3A_473 = arith.addi %add3A_472, %sub3A_444 : vector<16xi32>
          %mul3A_474 = arith.constant 3200 : i32
          %mul3A_475 = vector.broadcast %mul3A_474 : i32 to vector<16xi32>
          %mul3A_476 = arith.muli %shift_right_arithmetic3A_462, %mul3A_475 : vector<16xi32>
          %add3A_477 = arith.constant 57600 : i32
          %add3A_478 = vector.broadcast %add3A_477 : i32 to vector<16xi32>
          %add3A_479 = arith.addi %sub3A_444, %add3A_478 : vector<16xi32>
          %add3A_480 = arith.addi %mul3A_476, %add3A_479 : vector<16xi32>
          %add3A_481 = arith.constant 89600 : i32
          %add3A_482 = vector.broadcast %add3A_481 : i32 to vector<16xi32>
          %add3A_483 = arith.addi %sub3A_444, %add3A_482 : vector<16xi32>
          %add3A_484 = arith.addi %mul3A_465, %add3A_483 : vector<16xi32>
          tpu.vector_store_idx %arg10[%add3A_473], %get3A_437 masked %lt3A_447 {add = true} : memref<96000xf32, #tpu.memory_space<vmem>>[vector<16xi32>], vector<16xf32>, vector<16xi1>
          %add3A_485 = arith.constant 3200 : i32
          %add3A_486 = vector.broadcast %add3A_485 : i32 to vector<16xi32>
          %add3A_487 = arith.addi %add3A_473, %add3A_486 : vector<16xi32>
          tpu.vector_store_idx %arg10[%add3A_487], %get3A_439 masked %lt3A_447 {add = true} : memref<96000xf32, #tpu.memory_space<vmem>>[vector<16xi32>], vector<16xf32>, vector<16xi1>
          tpu.vector_store_idx %arg10[%add3A_480], %broadcast_in_dim3A_3 masked %lt3A_447 {add = true} : memref<96000xf32, #tpu.memory_space<vmem>>[vector<16xi32>], vector<16xf32>, vector<16xi1>
          tpu.vector_store_idx %arg10[%add3A_484], %broadcast_in_dim3A_3 masked %lt3A_447 {add = true} : memref<96000xf32, #tpu.memory_space<vmem>>[vector<16xi32>], vector<16xf32>, vector<16xi1>
          %scan3A_488 = arith.constant 0 : i32
          %scan3A_489 = arith.constant 4 : i32
          %scan3A_490 = arith.addi %scan3A_250, %scan3A_489 : i32
          %mul3A_491 = arith.constant 16 : i32
          %mul3A_492 = arith.muli %scan3A_490, %mul3A_491 : i32
          %add3A_493 = arith.addi %mul3A_220, %mul3A_492 : i32
          %get3A_494 = arith.index_cast %add3A_493 : i32 to index
          %get3A_495 = tpu.vector_load %arg7[%get3A_494] {strides = array<i32>} : memref<4000xi32, #tpu.memory_space<vmem>>, vector<16xi32>,
          %get3A_496 = arith.index_cast %add3A_493 : i32 to index
          %get3A_497 = tpu.vector_load %arg8[%get3A_496] {strides = array<i32>} : memref<4000xf32, #tpu.memory_space<vmem>>, vector<16xf32>,
          %get3A_498 = arith.index_cast %add3A_493 : i32 to index
          %get3A_499 = tpu.vector_load %arg9[%get3A_498] {strides = array<i32>} : memref<4000xf32, #tpu.memory_space<vmem>>, vector<16xf32>,
          %and3A_500 = arith.constant 524287 : i32
          %and3A_501 = vector.broadcast %and3A_500 : i32 to vector<16xi32>
          %and3A_502 = arith.andi %get3A_495, %and3A_501 : vector<16xi32>
          %sub3A_503 = vector.broadcast %add3A_67 : i32 to vector<16xi32>
          %sub3A_504 = arith.subi %and3A_502, %sub3A_503 : vector<16xi32>
          %lt3A_505 = arith.constant 3200 : i32
          %lt3A_506 = vector.broadcast %lt3A_505 : i32 to vector<16xi32>
          %lt3A_507 = arith.cmpi ult, %sub3A_504, %lt3A_506 : vector<16xi32>
          %shift_right_arithmetic3A_508 = arith.constant 19 : i32
          %shift_right_arithmetic3A_509 = vector.broadcast %shift_right_arithmetic3A_508 : i32 to vector<16xi32>
          %shift_right_arithmetic3A_510 = arith.shrsi %get3A_495, %shift_right_arithmetic3A_509 : vector<16xi32>
          %and3A_511 = arith.constant 1 : i32
          %and3A_512 = vector.broadcast %and3A_511 : i32 to vector<16xi32>
          %and3A_513 = arith.andi %shift_right_arithmetic3A_510, %and3A_512 : vector<16xi32>
          %shift_right_arithmetic3A_514 = arith.constant 20 : i32
          %shift_right_arithmetic3A_515 = vector.broadcast %shift_right_arithmetic3A_514 : i32 to vector<16xi32>
          %shift_right_arithmetic3A_516 = arith.shrsi %get3A_495, %shift_right_arithmetic3A_515 : vector<16xi32>
          %and3A_517 = arith.constant 15 : i32
          %and3A_518 = vector.broadcast %and3A_517 : i32 to vector<16xi32>
          %and3A_519 = arith.andi %shift_right_arithmetic3A_516, %and3A_518 : vector<16xi32>
          %shift_right_arithmetic3A_520 = arith.constant 24 : i32
          %shift_right_arithmetic3A_521 = vector.broadcast %shift_right_arithmetic3A_520 : i32 to vector<16xi32>
          %shift_right_arithmetic3A_522 = arith.shrsi %get3A_495, %shift_right_arithmetic3A_521 : vector<16xi32>
          %mul3A_523 = arith.constant 3200 : i32
          %mul3A_524 = vector.broadcast %mul3A_523 : i32 to vector<16xi32>
          %mul3A_525 = arith.muli %and3A_513, %mul3A_524 : vector<16xi32>
          %mul3A_526 = arith.constant 9 : i32
          %mul3A_527 = vector.broadcast %mul3A_526 : i32 to vector<16xi32>
          %mul3A_528 = arith.muli %mul3A_525, %mul3A_527 : vector<16xi32>
          %mul3A_529 = arith.constant 3200 : i32
          %mul3A_530 = vector.broadcast %mul3A_529 : i32 to vector<16xi32>
          %mul3A_531 = arith.muli %and3A_519, %mul3A_530 : vector<16xi32>
          %add3A_532 = arith.addi %mul3A_528, %mul3A_531 : vector<16xi32>
          %add3A_533 = arith.addi %add3A_532, %sub3A_504 : vector<16xi32>
          %mul3A_534 = arith.constant 3200 : i32
          %mul3A_535 = vector.broadcast %mul3A_534 : i32 to vector<16xi32>
          %mul3A_536 = arith.muli %shift_right_arithmetic3A_522, %mul3A_535 : vector<16xi32>
          %add3A_537 = arith.constant 57600 : i32
          %add3A_538 = vector.broadcast %add3A_537 : i32 to vector<16xi32>
          %add3A_539 = arith.addi %sub3A_504, %add3A_538 : vector<16xi32>
          %add3A_540 = arith.addi %mul3A_536, %add3A_539 : vector<16xi32>
          %add3A_541 = arith.constant 89600 : i32
          %add3A_542 = vector.broadcast %add3A_541 : i32 to vector<16xi32>
          %add3A_543 = arith.addi %sub3A_504, %add3A_542 : vector<16xi32>
          %add3A_544 = arith.addi %mul3A_525, %add3A_543 : vector<16xi32>
          tpu.vector_store_idx %arg10[%add3A_533], %get3A_497 masked %lt3A_507 {add = true} : memref<96000xf32, #tpu.memory_space<vmem>>[vector<16xi32>], vector<16xf32>, vector<16xi1>
          %add3A_545 = arith.constant 3200 : i32
          %add3A_546 = vector.broadcast %add3A_545 : i32 to vector<16xi32>
          %add3A_547 = arith.addi %add3A_533, %add3A_546 : vector<16xi32>
          tpu.vector_store_idx %arg10[%add3A_547], %get3A_499 masked %lt3A_507 {add = true} : memref<96000xf32, #tpu.memory_space<vmem>>[vector<16xi32>], vector<16xf32>, vector<16xi1>
          tpu.vector_store_idx %arg10[%add3A_540], %broadcast_in_dim3A_3 masked %lt3A_507 {add = true} : memref<96000xf32, #tpu.memory_space<vmem>>[vector<16xi32>], vector<16xf32>, vector<16xi1>
          tpu.vector_store_idx %arg10[%add3A_544], %broadcast_in_dim3A_3 masked %lt3A_507 {add = true} : memref<96000xf32, #tpu.memory_space<vmem>>[vector<16xi32>], vector<16xf32>, vector<16xi1>
          %scan3A_548 = arith.constant 0 : i32
          %scan3A_549 = arith.constant 5 : i32
          %scan3A_550 = arith.addi %scan3A_250, %scan3A_549 : i32
          %mul3A_551 = arith.constant 16 : i32
          %mul3A_552 = arith.muli %scan3A_550, %mul3A_551 : i32
          %add3A_553 = arith.addi %mul3A_220, %mul3A_552 : i32
          %get3A_554 = arith.index_cast %add3A_553 : i32 to index
          %get3A_555 = tpu.vector_load %arg7[%get3A_554] {strides = array<i32>} : memref<4000xi32, #tpu.memory_space<vmem>>, vector<16xi32>,
          %get3A_556 = arith.index_cast %add3A_553 : i32 to index
          %get3A_557 = tpu.vector_load %arg8[%get3A_556] {strides = array<i32>} : memref<4000xf32, #tpu.memory_space<vmem>>, vector<16xf32>,
          %get3A_558 = arith.index_cast %add3A_553 : i32 to index
          %get3A_559 = tpu.vector_load %arg9[%get3A_558] {strides = array<i32>} : memref<4000xf32, #tpu.memory_space<vmem>>, vector<16xf32>,
          %and3A_560 = arith.constant 524287 : i32
          %and3A_561 = vector.broadcast %and3A_560 : i32 to vector<16xi32>
          %and3A_562 = arith.andi %get3A_555, %and3A_561 : vector<16xi32>
          %sub3A_563 = vector.broadcast %add3A_67 : i32 to vector<16xi32>
          %sub3A_564 = arith.subi %and3A_562, %sub3A_563 : vector<16xi32>
          %lt3A_565 = arith.constant 3200 : i32
          %lt3A_566 = vector.broadcast %lt3A_565 : i32 to vector<16xi32>
          %lt3A_567 = arith.cmpi ult, %sub3A_564, %lt3A_566 : vector<16xi32>
          %shift_right_arithmetic3A_568 = arith.constant 19 : i32
          %shift_right_arithmetic3A_569 = vector.broadcast %shift_right_arithmetic3A_568 : i32 to vector<16xi32>
          %shift_right_arithmetic3A_570 = arith.shrsi %get3A_555, %shift_right_arithmetic3A_569 : vector<16xi32>
          %and3A_571 = arith.constant 1 : i32
          %and3A_572 = vector.broadcast %and3A_571 : i32 to vector<16xi32>
          %and3A_573 = arith.andi %shift_right_arithmetic3A_570, %and3A_572 : vector<16xi32>
          %shift_right_arithmetic3A_574 = arith.constant 20 : i32
          %shift_right_arithmetic3A_575 = vector.broadcast %shift_right_arithmetic3A_574 : i32 to vector<16xi32>
          %shift_right_arithmetic3A_576 = arith.shrsi %get3A_555, %shift_right_arithmetic3A_575 : vector<16xi32>
          %and3A_577 = arith.constant 15 : i32
          %and3A_578 = vector.broadcast %and3A_577 : i32 to vector<16xi32>
          %and3A_579 = arith.andi %shift_right_arithmetic3A_576, %and3A_578 : vector<16xi32>
          %shift_right_arithmetic3A_580 = arith.constant 24 : i32
          %shift_right_arithmetic3A_581 = vector.broadcast %shift_right_arithmetic3A_580 : i32 to vector<16xi32>
          %shift_right_arithmetic3A_582 = arith.shrsi %get3A_555, %shift_right_arithmetic3A_581 : vector<16xi32>
          %mul3A_583 = arith.constant 3200 : i32
          %mul3A_584 = vector.broadcast %mul3A_583 : i32 to vector<16xi32>
          %mul3A_585 = arith.muli %and3A_573, %mul3A_584 : vector<16xi32>
          %mul3A_586 = arith.constant 9 : i32
          %mul3A_587 = vector.broadcast %mul3A_586 : i32 to vector<16xi32>
          %mul3A_588 = arith.muli %mul3A_585, %mul3A_587 : vector<16xi32>
          %mul3A_589 = arith.constant 3200 : i32
          %mul3A_590 = vector.broadcast %mul3A_589 : i32 to vector<16xi32>
          %mul3A_591 = arith.muli %and3A_579, %mul3A_590 : vector<16xi32>
          %add3A_592 = arith.addi %mul3A_588, %mul3A_591 : vector<16xi32>
          %add3A_593 = arith.addi %add3A_592, %sub3A_564 : vector<16xi32>
          %mul3A_594 = arith.constant 3200 : i32
          %mul3A_595 = vector.broadcast %mul3A_594 : i32 to vector<16xi32>
          %mul3A_596 = arith.muli %shift_right_arithmetic3A_582, %mul3A_595 : vector<16xi32>
          %add3A_597 = arith.constant 57600 : i32
          %add3A_598 = vector.broadcast %add3A_597 : i32 to vector<16xi32>
          %add3A_599 = arith.addi %sub3A_564, %add3A_598 : vector<16xi32>
          %add3A_600 = arith.addi %mul3A_596, %add3A_599 : vector<16xi32>
          %add3A_601 = arith.constant 89600 : i32
          %add3A_602 = vector.broadcast %add3A_601 : i32 to vector<16xi32>
          %add3A_603 = arith.addi %sub3A_564, %add3A_602 : vector<16xi32>
          %add3A_604 = arith.addi %mul3A_585, %add3A_603 : vector<16xi32>
          tpu.vector_store_idx %arg10[%add3A_593], %get3A_557 masked %lt3A_567 {add = true} : memref<96000xf32, #tpu.memory_space<vmem>>[vector<16xi32>], vector<16xf32>, vector<16xi1>
          %add3A_605 = arith.constant 3200 : i32
          %add3A_606 = vector.broadcast %add3A_605 : i32 to vector<16xi32>
          %add3A_607 = arith.addi %add3A_593, %add3A_606 : vector<16xi32>
          tpu.vector_store_idx %arg10[%add3A_607], %get3A_559 masked %lt3A_567 {add = true} : memref<96000xf32, #tpu.memory_space<vmem>>[vector<16xi32>], vector<16xf32>, vector<16xi1>
          tpu.vector_store_idx %arg10[%add3A_600], %broadcast_in_dim3A_3 masked %lt3A_567 {add = true} : memref<96000xf32, #tpu.memory_space<vmem>>[vector<16xi32>], vector<16xf32>, vector<16xi1>
          tpu.vector_store_idx %arg10[%add3A_604], %broadcast_in_dim3A_3 masked %lt3A_567 {add = true} : memref<96000xf32, #tpu.memory_space<vmem>>[vector<16xi32>], vector<16xf32>, vector<16xi1>
          %scan3A_608 = arith.constant 0 : i32
          %scan3A_609 = arith.constant 6 : i32
          %scan3A_610 = arith.addi %scan3A_250, %scan3A_609 : i32
          %mul3A_611 = arith.constant 16 : i32
          %mul3A_612 = arith.muli %scan3A_610, %mul3A_611 : i32
          %add3A_613 = arith.addi %mul3A_220, %mul3A_612 : i32
          %get3A_614 = arith.index_cast %add3A_613 : i32 to index
          %get3A_615 = tpu.vector_load %arg7[%get3A_614] {strides = array<i32>} : memref<4000xi32, #tpu.memory_space<vmem>>, vector<16xi32>,
          %get3A_616 = arith.index_cast %add3A_613 : i32 to index
          %get3A_617 = tpu.vector_load %arg8[%get3A_616] {strides = array<i32>} : memref<4000xf32, #tpu.memory_space<vmem>>, vector<16xf32>,
          %get3A_618 = arith.index_cast %add3A_613 : i32 to index
          %get3A_619 = tpu.vector_load %arg9[%get3A_618] {strides = array<i32>} : memref<4000xf32, #tpu.memory_space<vmem>>, vector<16xf32>,
          %and3A_620 = arith.constant 524287 : i32
          %and3A_621 = vector.broadcast %and3A_620 : i32 to vector<16xi32>
          %and3A_622 = arith.andi %get3A_615, %and3A_621 : vector<16xi32>
          %sub3A_623 = vector.broadcast %add3A_67 : i32 to vector<16xi32>
          %sub3A_624 = arith.subi %and3A_622, %sub3A_623 : vector<16xi32>
          %lt3A_625 = arith.constant 3200 : i32
          %lt3A_626 = vector.broadcast %lt3A_625 : i32 to vector<16xi32>
          %lt3A_627 = arith.cmpi ult, %sub3A_624, %lt3A_626 : vector<16xi32>
          %shift_right_arithmetic3A_628 = arith.constant 19 : i32
          %shift_right_arithmetic3A_629 = vector.broadcast %shift_right_arithmetic3A_628 : i32 to vector<16xi32>
          %shift_right_arithmetic3A_630 = arith.shrsi %get3A_615, %shift_right_arithmetic3A_629 : vector<16xi32>
          %and3A_631 = arith.constant 1 : i32
          %and3A_632 = vector.broadcast %and3A_631 : i32 to vector<16xi32>
          %and3A_633 = arith.andi %shift_right_arithmetic3A_630, %and3A_632 : vector<16xi32>
          %shift_right_arithmetic3A_634 = arith.constant 20 : i32
          %shift_right_arithmetic3A_635 = vector.broadcast %shift_right_arithmetic3A_634 : i32 to vector<16xi32>
          %shift_right_arithmetic3A_636 = arith.shrsi %get3A_615, %shift_right_arithmetic3A_635 : vector<16xi32>
          %and3A_637 = arith.constant 15 : i32
          %and3A_638 = vector.broadcast %and3A_637 : i32 to vector<16xi32>
          %and3A_639 = arith.andi %shift_right_arithmetic3A_636, %and3A_638 : vector<16xi32>
          %shift_right_arithmetic3A_640 = arith.constant 24 : i32
          %shift_right_arithmetic3A_641 = vector.broadcast %shift_right_arithmetic3A_640 : i32 to vector<16xi32>
          %shift_right_arithmetic3A_642 = arith.shrsi %get3A_615, %shift_right_arithmetic3A_641 : vector<16xi32>
          %mul3A_643 = arith.constant 3200 : i32
          %mul3A_644 = vector.broadcast %mul3A_643 : i32 to vector<16xi32>
          %mul3A_645 = arith.muli %and3A_633, %mul3A_644 : vector<16xi32>
          %mul3A_646 = arith.constant 9 : i32
          %mul3A_647 = vector.broadcast %mul3A_646 : i32 to vector<16xi32>
          %mul3A_648 = arith.muli %mul3A_645, %mul3A_647 : vector<16xi32>
          %mul3A_649 = arith.constant 3200 : i32
          %mul3A_650 = vector.broadcast %mul3A_649 : i32 to vector<16xi32>
          %mul3A_651 = arith.muli %and3A_639, %mul3A_650 : vector<16xi32>
          %add3A_652 = arith.addi %mul3A_648, %mul3A_651 : vector<16xi32>
          %add3A_653 = arith.addi %add3A_652, %sub3A_624 : vector<16xi32>
          %mul3A_654 = arith.constant 3200 : i32
          %mul3A_655 = vector.broadcast %mul3A_654 : i32 to vector<16xi32>
          %mul3A_656 = arith.muli %shift_right_arithmetic3A_642, %mul3A_655 : vector<16xi32>
          %add3A_657 = arith.constant 57600 : i32
          %add3A_658 = vector.broadcast %add3A_657 : i32 to vector<16xi32>
          %add3A_659 = arith.addi %sub3A_624, %add3A_658 : vector<16xi32>
          %add3A_660 = arith.addi %mul3A_656, %add3A_659 : vector<16xi32>
          %add3A_661 = arith.constant 89600 : i32
          %add3A_662 = vector.broadcast %add3A_661 : i32 to vector<16xi32>
          %add3A_663 = arith.addi %sub3A_624, %add3A_662 : vector<16xi32>
          %add3A_664 = arith.addi %mul3A_645, %add3A_663 : vector<16xi32>
          tpu.vector_store_idx %arg10[%add3A_653], %get3A_617 masked %lt3A_627 {add = true} : memref<96000xf32, #tpu.memory_space<vmem>>[vector<16xi32>], vector<16xf32>, vector<16xi1>
          %add3A_665 = arith.constant 3200 : i32
          %add3A_666 = vector.broadcast %add3A_665 : i32 to vector<16xi32>
          %add3A_667 = arith.addi %add3A_653, %add3A_666 : vector<16xi32>
          tpu.vector_store_idx %arg10[%add3A_667], %get3A_619 masked %lt3A_627 {add = true} : memref<96000xf32, #tpu.memory_space<vmem>>[vector<16xi32>], vector<16xf32>, vector<16xi1>
          tpu.vector_store_idx %arg10[%add3A_660], %broadcast_in_dim3A_3 masked %lt3A_627 {add = true} : memref<96000xf32, #tpu.memory_space<vmem>>[vector<16xi32>], vector<16xf32>, vector<16xi1>
          tpu.vector_store_idx %arg10[%add3A_664], %broadcast_in_dim3A_3 masked %lt3A_627 {add = true} : memref<96000xf32, #tpu.memory_space<vmem>>[vector<16xi32>], vector<16xf32>, vector<16xi1>
          %scan3A_668 = arith.constant 0 : i32
          %scan3A_669 = arith.constant 7 : i32
          %scan3A_670 = arith.addi %scan3A_250, %scan3A_669 : i32
          %mul3A_671 = arith.constant 16 : i32
          %mul3A_672 = arith.muli %scan3A_670, %mul3A_671 : i32
          %add3A_673 = arith.addi %mul3A_220, %mul3A_672 : i32
          %get3A_674 = arith.index_cast %add3A_673 : i32 to index
          %get3A_675 = tpu.vector_load %arg7[%get3A_674] {strides = array<i32>} : memref<4000xi32, #tpu.memory_space<vmem>>, vector<16xi32>,
          %get3A_676 = arith.index_cast %add3A_673 : i32 to index
          %get3A_677 = tpu.vector_load %arg8[%get3A_676] {strides = array<i32>} : memref<4000xf32, #tpu.memory_space<vmem>>, vector<16xf32>,
          %get3A_678 = arith.index_cast %add3A_673 : i32 to index
          %get3A_679 = tpu.vector_load %arg9[%get3A_678] {strides = array<i32>} : memref<4000xf32, #tpu.memory_space<vmem>>, vector<16xf32>,
          %and3A_680 = arith.constant 524287 : i32
          %and3A_681 = vector.broadcast %and3A_680 : i32 to vector<16xi32>
          %and3A_682 = arith.andi %get3A_675, %and3A_681 : vector<16xi32>
          %sub3A_683 = vector.broadcast %add3A_67 : i32 to vector<16xi32>
          %sub3A_684 = arith.subi %and3A_682, %sub3A_683 : vector<16xi32>
          %lt3A_685 = arith.constant 3200 : i32
          %lt3A_686 = vector.broadcast %lt3A_685 : i32 to vector<16xi32>
          %lt3A_687 = arith.cmpi ult, %sub3A_684, %lt3A_686 : vector<16xi32>
          %shift_right_arithmetic3A_688 = arith.constant 19 : i32
          %shift_right_arithmetic3A_689 = vector.broadcast %shift_right_arithmetic3A_688 : i32 to vector<16xi32>
          %shift_right_arithmetic3A_690 = arith.shrsi %get3A_675, %shift_right_arithmetic3A_689 : vector<16xi32>
          %and3A_691 = arith.constant 1 : i32
          %and3A_692 = vector.broadcast %and3A_691 : i32 to vector<16xi32>
          %and3A_693 = arith.andi %shift_right_arithmetic3A_690, %and3A_692 : vector<16xi32>
          %shift_right_arithmetic3A_694 = arith.constant 20 : i32
          %shift_right_arithmetic3A_695 = vector.broadcast %shift_right_arithmetic3A_694 : i32 to vector<16xi32>
          %shift_right_arithmetic3A_696 = arith.shrsi %get3A_675, %shift_right_arithmetic3A_695 : vector<16xi32>
          %and3A_697 = arith.constant 15 : i32
          %and3A_698 = vector.broadcast %and3A_697 : i32 to vector<16xi32>
          %and3A_699 = arith.andi %shift_right_arithmetic3A_696, %and3A_698 : vector<16xi32>
          %shift_right_arithmetic3A_700 = arith.constant 24 : i32
          %shift_right_arithmetic3A_701 = vector.broadcast %shift_right_arithmetic3A_700 : i32 to vector<16xi32>
          %shift_right_arithmetic3A_702 = arith.shrsi %get3A_675, %shift_right_arithmetic3A_701 : vector<16xi32>
          %mul3A_703 = arith.constant 3200 : i32
          %mul3A_704 = vector.broadcast %mul3A_703 : i32 to vector<16xi32>
          %mul3A_705 = arith.muli %and3A_693, %mul3A_704 : vector<16xi32>
          %mul3A_706 = arith.constant 9 : i32
          %mul3A_707 = vector.broadcast %mul3A_706 : i32 to vector<16xi32>
          %mul3A_708 = arith.muli %mul3A_705, %mul3A_707 : vector<16xi32>
          %mul3A_709 = arith.constant 3200 : i32
          %mul3A_710 = vector.broadcast %mul3A_709 : i32 to vector<16xi32>
          %mul3A_711 = arith.muli %and3A_699, %mul3A_710 : vector<16xi32>
          %add3A_712 = arith.addi %mul3A_708, %mul3A_711 : vector<16xi32>
          %add3A_713 = arith.addi %add3A_712, %sub3A_684 : vector<16xi32>
          %mul3A_714 = arith.constant 3200 : i32
          %mul3A_715 = vector.broadcast %mul3A_714 : i32 to vector<16xi32>
          %mul3A_716 = arith.muli %shift_right_arithmetic3A_702, %mul3A_715 : vector<16xi32>
          %add3A_717 = arith.constant 57600 : i32
          %add3A_718 = vector.broadcast %add3A_717 : i32 to vector<16xi32>
          %add3A_719 = arith.addi %sub3A_684, %add3A_718 : vector<16xi32>
          %add3A_720 = arith.addi %mul3A_716, %add3A_719 : vector<16xi32>
          %add3A_721 = arith.constant 89600 : i32
          %add3A_722 = vector.broadcast %add3A_721 : i32 to vector<16xi32>
          %add3A_723 = arith.addi %sub3A_684, %add3A_722 : vector<16xi32>
          %add3A_724 = arith.addi %mul3A_705, %add3A_723 : vector<16xi32>
          tpu.vector_store_idx %arg10[%add3A_713], %get3A_677 masked %lt3A_687 {add = true} : memref<96000xf32, #tpu.memory_space<vmem>>[vector<16xi32>], vector<16xf32>, vector<16xi1>
          %add3A_725 = arith.constant 3200 : i32
          %add3A_726 = vector.broadcast %add3A_725 : i32 to vector<16xi32>
          %add3A_727 = arith.addi %add3A_713, %add3A_726 : vector<16xi32>
          tpu.vector_store_idx %arg10[%add3A_727], %get3A_679 masked %lt3A_687 {add = true} : memref<96000xf32, #tpu.memory_space<vmem>>[vector<16xi32>], vector<16xf32>, vector<16xi1>
          tpu.vector_store_idx %arg10[%add3A_720], %broadcast_in_dim3A_3 masked %lt3A_687 {add = true} : memref<96000xf32, #tpu.memory_space<vmem>>[vector<16xi32>], vector<16xf32>, vector<16xi1>
          tpu.vector_store_idx %arg10[%add3A_724], %broadcast_in_dim3A_3 masked %lt3A_687 {add = true} : memref<96000xf32, #tpu.memory_space<vmem>>[vector<16xi32>], vector<16xf32>, vector<16xi1>
          %scan3A_728 = arith.constant 0 : i32
          %scan3A_729 = arith.constant 8 : i32
          %scan3A_730 = arith.addi %scan3A_250, %scan3A_729 : i32
          %mul3A_731 = arith.constant 16 : i32
          %mul3A_732 = arith.muli %scan3A_730, %mul3A_731 : i32
          %add3A_733 = arith.addi %mul3A_220, %mul3A_732 : i32
          %get3A_734 = arith.index_cast %add3A_733 : i32 to index
          %get3A_735 = tpu.vector_load %arg7[%get3A_734] {strides = array<i32>} : memref<4000xi32, #tpu.memory_space<vmem>>, vector<16xi32>,
          %get3A_736 = arith.index_cast %add3A_733 : i32 to index
          %get3A_737 = tpu.vector_load %arg8[%get3A_736] {strides = array<i32>} : memref<4000xf32, #tpu.memory_space<vmem>>, vector<16xf32>,
          %get3A_738 = arith.index_cast %add3A_733 : i32 to index
          %get3A_739 = tpu.vector_load %arg9[%get3A_738] {strides = array<i32>} : memref<4000xf32, #tpu.memory_space<vmem>>, vector<16xf32>,
          %and3A_740 = arith.constant 524287 : i32
          %and3A_741 = vector.broadcast %and3A_740 : i32 to vector<16xi32>
          %and3A_742 = arith.andi %get3A_735, %and3A_741 : vector<16xi32>
          %sub3A_743 = vector.broadcast %add3A_67 : i32 to vector<16xi32>
          %sub3A_744 = arith.subi %and3A_742, %sub3A_743 : vector<16xi32>
          %lt3A_745 = arith.constant 3200 : i32
          %lt3A_746 = vector.broadcast %lt3A_745 : i32 to vector<16xi32>
          %lt3A_747 = arith.cmpi ult, %sub3A_744, %lt3A_746 : vector<16xi32>
          %shift_right_arithmetic3A_748 = arith.constant 19 : i32
          %shift_right_arithmetic3A_749 = vector.broadcast %shift_right_arithmetic3A_748 : i32 to vector<16xi32>
          %shift_right_arithmetic3A_750 = arith.shrsi %get3A_735, %shift_right_arithmetic3A_749 : vector<16xi32>
          %and3A_751 = arith.constant 1 : i32
          %and3A_752 = vector.broadcast %and3A_751 : i32 to vector<16xi32>
          %and3A_753 = arith.andi %shift_right_arithmetic3A_750, %and3A_752 : vector<16xi32>
          %shift_right_arithmetic3A_754 = arith.constant 20 : i32
          %shift_right_arithmetic3A_755 = vector.broadcast %shift_right_arithmetic3A_754 : i32 to vector<16xi32>
          %shift_right_arithmetic3A_756 = arith.shrsi %get3A_735, %shift_right_arithmetic3A_755 : vector<16xi32>
          %and3A_757 = arith.constant 15 : i32
          %and3A_758 = vector.broadcast %and3A_757 : i32 to vector<16xi32>
          %and3A_759 = arith.andi %shift_right_arithmetic3A_756, %and3A_758 : vector<16xi32>
          %shift_right_arithmetic3A_760 = arith.constant 24 : i32
          %shift_right_arithmetic3A_761 = vector.broadcast %shift_right_arithmetic3A_760 : i32 to vector<16xi32>
          %shift_right_arithmetic3A_762 = arith.shrsi %get3A_735, %shift_right_arithmetic3A_761 : vector<16xi32>
          %mul3A_763 = arith.constant 3200 : i32
          %mul3A_764 = vector.broadcast %mul3A_763 : i32 to vector<16xi32>
          %mul3A_765 = arith.muli %and3A_753, %mul3A_764 : vector<16xi32>
          %mul3A_766 = arith.constant 9 : i32
          %mul3A_767 = vector.broadcast %mul3A_766 : i32 to vector<16xi32>
          %mul3A_768 = arith.muli %mul3A_765, %mul3A_767 : vector<16xi32>
          %mul3A_769 = arith.constant 3200 : i32
          %mul3A_770 = vector.broadcast %mul3A_769 : i32 to vector<16xi32>
          %mul3A_771 = arith.muli %and3A_759, %mul3A_770 : vector<16xi32>
          %add3A_772 = arith.addi %mul3A_768, %mul3A_771 : vector<16xi32>
          %add3A_773 = arith.addi %add3A_772, %sub3A_744 : vector<16xi32>
          %mul3A_774 = arith.constant 3200 : i32
          %mul3A_775 = vector.broadcast %mul3A_774 : i32 to vector<16xi32>
          %mul3A_776 = arith.muli %shift_right_arithmetic3A_762, %mul3A_775 : vector<16xi32>
          %add3A_777 = arith.constant 57600 : i32
          %add3A_778 = vector.broadcast %add3A_777 : i32 to vector<16xi32>
          %add3A_779 = arith.addi %sub3A_744, %add3A_778 : vector<16xi32>
          %add3A_780 = arith.addi %mul3A_776, %add3A_779 : vector<16xi32>
          %add3A_781 = arith.constant 89600 : i32
          %add3A_782 = vector.broadcast %add3A_781 : i32 to vector<16xi32>
          %add3A_783 = arith.addi %sub3A_744, %add3A_782 : vector<16xi32>
          %add3A_784 = arith.addi %mul3A_765, %add3A_783 : vector<16xi32>
          tpu.vector_store_idx %arg10[%add3A_773], %get3A_737 masked %lt3A_747 {add = true} : memref<96000xf32, #tpu.memory_space<vmem>>[vector<16xi32>], vector<16xf32>, vector<16xi1>
          %add3A_785 = arith.constant 3200 : i32
          %add3A_786 = vector.broadcast %add3A_785 : i32 to vector<16xi32>
          %add3A_787 = arith.addi %add3A_773, %add3A_786 : vector<16xi32>
          tpu.vector_store_idx %arg10[%add3A_787], %get3A_739 masked %lt3A_747 {add = true} : memref<96000xf32, #tpu.memory_space<vmem>>[vector<16xi32>], vector<16xf32>, vector<16xi1>
          tpu.vector_store_idx %arg10[%add3A_780], %broadcast_in_dim3A_3 masked %lt3A_747 {add = true} : memref<96000xf32, #tpu.memory_space<vmem>>[vector<16xi32>], vector<16xf32>, vector<16xi1>
          tpu.vector_store_idx %arg10[%add3A_784], %broadcast_in_dim3A_3 masked %lt3A_747 {add = true} : memref<96000xf32, #tpu.memory_space<vmem>>[vector<16xi32>], vector<16xf32>, vector<16xi1>
          %scan3A_788 = arith.constant 0 : i32
          %scan3A_789 = arith.constant 9 : i32
          %scan3A_790 = arith.addi %scan3A_250, %scan3A_789 : i32
          %mul3A_791 = arith.constant 16 : i32
          %mul3A_792 = arith.muli %scan3A_790, %mul3A_791 : i32
          %add3A_793 = arith.addi %mul3A_220, %mul3A_792 : i32
          %get3A_794 = arith.index_cast %add3A_793 : i32 to index
          %get3A_795 = tpu.vector_load %arg7[%get3A_794] {strides = array<i32>} : memref<4000xi32, #tpu.memory_space<vmem>>, vector<16xi32>,
          %get3A_796 = arith.index_cast %add3A_793 : i32 to index
          %get3A_797 = tpu.vector_load %arg8[%get3A_796] {strides = array<i32>} : memref<4000xf32, #tpu.memory_space<vmem>>, vector<16xf32>,
          %get3A_798 = arith.index_cast %add3A_793 : i32 to index
          %get3A_799 = tpu.vector_load %arg9[%get3A_798] {strides = array<i32>} : memref<4000xf32, #tpu.memory_space<vmem>>, vector<16xf32>,
          %and3A_800 = arith.constant 524287 : i32
          %and3A_801 = vector.broadcast %and3A_800 : i32 to vector<16xi32>
          %and3A_802 = arith.andi %get3A_795, %and3A_801 : vector<16xi32>
          %sub3A_803 = vector.broadcast %add3A_67 : i32 to vector<16xi32>
          %sub3A_804 = arith.subi %and3A_802, %sub3A_803 : vector<16xi32>
          %lt3A_805 = arith.constant 3200 : i32
          %lt3A_806 = vector.broadcast %lt3A_805 : i32 to vector<16xi32>
          %lt3A_807 = arith.cmpi ult, %sub3A_804, %lt3A_806 : vector<16xi32>
          %shift_right_arithmetic3A_808 = arith.constant 19 : i32
          %shift_right_arithmetic3A_809 = vector.broadcast %shift_right_arithmetic3A_808 : i32 to vector<16xi32>
          %shift_right_arithmetic3A_810 = arith.shrsi %get3A_795, %shift_right_arithmetic3A_809 : vector<16xi32>
          %and3A_811 = arith.constant 1 : i32
          %and3A_812 = vector.broadcast %and3A_811 : i32 to vector<16xi32>
          %and3A_813 = arith.andi %shift_right_arithmetic3A_810, %and3A_812 : vector<16xi32>
          %shift_right_arithmetic3A_814 = arith.constant 20 : i32
          %shift_right_arithmetic3A_815 = vector.broadcast %shift_right_arithmetic3A_814 : i32 to vector<16xi32>
          %shift_right_arithmetic3A_816 = arith.shrsi %get3A_795, %shift_right_arithmetic3A_815 : vector<16xi32>
          %and3A_817 = arith.constant 15 : i32
          %and3A_818 = vector.broadcast %and3A_817 : i32 to vector<16xi32>
          %and3A_819 = arith.andi %shift_right_arithmetic3A_816, %and3A_818 : vector<16xi32>
          %shift_right_arithmetic3A_820 = arith.constant 24 : i32
          %shift_right_arithmetic3A_821 = vector.broadcast %shift_right_arithmetic3A_820 : i32 to vector<16xi32>
          %shift_right_arithmetic3A_822 = arith.shrsi %get3A_795, %shift_right_arithmetic3A_821 : vector<16xi32>
          %mul3A_823 = arith.constant 3200 : i32
          %mul3A_824 = vector.broadcast %mul3A_823 : i32 to vector<16xi32>
          %mul3A_825 = arith.muli %and3A_813, %mul3A_824 : vector<16xi32>
          %mul3A_826 = arith.constant 9 : i32
          %mul3A_827 = vector.broadcast %mul3A_826 : i32 to vector<16xi32>
          %mul3A_828 = arith.muli %mul3A_825, %mul3A_827 : vector<16xi32>
          %mul3A_829 = arith.constant 3200 : i32
          %mul3A_830 = vector.broadcast %mul3A_829 : i32 to vector<16xi32>
          %mul3A_831 = arith.muli %and3A_819, %mul3A_830 : vector<16xi32>
          %add3A_832 = arith.addi %mul3A_828, %mul3A_831 : vector<16xi32>
          %add3A_833 = arith.addi %add3A_832, %sub3A_804 : vector<16xi32>
          %mul3A_834 = arith.constant 3200 : i32
          %mul3A_835 = vector.broadcast %mul3A_834 : i32 to vector<16xi32>
          %mul3A_836 = arith.muli %shift_right_arithmetic3A_822, %mul3A_835 : vector<16xi32>
          %add3A_837 = arith.constant 57600 : i32
          %add3A_838 = vector.broadcast %add3A_837 : i32 to vector<16xi32>
          %add3A_839 = arith.addi %sub3A_804, %add3A_838 : vector<16xi32>
          %add3A_840 = arith.addi %mul3A_836, %add3A_839 : vector<16xi32>
          %add3A_841 = arith.constant 89600 : i32
          %add3A_842 = vector.broadcast %add3A_841 : i32 to vector<16xi32>
          %add3A_843 = arith.addi %sub3A_804, %add3A_842 : vector<16xi32>
          %add3A_844 = arith.addi %mul3A_825, %add3A_843 : vector<16xi32>
          tpu.vector_store_idx %arg10[%add3A_833], %get3A_797 masked %lt3A_807 {add = true} : memref<96000xf32, #tpu.memory_space<vmem>>[vector<16xi32>], vector<16xf32>, vector<16xi1>
          %add3A_845 = arith.constant 3200 : i32
          %add3A_846 = vector.broadcast %add3A_845 : i32 to vector<16xi32>
          %add3A_847 = arith.addi %add3A_833, %add3A_846 : vector<16xi32>
          tpu.vector_store_idx %arg10[%add3A_847], %get3A_799 masked %lt3A_807 {add = true} : memref<96000xf32, #tpu.memory_space<vmem>>[vector<16xi32>], vector<16xf32>, vector<16xi1>
          tpu.vector_store_idx %arg10[%add3A_840], %broadcast_in_dim3A_3 masked %lt3A_807 {add = true} : memref<96000xf32, #tpu.memory_space<vmem>>[vector<16xi32>], vector<16xf32>, vector<16xi1>
          tpu.vector_store_idx %arg10[%add3A_844], %broadcast_in_dim3A_3 masked %lt3A_807 {add = true} : memref<96000xf32, #tpu.memory_space<vmem>>[vector<16xi32>], vector<16xf32>, vector<16xi1>
          %scan3A_848 = arith.constant 0 : i32
          %scan3A_849 = arith.constant 10 : i32
          %scan3A_850 = arith.addi %scan3A_250, %scan3A_849 : i32
          %mul3A_851 = arith.constant 16 : i32
          %mul3A_852 = arith.muli %scan3A_850, %mul3A_851 : i32
          %add3A_853 = arith.addi %mul3A_220, %mul3A_852 : i32
          %get3A_854 = arith.index_cast %add3A_853 : i32 to index
          %get3A_855 = tpu.vector_load %arg7[%get3A_854] {strides = array<i32>} : memref<4000xi32, #tpu.memory_space<vmem>>, vector<16xi32>,
          %get3A_856 = arith.index_cast %add3A_853 : i32 to index
          %get3A_857 = tpu.vector_load %arg8[%get3A_856] {strides = array<i32>} : memref<4000xf32, #tpu.memory_space<vmem>>, vector<16xf32>,
          %get3A_858 = arith.index_cast %add3A_853 : i32 to index
          %get3A_859 = tpu.vector_load %arg9[%get3A_858] {strides = array<i32>} : memref<4000xf32, #tpu.memory_space<vmem>>, vector<16xf32>,
          %and3A_860 = arith.constant 524287 : i32
          %and3A_861 = vector.broadcast %and3A_860 : i32 to vector<16xi32>
          %and3A_862 = arith.andi %get3A_855, %and3A_861 : vector<16xi32>
          %sub3A_863 = vector.broadcast %add3A_67 : i32 to vector<16xi32>
          %sub3A_864 = arith.subi %and3A_862, %sub3A_863 : vector<16xi32>
          %lt3A_865 = arith.constant 3200 : i32
          %lt3A_866 = vector.broadcast %lt3A_865 : i32 to vector<16xi32>
          %lt3A_867 = arith.cmpi ult, %sub3A_864, %lt3A_866 : vector<16xi32>
          %shift_right_arithmetic3A_868 = arith.constant 19 : i32
          %shift_right_arithmetic3A_869 = vector.broadcast %shift_right_arithmetic3A_868 : i32 to vector<16xi32>
          %shift_right_arithmetic3A_870 = arith.shrsi %get3A_855, %shift_right_arithmetic3A_869 : vector<16xi32>
          %and3A_871 = arith.constant 1 : i32
          %and3A_872 = vector.broadcast %and3A_871 : i32 to vector<16xi32>
          %and3A_873 = arith.andi %shift_right_arithmetic3A_870, %and3A_872 : vector<16xi32>
          %shift_right_arithmetic3A_874 = arith.constant 20 : i32
          %shift_right_arithmetic3A_875 = vector.broadcast %shift_right_arithmetic3A_874 : i32 to vector<16xi32>
          %shift_right_arithmetic3A_876 = arith.shrsi %get3A_855, %shift_right_arithmetic3A_875 : vector<16xi32>
          %and3A_877 = arith.constant 15 : i32
          %and3A_878 = vector.broadcast %and3A_877 : i32 to vector<16xi32>
          %and3A_879 = arith.andi %shift_right_arithmetic3A_876, %and3A_878 : vector<16xi32>
          %shift_right_arithmetic3A_880 = arith.constant 24 : i32
          %shift_right_arithmetic3A_881 = vector.broadcast %shift_right_arithmetic3A_880 : i32 to vector<16xi32>
          %shift_right_arithmetic3A_882 = arith.shrsi %get3A_855, %shift_right_arithmetic3A_881 : vector<16xi32>
          %mul3A_883 = arith.constant 3200 : i32
          %mul3A_884 = vector.broadcast %mul3A_883 : i32 to vector<16xi32>
          %mul3A_885 = arith.muli %and3A_873, %mul3A_884 : vector<16xi32>
          %mul3A_886 = arith.constant 9 : i32
          %mul3A_887 = vector.broadcast %mul3A_886 : i32 to vector<16xi32>
          %mul3A_888 = arith.muli %mul3A_885, %mul3A_887 : vector<16xi32>
          %mul3A_889 = arith.constant 3200 : i32
          %mul3A_890 = vector.broadcast %mul3A_889 : i32 to vector<16xi32>
          %mul3A_891 = arith.muli %and3A_879, %mul3A_890 : vector<16xi32>
          %add3A_892 = arith.addi %mul3A_888, %mul3A_891 : vector<16xi32>
          %add3A_893 = arith.addi %add3A_892, %sub3A_864 : vector<16xi32>
          %mul3A_894 = arith.constant 3200 : i32
          %mul3A_895 = vector.broadcast %mul3A_894 : i32 to vector<16xi32>
          %mul3A_896 = arith.muli %shift_right_arithmetic3A_882, %mul3A_895 : vector<16xi32>
          %add3A_897 = arith.constant 57600 : i32
          %add3A_898 = vector.broadcast %add3A_897 : i32 to vector<16xi32>
          %add3A_899 = arith.addi %sub3A_864, %add3A_898 : vector<16xi32>
          %add3A_900 = arith.addi %mul3A_896, %add3A_899 : vector<16xi32>
          %add3A_901 = arith.constant 89600 : i32
          %add3A_902 = vector.broadcast %add3A_901 : i32 to vector<16xi32>
          %add3A_903 = arith.addi %sub3A_864, %add3A_902 : vector<16xi32>
          %add3A_904 = arith.addi %mul3A_885, %add3A_903 : vector<16xi32>
          tpu.vector_store_idx %arg10[%add3A_893], %get3A_857 masked %lt3A_867 {add = true} : memref<96000xf32, #tpu.memory_space<vmem>>[vector<16xi32>], vector<16xf32>, vector<16xi1>
          %add3A_905 = arith.constant 3200 : i32
          %add3A_906 = vector.broadcast %add3A_905 : i32 to vector<16xi32>
          %add3A_907 = arith.addi %add3A_893, %add3A_906 : vector<16xi32>
          tpu.vector_store_idx %arg10[%add3A_907], %get3A_859 masked %lt3A_867 {add = true} : memref<96000xf32, #tpu.memory_space<vmem>>[vector<16xi32>], vector<16xf32>, vector<16xi1>
          tpu.vector_store_idx %arg10[%add3A_900], %broadcast_in_dim3A_3 masked %lt3A_867 {add = true} : memref<96000xf32, #tpu.memory_space<vmem>>[vector<16xi32>], vector<16xf32>, vector<16xi1>
          tpu.vector_store_idx %arg10[%add3A_904], %broadcast_in_dim3A_3 masked %lt3A_867 {add = true} : memref<96000xf32, #tpu.memory_space<vmem>>[vector<16xi32>], vector<16xf32>, vector<16xi1>
          %scan3A_908 = arith.constant 0 : i32
          %scan3A_909 = arith.constant 11 : i32
          %scan3A_910 = arith.addi %scan3A_250, %scan3A_909 : i32
          %mul3A_911 = arith.constant 16 : i32
          %mul3A_912 = arith.muli %scan3A_910, %mul3A_911 : i32
          %add3A_913 = arith.addi %mul3A_220, %mul3A_912 : i32
          %get3A_914 = arith.index_cast %add3A_913 : i32 to index
          %get3A_915 = tpu.vector_load %arg7[%get3A_914] {strides = array<i32>} : memref<4000xi32, #tpu.memory_space<vmem>>, vector<16xi32>,
          %get3A_916 = arith.index_cast %add3A_913 : i32 to index
          %get3A_917 = tpu.vector_load %arg8[%get3A_916] {strides = array<i32>} : memref<4000xf32, #tpu.memory_space<vmem>>, vector<16xf32>,
          %get3A_918 = arith.index_cast %add3A_913 : i32 to index
          %get3A_919 = tpu.vector_load %arg9[%get3A_918] {strides = array<i32>} : memref<4000xf32, #tpu.memory_space<vmem>>, vector<16xf32>,
          %and3A_920 = arith.constant 524287 : i32
          %and3A_921 = vector.broadcast %and3A_920 : i32 to vector<16xi32>
          %and3A_922 = arith.andi %get3A_915, %and3A_921 : vector<16xi32>
          %sub3A_923 = vector.broadcast %add3A_67 : i32 to vector<16xi32>
          %sub3A_924 = arith.subi %and3A_922, %sub3A_923 : vector<16xi32>
          %lt3A_925 = arith.constant 3200 : i32
          %lt3A_926 = vector.broadcast %lt3A_925 : i32 to vector<16xi32>
          %lt3A_927 = arith.cmpi ult, %sub3A_924, %lt3A_926 : vector<16xi32>
          %shift_right_arithmetic3A_928 = arith.constant 19 : i32
          %shift_right_arithmetic3A_929 = vector.broadcast %shift_right_arithmetic3A_928 : i32 to vector<16xi32>
          %shift_right_arithmetic3A_930 = arith.shrsi %get3A_915, %shift_right_arithmetic3A_929 : vector<16xi32>
          %and3A_931 = arith.constant 1 : i32
          %and3A_932 = vector.broadcast %and3A_931 : i32 to vector<16xi32>
          %and3A_933 = arith.andi %shift_right_arithmetic3A_930, %and3A_932 : vector<16xi32>
          %shift_right_arithmetic3A_934 = arith.constant 20 : i32
          %shift_right_arithmetic3A_935 = vector.broadcast %shift_right_arithmetic3A_934 : i32 to vector<16xi32>
          %shift_right_arithmetic3A_936 = arith.shrsi %get3A_915, %shift_right_arithmetic3A_935 : vector<16xi32>
          %and3A_937 = arith.constant 15 : i32
          %and3A_938 = vector.broadcast %and3A_937 : i32 to vector<16xi32>
          %and3A_939 = arith.andi %shift_right_arithmetic3A_936, %and3A_938 : vector<16xi32>
          %shift_right_arithmetic3A_940 = arith.constant 24 : i32
          %shift_right_arithmetic3A_941 = vector.broadcast %shift_right_arithmetic3A_940 : i32 to vector<16xi32>
          %shift_right_arithmetic3A_942 = arith.shrsi %get3A_915, %shift_right_arithmetic3A_941 : vector<16xi32>
          %mul3A_943 = arith.constant 3200 : i32
          %mul3A_944 = vector.broadcast %mul3A_943 : i32 to vector<16xi32>
          %mul3A_945 = arith.muli %and3A_933, %mul3A_944 : vector<16xi32>
          %mul3A_946 = arith.constant 9 : i32
          %mul3A_947 = vector.broadcast %mul3A_946 : i32 to vector<16xi32>
          %mul3A_948 = arith.muli %mul3A_945, %mul3A_947 : vector<16xi32>
          %mul3A_949 = arith.constant 3200 : i32
          %mul3A_950 = vector.broadcast %mul3A_949 : i32 to vector<16xi32>
          %mul3A_951 = arith.muli %and3A_939, %mul3A_950 : vector<16xi32>
          %add3A_952 = arith.addi %mul3A_948, %mul3A_951 : vector<16xi32>
          %add3A_953 = arith.addi %add3A_952, %sub3A_924 : vector<16xi32>
          %mul3A_954 = arith.constant 3200 : i32
          %mul3A_955 = vector.broadcast %mul3A_954 : i32 to vector<16xi32>
          %mul3A_956 = arith.muli %shift_right_arithmetic3A_942, %mul3A_955 : vector<16xi32>
          %add3A_957 = arith.constant 57600 : i32
          %add3A_958 = vector.broadcast %add3A_957 : i32 to vector<16xi32>
          %add3A_959 = arith.addi %sub3A_924, %add3A_958 : vector<16xi32>
          %add3A_960 = arith.addi %mul3A_956, %add3A_959 : vector<16xi32>
          %add3A_961 = arith.constant 89600 : i32
          %add3A_962 = vector.broadcast %add3A_961 : i32 to vector<16xi32>
          %add3A_963 = arith.addi %sub3A_924, %add3A_962 : vector<16xi32>
          %add3A_964 = arith.addi %mul3A_945, %add3A_963 : vector<16xi32>
          tpu.vector_store_idx %arg10[%add3A_953], %get3A_917 masked %lt3A_927 {add = true} : memref<96000xf32, #tpu.memory_space<vmem>>[vector<16xi32>], vector<16xf32>, vector<16xi1>
          %add3A_965 = arith.constant 3200 : i32
          %add3A_966 = vector.broadcast %add3A_965 : i32 to vector<16xi32>
          %add3A_967 = arith.addi %add3A_953, %add3A_966 : vector<16xi32>
          tpu.vector_store_idx %arg10[%add3A_967], %get3A_919 masked %lt3A_927 {add = true} : memref<96000xf32, #tpu.memory_space<vmem>>[vector<16xi32>], vector<16xf32>, vector<16xi1>
          tpu.vector_store_idx %arg10[%add3A_960], %broadcast_in_dim3A_3 masked %lt3A_927 {add = true} : memref<96000xf32, #tpu.memory_space<vmem>>[vector<16xi32>], vector<16xf32>, vector<16xi1>
          tpu.vector_store_idx %arg10[%add3A_964], %broadcast_in_dim3A_3 masked %lt3A_927 {add = true} : memref<96000xf32, #tpu.memory_space<vmem>>[vector<16xi32>], vector<16xf32>, vector<16xi1>
          %scan3A_968 = arith.constant 0 : i32
          %scan3A_969 = arith.constant 12 : i32
          %scan3A_970 = arith.addi %scan3A_250, %scan3A_969 : i32
          %mul3A_971 = arith.constant 16 : i32
          %mul3A_972 = arith.muli %scan3A_970, %mul3A_971 : i32
          %add3A_973 = arith.addi %mul3A_220, %mul3A_972 : i32
          %get3A_974 = arith.index_cast %add3A_973 : i32 to index
          %get3A_975 = tpu.vector_load %arg7[%get3A_974] {strides = array<i32>} : memref<4000xi32, #tpu.memory_space<vmem>>, vector<16xi32>,
          %get3A_976 = arith.index_cast %add3A_973 : i32 to index
          %get3A_977 = tpu.vector_load %arg8[%get3A_976] {strides = array<i32>} : memref<4000xf32, #tpu.memory_space<vmem>>, vector<16xf32>,
          %get3A_978 = arith.index_cast %add3A_973 : i32 to index
          %get3A_979 = tpu.vector_load %arg9[%get3A_978] {strides = array<i32>} : memref<4000xf32, #tpu.memory_space<vmem>>, vector<16xf32>,
          %and3A_980 = arith.constant 524287 : i32
          %and3A_981 = vector.broadcast %and3A_980 : i32 to vector<16xi32>
          %and3A_982 = arith.andi %get3A_975, %and3A_981 : vector<16xi32>
          %sub3A_983 = vector.broadcast %add3A_67 : i32 to vector<16xi32>
          %sub3A_984 = arith.subi %and3A_982, %sub3A_983 : vector<16xi32>
          %lt3A_985 = arith.constant 3200 : i32
          %lt3A_986 = vector.broadcast %lt3A_985 : i32 to vector<16xi32>
          %lt3A_987 = arith.cmpi ult, %sub3A_984, %lt3A_986 : vector<16xi32>
          %shift_right_arithmetic3A_988 = arith.constant 19 : i32
          %shift_right_arithmetic3A_989 = vector.broadcast %shift_right_arithmetic3A_988 : i32 to vector<16xi32>
          %shift_right_arithmetic3A_990 = arith.shrsi %get3A_975, %shift_right_arithmetic3A_989 : vector<16xi32>
          %and3A_991 = arith.constant 1 : i32
          %and3A_992 = vector.broadcast %and3A_991 : i32 to vector<16xi32>
          %and3A_993 = arith.andi %shift_right_arithmetic3A_990, %and3A_992 : vector<16xi32>
          %shift_right_arithmetic3A_994 = arith.constant 20 : i32
          %shift_right_arithmetic3A_995 = vector.broadcast %shift_right_arithmetic3A_994 : i32 to vector<16xi32>
          %shift_right_arithmetic3A_996 = arith.shrsi %get3A_975, %shift_right_arithmetic3A_995 : vector<16xi32>
          %and3A_997 = arith.constant 15 : i32
          %and3A_998 = vector.broadcast %and3A_997 : i32 to vector<16xi32>
          %and3A_999 = arith.andi %shift_right_arithmetic3A_996, %and3A_998 : vector<16xi32>
          %shift_right_arithmetic3A_1000 = arith.constant 24 : i32
          %shift_right_arithmetic3A_1001 = vector.broadcast %shift_right_arithmetic3A_1000 : i32 to vector<16xi32>
          %shift_right_arithmetic3A_1002 = arith.shrsi %get3A_975, %shift_right_arithmetic3A_1001 : vector<16xi32>
          %mul3A_1003 = arith.constant 3200 : i32
          %mul3A_1004 = vector.broadcast %mul3A_1003 : i32 to vector<16xi32>
          %mul3A_1005 = arith.muli %and3A_993, %mul3A_1004 : vector<16xi32>
          %mul3A_1006 = arith.constant 9 : i32
          %mul3A_1007 = vector.broadcast %mul3A_1006 : i32 to vector<16xi32>
          %mul3A_1008 = arith.muli %mul3A_1005, %mul3A_1007 : vector<16xi32>
          %mul3A_1009 = arith.constant 3200 : i32
          %mul3A_1010 = vector.broadcast %mul3A_1009 : i32 to vector<16xi32>
          %mul3A_1011 = arith.muli %and3A_999, %mul3A_1010 : vector<16xi32>
          %add3A_1012 = arith.addi %mul3A_1008, %mul3A_1011 : vector<16xi32>
          %add3A_1013 = arith.addi %add3A_1012, %sub3A_984 : vector<16xi32>
          %mul3A_1014 = arith.constant 3200 : i32
          %mul3A_1015 = vector.broadcast %mul3A_1014 : i32 to vector<16xi32>
          %mul3A_1016 = arith.muli %shift_right_arithmetic3A_1002, %mul3A_1015 : vector<16xi32>
          %add3A_1017 = arith.constant 57600 : i32
          %add3A_1018 = vector.broadcast %add3A_1017 : i32 to vector<16xi32>
          %add3A_1019 = arith.addi %sub3A_984, %add3A_1018 : vector<16xi32>
          %add3A_1020 = arith.addi %mul3A_1016, %add3A_1019 : vector<16xi32>
          %add3A_1021 = arith.constant 89600 : i32
          %add3A_1022 = vector.broadcast %add3A_1021 : i32 to vector<16xi32>
          %add3A_1023 = arith.addi %sub3A_984, %add3A_1022 : vector<16xi32>
          %add3A_1024 = arith.addi %mul3A_1005, %add3A_1023 : vector<16xi32>
          tpu.vector_store_idx %arg10[%add3A_1013], %get3A_977 masked %lt3A_987 {add = true} : memref<96000xf32, #tpu.memory_space<vmem>>[vector<16xi32>], vector<16xf32>, vector<16xi1>
          %add3A_1025 = arith.constant 3200 : i32
          %add3A_1026 = vector.broadcast %add3A_1025 : i32 to vector<16xi32>
          %add3A_1027 = arith.addi %add3A_1013, %add3A_1026 : vector<16xi32>
          tpu.vector_store_idx %arg10[%add3A_1027], %get3A_979 masked %lt3A_987 {add = true} : memref<96000xf32, #tpu.memory_space<vmem>>[vector<16xi32>], vector<16xf32>, vector<16xi1>
          tpu.vector_store_idx %arg10[%add3A_1020], %broadcast_in_dim3A_3 masked %lt3A_987 {add = true} : memref<96000xf32, #tpu.memory_space<vmem>>[vector<16xi32>], vector<16xf32>, vector<16xi1>
          tpu.vector_store_idx %arg10[%add3A_1024], %broadcast_in_dim3A_3 masked %lt3A_987 {add = true} : memref<96000xf32, #tpu.memory_space<vmem>>[vector<16xi32>], vector<16xf32>, vector<16xi1>
          %scan3A_1028 = arith.constant 0 : i32
          %scan3A_1029 = arith.constant 13 : i32
          %scan3A_1030 = arith.addi %scan3A_250, %scan3A_1029 : i32
          %mul3A_1031 = arith.constant 16 : i32
          %mul3A_1032 = arith.muli %scan3A_1030, %mul3A_1031 : i32
          %add3A_1033 = arith.addi %mul3A_220, %mul3A_1032 : i32
          %get3A_1034 = arith.index_cast %add3A_1033 : i32 to index
          %get3A_1035 = tpu.vector_load %arg7[%get3A_1034] {strides = array<i32>} : memref<4000xi32, #tpu.memory_space<vmem>>, vector<16xi32>,
          %get3A_1036 = arith.index_cast %add3A_1033 : i32 to index
          %get3A_1037 = tpu.vector_load %arg8[%get3A_1036] {strides = array<i32>} : memref<4000xf32, #tpu.memory_space<vmem>>, vector<16xf32>,
          %get3A_1038 = arith.index_cast %add3A_1033 : i32 to index
          %get3A_1039 = tpu.vector_load %arg9[%get3A_1038] {strides = array<i32>} : memref<4000xf32, #tpu.memory_space<vmem>>, vector<16xf32>,
          %and3A_1040 = arith.constant 524287 : i32
          %and3A_1041 = vector.broadcast %and3A_1040 : i32 to vector<16xi32>
          %and3A_1042 = arith.andi %get3A_1035, %and3A_1041 : vector<16xi32>
          %sub3A_1043 = vector.broadcast %add3A_67 : i32 to vector<16xi32>
          %sub3A_1044 = arith.subi %and3A_1042, %sub3A_1043 : vector<16xi32>
          %lt3A_1045 = arith.constant 3200 : i32
          %lt3A_1046 = vector.broadcast %lt3A_1045 : i32 to vector<16xi32>
          %lt3A_1047 = arith.cmpi ult, %sub3A_1044, %lt3A_1046 : vector<16xi32>
          %shift_right_arithmetic3A_1048 = arith.constant 19 : i32
          %shift_right_arithmetic3A_1049 = vector.broadcast %shift_right_arithmetic3A_1048 : i32 to vector<16xi32>
          %shift_right_arithmetic3A_1050 = arith.shrsi %get3A_1035, %shift_right_arithmetic3A_1049 : vector<16xi32>
          %and3A_1051 = arith.constant 1 : i32
          %and3A_1052 = vector.broadcast %and3A_1051 : i32 to vector<16xi32>
          %and3A_1053 = arith.andi %shift_right_arithmetic3A_1050, %and3A_1052 : vector<16xi32>
          %shift_right_arithmetic3A_1054 = arith.constant 20 : i32
          %shift_right_arithmetic3A_1055 = vector.broadcast %shift_right_arithmetic3A_1054 : i32 to vector<16xi32>
          %shift_right_arithmetic3A_1056 = arith.shrsi %get3A_1035, %shift_right_arithmetic3A_1055 : vector<16xi32>
          %and3A_1057 = arith.constant 15 : i32
          %and3A_1058 = vector.broadcast %and3A_1057 : i32 to vector<16xi32>
          %and3A_1059 = arith.andi %shift_right_arithmetic3A_1056, %and3A_1058 : vector<16xi32>
          %shift_right_arithmetic3A_1060 = arith.constant 24 : i32
          %shift_right_arithmetic3A_1061 = vector.broadcast %shift_right_arithmetic3A_1060 : i32 to vector<16xi32>
          %shift_right_arithmetic3A_1062 = arith.shrsi %get3A_1035, %shift_right_arithmetic3A_1061 : vector<16xi32>
          %mul3A_1063 = arith.constant 3200 : i32
          %mul3A_1064 = vector.broadcast %mul3A_1063 : i32 to vector<16xi32>
          %mul3A_1065 = arith.muli %and3A_1053, %mul3A_1064 : vector<16xi32>
          %mul3A_1066 = arith.constant 9 : i32
          %mul3A_1067 = vector.broadcast %mul3A_1066 : i32 to vector<16xi32>
          %mul3A_1068 = arith.muli %mul3A_1065, %mul3A_1067 : vector<16xi32>
          %mul3A_1069 = arith.constant 3200 : i32
          %mul3A_1070 = vector.broadcast %mul3A_1069 : i32 to vector<16xi32>
          %mul3A_1071 = arith.muli %and3A_1059, %mul3A_1070 : vector<16xi32>
          %add3A_1072 = arith.addi %mul3A_1068, %mul3A_1071 : vector<16xi32>
          %add3A_1073 = arith.addi %add3A_1072, %sub3A_1044 : vector<16xi32>
          %mul3A_1074 = arith.constant 3200 : i32
          %mul3A_1075 = vector.broadcast %mul3A_1074 : i32 to vector<16xi32>
          %mul3A_1076 = arith.muli %shift_right_arithmetic3A_1062, %mul3A_1075 : vector<16xi32>
          %add3A_1077 = arith.constant 57600 : i32
          %add3A_1078 = vector.broadcast %add3A_1077 : i32 to vector<16xi32>
          %add3A_1079 = arith.addi %sub3A_1044, %add3A_1078 : vector<16xi32>
          %add3A_1080 = arith.addi %mul3A_1076, %add3A_1079 : vector<16xi32>
          %add3A_1081 = arith.constant 89600 : i32
          %add3A_1082 = vector.broadcast %add3A_1081 : i32 to vector<16xi32>
          %add3A_1083 = arith.addi %sub3A_1044, %add3A_1082 : vector<16xi32>
          %add3A_1084 = arith.addi %mul3A_1065, %add3A_1083 : vector<16xi32>
          tpu.vector_store_idx %arg10[%add3A_1073], %get3A_1037 masked %lt3A_1047 {add = true} : memref<96000xf32, #tpu.memory_space<vmem>>[vector<16xi32>], vector<16xf32>, vector<16xi1>
          %add3A_1085 = arith.constant 3200 : i32
          %add3A_1086 = vector.broadcast %add3A_1085 : i32 to vector<16xi32>
          %add3A_1087 = arith.addi %add3A_1073, %add3A_1086 : vector<16xi32>
          tpu.vector_store_idx %arg10[%add3A_1087], %get3A_1039 masked %lt3A_1047 {add = true} : memref<96000xf32, #tpu.memory_space<vmem>>[vector<16xi32>], vector<16xf32>, vector<16xi1>
          tpu.vector_store_idx %arg10[%add3A_1080], %broadcast_in_dim3A_3 masked %lt3A_1047 {add = true} : memref<96000xf32, #tpu.memory_space<vmem>>[vector<16xi32>], vector<16xf32>, vector<16xi1>
          tpu.vector_store_idx %arg10[%add3A_1084], %broadcast_in_dim3A_3 masked %lt3A_1047 {add = true} : memref<96000xf32, #tpu.memory_space<vmem>>[vector<16xi32>], vector<16xf32>, vector<16xi1>
          %scan3A_1088 = arith.constant 0 : i32
          %scan3A_1089 = arith.constant 14 : i32
          %scan3A_1090 = arith.addi %scan3A_250, %scan3A_1089 : i32
          %mul3A_1091 = arith.constant 16 : i32
          %mul3A_1092 = arith.muli %scan3A_1090, %mul3A_1091 : i32
          %add3A_1093 = arith.addi %mul3A_220, %mul3A_1092 : i32
          %get3A_1094 = arith.index_cast %add3A_1093 : i32 to index
          %get3A_1095 = tpu.vector_load %arg7[%get3A_1094] {strides = array<i32>} : memref<4000xi32, #tpu.memory_space<vmem>>, vector<16xi32>,
          %get3A_1096 = arith.index_cast %add3A_1093 : i32 to index
          %get3A_1097 = tpu.vector_load %arg8[%get3A_1096] {strides = array<i32>} : memref<4000xf32, #tpu.memory_space<vmem>>, vector<16xf32>,
          %get3A_1098 = arith.index_cast %add3A_1093 : i32 to index
          %get3A_1099 = tpu.vector_load %arg9[%get3A_1098] {strides = array<i32>} : memref<4000xf32, #tpu.memory_space<vmem>>, vector<16xf32>,
          %and3A_1100 = arith.constant 524287 : i32
          %and3A_1101 = vector.broadcast %and3A_1100 : i32 to vector<16xi32>
          %and3A_1102 = arith.andi %get3A_1095, %and3A_1101 : vector<16xi32>
          %sub3A_1103 = vector.broadcast %add3A_67 : i32 to vector<16xi32>
          %sub3A_1104 = arith.subi %and3A_1102, %sub3A_1103 : vector<16xi32>
          %lt3A_1105 = arith.constant 3200 : i32
          %lt3A_1106 = vector.broadcast %lt3A_1105 : i32 to vector<16xi32>
          %lt3A_1107 = arith.cmpi ult, %sub3A_1104, %lt3A_1106 : vector<16xi32>
          %shift_right_arithmetic3A_1108 = arith.constant 19 : i32
          %shift_right_arithmetic3A_1109 = vector.broadcast %shift_right_arithmetic3A_1108 : i32 to vector<16xi32>
          %shift_right_arithmetic3A_1110 = arith.shrsi %get3A_1095, %shift_right_arithmetic3A_1109 : vector<16xi32>
          %and3A_1111 = arith.constant 1 : i32
          %and3A_1112 = vector.broadcast %and3A_1111 : i32 to vector<16xi32>
          %and3A_1113 = arith.andi %shift_right_arithmetic3A_1110, %and3A_1112 : vector<16xi32>
          %shift_right_arithmetic3A_1114 = arith.constant 20 : i32
          %shift_right_arithmetic3A_1115 = vector.broadcast %shift_right_arithmetic3A_1114 : i32 to vector<16xi32>
          %shift_right_arithmetic3A_1116 = arith.shrsi %get3A_1095, %shift_right_arithmetic3A_1115 : vector<16xi32>
          %and3A_1117 = arith.constant 15 : i32
          %and3A_1118 = vector.broadcast %and3A_1117 : i32 to vector<16xi32>
          %and3A_1119 = arith.andi %shift_right_arithmetic3A_1116, %and3A_1118 : vector<16xi32>
          %shift_right_arithmetic3A_1120 = arith.constant 24 : i32
          %shift_right_arithmetic3A_1121 = vector.broadcast %shift_right_arithmetic3A_1120 : i32 to vector<16xi32>
          %shift_right_arithmetic3A_1122 = arith.shrsi %get3A_1095, %shift_right_arithmetic3A_1121 : vector<16xi32>
          %mul3A_1123 = arith.constant 3200 : i32
          %mul3A_1124 = vector.broadcast %mul3A_1123 : i32 to vector<16xi32>
          %mul3A_1125 = arith.muli %and3A_1113, %mul3A_1124 : vector<16xi32>
          %mul3A_1126 = arith.constant 9 : i32
          %mul3A_1127 = vector.broadcast %mul3A_1126 : i32 to vector<16xi32>
          %mul3A_1128 = arith.muli %mul3A_1125, %mul3A_1127 : vector<16xi32>
          %mul3A_1129 = arith.constant 3200 : i32
          %mul3A_1130 = vector.broadcast %mul3A_1129 : i32 to vector<16xi32>
          %mul3A_1131 = arith.muli %and3A_1119, %mul3A_1130 : vector<16xi32>
          %add3A_1132 = arith.addi %mul3A_1128, %mul3A_1131 : vector<16xi32>
          %add3A_1133 = arith.addi %add3A_1132, %sub3A_1104 : vector<16xi32>
          %mul3A_1134 = arith.constant 3200 : i32
          %mul3A_1135 = vector.broadcast %mul3A_1134 : i32 to vector<16xi32>
          %mul3A_1136 = arith.muli %shift_right_arithmetic3A_1122, %mul3A_1135 : vector<16xi32>
          %add3A_1137 = arith.constant 57600 : i32
          %add3A_1138 = vector.broadcast %add3A_1137 : i32 to vector<16xi32>
          %add3A_1139 = arith.addi %sub3A_1104, %add3A_1138 : vector<16xi32>
          %add3A_1140 = arith.addi %mul3A_1136, %add3A_1139 : vector<16xi32>
          %add3A_1141 = arith.constant 89600 : i32
          %add3A_1142 = vector.broadcast %add3A_1141 : i32 to vector<16xi32>
          %add3A_1143 = arith.addi %sub3A_1104, %add3A_1142 : vector<16xi32>
          %add3A_1144 = arith.addi %mul3A_1125, %add3A_1143 : vector<16xi32>
          tpu.vector_store_idx %arg10[%add3A_1133], %get3A_1097 masked %lt3A_1107 {add = true} : memref<96000xf32, #tpu.memory_space<vmem>>[vector<16xi32>], vector<16xf32>, vector<16xi1>
          %add3A_1145 = arith.constant 3200 : i32
          %add3A_1146 = vector.broadcast %add3A_1145 : i32 to vector<16xi32>
          %add3A_1147 = arith.addi %add3A_1133, %add3A_1146 : vector<16xi32>
          tpu.vector_store_idx %arg10[%add3A_1147], %get3A_1099 masked %lt3A_1107 {add = true} : memref<96000xf32, #tpu.memory_space<vmem>>[vector<16xi32>], vector<16xf32>, vector<16xi1>
          tpu.vector_store_idx %arg10[%add3A_1140], %broadcast_in_dim3A_3 masked %lt3A_1107 {add = true} : memref<96000xf32, #tpu.memory_space<vmem>>[vector<16xi32>], vector<16xf32>, vector<16xi1>
          tpu.vector_store_idx %arg10[%add3A_1144], %broadcast_in_dim3A_3 masked %lt3A_1107 {add = true} : memref<96000xf32, #tpu.memory_space<vmem>>[vector<16xi32>], vector<16xf32>, vector<16xi1>
          %scan3A_1148 = arith.constant 0 : i32
          %scan3A_1149 = arith.constant 15 : i32
          %scan3A_1150 = arith.addi %scan3A_250, %scan3A_1149 : i32
          %mul3A_1151 = arith.constant 16 : i32
          %mul3A_1152 = arith.muli %scan3A_1150, %mul3A_1151 : i32
          %add3A_1153 = arith.addi %mul3A_220, %mul3A_1152 : i32
          %get3A_1154 = arith.index_cast %add3A_1153 : i32 to index
          %get3A_1155 = tpu.vector_load %arg7[%get3A_1154] {strides = array<i32>} : memref<4000xi32, #tpu.memory_space<vmem>>, vector<16xi32>,
          %get3A_1156 = arith.index_cast %add3A_1153 : i32 to index
          %get3A_1157 = tpu.vector_load %arg8[%get3A_1156] {strides = array<i32>} : memref<4000xf32, #tpu.memory_space<vmem>>, vector<16xf32>,
          %get3A_1158 = arith.index_cast %add3A_1153 : i32 to index
          %get3A_1159 = tpu.vector_load %arg9[%get3A_1158] {strides = array<i32>} : memref<4000xf32, #tpu.memory_space<vmem>>, vector<16xf32>,
          %and3A_1160 = arith.constant 524287 : i32
          %and3A_1161 = vector.broadcast %and3A_1160 : i32 to vector<16xi32>
          %and3A_1162 = arith.andi %get3A_1155, %and3A_1161 : vector<16xi32>
          %sub3A_1163 = vector.broadcast %add3A_67 : i32 to vector<16xi32>
          %sub3A_1164 = arith.subi %and3A_1162, %sub3A_1163 : vector<16xi32>
          %lt3A_1165 = arith.constant 3200 : i32
          %lt3A_1166 = vector.broadcast %lt3A_1165 : i32 to vector<16xi32>
          %lt3A_1167 = arith.cmpi ult, %sub3A_1164, %lt3A_1166 : vector<16xi32>
          %shift_right_arithmetic3A_1168 = arith.constant 19 : i32
          %shift_right_arithmetic3A_1169 = vector.broadcast %shift_right_arithmetic3A_1168 : i32 to vector<16xi32>
          %shift_right_arithmetic3A_1170 = arith.shrsi %get3A_1155, %shift_right_arithmetic3A_1169 : vector<16xi32>
          %and3A_1171 = arith.constant 1 : i32
          %and3A_1172 = vector.broadcast %and3A_1171 : i32 to vector<16xi32>
          %and3A_1173 = arith.andi %shift_right_arithmetic3A_1170, %and3A_1172 : vector<16xi32>
          %shift_right_arithmetic3A_1174 = arith.constant 20 : i32
          %shift_right_arithmetic3A_1175 = vector.broadcast %shift_right_arithmetic3A_1174 : i32 to vector<16xi32>
          %shift_right_arithmetic3A_1176 = arith.shrsi %get3A_1155, %shift_right_arithmetic3A_1175 : vector<16xi32>
          %and3A_1177 = arith.constant 15 : i32
          %and3A_1178 = vector.broadcast %and3A_1177 : i32 to vector<16xi32>
          %and3A_1179 = arith.andi %shift_right_arithmetic3A_1176, %and3A_1178 : vector<16xi32>
          %shift_right_arithmetic3A_1180 = arith.constant 24 : i32
          %shift_right_arithmetic3A_1181 = vector.broadcast %shift_right_arithmetic3A_1180 : i32 to vector<16xi32>
          %shift_right_arithmetic3A_1182 = arith.shrsi %get3A_1155, %shift_right_arithmetic3A_1181 : vector<16xi32>
          %mul3A_1183 = arith.constant 3200 : i32
          %mul3A_1184 = vector.broadcast %mul3A_1183 : i32 to vector<16xi32>
          %mul3A_1185 = arith.muli %and3A_1173, %mul3A_1184 : vector<16xi32>
          %mul3A_1186 = arith.constant 9 : i32
          %mul3A_1187 = vector.broadcast %mul3A_1186 : i32 to vector<16xi32>
          %mul3A_1188 = arith.muli %mul3A_1185, %mul3A_1187 : vector<16xi32>
          %mul3A_1189 = arith.constant 3200 : i32
          %mul3A_1190 = vector.broadcast %mul3A_1189 : i32 to vector<16xi32>
          %mul3A_1191 = arith.muli %and3A_1179, %mul3A_1190 : vector<16xi32>
          %add3A_1192 = arith.addi %mul3A_1188, %mul3A_1191 : vector<16xi32>
          %add3A_1193 = arith.addi %add3A_1192, %sub3A_1164 : vector<16xi32>
          %mul3A_1194 = arith.constant 3200 : i32
          %mul3A_1195 = vector.broadcast %mul3A_1194 : i32 to vector<16xi32>
          %mul3A_1196 = arith.muli %shift_right_arithmetic3A_1182, %mul3A_1195 : vector<16xi32>
          %add3A_1197 = arith.constant 57600 : i32
          %add3A_1198 = vector.broadcast %add3A_1197 : i32 to vector<16xi32>
          %add3A_1199 = arith.addi %sub3A_1164, %add3A_1198 : vector<16xi32>
          %add3A_1200 = arith.addi %mul3A_1196, %add3A_1199 : vector<16xi32>
          %add3A_1201 = arith.constant 89600 : i32
          %add3A_1202 = vector.broadcast %add3A_1201 : i32 to vector<16xi32>
          %add3A_1203 = arith.addi %sub3A_1164, %add3A_1202 : vector<16xi32>
          %add3A_1204 = arith.addi %mul3A_1185, %add3A_1203 : vector<16xi32>
          tpu.vector_store_idx %arg10[%add3A_1193], %get3A_1157 masked %lt3A_1167 {add = true} : memref<96000xf32, #tpu.memory_space<vmem>>[vector<16xi32>], vector<16xf32>, vector<16xi1>
          %add3A_1205 = arith.constant 3200 : i32
          %add3A_1206 = vector.broadcast %add3A_1205 : i32 to vector<16xi32>
          %add3A_1207 = arith.addi %add3A_1193, %add3A_1206 : vector<16xi32>
          tpu.vector_store_idx %arg10[%add3A_1207], %get3A_1159 masked %lt3A_1167 {add = true} : memref<96000xf32, #tpu.memory_space<vmem>>[vector<16xi32>], vector<16xf32>, vector<16xi1>
          tpu.vector_store_idx %arg10[%add3A_1200], %broadcast_in_dim3A_3 masked %lt3A_1167 {add = true} : memref<96000xf32, #tpu.memory_space<vmem>>[vector<16xi32>], vector<16xf32>, vector<16xi1>
          tpu.vector_store_idx %arg10[%add3A_1204], %broadcast_in_dim3A_3 masked %lt3A_1167 {add = true} : memref<96000xf32, #tpu.memory_space<vmem>>[vector<16xi32>], vector<16xf32>, vector<16xi1>
          %scan3A_1208 = arith.constant 0 : i32
          %scan3A_1209 = arith.constant 16 : i32
          %scan3A_1210 = arith.addi %scan3A_250, %scan3A_1209 : i32
          %mul3A_1211 = arith.constant 16 : i32
          %mul3A_1212 = arith.muli %scan3A_1210, %mul3A_1211 : i32
          %add3A_1213 = arith.addi %mul3A_220, %mul3A_1212 : i32
          %get3A_1214 = arith.index_cast %add3A_1213 : i32 to index
          %get3A_1215 = tpu.vector_load %arg7[%get3A_1214] {strides = array<i32>} : memref<4000xi32, #tpu.memory_space<vmem>>, vector<16xi32>,
          %get3A_1216 = arith.index_cast %add3A_1213 : i32 to index
          %get3A_1217 = tpu.vector_load %arg8[%get3A_1216] {strides = array<i32>} : memref<4000xf32, #tpu.memory_space<vmem>>, vector<16xf32>,
          %get3A_1218 = arith.index_cast %add3A_1213 : i32 to index
          %get3A_1219 = tpu.vector_load %arg9[%get3A_1218] {strides = array<i32>} : memref<4000xf32, #tpu.memory_space<vmem>>, vector<16xf32>,
          %and3A_1220 = arith.constant 524287 : i32
          %and3A_1221 = vector.broadcast %and3A_1220 : i32 to vector<16xi32>
          %and3A_1222 = arith.andi %get3A_1215, %and3A_1221 : vector<16xi32>
          %sub3A_1223 = vector.broadcast %add3A_67 : i32 to vector<16xi32>
          %sub3A_1224 = arith.subi %and3A_1222, %sub3A_1223 : vector<16xi32>
          %lt3A_1225 = arith.constant 3200 : i32
          %lt3A_1226 = vector.broadcast %lt3A_1225 : i32 to vector<16xi32>
          %lt3A_1227 = arith.cmpi ult, %sub3A_1224, %lt3A_1226 : vector<16xi32>
          %shift_right_arithmetic3A_1228 = arith.constant 19 : i32
          %shift_right_arithmetic3A_1229 = vector.broadcast %shift_right_arithmetic3A_1228 : i32 to vector<16xi32>
          %shift_right_arithmetic3A_1230 = arith.shrsi %get3A_1215, %shift_right_arithmetic3A_1229 : vector<16xi32>
          %and3A_1231 = arith.constant 1 : i32
          %and3A_1232 = vector.broadcast %and3A_1231 : i32 to vector<16xi32>
          %and3A_1233 = arith.andi %shift_right_arithmetic3A_1230, %and3A_1232 : vector<16xi32>
          %shift_right_arithmetic3A_1234 = arith.constant 20 : i32
          %shift_right_arithmetic3A_1235 = vector.broadcast %shift_right_arithmetic3A_1234 : i32 to vector<16xi32>
          %shift_right_arithmetic3A_1236 = arith.shrsi %get3A_1215, %shift_right_arithmetic3A_1235 : vector<16xi32>
          %and3A_1237 = arith.constant 15 : i32
          %and3A_1238 = vector.broadcast %and3A_1237 : i32 to vector<16xi32>
          %and3A_1239 = arith.andi %shift_right_arithmetic3A_1236, %and3A_1238 : vector<16xi32>
          %shift_right_arithmetic3A_1240 = arith.constant 24 : i32
          %shift_right_arithmetic3A_1241 = vector.broadcast %shift_right_arithmetic3A_1240 : i32 to vector<16xi32>
          %shift_right_arithmetic3A_1242 = arith.shrsi %get3A_1215, %shift_right_arithmetic3A_1241 : vector<16xi32>
          %mul3A_1243 = arith.constant 3200 : i32
          %mul3A_1244 = vector.broadcast %mul3A_1243 : i32 to vector<16xi32>
          %mul3A_1245 = arith.muli %and3A_1233, %mul3A_1244 : vector<16xi32>
          %mul3A_1246 = arith.constant 9 : i32
          %mul3A_1247 = vector.broadcast %mul3A_1246 : i32 to vector<16xi32>
          %mul3A_1248 = arith.muli %mul3A_1245, %mul3A_1247 : vector<16xi32>
          %mul3A_1249 = arith.constant 3200 : i32
          %mul3A_1250 = vector.broadcast %mul3A_1249 : i32 to vector<16xi32>
          %mul3A_1251 = arith.muli %and3A_1239, %mul3A_1250 : vector<16xi32>
          %add3A_1252 = arith.addi %mul3A_1248, %mul3A_1251 : vector<16xi32>
          %add3A_1253 = arith.addi %add3A_1252, %sub3A_1224 : vector<16xi32>
          %mul3A_1254 = arith.constant 3200 : i32
          %mul3A_1255 = vector.broadcast %mul3A_1254 : i32 to vector<16xi32>
          %mul3A_1256 = arith.muli %shift_right_arithmetic3A_1242, %mul3A_1255 : vector<16xi32>
          %add3A_1257 = arith.constant 57600 : i32
          %add3A_1258 = vector.broadcast %add3A_1257 : i32 to vector<16xi32>
          %add3A_1259 = arith.addi %sub3A_1224, %add3A_1258 : vector<16xi32>
          %add3A_1260 = arith.addi %mul3A_1256, %add3A_1259 : vector<16xi32>
          %add3A_1261 = arith.constant 89600 : i32
          %add3A_1262 = vector.broadcast %add3A_1261 : i32 to vector<16xi32>
          %add3A_1263 = arith.addi %sub3A_1224, %add3A_1262 : vector<16xi32>
          %add3A_1264 = arith.addi %mul3A_1245, %add3A_1263 : vector<16xi32>
          tpu.vector_store_idx %arg10[%add3A_1253], %get3A_1217 masked %lt3A_1227 {add = true} : memref<96000xf32, #tpu.memory_space<vmem>>[vector<16xi32>], vector<16xf32>, vector<16xi1>
          %add3A_1265 = arith.constant 3200 : i32
          %add3A_1266 = vector.broadcast %add3A_1265 : i32 to vector<16xi32>
          %add3A_1267 = arith.addi %add3A_1253, %add3A_1266 : vector<16xi32>
          tpu.vector_store_idx %arg10[%add3A_1267], %get3A_1219 masked %lt3A_1227 {add = true} : memref<96000xf32, #tpu.memory_space<vmem>>[vector<16xi32>], vector<16xf32>, vector<16xi1>
          tpu.vector_store_idx %arg10[%add3A_1260], %broadcast_in_dim3A_3 masked %lt3A_1227 {add = true} : memref<96000xf32, #tpu.memory_space<vmem>>[vector<16xi32>], vector<16xf32>, vector<16xi1>
          tpu.vector_store_idx %arg10[%add3A_1264], %broadcast_in_dim3A_3 masked %lt3A_1227 {add = true} : memref<96000xf32, #tpu.memory_space<vmem>>[vector<16xi32>], vector<16xf32>, vector<16xi1>
          %scan3A_1268 = arith.constant 0 : i32
          %scan3A_1269 = arith.constant 17 : i32
          %scan3A_1270 = arith.addi %scan3A_250, %scan3A_1269 : i32
          %mul3A_1271 = arith.constant 16 : i32
          %mul3A_1272 = arith.muli %scan3A_1270, %mul3A_1271 : i32
          %add3A_1273 = arith.addi %mul3A_220, %mul3A_1272 : i32
          %get3A_1274 = arith.index_cast %add3A_1273 : i32 to index
          %get3A_1275 = tpu.vector_load %arg7[%get3A_1274] {strides = array<i32>} : memref<4000xi32, #tpu.memory_space<vmem>>, vector<16xi32>,
          %get3A_1276 = arith.index_cast %add3A_1273 : i32 to index
          %get3A_1277 = tpu.vector_load %arg8[%get3A_1276] {strides = array<i32>} : memref<4000xf32, #tpu.memory_space<vmem>>, vector<16xf32>,
          %get3A_1278 = arith.index_cast %add3A_1273 : i32 to index
          %get3A_1279 = tpu.vector_load %arg9[%get3A_1278] {strides = array<i32>} : memref<4000xf32, #tpu.memory_space<vmem>>, vector<16xf32>,
          %and3A_1280 = arith.constant 524287 : i32
          %and3A_1281 = vector.broadcast %and3A_1280 : i32 to vector<16xi32>
          %and3A_1282 = arith.andi %get3A_1275, %and3A_1281 : vector<16xi32>
          %sub3A_1283 = vector.broadcast %add3A_67 : i32 to vector<16xi32>
          %sub3A_1284 = arith.subi %and3A_1282, %sub3A_1283 : vector<16xi32>
          %lt3A_1285 = arith.constant 3200 : i32
          %lt3A_1286 = vector.broadcast %lt3A_1285 : i32 to vector<16xi32>
          %lt3A_1287 = arith.cmpi ult, %sub3A_1284, %lt3A_1286 : vector<16xi32>
          %shift_right_arithmetic3A_1288 = arith.constant 19 : i32
          %shift_right_arithmetic3A_1289 = vector.broadcast %shift_right_arithmetic3A_1288 : i32 to vector<16xi32>
          %shift_right_arithmetic3A_1290 = arith.shrsi %get3A_1275, %shift_right_arithmetic3A_1289 : vector<16xi32>
          %and3A_1291 = arith.constant 1 : i32
          %and3A_1292 = vector.broadcast %and3A_1291 : i32 to vector<16xi32>
          %and3A_1293 = arith.andi %shift_right_arithmetic3A_1290, %and3A_1292 : vector<16xi32>
          %shift_right_arithmetic3A_1294 = arith.constant 20 : i32
          %shift_right_arithmetic3A_1295 = vector.broadcast %shift_right_arithmetic3A_1294 : i32 to vector<16xi32>
          %shift_right_arithmetic3A_1296 = arith.shrsi %get3A_1275, %shift_right_arithmetic3A_1295 : vector<16xi32>
          %and3A_1297 = arith.constant 15 : i32
          %and3A_1298 = vector.broadcast %and3A_1297 : i32 to vector<16xi32>
          %and3A_1299 = arith.andi %shift_right_arithmetic3A_1296, %and3A_1298 : vector<16xi32>
          %shift_right_arithmetic3A_1300 = arith.constant 24 : i32
          %shift_right_arithmetic3A_1301 = vector.broadcast %shift_right_arithmetic3A_1300 : i32 to vector<16xi32>
          %shift_right_arithmetic3A_1302 = arith.shrsi %get3A_1275, %shift_right_arithmetic3A_1301 : vector<16xi32>
          %mul3A_1303 = arith.constant 3200 : i32
          %mul3A_1304 = vector.broadcast %mul3A_1303 : i32 to vector<16xi32>
          %mul3A_1305 = arith.muli %and3A_1293, %mul3A_1304 : vector<16xi32>
          %mul3A_1306 = arith.constant 9 : i32
          %mul3A_1307 = vector.broadcast %mul3A_1306 : i32 to vector<16xi32>
          %mul3A_1308 = arith.muli %mul3A_1305, %mul3A_1307 : vector<16xi32>
          %mul3A_1309 = arith.constant 3200 : i32
          %mul3A_1310 = vector.broadcast %mul3A_1309 : i32 to vector<16xi32>
          %mul3A_1311 = arith.muli %and3A_1299, %mul3A_1310 : vector<16xi32>
          %add3A_1312 = arith.addi %mul3A_1308, %mul3A_1311 : vector<16xi32>
          %add3A_1313 = arith.addi %add3A_1312, %sub3A_1284 : vector<16xi32>
          %mul3A_1314 = arith.constant 3200 : i32
          %mul3A_1315 = vector.broadcast %mul3A_1314 : i32 to vector<16xi32>
          %mul3A_1316 = arith.muli %shift_right_arithmetic3A_1302, %mul3A_1315 : vector<16xi32>
          %add3A_1317 = arith.constant 57600 : i32
          %add3A_1318 = vector.broadcast %add3A_1317 : i32 to vector<16xi32>
          %add3A_1319 = arith.addi %sub3A_1284, %add3A_1318 : vector<16xi32>
          %add3A_1320 = arith.addi %mul3A_1316, %add3A_1319 : vector<16xi32>
          %add3A_1321 = arith.constant 89600 : i32
          %add3A_1322 = vector.broadcast %add3A_1321 : i32 to vector<16xi32>
          %add3A_1323 = arith.addi %sub3A_1284, %add3A_1322 : vector<16xi32>
          %add3A_1324 = arith.addi %mul3A_1305, %add3A_1323 : vector<16xi32>
          tpu.vector_store_idx %arg10[%add3A_1313], %get3A_1277 masked %lt3A_1287 {add = true} : memref<96000xf32, #tpu.memory_space<vmem>>[vector<16xi32>], vector<16xf32>, vector<16xi1>
          %add3A_1325 = arith.constant 3200 : i32
          %add3A_1326 = vector.broadcast %add3A_1325 : i32 to vector<16xi32>
          %add3A_1327 = arith.addi %add3A_1313, %add3A_1326 : vector<16xi32>
          tpu.vector_store_idx %arg10[%add3A_1327], %get3A_1279 masked %lt3A_1287 {add = true} : memref<96000xf32, #tpu.memory_space<vmem>>[vector<16xi32>], vector<16xf32>, vector<16xi1>
          tpu.vector_store_idx %arg10[%add3A_1320], %broadcast_in_dim3A_3 masked %lt3A_1287 {add = true} : memref<96000xf32, #tpu.memory_space<vmem>>[vector<16xi32>], vector<16xf32>, vector<16xi1>
          tpu.vector_store_idx %arg10[%add3A_1324], %broadcast_in_dim3A_3 masked %lt3A_1287 {add = true} : memref<96000xf32, #tpu.memory_space<vmem>>[vector<16xi32>], vector<16xf32>, vector<16xi1>
          %scan3A_1328 = arith.constant 0 : i32
          %scan3A_1329 = arith.constant 18 : i32
          %scan3A_1330 = arith.addi %scan3A_250, %scan3A_1329 : i32
          %mul3A_1331 = arith.constant 16 : i32
          %mul3A_1332 = arith.muli %scan3A_1330, %mul3A_1331 : i32
          %add3A_1333 = arith.addi %mul3A_220, %mul3A_1332 : i32
          %get3A_1334 = arith.index_cast %add3A_1333 : i32 to index
          %get3A_1335 = tpu.vector_load %arg7[%get3A_1334] {strides = array<i32>} : memref<4000xi32, #tpu.memory_space<vmem>>, vector<16xi32>,
          %get3A_1336 = arith.index_cast %add3A_1333 : i32 to index
          %get3A_1337 = tpu.vector_load %arg8[%get3A_1336] {strides = array<i32>} : memref<4000xf32, #tpu.memory_space<vmem>>, vector<16xf32>,
          %get3A_1338 = arith.index_cast %add3A_1333 : i32 to index
          %get3A_1339 = tpu.vector_load %arg9[%get3A_1338] {strides = array<i32>} : memref<4000xf32, #tpu.memory_space<vmem>>, vector<16xf32>,
          %and3A_1340 = arith.constant 524287 : i32
          %and3A_1341 = vector.broadcast %and3A_1340 : i32 to vector<16xi32>
          %and3A_1342 = arith.andi %get3A_1335, %and3A_1341 : vector<16xi32>
          %sub3A_1343 = vector.broadcast %add3A_67 : i32 to vector<16xi32>
          %sub3A_1344 = arith.subi %and3A_1342, %sub3A_1343 : vector<16xi32>
          %lt3A_1345 = arith.constant 3200 : i32
          %lt3A_1346 = vector.broadcast %lt3A_1345 : i32 to vector<16xi32>
          %lt3A_1347 = arith.cmpi ult, %sub3A_1344, %lt3A_1346 : vector<16xi32>
          %shift_right_arithmetic3A_1348 = arith.constant 19 : i32
          %shift_right_arithmetic3A_1349 = vector.broadcast %shift_right_arithmetic3A_1348 : i32 to vector<16xi32>
          %shift_right_arithmetic3A_1350 = arith.shrsi %get3A_1335, %shift_right_arithmetic3A_1349 : vector<16xi32>
          %and3A_1351 = arith.constant 1 : i32
          %and3A_1352 = vector.broadcast %and3A_1351 : i32 to vector<16xi32>
          %and3A_1353 = arith.andi %shift_right_arithmetic3A_1350, %and3A_1352 : vector<16xi32>
          %shift_right_arithmetic3A_1354 = arith.constant 20 : i32
          %shift_right_arithmetic3A_1355 = vector.broadcast %shift_right_arithmetic3A_1354 : i32 to vector<16xi32>
          %shift_right_arithmetic3A_1356 = arith.shrsi %get3A_1335, %shift_right_arithmetic3A_1355 : vector<16xi32>
          %and3A_1357 = arith.constant 15 : i32
          %and3A_1358 = vector.broadcast %and3A_1357 : i32 to vector<16xi32>
          %and3A_1359 = arith.andi %shift_right_arithmetic3A_1356, %and3A_1358 : vector<16xi32>
          %shift_right_arithmetic3A_1360 = arith.constant 24 : i32
          %shift_right_arithmetic3A_1361 = vector.broadcast %shift_right_arithmetic3A_1360 : i32 to vector<16xi32>
          %shift_right_arithmetic3A_1362 = arith.shrsi %get3A_1335, %shift_right_arithmetic3A_1361 : vector<16xi32>
          %mul3A_1363 = arith.constant 3200 : i32
          %mul3A_1364 = vector.broadcast %mul3A_1363 : i32 to vector<16xi32>
          %mul3A_1365 = arith.muli %and3A_1353, %mul3A_1364 : vector<16xi32>
          %mul3A_1366 = arith.constant 9 : i32
          %mul3A_1367 = vector.broadcast %mul3A_1366 : i32 to vector<16xi32>
          %mul3A_1368 = arith.muli %mul3A_1365, %mul3A_1367 : vector<16xi32>
          %mul3A_1369 = arith.constant 3200 : i32
          %mul3A_1370 = vector.broadcast %mul3A_1369 : i32 to vector<16xi32>
          %mul3A_1371 = arith.muli %and3A_1359, %mul3A_1370 : vector<16xi32>
          %add3A_1372 = arith.addi %mul3A_1368, %mul3A_1371 : vector<16xi32>
          %add3A_1373 = arith.addi %add3A_1372, %sub3A_1344 : vector<16xi32>
          %mul3A_1374 = arith.constant 3200 : i32
          %mul3A_1375 = vector.broadcast %mul3A_1374 : i32 to vector<16xi32>
          %mul3A_1376 = arith.muli %shift_right_arithmetic3A_1362, %mul3A_1375 : vector<16xi32>
          %add3A_1377 = arith.constant 57600 : i32
          %add3A_1378 = vector.broadcast %add3A_1377 : i32 to vector<16xi32>
          %add3A_1379 = arith.addi %sub3A_1344, %add3A_1378 : vector<16xi32>
          %add3A_1380 = arith.addi %mul3A_1376, %add3A_1379 : vector<16xi32>
          %add3A_1381 = arith.constant 89600 : i32
          %add3A_1382 = vector.broadcast %add3A_1381 : i32 to vector<16xi32>
          %add3A_1383 = arith.addi %sub3A_1344, %add3A_1382 : vector<16xi32>
          %add3A_1384 = arith.addi %mul3A_1365, %add3A_1383 : vector<16xi32>
          tpu.vector_store_idx %arg10[%add3A_1373], %get3A_1337 masked %lt3A_1347 {add = true} : memref<96000xf32, #tpu.memory_space<vmem>>[vector<16xi32>], vector<16xf32>, vector<16xi1>
          %add3A_1385 = arith.constant 3200 : i32
          %add3A_1386 = vector.broadcast %add3A_1385 : i32 to vector<16xi32>
          %add3A_1387 = arith.addi %add3A_1373, %add3A_1386 : vector<16xi32>
          tpu.vector_store_idx %arg10[%add3A_1387], %get3A_1339 masked %lt3A_1347 {add = true} : memref<96000xf32, #tpu.memory_space<vmem>>[vector<16xi32>], vector<16xf32>, vector<16xi1>
          tpu.vector_store_idx %arg10[%add3A_1380], %broadcast_in_dim3A_3 masked %lt3A_1347 {add = true} : memref<96000xf32, #tpu.memory_space<vmem>>[vector<16xi32>], vector<16xf32>, vector<16xi1>
          tpu.vector_store_idx %arg10[%add3A_1384], %broadcast_in_dim3A_3 masked %lt3A_1347 {add = true} : memref<96000xf32, #tpu.memory_space<vmem>>[vector<16xi32>], vector<16xf32>, vector<16xi1>
          %scan3A_1388 = arith.constant 0 : i32
          %scan3A_1389 = arith.constant 19 : i32
          %scan3A_1390 = arith.addi %scan3A_250, %scan3A_1389 : i32
          %mul3A_1391 = arith.constant 16 : i32
          %mul3A_1392 = arith.muli %scan3A_1390, %mul3A_1391 : i32
          %add3A_1393 = arith.addi %mul3A_220, %mul3A_1392 : i32
          %get3A_1394 = arith.index_cast %add3A_1393 : i32 to index
          %get3A_1395 = tpu.vector_load %arg7[%get3A_1394] {strides = array<i32>} : memref<4000xi32, #tpu.memory_space<vmem>>, vector<16xi32>,
          %get3A_1396 = arith.index_cast %add3A_1393 : i32 to index
          %get3A_1397 = tpu.vector_load %arg8[%get3A_1396] {strides = array<i32>} : memref<4000xf32, #tpu.memory_space<vmem>>, vector<16xf32>,
          %get3A_1398 = arith.index_cast %add3A_1393 : i32 to index
          %get3A_1399 = tpu.vector_load %arg9[%get3A_1398] {strides = array<i32>} : memref<4000xf32, #tpu.memory_space<vmem>>, vector<16xf32>,
          %and3A_1400 = arith.constant 524287 : i32
          %and3A_1401 = vector.broadcast %and3A_1400 : i32 to vector<16xi32>
          %and3A_1402 = arith.andi %get3A_1395, %and3A_1401 : vector<16xi32>
          %sub3A_1403 = vector.broadcast %add3A_67 : i32 to vector<16xi32>
          %sub3A_1404 = arith.subi %and3A_1402, %sub3A_1403 : vector<16xi32>
          %lt3A_1405 = arith.constant 3200 : i32
          %lt3A_1406 = vector.broadcast %lt3A_1405 : i32 to vector<16xi32>
          %lt3A_1407 = arith.cmpi ult, %sub3A_1404, %lt3A_1406 : vector<16xi32>
          %shift_right_arithmetic3A_1408 = arith.constant 19 : i32
          %shift_right_arithmetic3A_1409 = vector.broadcast %shift_right_arithmetic3A_1408 : i32 to vector<16xi32>
          %shift_right_arithmetic3A_1410 = arith.shrsi %get3A_1395, %shift_right_arithmetic3A_1409 : vector<16xi32>
          %and3A_1411 = arith.constant 1 : i32
          %and3A_1412 = vector.broadcast %and3A_1411 : i32 to vector<16xi32>
          %and3A_1413 = arith.andi %shift_right_arithmetic3A_1410, %and3A_1412 : vector<16xi32>
          %shift_right_arithmetic3A_1414 = arith.constant 20 : i32
          %shift_right_arithmetic3A_1415 = vector.broadcast %shift_right_arithmetic3A_1414 : i32 to vector<16xi32>
          %shift_right_arithmetic3A_1416 = arith.shrsi %get3A_1395, %shift_right_arithmetic3A_1415 : vector<16xi32>
          %and3A_1417 = arith.constant 15 : i32
          %and3A_1418 = vector.broadcast %and3A_1417 : i32 to vector<16xi32>
          %and3A_1419 = arith.andi %shift_right_arithmetic3A_1416, %and3A_1418 : vector<16xi32>
          %shift_right_arithmetic3A_1420 = arith.constant 24 : i32
          %shift_right_arithmetic3A_1421 = vector.broadcast %shift_right_arithmetic3A_1420 : i32 to vector<16xi32>
          %shift_right_arithmetic3A_1422 = arith.shrsi %get3A_1395, %shift_right_arithmetic3A_1421 : vector<16xi32>
          %mul3A_1423 = arith.constant 3200 : i32
          %mul3A_1424 = vector.broadcast %mul3A_1423 : i32 to vector<16xi32>
          %mul3A_1425 = arith.muli %and3A_1413, %mul3A_1424 : vector<16xi32>
          %mul3A_1426 = arith.constant 9 : i32
          %mul3A_1427 = vector.broadcast %mul3A_1426 : i32 to vector<16xi32>
          %mul3A_1428 = arith.muli %mul3A_1425, %mul3A_1427 : vector<16xi32>
          %mul3A_1429 = arith.constant 3200 : i32
          %mul3A_1430 = vector.broadcast %mul3A_1429 : i32 to vector<16xi32>
          %mul3A_1431 = arith.muli %and3A_1419, %mul3A_1430 : vector<16xi32>
          %add3A_1432 = arith.addi %mul3A_1428, %mul3A_1431 : vector<16xi32>
          %add3A_1433 = arith.addi %add3A_1432, %sub3A_1404 : vector<16xi32>
          %mul3A_1434 = arith.constant 3200 : i32
          %mul3A_1435 = vector.broadcast %mul3A_1434 : i32 to vector<16xi32>
          %mul3A_1436 = arith.muli %shift_right_arithmetic3A_1422, %mul3A_1435 : vector<16xi32>
          %add3A_1437 = arith.constant 57600 : i32
          %add3A_1438 = vector.broadcast %add3A_1437 : i32 to vector<16xi32>
          %add3A_1439 = arith.addi %sub3A_1404, %add3A_1438 : vector<16xi32>
          %add3A_1440 = arith.addi %mul3A_1436, %add3A_1439 : vector<16xi32>
          %add3A_1441 = arith.constant 89600 : i32
          %add3A_1442 = vector.broadcast %add3A_1441 : i32 to vector<16xi32>
          %add3A_1443 = arith.addi %sub3A_1404, %add3A_1442 : vector<16xi32>
          %add3A_1444 = arith.addi %mul3A_1425, %add3A_1443 : vector<16xi32>
          tpu.vector_store_idx %arg10[%add3A_1433], %get3A_1397 masked %lt3A_1407 {add = true} : memref<96000xf32, #tpu.memory_space<vmem>>[vector<16xi32>], vector<16xf32>, vector<16xi1>
          %add3A_1445 = arith.constant 3200 : i32
          %add3A_1446 = vector.broadcast %add3A_1445 : i32 to vector<16xi32>
          %add3A_1447 = arith.addi %add3A_1433, %add3A_1446 : vector<16xi32>
          tpu.vector_store_idx %arg10[%add3A_1447], %get3A_1399 masked %lt3A_1407 {add = true} : memref<96000xf32, #tpu.memory_space<vmem>>[vector<16xi32>], vector<16xf32>, vector<16xi1>
          tpu.vector_store_idx %arg10[%add3A_1440], %broadcast_in_dim3A_3 masked %lt3A_1407 {add = true} : memref<96000xf32, #tpu.memory_space<vmem>>[vector<16xi32>], vector<16xf32>, vector<16xi1>
          tpu.vector_store_idx %arg10[%add3A_1444], %broadcast_in_dim3A_3 masked %lt3A_1407 {add = true} : memref<96000xf32, #tpu.memory_space<vmem>>[vector<16xi32>], vector<16xf32>, vector<16xi1>
          %scan3A_1448 = arith.constant 0 : i32
          %scan3A_1449 = arith.constant 20 : i32
          %scan3A_1450 = arith.addi %scan3A_250, %scan3A_1449 : i32
          %mul3A_1451 = arith.constant 16 : i32
          %mul3A_1452 = arith.muli %scan3A_1450, %mul3A_1451 : i32
          %add3A_1453 = arith.addi %mul3A_220, %mul3A_1452 : i32
          %get3A_1454 = arith.index_cast %add3A_1453 : i32 to index
          %get3A_1455 = tpu.vector_load %arg7[%get3A_1454] {strides = array<i32>} : memref<4000xi32, #tpu.memory_space<vmem>>, vector<16xi32>,
          %get3A_1456 = arith.index_cast %add3A_1453 : i32 to index
          %get3A_1457 = tpu.vector_load %arg8[%get3A_1456] {strides = array<i32>} : memref<4000xf32, #tpu.memory_space<vmem>>, vector<16xf32>,
          %get3A_1458 = arith.index_cast %add3A_1453 : i32 to index
          %get3A_1459 = tpu.vector_load %arg9[%get3A_1458] {strides = array<i32>} : memref<4000xf32, #tpu.memory_space<vmem>>, vector<16xf32>,
          %and3A_1460 = arith.constant 524287 : i32
          %and3A_1461 = vector.broadcast %and3A_1460 : i32 to vector<16xi32>
          %and3A_1462 = arith.andi %get3A_1455, %and3A_1461 : vector<16xi32>
          %sub3A_1463 = vector.broadcast %add3A_67 : i32 to vector<16xi32>
          %sub3A_1464 = arith.subi %and3A_1462, %sub3A_1463 : vector<16xi32>
          %lt3A_1465 = arith.constant 3200 : i32
          %lt3A_1466 = vector.broadcast %lt3A_1465 : i32 to vector<16xi32>
          %lt3A_1467 = arith.cmpi ult, %sub3A_1464, %lt3A_1466 : vector<16xi32>
          %shift_right_arithmetic3A_1468 = arith.constant 19 : i32
          %shift_right_arithmetic3A_1469 = vector.broadcast %shift_right_arithmetic3A_1468 : i32 to vector<16xi32>
          %shift_right_arithmetic3A_1470 = arith.shrsi %get3A_1455, %shift_right_arithmetic3A_1469 : vector<16xi32>
          %and3A_1471 = arith.constant 1 : i32
          %and3A_1472 = vector.broadcast %and3A_1471 : i32 to vector<16xi32>
          %and3A_1473 = arith.andi %shift_right_arithmetic3A_1470, %and3A_1472 : vector<16xi32>
          %shift_right_arithmetic3A_1474 = arith.constant 20 : i32
          %shift_right_arithmetic3A_1475 = vector.broadcast %shift_right_arithmetic3A_1474 : i32 to vector<16xi32>
          %shift_right_arithmetic3A_1476 = arith.shrsi %get3A_1455, %shift_right_arithmetic3A_1475 : vector<16xi32>
          %and3A_1477 = arith.constant 15 : i32
          %and3A_1478 = vector.broadcast %and3A_1477 : i32 to vector<16xi32>
          %and3A_1479 = arith.andi %shift_right_arithmetic3A_1476, %and3A_1478 : vector<16xi32>
          %shift_right_arithmetic3A_1480 = arith.constant 24 : i32
          %shift_right_arithmetic3A_1481 = vector.broadcast %shift_right_arithmetic3A_1480 : i32 to vector<16xi32>
          %shift_right_arithmetic3A_1482 = arith.shrsi %get3A_1455, %shift_right_arithmetic3A_1481 : vector<16xi32>
          %mul3A_1483 = arith.constant 3200 : i32
          %mul3A_1484 = vector.broadcast %mul3A_1483 : i32 to vector<16xi32>
          %mul3A_1485 = arith.muli %and3A_1473, %mul3A_1484 : vector<16xi32>
          %mul3A_1486 = arith.constant 9 : i32
          %mul3A_1487 = vector.broadcast %mul3A_1486 : i32 to vector<16xi32>
          %mul3A_1488 = arith.muli %mul3A_1485, %mul3A_1487 : vector<16xi32>
          %mul3A_1489 = arith.constant 3200 : i32
          %mul3A_1490 = vector.broadcast %mul3A_1489 : i32 to vector<16xi32>
          %mul3A_1491 = arith.muli %and3A_1479, %mul3A_1490 : vector<16xi32>
          %add3A_1492 = arith.addi %mul3A_1488, %mul3A_1491 : vector<16xi32>
          %add3A_1493 = arith.addi %add3A_1492, %sub3A_1464 : vector<16xi32>
          %mul3A_1494 = arith.constant 3200 : i32
          %mul3A_1495 = vector.broadcast %mul3A_1494 : i32 to vector<16xi32>
          %mul3A_1496 = arith.muli %shift_right_arithmetic3A_1482, %mul3A_1495 : vector<16xi32>
          %add3A_1497 = arith.constant 57600 : i32
          %add3A_1498 = vector.broadcast %add3A_1497 : i32 to vector<16xi32>
          %add3A_1499 = arith.addi %sub3A_1464, %add3A_1498 : vector<16xi32>
          %add3A_1500 = arith.addi %mul3A_1496, %add3A_1499 : vector<16xi32>
          %add3A_1501 = arith.constant 89600 : i32
          %add3A_1502 = vector.broadcast %add3A_1501 : i32 to vector<16xi32>
          %add3A_1503 = arith.addi %sub3A_1464, %add3A_1502 : vector<16xi32>
          %add3A_1504 = arith.addi %mul3A_1485, %add3A_1503 : vector<16xi32>
          tpu.vector_store_idx %arg10[%add3A_1493], %get3A_1457 masked %lt3A_1467 {add = true} : memref<96000xf32, #tpu.memory_space<vmem>>[vector<16xi32>], vector<16xf32>, vector<16xi1>
          %add3A_1505 = arith.constant 3200 : i32
          %add3A_1506 = vector.broadcast %add3A_1505 : i32 to vector<16xi32>
          %add3A_1507 = arith.addi %add3A_1493, %add3A_1506 : vector<16xi32>
          tpu.vector_store_idx %arg10[%add3A_1507], %get3A_1459 masked %lt3A_1467 {add = true} : memref<96000xf32, #tpu.memory_space<vmem>>[vector<16xi32>], vector<16xf32>, vector<16xi1>
          tpu.vector_store_idx %arg10[%add3A_1500], %broadcast_in_dim3A_3 masked %lt3A_1467 {add = true} : memref<96000xf32, #tpu.memory_space<vmem>>[vector<16xi32>], vector<16xf32>, vector<16xi1>
          tpu.vector_store_idx %arg10[%add3A_1504], %broadcast_in_dim3A_3 masked %lt3A_1467 {add = true} : memref<96000xf32, #tpu.memory_space<vmem>>[vector<16xi32>], vector<16xf32>, vector<16xi1>
          %scan3A_1508 = arith.constant 0 : i32
          %scan3A_1509 = arith.constant 21 : i32
          %scan3A_1510 = arith.addi %scan3A_250, %scan3A_1509 : i32
          %mul3A_1511 = arith.constant 16 : i32
          %mul3A_1512 = arith.muli %scan3A_1510, %mul3A_1511 : i32
          %add3A_1513 = arith.addi %mul3A_220, %mul3A_1512 : i32
          %get3A_1514 = arith.index_cast %add3A_1513 : i32 to index
          %get3A_1515 = tpu.vector_load %arg7[%get3A_1514] {strides = array<i32>} : memref<4000xi32, #tpu.memory_space<vmem>>, vector<16xi32>,
          %get3A_1516 = arith.index_cast %add3A_1513 : i32 to index
          %get3A_1517 = tpu.vector_load %arg8[%get3A_1516] {strides = array<i32>} : memref<4000xf32, #tpu.memory_space<vmem>>, vector<16xf32>,
          %get3A_1518 = arith.index_cast %add3A_1513 : i32 to index
          %get3A_1519 = tpu.vector_load %arg9[%get3A_1518] {strides = array<i32>} : memref<4000xf32, #tpu.memory_space<vmem>>, vector<16xf32>,
          %and3A_1520 = arith.constant 524287 : i32
          %and3A_1521 = vector.broadcast %and3A_1520 : i32 to vector<16xi32>
          %and3A_1522 = arith.andi %get3A_1515, %and3A_1521 : vector<16xi32>
          %sub3A_1523 = vector.broadcast %add3A_67 : i32 to vector<16xi32>
          %sub3A_1524 = arith.subi %and3A_1522, %sub3A_1523 : vector<16xi32>
          %lt3A_1525 = arith.constant 3200 : i32
          %lt3A_1526 = vector.broadcast %lt3A_1525 : i32 to vector<16xi32>
          %lt3A_1527 = arith.cmpi ult, %sub3A_1524, %lt3A_1526 : vector<16xi32>
          %shift_right_arithmetic3A_1528 = arith.constant 19 : i32
          %shift_right_arithmetic3A_1529 = vector.broadcast %shift_right_arithmetic3A_1528 : i32 to vector<16xi32>
          %shift_right_arithmetic3A_1530 = arith.shrsi %get3A_1515, %shift_right_arithmetic3A_1529 : vector<16xi32>
          %and3A_1531 = arith.constant 1 : i32
          %and3A_1532 = vector.broadcast %and3A_1531 : i32 to vector<16xi32>
          %and3A_1533 = arith.andi %shift_right_arithmetic3A_1530, %and3A_1532 : vector<16xi32>
          %shift_right_arithmetic3A_1534 = arith.constant 20 : i32
          %shift_right_arithmetic3A_1535 = vector.broadcast %shift_right_arithmetic3A_1534 : i32 to vector<16xi32>
          %shift_right_arithmetic3A_1536 = arith.shrsi %get3A_1515, %shift_right_arithmetic3A_1535 : vector<16xi32>
          %and3A_1537 = arith.constant 15 : i32
          %and3A_1538 = vector.broadcast %and3A_1537 : i32 to vector<16xi32>
          %and3A_1539 = arith.andi %shift_right_arithmetic3A_1536, %and3A_1538 : vector<16xi32>
          %shift_right_arithmetic3A_1540 = arith.constant 24 : i32
          %shift_right_arithmetic3A_1541 = vector.broadcast %shift_right_arithmetic3A_1540 : i32 to vector<16xi32>
          %shift_right_arithmetic3A_1542 = arith.shrsi %get3A_1515, %shift_right_arithmetic3A_1541 : vector<16xi32>
          %mul3A_1543 = arith.constant 3200 : i32
          %mul3A_1544 = vector.broadcast %mul3A_1543 : i32 to vector<16xi32>
          %mul3A_1545 = arith.muli %and3A_1533, %mul3A_1544 : vector<16xi32>
          %mul3A_1546 = arith.constant 9 : i32
          %mul3A_1547 = vector.broadcast %mul3A_1546 : i32 to vector<16xi32>
          %mul3A_1548 = arith.muli %mul3A_1545, %mul3A_1547 : vector<16xi32>
          %mul3A_1549 = arith.constant 3200 : i32
          %mul3A_1550 = vector.broadcast %mul3A_1549 : i32 to vector<16xi32>
          %mul3A_1551 = arith.muli %and3A_1539, %mul3A_1550 : vector<16xi32>
          %add3A_1552 = arith.addi %mul3A_1548, %mul3A_1551 : vector<16xi32>
          %add3A_1553 = arith.addi %add3A_1552, %sub3A_1524 : vector<16xi32>
          %mul3A_1554 = arith.constant 3200 : i32
          %mul3A_1555 = vector.broadcast %mul3A_1554 : i32 to vector<16xi32>
          %mul3A_1556 = arith.muli %shift_right_arithmetic3A_1542, %mul3A_1555 : vector<16xi32>
          %add3A_1557 = arith.constant 57600 : i32
          %add3A_1558 = vector.broadcast %add3A_1557 : i32 to vector<16xi32>
          %add3A_1559 = arith.addi %sub3A_1524, %add3A_1558 : vector<16xi32>
          %add3A_1560 = arith.addi %mul3A_1556, %add3A_1559 : vector<16xi32>
          %add3A_1561 = arith.constant 89600 : i32
          %add3A_1562 = vector.broadcast %add3A_1561 : i32 to vector<16xi32>
          %add3A_1563 = arith.addi %sub3A_1524, %add3A_1562 : vector<16xi32>
          %add3A_1564 = arith.addi %mul3A_1545, %add3A_1563 : vector<16xi32>
          tpu.vector_store_idx %arg10[%add3A_1553], %get3A_1517 masked %lt3A_1527 {add = true} : memref<96000xf32, #tpu.memory_space<vmem>>[vector<16xi32>], vector<16xf32>, vector<16xi1>
          %add3A_1565 = arith.constant 3200 : i32
          %add3A_1566 = vector.broadcast %add3A_1565 : i32 to vector<16xi32>
          %add3A_1567 = arith.addi %add3A_1553, %add3A_1566 : vector<16xi32>
          tpu.vector_store_idx %arg10[%add3A_1567], %get3A_1519 masked %lt3A_1527 {add = true} : memref<96000xf32, #tpu.memory_space<vmem>>[vector<16xi32>], vector<16xf32>, vector<16xi1>
          tpu.vector_store_idx %arg10[%add3A_1560], %broadcast_in_dim3A_3 masked %lt3A_1527 {add = true} : memref<96000xf32, #tpu.memory_space<vmem>>[vector<16xi32>], vector<16xf32>, vector<16xi1>
          tpu.vector_store_idx %arg10[%add3A_1564], %broadcast_in_dim3A_3 masked %lt3A_1527 {add = true} : memref<96000xf32, #tpu.memory_space<vmem>>[vector<16xi32>], vector<16xf32>, vector<16xi1>
          %scan3A_1568 = arith.constant 0 : i32
          %scan3A_1569 = arith.constant 22 : i32
          %scan3A_1570 = arith.addi %scan3A_250, %scan3A_1569 : i32
          %mul3A_1571 = arith.constant 16 : i32
          %mul3A_1572 = arith.muli %scan3A_1570, %mul3A_1571 : i32
          %add3A_1573 = arith.addi %mul3A_220, %mul3A_1572 : i32
          %get3A_1574 = arith.index_cast %add3A_1573 : i32 to index
          %get3A_1575 = tpu.vector_load %arg7[%get3A_1574] {strides = array<i32>} : memref<4000xi32, #tpu.memory_space<vmem>>, vector<16xi32>,
          %get3A_1576 = arith.index_cast %add3A_1573 : i32 to index
          %get3A_1577 = tpu.vector_load %arg8[%get3A_1576] {strides = array<i32>} : memref<4000xf32, #tpu.memory_space<vmem>>, vector<16xf32>,
          %get3A_1578 = arith.index_cast %add3A_1573 : i32 to index
          %get3A_1579 = tpu.vector_load %arg9[%get3A_1578] {strides = array<i32>} : memref<4000xf32, #tpu.memory_space<vmem>>, vector<16xf32>,
          %and3A_1580 = arith.constant 524287 : i32
          %and3A_1581 = vector.broadcast %and3A_1580 : i32 to vector<16xi32>
          %and3A_1582 = arith.andi %get3A_1575, %and3A_1581 : vector<16xi32>
          %sub3A_1583 = vector.broadcast %add3A_67 : i32 to vector<16xi32>
          %sub3A_1584 = arith.subi %and3A_1582, %sub3A_1583 : vector<16xi32>
          %lt3A_1585 = arith.constant 3200 : i32
          %lt3A_1586 = vector.broadcast %lt3A_1585 : i32 to vector<16xi32>
          %lt3A_1587 = arith.cmpi ult, %sub3A_1584, %lt3A_1586 : vector<16xi32>
          %shift_right_arithmetic3A_1588 = arith.constant 19 : i32
          %shift_right_arithmetic3A_1589 = vector.broadcast %shift_right_arithmetic3A_1588 : i32 to vector<16xi32>
          %shift_right_arithmetic3A_1590 = arith.shrsi %get3A_1575, %shift_right_arithmetic3A_1589 : vector<16xi32>
          %and3A_1591 = arith.constant 1 : i32
          %and3A_1592 = vector.broadcast %and3A_1591 : i32 to vector<16xi32>
          %and3A_1593 = arith.andi %shift_right_arithmetic3A_1590, %and3A_1592 : vector<16xi32>
          %shift_right_arithmetic3A_1594 = arith.constant 20 : i32
          %shift_right_arithmetic3A_1595 = vector.broadcast %shift_right_arithmetic3A_1594 : i32 to vector<16xi32>
          %shift_right_arithmetic3A_1596 = arith.shrsi %get3A_1575, %shift_right_arithmetic3A_1595 : vector<16xi32>
          %and3A_1597 = arith.constant 15 : i32
          %and3A_1598 = vector.broadcast %and3A_1597 : i32 to vector<16xi32>
          %and3A_1599 = arith.andi %shift_right_arithmetic3A_1596, %and3A_1598 : vector<16xi32>
          %shift_right_arithmetic3A_1600 = arith.constant 24 : i32
          %shift_right_arithmetic3A_1601 = vector.broadcast %shift_right_arithmetic3A_1600 : i32 to vector<16xi32>
          %shift_right_arithmetic3A_1602 = arith.shrsi %get3A_1575, %shift_right_arithmetic3A_1601 : vector<16xi32>
          %mul3A_1603 = arith.constant 3200 : i32
          %mul3A_1604 = vector.broadcast %mul3A_1603 : i32 to vector<16xi32>
          %mul3A_1605 = arith.muli %and3A_1593, %mul3A_1604 : vector<16xi32>
          %mul3A_1606 = arith.constant 9 : i32
          %mul3A_1607 = vector.broadcast %mul3A_1606 : i32 to vector<16xi32>
          %mul3A_1608 = arith.muli %mul3A_1605, %mul3A_1607 : vector<16xi32>
          %mul3A_1609 = arith.constant 3200 : i32
          %mul3A_1610 = vector.broadcast %mul3A_1609 : i32 to vector<16xi32>
          %mul3A_1611 = arith.muli %and3A_1599, %mul3A_1610 : vector<16xi32>
          %add3A_1612 = arith.addi %mul3A_1608, %mul3A_1611 : vector<16xi32>
          %add3A_1613 = arith.addi %add3A_1612, %sub3A_1584 : vector<16xi32>
          %mul3A_1614 = arith.constant 3200 : i32
          %mul3A_1615 = vector.broadcast %mul3A_1614 : i32 to vector<16xi32>
          %mul3A_1616 = arith.muli %shift_right_arithmetic3A_1602, %mul3A_1615 : vector<16xi32>
          %add3A_1617 = arith.constant 57600 : i32
          %add3A_1618 = vector.broadcast %add3A_1617 : i32 to vector<16xi32>
          %add3A_1619 = arith.addi %sub3A_1584, %add3A_1618 : vector<16xi32>
          %add3A_1620 = arith.addi %mul3A_1616, %add3A_1619 : vector<16xi32>
          %add3A_1621 = arith.constant 89600 : i32
          %add3A_1622 = vector.broadcast %add3A_1621 : i32 to vector<16xi32>
          %add3A_1623 = arith.addi %sub3A_1584, %add3A_1622 : vector<16xi32>
          %add3A_1624 = arith.addi %mul3A_1605, %add3A_1623 : vector<16xi32>
          tpu.vector_store_idx %arg10[%add3A_1613], %get3A_1577 masked %lt3A_1587 {add = true} : memref<96000xf32, #tpu.memory_space<vmem>>[vector<16xi32>], vector<16xf32>, vector<16xi1>
          %add3A_1625 = arith.constant 3200 : i32
          %add3A_1626 = vector.broadcast %add3A_1625 : i32 to vector<16xi32>
          %add3A_1627 = arith.addi %add3A_1613, %add3A_1626 : vector<16xi32>
          tpu.vector_store_idx %arg10[%add3A_1627], %get3A_1579 masked %lt3A_1587 {add = true} : memref<96000xf32, #tpu.memory_space<vmem>>[vector<16xi32>], vector<16xf32>, vector<16xi1>
          tpu.vector_store_idx %arg10[%add3A_1620], %broadcast_in_dim3A_3 masked %lt3A_1587 {add = true} : memref<96000xf32, #tpu.memory_space<vmem>>[vector<16xi32>], vector<16xf32>, vector<16xi1>
          tpu.vector_store_idx %arg10[%add3A_1624], %broadcast_in_dim3A_3 masked %lt3A_1587 {add = true} : memref<96000xf32, #tpu.memory_space<vmem>>[vector<16xi32>], vector<16xf32>, vector<16xi1>
          %scan3A_1628 = arith.constant 0 : i32
          %scan3A_1629 = arith.constant 23 : i32
          %scan3A_1630 = arith.addi %scan3A_250, %scan3A_1629 : i32
          %mul3A_1631 = arith.constant 16 : i32
          %mul3A_1632 = arith.muli %scan3A_1630, %mul3A_1631 : i32
          %add3A_1633 = arith.addi %mul3A_220, %mul3A_1632 : i32
          %get3A_1634 = arith.index_cast %add3A_1633 : i32 to index
          %get3A_1635 = tpu.vector_load %arg7[%get3A_1634] {strides = array<i32>} : memref<4000xi32, #tpu.memory_space<vmem>>, vector<16xi32>,
          %get3A_1636 = arith.index_cast %add3A_1633 : i32 to index
          %get3A_1637 = tpu.vector_load %arg8[%get3A_1636] {strides = array<i32>} : memref<4000xf32, #tpu.memory_space<vmem>>, vector<16xf32>,
          %get3A_1638 = arith.index_cast %add3A_1633 : i32 to index
          %get3A_1639 = tpu.vector_load %arg9[%get3A_1638] {strides = array<i32>} : memref<4000xf32, #tpu.memory_space<vmem>>, vector<16xf32>,
          %and3A_1640 = arith.constant 524287 : i32
          %and3A_1641 = vector.broadcast %and3A_1640 : i32 to vector<16xi32>
          %and3A_1642 = arith.andi %get3A_1635, %and3A_1641 : vector<16xi32>
          %sub3A_1643 = vector.broadcast %add3A_67 : i32 to vector<16xi32>
          %sub3A_1644 = arith.subi %and3A_1642, %sub3A_1643 : vector<16xi32>
          %lt3A_1645 = arith.constant 3200 : i32
          %lt3A_1646 = vector.broadcast %lt3A_1645 : i32 to vector<16xi32>
          %lt3A_1647 = arith.cmpi ult, %sub3A_1644, %lt3A_1646 : vector<16xi32>
          %shift_right_arithmetic3A_1648 = arith.constant 19 : i32
          %shift_right_arithmetic3A_1649 = vector.broadcast %shift_right_arithmetic3A_1648 : i32 to vector<16xi32>
          %shift_right_arithmetic3A_1650 = arith.shrsi %get3A_1635, %shift_right_arithmetic3A_1649 : vector<16xi32>
          %and3A_1651 = arith.constant 1 : i32
          %and3A_1652 = vector.broadcast %and3A_1651 : i32 to vector<16xi32>
          %and3A_1653 = arith.andi %shift_right_arithmetic3A_1650, %and3A_1652 : vector<16xi32>
          %shift_right_arithmetic3A_1654 = arith.constant 20 : i32
          %shift_right_arithmetic3A_1655 = vector.broadcast %shift_right_arithmetic3A_1654 : i32 to vector<16xi32>
          %shift_right_arithmetic3A_1656 = arith.shrsi %get3A_1635, %shift_right_arithmetic3A_1655 : vector<16xi32>
          %and3A_1657 = arith.constant 15 : i32
          %and3A_1658 = vector.broadcast %and3A_1657 : i32 to vector<16xi32>
          %and3A_1659 = arith.andi %shift_right_arithmetic3A_1656, %and3A_1658 : vector<16xi32>
          %shift_right_arithmetic3A_1660 = arith.constant 24 : i32
          %shift_right_arithmetic3A_1661 = vector.broadcast %shift_right_arithmetic3A_1660 : i32 to vector<16xi32>
          %shift_right_arithmetic3A_1662 = arith.shrsi %get3A_1635, %shift_right_arithmetic3A_1661 : vector<16xi32>
          %mul3A_1663 = arith.constant 3200 : i32
          %mul3A_1664 = vector.broadcast %mul3A_1663 : i32 to vector<16xi32>
          %mul3A_1665 = arith.muli %and3A_1653, %mul3A_1664 : vector<16xi32>
          %mul3A_1666 = arith.constant 9 : i32
          %mul3A_1667 = vector.broadcast %mul3A_1666 : i32 to vector<16xi32>
          %mul3A_1668 = arith.muli %mul3A_1665, %mul3A_1667 : vector<16xi32>
          %mul3A_1669 = arith.constant 3200 : i32
          %mul3A_1670 = vector.broadcast %mul3A_1669 : i32 to vector<16xi32>
          %mul3A_1671 = arith.muli %and3A_1659, %mul3A_1670 : vector<16xi32>
          %add3A_1672 = arith.addi %mul3A_1668, %mul3A_1671 : vector<16xi32>
          %add3A_1673 = arith.addi %add3A_1672, %sub3A_1644 : vector<16xi32>
          %mul3A_1674 = arith.constant 3200 : i32
          %mul3A_1675 = vector.broadcast %mul3A_1674 : i32 to vector<16xi32>
          %mul3A_1676 = arith.muli %shift_right_arithmetic3A_1662, %mul3A_1675 : vector<16xi32>
          %add3A_1677 = arith.constant 57600 : i32
          %add3A_1678 = vector.broadcast %add3A_1677 : i32 to vector<16xi32>
          %add3A_1679 = arith.addi %sub3A_1644, %add3A_1678 : vector<16xi32>
          %add3A_1680 = arith.addi %mul3A_1676, %add3A_1679 : vector<16xi32>
          %add3A_1681 = arith.constant 89600 : i32
          %add3A_1682 = vector.broadcast %add3A_1681 : i32 to vector<16xi32>
          %add3A_1683 = arith.addi %sub3A_1644, %add3A_1682 : vector<16xi32>
          %add3A_1684 = arith.addi %mul3A_1665, %add3A_1683 : vector<16xi32>
          tpu.vector_store_idx %arg10[%add3A_1673], %get3A_1637 masked %lt3A_1647 {add = true} : memref<96000xf32, #tpu.memory_space<vmem>>[vector<16xi32>], vector<16xf32>, vector<16xi1>
          %add3A_1685 = arith.constant 3200 : i32
          %add3A_1686 = vector.broadcast %add3A_1685 : i32 to vector<16xi32>
          %add3A_1687 = arith.addi %add3A_1673, %add3A_1686 : vector<16xi32>
          tpu.vector_store_idx %arg10[%add3A_1687], %get3A_1639 masked %lt3A_1647 {add = true} : memref<96000xf32, #tpu.memory_space<vmem>>[vector<16xi32>], vector<16xf32>, vector<16xi1>
          tpu.vector_store_idx %arg10[%add3A_1680], %broadcast_in_dim3A_3 masked %lt3A_1647 {add = true} : memref<96000xf32, #tpu.memory_space<vmem>>[vector<16xi32>], vector<16xf32>, vector<16xi1>
          tpu.vector_store_idx %arg10[%add3A_1684], %broadcast_in_dim3A_3 masked %lt3A_1647 {add = true} : memref<96000xf32, #tpu.memory_space<vmem>>[vector<16xi32>], vector<16xf32>, vector<16xi1>
          %scan3A_1688 = arith.constant 0 : i32
          %scan3A_1689 = arith.constant 24 : i32
          %scan3A_1690 = arith.addi %scan3A_250, %scan3A_1689 : i32
          %mul3A_1691 = arith.constant 16 : i32
          %mul3A_1692 = arith.muli %scan3A_1690, %mul3A_1691 : i32
          %add3A_1693 = arith.addi %mul3A_220, %mul3A_1692 : i32
          %get3A_1694 = arith.index_cast %add3A_1693 : i32 to index
          %get3A_1695 = tpu.vector_load %arg7[%get3A_1694] {strides = array<i32>} : memref<4000xi32, #tpu.memory_space<vmem>>, vector<16xi32>,
          %get3A_1696 = arith.index_cast %add3A_1693 : i32 to index
          %get3A_1697 = tpu.vector_load %arg8[%get3A_1696] {strides = array<i32>} : memref<4000xf32, #tpu.memory_space<vmem>>, vector<16xf32>,
          %get3A_1698 = arith.index_cast %add3A_1693 : i32 to index
          %get3A_1699 = tpu.vector_load %arg9[%get3A_1698] {strides = array<i32>} : memref<4000xf32, #tpu.memory_space<vmem>>, vector<16xf32>,
          %and3A_1700 = arith.constant 524287 : i32
          %and3A_1701 = vector.broadcast %and3A_1700 : i32 to vector<16xi32>
          %and3A_1702 = arith.andi %get3A_1695, %and3A_1701 : vector<16xi32>
          %sub3A_1703 = vector.broadcast %add3A_67 : i32 to vector<16xi32>
          %sub3A_1704 = arith.subi %and3A_1702, %sub3A_1703 : vector<16xi32>
          %lt3A_1705 = arith.constant 3200 : i32
          %lt3A_1706 = vector.broadcast %lt3A_1705 : i32 to vector<16xi32>
          %lt3A_1707 = arith.cmpi ult, %sub3A_1704, %lt3A_1706 : vector<16xi32>
          %shift_right_arithmetic3A_1708 = arith.constant 19 : i32
          %shift_right_arithmetic3A_1709 = vector.broadcast %shift_right_arithmetic3A_1708 : i32 to vector<16xi32>
          %shift_right_arithmetic3A_1710 = arith.shrsi %get3A_1695, %shift_right_arithmetic3A_1709 : vector<16xi32>
          %and3A_1711 = arith.constant 1 : i32
          %and3A_1712 = vector.broadcast %and3A_1711 : i32 to vector<16xi32>
          %and3A_1713 = arith.andi %shift_right_arithmetic3A_1710, %and3A_1712 : vector<16xi32>
          %shift_right_arithmetic3A_1714 = arith.constant 20 : i32
          %shift_right_arithmetic3A_1715 = vector.broadcast %shift_right_arithmetic3A_1714 : i32 to vector<16xi32>
          %shift_right_arithmetic3A_1716 = arith.shrsi %get3A_1695, %shift_right_arithmetic3A_1715 : vector<16xi32>
          %and3A_1717 = arith.constant 15 : i32
          %and3A_1718 = vector.broadcast %and3A_1717 : i32 to vector<16xi32>
          %and3A_1719 = arith.andi %shift_right_arithmetic3A_1716, %and3A_1718 : vector<16xi32>
          %shift_right_arithmetic3A_1720 = arith.constant 24 : i32
          %shift_right_arithmetic3A_1721 = vector.broadcast %shift_right_arithmetic3A_1720 : i32 to vector<16xi32>
          %shift_right_arithmetic3A_1722 = arith.shrsi %get3A_1695, %shift_right_arithmetic3A_1721 : vector<16xi32>
          %mul3A_1723 = arith.constant 3200 : i32
          %mul3A_1724 = vector.broadcast %mul3A_1723 : i32 to vector<16xi32>
          %mul3A_1725 = arith.muli %and3A_1713, %mul3A_1724 : vector<16xi32>
          %mul3A_1726 = arith.constant 9 : i32
          %mul3A_1727 = vector.broadcast %mul3A_1726 : i32 to vector<16xi32>
          %mul3A_1728 = arith.muli %mul3A_1725, %mul3A_1727 : vector<16xi32>
          %mul3A_1729 = arith.constant 3200 : i32
          %mul3A_1730 = vector.broadcast %mul3A_1729 : i32 to vector<16xi32>
          %mul3A_1731 = arith.muli %and3A_1719, %mul3A_1730 : vector<16xi32>
          %add3A_1732 = arith.addi %mul3A_1728, %mul3A_1731 : vector<16xi32>
          %add3A_1733 = arith.addi %add3A_1732, %sub3A_1704 : vector<16xi32>
          %mul3A_1734 = arith.constant 3200 : i32
          %mul3A_1735 = vector.broadcast %mul3A_1734 : i32 to vector<16xi32>
          %mul3A_1736 = arith.muli %shift_right_arithmetic3A_1722, %mul3A_1735 : vector<16xi32>
          %add3A_1737 = arith.constant 57600 : i32
          %add3A_1738 = vector.broadcast %add3A_1737 : i32 to vector<16xi32>
          %add3A_1739 = arith.addi %sub3A_1704, %add3A_1738 : vector<16xi32>
          %add3A_1740 = arith.addi %mul3A_1736, %add3A_1739 : vector<16xi32>
          %add3A_1741 = arith.constant 89600 : i32
          %add3A_1742 = vector.broadcast %add3A_1741 : i32 to vector<16xi32>
          %add3A_1743 = arith.addi %sub3A_1704, %add3A_1742 : vector<16xi32>
          %add3A_1744 = arith.addi %mul3A_1725, %add3A_1743 : vector<16xi32>
          tpu.vector_store_idx %arg10[%add3A_1733], %get3A_1697 masked %lt3A_1707 {add = true} : memref<96000xf32, #tpu.memory_space<vmem>>[vector<16xi32>], vector<16xf32>, vector<16xi1>
          %add3A_1745 = arith.constant 3200 : i32
          %add3A_1746 = vector.broadcast %add3A_1745 : i32 to vector<16xi32>
          %add3A_1747 = arith.addi %add3A_1733, %add3A_1746 : vector<16xi32>
          tpu.vector_store_idx %arg10[%add3A_1747], %get3A_1699 masked %lt3A_1707 {add = true} : memref<96000xf32, #tpu.memory_space<vmem>>[vector<16xi32>], vector<16xf32>, vector<16xi1>
          tpu.vector_store_idx %arg10[%add3A_1740], %broadcast_in_dim3A_3 masked %lt3A_1707 {add = true} : memref<96000xf32, #tpu.memory_space<vmem>>[vector<16xi32>], vector<16xf32>, vector<16xi1>
          tpu.vector_store_idx %arg10[%add3A_1744], %broadcast_in_dim3A_3 masked %lt3A_1707 {add = true} : memref<96000xf32, #tpu.memory_space<vmem>>[vector<16xi32>], vector<16xf32>, vector<16xi1>
          %scan3A_1748 = arith.constant 0 : i32
          scf.yield %scan3A_1748 : i32
        }
        %scan3A_248 = arith.constant 125 : i32
        %while3A_249 = arith.constant 0 : i32
        scf.yield %while3A_249 : i32
      }
      %scan3A_137 = arith.constant 0 : i32
      %scan3A_138 = arith.constant 0 : i32
      %scan3A_139 = arith.constant 1800 : i32
      %scan3A_140 = arith.addi %scan3A_138, %scan3A_139 : i32
      %scan3A_141 = arith.constant 1 : i32
      %scan3A_142 = scf.for %scan3A_214 = %scan3A_138 to %scan3A_140 step %scan3A_141 iter_args(%scan3A_215 = %scan3A_137) -> (i32)  : i32 {
        %mul3A_216 = arith.constant 16 : i32
        %mul3A_217 = arith.muli %scan3A_214, %mul3A_216 : i32
        %add3A_218 = arith.constant 57600 : i32
        %add3A_219 = arith.addi %add3A_218, %mul3A_217 : i32
        %get3A_220 = arith.index_cast %add3A_219 : i32 to index
        %get3A_221 = tpu.vector_load %arg10[%get3A_220] {strides = array<i32>} : memref<96000xf32, #tpu.memory_space<vmem>>, vector<16xf32>,
        %gt3A = arith.constant 0.000000e+00 : f32
        %gt3A_222 = vector.broadcast %gt3A : f32 to vector<16xf32>
        %gt3A_223 = arith.cmpf ogt, %get3A_221, %gt3A_222 : vector<16xf32>
        %jit3A_224 = arith.constant 1.000000e+00 : f32
        %broadcast_in_dim3A_225 = vector.broadcast %jit3A_224 : f32 to vector<16xf32>
        %select_n3A_226 = arith.select %gt3A_223, %broadcast_in_dim3A_225, %get3A_221 : vector<16xi1>, vector<16xf32>
        %swap3A = arith.index_cast %add3A_219 : i32 to index
        %swap3A_227 = tpu.vector_load %arg10[%swap3A] {strides = array<i32>} : memref<96000xf32, #tpu.memory_space<vmem>>, vector<16xf32>,
        tpu.vector_store %arg10[%swap3A], %select_n3A_226 {strides = array<i32>} : memref<96000xf32, #tpu.memory_space<vmem>>, vector<16xf32>,
        %scan3A_228 = arith.constant 0 : i32
        scf.yield %scan3A_228 : i32
      }
      %scan3A_143 = arith.constant 1800 : i32
      %scan3A_144 = arith.constant 0 : i32
      %scan3A_145 = arith.constant 0 : i32
      %scan3A_146 = arith.constant 200 : i32
      %scan3A_147 = arith.addi %scan3A_145, %scan3A_146 : i32
      %scan3A_148 = arith.constant 1 : i32
      %scan3A_149 = scf.for %scan3A_214 = %scan3A_145 to %scan3A_147 step %scan3A_148 iter_args(%scan3A_215 = %scan3A_144) -> (i32)  : i32 {
        %mul3A_216 = arith.constant 16 : i32
        %mul3A_217 = arith.muli %scan3A_214, %mul3A_216 : i32
        %add3A_218 = arith.constant 89600 : i32
        %add3A_219 = arith.addi %add3A_218, %mul3A_217 : i32
        %get3A_220 = arith.index_cast %add3A_219 : i32 to index
        %get3A_221 = tpu.vector_load %arg10[%get3A_220] {strides = array<i32>} : memref<96000xf32, #tpu.memory_space<vmem>>, vector<16xf32>,
        %add3A_222 = arith.constant 92800 : i32
        %add3A_223 = arith.addi %add3A_222, %mul3A_217 : i32
        %get3A_224 = arith.index_cast %add3A_223 : i32 to index
        %get3A_225 = tpu.vector_load %arg10[%get3A_224] {strides = array<i32>} : memref<96000xf32, #tpu.memory_space<vmem>>, vector<16xf32>,
        %add3A_226 = arith.addf %get3A_221, %get3A_225 : vector<16xf32>
        %add3A_227 = arith.constant 86400 : i32
        %add3A_228 = arith.addi %add3A_227, %mul3A_217 : i32
        %swap3A = arith.index_cast %add3A_228 : i32 to index
        %swap3A_229 = tpu.vector_load %arg10[%swap3A] {strides = array<i32>} : memref<96000xf32, #tpu.memory_space<vmem>>, vector<16xf32>,
        tpu.vector_store %arg10[%swap3A], %add3A_226 {strides = array<i32>} : memref<96000xf32, #tpu.memory_space<vmem>>, vector<16xf32>,
        %scan3A_230 = arith.constant 0 : i32
        scf.yield %scan3A_230 : i32
      }
      %scan3A_150 = arith.constant 200 : i32
      %mul3A_151 = arith.constant 30 : i32
      %mul3A_152 = arith.muli %select_n3A_59, %mul3A_151 : i32
      %add3A_153 = arith.constant 0 : i32
      %add3A_154 = arith.addi %mul3A_152, %add3A_153 : i32
      "tpu.region"() ({
        %run_scoped3A = tpu.sem_alloc : memref<!tpu.dma_semaphore, #tpu.memory_space<semaphore_mem>>
        %dma_start3A_214 = arith.constant 0 : i32
        %dma_start3A_215 = tpu.memref_slice %arg10[%dma_start3A_214] : memref<96000xf32, #tpu.memory_space<vmem>> -> memref<3200xf32, #tpu.memory_space<vmem>>
        %dma_start3A_216 = tpu.memref_slice %arg6[%add3A_154, %mul3A_64] : memref<120x76800xf32, #tpu.memory_space<hbm>> -> memref<1x3200xf32, #tpu.memory_space<hbm>>
        %dma_start3A_217 = tpu.memref_squeeze %dma_start3A_216 : memref<1x3200xf32, #tpu.memory_space<hbm>> -> memref<3200xf32, #tpu.memory_space<hbm>>
        %dma_start3A_218 = tpu.memref_slice %arg6[%add3A_154, %mul3A_64] : memref<120x76800xf32, #tpu.memory_space<hbm>> -> memref<1x3200xf32, #tpu.memory_space<hbm>>
        %dma_start3A_219 = tpu.memref_squeeze %dma_start3A_218 : memref<1x3200xf32, #tpu.memory_space<hbm>> -> memref<3200xf32, #tpu.memory_space<hbm>>
        %dma_start3A_220 = arith.constant 0 : i32
        %dma_start3A_221 = tpu.memref_slice %arg10[%dma_start3A_220] : memref<96000xf32, #tpu.memory_space<vmem>> -> memref<3200xf32, #tpu.memory_space<vmem>>
        tpu.enqueue_dma source(%dma_start3A_221 : memref<3200xf32, #tpu.memory_space<vmem>>) target(%dma_start3A_219 : memref<3200xf32, #tpu.memory_space<hbm>>) target_semaphore(%run_scoped3A : memref<!tpu.dma_semaphore, #tpu.memory_space<semaphore_mem>>)
        %dma_wait3A = arith.constant 0 : i32
        %dma_wait3A_222 = tpu.memref_slice %arg10[%dma_wait3A] : memref<96000xf32, #tpu.memory_space<vmem>> -> memref<3200xf32, #tpu.memory_space<vmem>>
        %dma_wait3A_223 = tpu.memref_slice %arg6[%add3A_154, %mul3A_64] : memref<120x76800xf32, #tpu.memory_space<hbm>> -> memref<1x3200xf32, #tpu.memory_space<hbm>>
        %dma_wait3A_224 = tpu.memref_squeeze %dma_wait3A_223 : memref<1x3200xf32, #tpu.memory_space<hbm>> -> memref<3200xf32, #tpu.memory_space<hbm>>
        %dma_wait3A_225 = tpu.memref_slice %arg6[%add3A_154, %mul3A_64] : memref<120x76800xf32, #tpu.memory_space<hbm>> -> memref<1x3200xf32, #tpu.memory_space<hbm>>
        %dma_wait3A_226 = tpu.memref_squeeze %dma_wait3A_225 : memref<1x3200xf32, #tpu.memory_space<hbm>> -> memref<3200xf32, #tpu.memory_space<hbm>>
        %dma_wait3A_227 = arith.constant 0 : i32
        %dma_wait3A_228 = tpu.memref_slice %arg10[%dma_wait3A_227] : memref<96000xf32, #tpu.memory_space<vmem>> -> memref<3200xf32, #tpu.memory_space<vmem>>
        tpu.wait_dma2 semaphore(%run_scoped3A : memref<!tpu.dma_semaphore, #tpu.memory_space<semaphore_mem>>) src(%dma_wait3A_228 : memref<3200xf32, #tpu.memory_space<vmem>>) dst(%dma_wait3A_226 : memref<3200xf32, #tpu.memory_space<hbm>>)
        tpu.yield
      }) : () -> ()
      %add3A_155 = arith.constant 1 : i32
      %add3A_156 = arith.addi %mul3A_152, %add3A_155 : i32
      "tpu.region"() ({
        %run_scoped3A = tpu.sem_alloc : memref<!tpu.dma_semaphore, #tpu.memory_space<semaphore_mem>>
        %dma_start3A_214 = arith.constant 3200 : i32
        %dma_start3A_215 = tpu.memref_slice %arg10[%dma_start3A_214] : memref<96000xf32, #tpu.memory_space<vmem>> -> memref<3200xf32, #tpu.memory_space<vmem>>
        %dma_start3A_216 = tpu.memref_slice %arg6[%add3A_156, %mul3A_64] : memref<120x76800xf32, #tpu.memory_space<hbm>> -> memref<1x3200xf32, #tpu.memory_space<hbm>>
        %dma_start3A_217 = tpu.memref_squeeze %dma_start3A_216 : memref<1x3200xf32, #tpu.memory_space<hbm>> -> memref<3200xf32, #tpu.memory_space<hbm>>
        %dma_start3A_218 = tpu.memref_slice %arg6[%add3A_156, %mul3A_64] : memref<120x76800xf32, #tpu.memory_space<hbm>> -> memref<1x3200xf32, #tpu.memory_space<hbm>>
        %dma_start3A_219 = tpu.memref_squeeze %dma_start3A_218 : memref<1x3200xf32, #tpu.memory_space<hbm>> -> memref<3200xf32, #tpu.memory_space<hbm>>
        %dma_start3A_220 = arith.constant 3200 : i32
        %dma_start3A_221 = tpu.memref_slice %arg10[%dma_start3A_220] : memref<96000xf32, #tpu.memory_space<vmem>> -> memref<3200xf32, #tpu.memory_space<vmem>>
        tpu.enqueue_dma source(%dma_start3A_221 : memref<3200xf32, #tpu.memory_space<vmem>>) target(%dma_start3A_219 : memref<3200xf32, #tpu.memory_space<hbm>>) target_semaphore(%run_scoped3A : memref<!tpu.dma_semaphore, #tpu.memory_space<semaphore_mem>>)
        %dma_wait3A = arith.constant 3200 : i32
        %dma_wait3A_222 = tpu.memref_slice %arg10[%dma_wait3A] : memref<96000xf32, #tpu.memory_space<vmem>> -> memref<3200xf32, #tpu.memory_space<vmem>>
        %dma_wait3A_223 = tpu.memref_slice %arg6[%add3A_156, %mul3A_64] : memref<120x76800xf32, #tpu.memory_space<hbm>> -> memref<1x3200xf32, #tpu.memory_space<hbm>>
        %dma_wait3A_224 = tpu.memref_squeeze %dma_wait3A_223 : memref<1x3200xf32, #tpu.memory_space<hbm>> -> memref<3200xf32, #tpu.memory_space<hbm>>
        %dma_wait3A_225 = tpu.memref_slice %arg6[%add3A_156, %mul3A_64] : memref<120x76800xf32, #tpu.memory_space<hbm>> -> memref<1x3200xf32, #tpu.memory_space<hbm>>
        %dma_wait3A_226 = tpu.memref_squeeze %dma_wait3A_225 : memref<1x3200xf32, #tpu.memory_space<hbm>> -> memref<3200xf32, #tpu.memory_space<hbm>>
        %dma_wait3A_227 = arith.constant 3200 : i32
        %dma_wait3A_228 = tpu.memref_slice %arg10[%dma_wait3A_227] : memref<96000xf32, #tpu.memory_space<vmem>> -> memref<3200xf32, #tpu.memory_space<vmem>>
        tpu.wait_dma2 semaphore(%run_scoped3A : memref<!tpu.dma_semaphore, #tpu.memory_space<semaphore_mem>>) src(%dma_wait3A_228 : memref<3200xf32, #tpu.memory_space<vmem>>) dst(%dma_wait3A_226 : memref<3200xf32, #tpu.memory_space<hbm>>)
        tpu.yield
      }) : () -> ()
      %add3A_157 = arith.constant 2 : i32
      %add3A_158 = arith.addi %mul3A_152, %add3A_157 : i32
      "tpu.region"() ({
        %run_scoped3A = tpu.sem_alloc : memref<!tpu.dma_semaphore, #tpu.memory_space<semaphore_mem>>
        %dma_start3A_214 = arith.constant 6400 : i32
        %dma_start3A_215 = tpu.memref_slice %arg10[%dma_start3A_214] : memref<96000xf32, #tpu.memory_space<vmem>> -> memref<3200xf32, #tpu.memory_space<vmem>>
        %dma_start3A_216 = tpu.memref_slice %arg6[%add3A_158, %mul3A_64] : memref<120x76800xf32, #tpu.memory_space<hbm>> -> memref<1x3200xf32, #tpu.memory_space<hbm>>
        %dma_start3A_217 = tpu.memref_squeeze %dma_start3A_216 : memref<1x3200xf32, #tpu.memory_space<hbm>> -> memref<3200xf32, #tpu.memory_space<hbm>>
        %dma_start3A_218 = tpu.memref_slice %arg6[%add3A_158, %mul3A_64] : memref<120x76800xf32, #tpu.memory_space<hbm>> -> memref<1x3200xf32, #tpu.memory_space<hbm>>
        %dma_start3A_219 = tpu.memref_squeeze %dma_start3A_218 : memref<1x3200xf32, #tpu.memory_space<hbm>> -> memref<3200xf32, #tpu.memory_space<hbm>>
        %dma_start3A_220 = arith.constant 6400 : i32
        %dma_start3A_221 = tpu.memref_slice %arg10[%dma_start3A_220] : memref<96000xf32, #tpu.memory_space<vmem>> -> memref<3200xf32, #tpu.memory_space<vmem>>
        tpu.enqueue_dma source(%dma_start3A_221 : memref<3200xf32, #tpu.memory_space<vmem>>) target(%dma_start3A_219 : memref<3200xf32, #tpu.memory_space<hbm>>) target_semaphore(%run_scoped3A : memref<!tpu.dma_semaphore, #tpu.memory_space<semaphore_mem>>)
        %dma_wait3A = arith.constant 6400 : i32
        %dma_wait3A_222 = tpu.memref_slice %arg10[%dma_wait3A] : memref<96000xf32, #tpu.memory_space<vmem>> -> memref<3200xf32, #tpu.memory_space<vmem>>
        %dma_wait3A_223 = tpu.memref_slice %arg6[%add3A_158, %mul3A_64] : memref<120x76800xf32, #tpu.memory_space<hbm>> -> memref<1x3200xf32, #tpu.memory_space<hbm>>
        %dma_wait3A_224 = tpu.memref_squeeze %dma_wait3A_223 : memref<1x3200xf32, #tpu.memory_space<hbm>> -> memref<3200xf32, #tpu.memory_space<hbm>>
        %dma_wait3A_225 = tpu.memref_slice %arg6[%add3A_158, %mul3A_64] : memref<120x76800xf32, #tpu.memory_space<hbm>> -> memref<1x3200xf32, #tpu.memory_space<hbm>>
        %dma_wait3A_226 = tpu.memref_squeeze %dma_wait3A_225 : memref<1x3200xf32, #tpu.memory_space<hbm>> -> memref<3200xf32, #tpu.memory_space<hbm>>
        %dma_wait3A_227 = arith.constant 6400 : i32
        %dma_wait3A_228 = tpu.memref_slice %arg10[%dma_wait3A_227] : memref<96000xf32, #tpu.memory_space<vmem>> -> memref<3200xf32, #tpu.memory_space<vmem>>
        tpu.wait_dma2 semaphore(%run_scoped3A : memref<!tpu.dma_semaphore, #tpu.memory_space<semaphore_mem>>) src(%dma_wait3A_228 : memref<3200xf32, #tpu.memory_space<vmem>>) dst(%dma_wait3A_226 : memref<3200xf32, #tpu.memory_space<hbm>>)
        tpu.yield
      }) : () -> ()
      %add3A_159 = arith.constant 3 : i32
      %add3A_160 = arith.addi %mul3A_152, %add3A_159 : i32
      "tpu.region"() ({
        %run_scoped3A = tpu.sem_alloc : memref<!tpu.dma_semaphore, #tpu.memory_space<semaphore_mem>>
        %dma_start3A_214 = arith.constant 9600 : i32
        %dma_start3A_215 = tpu.memref_slice %arg10[%dma_start3A_214] : memref<96000xf32, #tpu.memory_space<vmem>> -> memref<3200xf32, #tpu.memory_space<vmem>>
        %dma_start3A_216 = tpu.memref_slice %arg6[%add3A_160, %mul3A_64] : memref<120x76800xf32, #tpu.memory_space<hbm>> -> memref<1x3200xf32, #tpu.memory_space<hbm>>
        %dma_start3A_217 = tpu.memref_squeeze %dma_start3A_216 : memref<1x3200xf32, #tpu.memory_space<hbm>> -> memref<3200xf32, #tpu.memory_space<hbm>>
        %dma_start3A_218 = tpu.memref_slice %arg6[%add3A_160, %mul3A_64] : memref<120x76800xf32, #tpu.memory_space<hbm>> -> memref<1x3200xf32, #tpu.memory_space<hbm>>
        %dma_start3A_219 = tpu.memref_squeeze %dma_start3A_218 : memref<1x3200xf32, #tpu.memory_space<hbm>> -> memref<3200xf32, #tpu.memory_space<hbm>>
        %dma_start3A_220 = arith.constant 9600 : i32
        %dma_start3A_221 = tpu.memref_slice %arg10[%dma_start3A_220] : memref<96000xf32, #tpu.memory_space<vmem>> -> memref<3200xf32, #tpu.memory_space<vmem>>
        tpu.enqueue_dma source(%dma_start3A_221 : memref<3200xf32, #tpu.memory_space<vmem>>) target(%dma_start3A_219 : memref<3200xf32, #tpu.memory_space<hbm>>) target_semaphore(%run_scoped3A : memref<!tpu.dma_semaphore, #tpu.memory_space<semaphore_mem>>)
        %dma_wait3A = arith.constant 9600 : i32
        %dma_wait3A_222 = tpu.memref_slice %arg10[%dma_wait3A] : memref<96000xf32, #tpu.memory_space<vmem>> -> memref<3200xf32, #tpu.memory_space<vmem>>
        %dma_wait3A_223 = tpu.memref_slice %arg6[%add3A_160, %mul3A_64] : memref<120x76800xf32, #tpu.memory_space<hbm>> -> memref<1x3200xf32, #tpu.memory_space<hbm>>
        %dma_wait3A_224 = tpu.memref_squeeze %dma_wait3A_223 : memref<1x3200xf32, #tpu.memory_space<hbm>> -> memref<3200xf32, #tpu.memory_space<hbm>>
        %dma_wait3A_225 = tpu.memref_slice %arg6[%add3A_160, %mul3A_64] : memref<120x76800xf32, #tpu.memory_space<hbm>> -> memref<1x3200xf32, #tpu.memory_space<hbm>>
        %dma_wait3A_226 = tpu.memref_squeeze %dma_wait3A_225 : memref<1x3200xf32, #tpu.memory_space<hbm>> -> memref<3200xf32, #tpu.memory_space<hbm>>
        %dma_wait3A_227 = arith.constant 9600 : i32
        %dma_wait3A_228 = tpu.memref_slice %arg10[%dma_wait3A_227] : memref<96000xf32, #tpu.memory_space<vmem>> -> memref<3200xf32, #tpu.memory_space<vmem>>
        tpu.wait_dma2 semaphore(%run_scoped3A : memref<!tpu.dma_semaphore, #tpu.memory_space<semaphore_mem>>) src(%dma_wait3A_228 : memref<3200xf32, #tpu.memory_space<vmem>>) dst(%dma_wait3A_226 : memref<3200xf32, #tpu.memory_space<hbm>>)
        tpu.yield
      }) : () -> ()
      %add3A_161 = arith.constant 4 : i32
      %add3A_162 = arith.addi %mul3A_152, %add3A_161 : i32
      "tpu.region"() ({
        %run_scoped3A = tpu.sem_alloc : memref<!tpu.dma_semaphore, #tpu.memory_space<semaphore_mem>>
        %dma_start3A_214 = arith.constant 12800 : i32
        %dma_start3A_215 = tpu.memref_slice %arg10[%dma_start3A_214] : memref<96000xf32, #tpu.memory_space<vmem>> -> memref<3200xf32, #tpu.memory_space<vmem>>
        %dma_start3A_216 = tpu.memref_slice %arg6[%add3A_162, %mul3A_64] : memref<120x76800xf32, #tpu.memory_space<hbm>> -> memref<1x3200xf32, #tpu.memory_space<hbm>>
        %dma_start3A_217 = tpu.memref_squeeze %dma_start3A_216 : memref<1x3200xf32, #tpu.memory_space<hbm>> -> memref<3200xf32, #tpu.memory_space<hbm>>
        %dma_start3A_218 = tpu.memref_slice %arg6[%add3A_162, %mul3A_64] : memref<120x76800xf32, #tpu.memory_space<hbm>> -> memref<1x3200xf32, #tpu.memory_space<hbm>>
        %dma_start3A_219 = tpu.memref_squeeze %dma_start3A_218 : memref<1x3200xf32, #tpu.memory_space<hbm>> -> memref<3200xf32, #tpu.memory_space<hbm>>
        %dma_start3A_220 = arith.constant 12800 : i32
        %dma_start3A_221 = tpu.memref_slice %arg10[%dma_start3A_220] : memref<96000xf32, #tpu.memory_space<vmem>> -> memref<3200xf32, #tpu.memory_space<vmem>>
        tpu.enqueue_dma source(%dma_start3A_221 : memref<3200xf32, #tpu.memory_space<vmem>>) target(%dma_start3A_219 : memref<3200xf32, #tpu.memory_space<hbm>>) target_semaphore(%run_scoped3A : memref<!tpu.dma_semaphore, #tpu.memory_space<semaphore_mem>>)
        %dma_wait3A = arith.constant 12800 : i32
        %dma_wait3A_222 = tpu.memref_slice %arg10[%dma_wait3A] : memref<96000xf32, #tpu.memory_space<vmem>> -> memref<3200xf32, #tpu.memory_space<vmem>>
        %dma_wait3A_223 = tpu.memref_slice %arg6[%add3A_162, %mul3A_64] : memref<120x76800xf32, #tpu.memory_space<hbm>> -> memref<1x3200xf32, #tpu.memory_space<hbm>>
        %dma_wait3A_224 = tpu.memref_squeeze %dma_wait3A_223 : memref<1x3200xf32, #tpu.memory_space<hbm>> -> memref<3200xf32, #tpu.memory_space<hbm>>
        %dma_wait3A_225 = tpu.memref_slice %arg6[%add3A_162, %mul3A_64] : memref<120x76800xf32, #tpu.memory_space<hbm>> -> memref<1x3200xf32, #tpu.memory_space<hbm>>
        %dma_wait3A_226 = tpu.memref_squeeze %dma_wait3A_225 : memref<1x3200xf32, #tpu.memory_space<hbm>> -> memref<3200xf32, #tpu.memory_space<hbm>>
        %dma_wait3A_227 = arith.constant 12800 : i32
        %dma_wait3A_228 = tpu.memref_slice %arg10[%dma_wait3A_227] : memref<96000xf32, #tpu.memory_space<vmem>> -> memref<3200xf32, #tpu.memory_space<vmem>>
        tpu.wait_dma2 semaphore(%run_scoped3A : memref<!tpu.dma_semaphore, #tpu.memory_space<semaphore_mem>>) src(%dma_wait3A_228 : memref<3200xf32, #tpu.memory_space<vmem>>) dst(%dma_wait3A_226 : memref<3200xf32, #tpu.memory_space<hbm>>)
        tpu.yield
      }) : () -> ()
      %add3A_163 = arith.constant 5 : i32
      %add3A_164 = arith.addi %mul3A_152, %add3A_163 : i32
      "tpu.region"() ({
        %run_scoped3A = tpu.sem_alloc : memref<!tpu.dma_semaphore, #tpu.memory_space<semaphore_mem>>
        %dma_start3A_214 = arith.constant 16000 : i32
        %dma_start3A_215 = tpu.memref_slice %arg10[%dma_start3A_214] : memref<96000xf32, #tpu.memory_space<vmem>> -> memref<3200xf32, #tpu.memory_space<vmem>>
        %dma_start3A_216 = tpu.memref_slice %arg6[%add3A_164, %mul3A_64] : memref<120x76800xf32, #tpu.memory_space<hbm>> -> memref<1x3200xf32, #tpu.memory_space<hbm>>
        %dma_start3A_217 = tpu.memref_squeeze %dma_start3A_216 : memref<1x3200xf32, #tpu.memory_space<hbm>> -> memref<3200xf32, #tpu.memory_space<hbm>>
        %dma_start3A_218 = tpu.memref_slice %arg6[%add3A_164, %mul3A_64] : memref<120x76800xf32, #tpu.memory_space<hbm>> -> memref<1x3200xf32, #tpu.memory_space<hbm>>
        %dma_start3A_219 = tpu.memref_squeeze %dma_start3A_218 : memref<1x3200xf32, #tpu.memory_space<hbm>> -> memref<3200xf32, #tpu.memory_space<hbm>>
        %dma_start3A_220 = arith.constant 16000 : i32
        %dma_start3A_221 = tpu.memref_slice %arg10[%dma_start3A_220] : memref<96000xf32, #tpu.memory_space<vmem>> -> memref<3200xf32, #tpu.memory_space<vmem>>
        tpu.enqueue_dma source(%dma_start3A_221 : memref<3200xf32, #tpu.memory_space<vmem>>) target(%dma_start3A_219 : memref<3200xf32, #tpu.memory_space<hbm>>) target_semaphore(%run_scoped3A : memref<!tpu.dma_semaphore, #tpu.memory_space<semaphore_mem>>)
        %dma_wait3A = arith.constant 16000 : i32
        %dma_wait3A_222 = tpu.memref_slice %arg10[%dma_wait3A] : memref<96000xf32, #tpu.memory_space<vmem>> -> memref<3200xf32, #tpu.memory_space<vmem>>
        %dma_wait3A_223 = tpu.memref_slice %arg6[%add3A_164, %mul3A_64] : memref<120x76800xf32, #tpu.memory_space<hbm>> -> memref<1x3200xf32, #tpu.memory_space<hbm>>
        %dma_wait3A_224 = tpu.memref_squeeze %dma_wait3A_223 : memref<1x3200xf32, #tpu.memory_space<hbm>> -> memref<3200xf32, #tpu.memory_space<hbm>>
        %dma_wait3A_225 = tpu.memref_slice %arg6[%add3A_164, %mul3A_64] : memref<120x76800xf32, #tpu.memory_space<hbm>> -> memref<1x3200xf32, #tpu.memory_space<hbm>>
        %dma_wait3A_226 = tpu.memref_squeeze %dma_wait3A_225 : memref<1x3200xf32, #tpu.memory_space<hbm>> -> memref<3200xf32, #tpu.memory_space<hbm>>
        %dma_wait3A_227 = arith.constant 16000 : i32
        %dma_wait3A_228 = tpu.memref_slice %arg10[%dma_wait3A_227] : memref<96000xf32, #tpu.memory_space<vmem>> -> memref<3200xf32, #tpu.memory_space<vmem>>
        tpu.wait_dma2 semaphore(%run_scoped3A : memref<!tpu.dma_semaphore, #tpu.memory_space<semaphore_mem>>) src(%dma_wait3A_228 : memref<3200xf32, #tpu.memory_space<vmem>>) dst(%dma_wait3A_226 : memref<3200xf32, #tpu.memory_space<hbm>>)
        tpu.yield
      }) : () -> ()
      %add3A_165 = arith.constant 6 : i32
      %add3A_166 = arith.addi %mul3A_152, %add3A_165 : i32
      "tpu.region"() ({
        %run_scoped3A = tpu.sem_alloc : memref<!tpu.dma_semaphore, #tpu.memory_space<semaphore_mem>>
        %dma_start3A_214 = arith.constant 19200 : i32
        %dma_start3A_215 = tpu.memref_slice %arg10[%dma_start3A_214] : memref<96000xf32, #tpu.memory_space<vmem>> -> memref<3200xf32, #tpu.memory_space<vmem>>
        %dma_start3A_216 = tpu.memref_slice %arg6[%add3A_166, %mul3A_64] : memref<120x76800xf32, #tpu.memory_space<hbm>> -> memref<1x3200xf32, #tpu.memory_space<hbm>>
        %dma_start3A_217 = tpu.memref_squeeze %dma_start3A_216 : memref<1x3200xf32, #tpu.memory_space<hbm>> -> memref<3200xf32, #tpu.memory_space<hbm>>
        %dma_start3A_218 = tpu.memref_slice %arg6[%add3A_166, %mul3A_64] : memref<120x76800xf32, #tpu.memory_space<hbm>> -> memref<1x3200xf32, #tpu.memory_space<hbm>>
        %dma_start3A_219 = tpu.memref_squeeze %dma_start3A_218 : memref<1x3200xf32, #tpu.memory_space<hbm>> -> memref<3200xf32, #tpu.memory_space<hbm>>
        %dma_start3A_220 = arith.constant 19200 : i32
        %dma_start3A_221 = tpu.memref_slice %arg10[%dma_start3A_220] : memref<96000xf32, #tpu.memory_space<vmem>> -> memref<3200xf32, #tpu.memory_space<vmem>>
        tpu.enqueue_dma source(%dma_start3A_221 : memref<3200xf32, #tpu.memory_space<vmem>>) target(%dma_start3A_219 : memref<3200xf32, #tpu.memory_space<hbm>>) target_semaphore(%run_scoped3A : memref<!tpu.dma_semaphore, #tpu.memory_space<semaphore_mem>>)
        %dma_wait3A = arith.constant 19200 : i32
        %dma_wait3A_222 = tpu.memref_slice %arg10[%dma_wait3A] : memref<96000xf32, #tpu.memory_space<vmem>> -> memref<3200xf32, #tpu.memory_space<vmem>>
        %dma_wait3A_223 = tpu.memref_slice %arg6[%add3A_166, %mul3A_64] : memref<120x76800xf32, #tpu.memory_space<hbm>> -> memref<1x3200xf32, #tpu.memory_space<hbm>>
        %dma_wait3A_224 = tpu.memref_squeeze %dma_wait3A_223 : memref<1x3200xf32, #tpu.memory_space<hbm>> -> memref<3200xf32, #tpu.memory_space<hbm>>
        %dma_wait3A_225 = tpu.memref_slice %arg6[%add3A_166, %mul3A_64] : memref<120x76800xf32, #tpu.memory_space<hbm>> -> memref<1x3200xf32, #tpu.memory_space<hbm>>
        %dma_wait3A_226 = tpu.memref_squeeze %dma_wait3A_225 : memref<1x3200xf32, #tpu.memory_space<hbm>> -> memref<3200xf32, #tpu.memory_space<hbm>>
        %dma_wait3A_227 = arith.constant 19200 : i32
        %dma_wait3A_228 = tpu.memref_slice %arg10[%dma_wait3A_227] : memref<96000xf32, #tpu.memory_space<vmem>> -> memref<3200xf32, #tpu.memory_space<vmem>>
        tpu.wait_dma2 semaphore(%run_scoped3A : memref<!tpu.dma_semaphore, #tpu.memory_space<semaphore_mem>>) src(%dma_wait3A_228 : memref<3200xf32, #tpu.memory_space<vmem>>) dst(%dma_wait3A_226 : memref<3200xf32, #tpu.memory_space<hbm>>)
        tpu.yield
      }) : () -> ()
      %add3A_167 = arith.constant 7 : i32
      %add3A_168 = arith.addi %mul3A_152, %add3A_167 : i32
      "tpu.region"() ({
        %run_scoped3A = tpu.sem_alloc : memref<!tpu.dma_semaphore, #tpu.memory_space<semaphore_mem>>
        %dma_start3A_214 = arith.constant 22400 : i32
        %dma_start3A_215 = tpu.memref_slice %arg10[%dma_start3A_214] : memref<96000xf32, #tpu.memory_space<vmem>> -> memref<3200xf32, #tpu.memory_space<vmem>>
        %dma_start3A_216 = tpu.memref_slice %arg6[%add3A_168, %mul3A_64] : memref<120x76800xf32, #tpu.memory_space<hbm>> -> memref<1x3200xf32, #tpu.memory_space<hbm>>
        %dma_start3A_217 = tpu.memref_squeeze %dma_start3A_216 : memref<1x3200xf32, #tpu.memory_space<hbm>> -> memref<3200xf32, #tpu.memory_space<hbm>>
        %dma_start3A_218 = tpu.memref_slice %arg6[%add3A_168, %mul3A_64] : memref<120x76800xf32, #tpu.memory_space<hbm>> -> memref<1x3200xf32, #tpu.memory_space<hbm>>
        %dma_start3A_219 = tpu.memref_squeeze %dma_start3A_218 : memref<1x3200xf32, #tpu.memory_space<hbm>> -> memref<3200xf32, #tpu.memory_space<hbm>>
        %dma_start3A_220 = arith.constant 22400 : i32
        %dma_start3A_221 = tpu.memref_slice %arg10[%dma_start3A_220] : memref<96000xf32, #tpu.memory_space<vmem>> -> memref<3200xf32, #tpu.memory_space<vmem>>
        tpu.enqueue_dma source(%dma_start3A_221 : memref<3200xf32, #tpu.memory_space<vmem>>) target(%dma_start3A_219 : memref<3200xf32, #tpu.memory_space<hbm>>) target_semaphore(%run_scoped3A : memref<!tpu.dma_semaphore, #tpu.memory_space<semaphore_mem>>)
        %dma_wait3A = arith.constant 22400 : i32
        %dma_wait3A_222 = tpu.memref_slice %arg10[%dma_wait3A] : memref<96000xf32, #tpu.memory_space<vmem>> -> memref<3200xf32, #tpu.memory_space<vmem>>
        %dma_wait3A_223 = tpu.memref_slice %arg6[%add3A_168, %mul3A_64] : memref<120x76800xf32, #tpu.memory_space<hbm>> -> memref<1x3200xf32, #tpu.memory_space<hbm>>
        %dma_wait3A_224 = tpu.memref_squeeze %dma_wait3A_223 : memref<1x3200xf32, #tpu.memory_space<hbm>> -> memref<3200xf32, #tpu.memory_space<hbm>>
        %dma_wait3A_225 = tpu.memref_slice %arg6[%add3A_168, %mul3A_64] : memref<120x76800xf32, #tpu.memory_space<hbm>> -> memref<1x3200xf32, #tpu.memory_space<hbm>>
        %dma_wait3A_226 = tpu.memref_squeeze %dma_wait3A_225 : memref<1x3200xf32, #tpu.memory_space<hbm>> -> memref<3200xf32, #tpu.memory_space<hbm>>
        %dma_wait3A_227 = arith.constant 22400 : i32
        %dma_wait3A_228 = tpu.memref_slice %arg10[%dma_wait3A_227] : memref<96000xf32, #tpu.memory_space<vmem>> -> memref<3200xf32, #tpu.memory_space<vmem>>
        tpu.wait_dma2 semaphore(%run_scoped3A : memref<!tpu.dma_semaphore, #tpu.memory_space<semaphore_mem>>) src(%dma_wait3A_228 : memref<3200xf32, #tpu.memory_space<vmem>>) dst(%dma_wait3A_226 : memref<3200xf32, #tpu.memory_space<hbm>>)
        tpu.yield
      }) : () -> ()
      %add3A_169 = arith.constant 8 : i32
      %add3A_170 = arith.addi %mul3A_152, %add3A_169 : i32
      "tpu.region"() ({
        %run_scoped3A = tpu.sem_alloc : memref<!tpu.dma_semaphore, #tpu.memory_space<semaphore_mem>>
        %dma_start3A_214 = arith.constant 25600 : i32
        %dma_start3A_215 = tpu.memref_slice %arg10[%dma_start3A_214] : memref<96000xf32, #tpu.memory_space<vmem>> -> memref<3200xf32, #tpu.memory_space<vmem>>
        %dma_start3A_216 = tpu.memref_slice %arg6[%add3A_170, %mul3A_64] : memref<120x76800xf32, #tpu.memory_space<hbm>> -> memref<1x3200xf32, #tpu.memory_space<hbm>>
        %dma_start3A_217 = tpu.memref_squeeze %dma_start3A_216 : memref<1x3200xf32, #tpu.memory_space<hbm>> -> memref<3200xf32, #tpu.memory_space<hbm>>
        %dma_start3A_218 = tpu.memref_slice %arg6[%add3A_170, %mul3A_64] : memref<120x76800xf32, #tpu.memory_space<hbm>> -> memref<1x3200xf32, #tpu.memory_space<hbm>>
        %dma_start3A_219 = tpu.memref_squeeze %dma_start3A_218 : memref<1x3200xf32, #tpu.memory_space<hbm>> -> memref<3200xf32, #tpu.memory_space<hbm>>
        %dma_start3A_220 = arith.constant 25600 : i32
        %dma_start3A_221 = tpu.memref_slice %arg10[%dma_start3A_220] : memref<96000xf32, #tpu.memory_space<vmem>> -> memref<3200xf32, #tpu.memory_space<vmem>>
        tpu.enqueue_dma source(%dma_start3A_221 : memref<3200xf32, #tpu.memory_space<vmem>>) target(%dma_start3A_219 : memref<3200xf32, #tpu.memory_space<hbm>>) target_semaphore(%run_scoped3A : memref<!tpu.dma_semaphore, #tpu.memory_space<semaphore_mem>>)
        %dma_wait3A = arith.constant 25600 : i32
        %dma_wait3A_222 = tpu.memref_slice %arg10[%dma_wait3A] : memref<96000xf32, #tpu.memory_space<vmem>> -> memref<3200xf32, #tpu.memory_space<vmem>>
        %dma_wait3A_223 = tpu.memref_slice %arg6[%add3A_170, %mul3A_64] : memref<120x76800xf32, #tpu.memory_space<hbm>> -> memref<1x3200xf32, #tpu.memory_space<hbm>>
        %dma_wait3A_224 = tpu.memref_squeeze %dma_wait3A_223 : memref<1x3200xf32, #tpu.memory_space<hbm>> -> memref<3200xf32, #tpu.memory_space<hbm>>
        %dma_wait3A_225 = tpu.memref_slice %arg6[%add3A_170, %mul3A_64] : memref<120x76800xf32, #tpu.memory_space<hbm>> -> memref<1x3200xf32, #tpu.memory_space<hbm>>
        %dma_wait3A_226 = tpu.memref_squeeze %dma_wait3A_225 : memref<1x3200xf32, #tpu.memory_space<hbm>> -> memref<3200xf32, #tpu.memory_space<hbm>>
        %dma_wait3A_227 = arith.constant 25600 : i32
        %dma_wait3A_228 = tpu.memref_slice %arg10[%dma_wait3A_227] : memref<96000xf32, #tpu.memory_space<vmem>> -> memref<3200xf32, #tpu.memory_space<vmem>>
        tpu.wait_dma2 semaphore(%run_scoped3A : memref<!tpu.dma_semaphore, #tpu.memory_space<semaphore_mem>>) src(%dma_wait3A_228 : memref<3200xf32, #tpu.memory_space<vmem>>) dst(%dma_wait3A_226 : memref<3200xf32, #tpu.memory_space<hbm>>)
        tpu.yield
      }) : () -> ()
      %add3A_171 = arith.constant 9 : i32
      %add3A_172 = arith.addi %mul3A_152, %add3A_171 : i32
      "tpu.region"() ({
        %run_scoped3A = tpu.sem_alloc : memref<!tpu.dma_semaphore, #tpu.memory_space<semaphore_mem>>
        %dma_start3A_214 = arith.constant 28800 : i32
        %dma_start3A_215 = tpu.memref_slice %arg10[%dma_start3A_214] : memref<96000xf32, #tpu.memory_space<vmem>> -> memref<3200xf32, #tpu.memory_space<vmem>>
        %dma_start3A_216 = tpu.memref_slice %arg6[%add3A_172, %mul3A_64] : memref<120x76800xf32, #tpu.memory_space<hbm>> -> memref<1x3200xf32, #tpu.memory_space<hbm>>
        %dma_start3A_217 = tpu.memref_squeeze %dma_start3A_216 : memref<1x3200xf32, #tpu.memory_space<hbm>> -> memref<3200xf32, #tpu.memory_space<hbm>>
        %dma_start3A_218 = tpu.memref_slice %arg6[%add3A_172, %mul3A_64] : memref<120x76800xf32, #tpu.memory_space<hbm>> -> memref<1x3200xf32, #tpu.memory_space<hbm>>
        %dma_start3A_219 = tpu.memref_squeeze %dma_start3A_218 : memref<1x3200xf32, #tpu.memory_space<hbm>> -> memref<3200xf32, #tpu.memory_space<hbm>>
        %dma_start3A_220 = arith.constant 28800 : i32
        %dma_start3A_221 = tpu.memref_slice %arg10[%dma_start3A_220] : memref<96000xf32, #tpu.memory_space<vmem>> -> memref<3200xf32, #tpu.memory_space<vmem>>
        tpu.enqueue_dma source(%dma_start3A_221 : memref<3200xf32, #tpu.memory_space<vmem>>) target(%dma_start3A_219 : memref<3200xf32, #tpu.memory_space<hbm>>) target_semaphore(%run_scoped3A : memref<!tpu.dma_semaphore, #tpu.memory_space<semaphore_mem>>)
        %dma_wait3A = arith.constant 28800 : i32
        %dma_wait3A_222 = tpu.memref_slice %arg10[%dma_wait3A] : memref<96000xf32, #tpu.memory_space<vmem>> -> memref<3200xf32, #tpu.memory_space<vmem>>
        %dma_wait3A_223 = tpu.memref_slice %arg6[%add3A_172, %mul3A_64] : memref<120x76800xf32, #tpu.memory_space<hbm>> -> memref<1x3200xf32, #tpu.memory_space<hbm>>
        %dma_wait3A_224 = tpu.memref_squeeze %dma_wait3A_223 : memref<1x3200xf32, #tpu.memory_space<hbm>> -> memref<3200xf32, #tpu.memory_space<hbm>>
        %dma_wait3A_225 = tpu.memref_slice %arg6[%add3A_172, %mul3A_64] : memref<120x76800xf32, #tpu.memory_space<hbm>> -> memref<1x3200xf32, #tpu.memory_space<hbm>>
        %dma_wait3A_226 = tpu.memref_squeeze %dma_wait3A_225 : memref<1x3200xf32, #tpu.memory_space<hbm>> -> memref<3200xf32, #tpu.memory_space<hbm>>
        %dma_wait3A_227 = arith.constant 28800 : i32
        %dma_wait3A_228 = tpu.memref_slice %arg10[%dma_wait3A_227] : memref<96000xf32, #tpu.memory_space<vmem>> -> memref<3200xf32, #tpu.memory_space<vmem>>
        tpu.wait_dma2 semaphore(%run_scoped3A : memref<!tpu.dma_semaphore, #tpu.memory_space<semaphore_mem>>) src(%dma_wait3A_228 : memref<3200xf32, #tpu.memory_space<vmem>>) dst(%dma_wait3A_226 : memref<3200xf32, #tpu.memory_space<hbm>>)
        tpu.yield
      }) : () -> ()
      %add3A_173 = arith.constant 10 : i32
      %add3A_174 = arith.addi %mul3A_152, %add3A_173 : i32
      "tpu.region"() ({
        %run_scoped3A = tpu.sem_alloc : memref<!tpu.dma_semaphore, #tpu.memory_space<semaphore_mem>>
        %dma_start3A_214 = arith.constant 32000 : i32
        %dma_start3A_215 = tpu.memref_slice %arg10[%dma_start3A_214] : memref<96000xf32, #tpu.memory_space<vmem>> -> memref<3200xf32, #tpu.memory_space<vmem>>
        %dma_start3A_216 = tpu.memref_slice %arg6[%add3A_174, %mul3A_64] : memref<120x76800xf32, #tpu.memory_space<hbm>> -> memref<1x3200xf32, #tpu.memory_space<hbm>>
        %dma_start3A_217 = tpu.memref_squeeze %dma_start3A_216 : memref<1x3200xf32, #tpu.memory_space<hbm>> -> memref<3200xf32, #tpu.memory_space<hbm>>
        %dma_start3A_218 = tpu.memref_slice %arg6[%add3A_174, %mul3A_64] : memref<120x76800xf32, #tpu.memory_space<hbm>> -> memref<1x3200xf32, #tpu.memory_space<hbm>>
        %dma_start3A_219 = tpu.memref_squeeze %dma_start3A_218 : memref<1x3200xf32, #tpu.memory_space<hbm>> -> memref<3200xf32, #tpu.memory_space<hbm>>
        %dma_start3A_220 = arith.constant 32000 : i32
        %dma_start3A_221 = tpu.memref_slice %arg10[%dma_start3A_220] : memref<96000xf32, #tpu.memory_space<vmem>> -> memref<3200xf32, #tpu.memory_space<vmem>>
        tpu.enqueue_dma source(%dma_start3A_221 : memref<3200xf32, #tpu.memory_space<vmem>>) target(%dma_start3A_219 : memref<3200xf32, #tpu.memory_space<hbm>>) target_semaphore(%run_scoped3A : memref<!tpu.dma_semaphore, #tpu.memory_space<semaphore_mem>>)
        %dma_wait3A = arith.constant 32000 : i32
        %dma_wait3A_222 = tpu.memref_slice %arg10[%dma_wait3A] : memref<96000xf32, #tpu.memory_space<vmem>> -> memref<3200xf32, #tpu.memory_space<vmem>>
        %dma_wait3A_223 = tpu.memref_slice %arg6[%add3A_174, %mul3A_64] : memref<120x76800xf32, #tpu.memory_space<hbm>> -> memref<1x3200xf32, #tpu.memory_space<hbm>>
        %dma_wait3A_224 = tpu.memref_squeeze %dma_wait3A_223 : memref<1x3200xf32, #tpu.memory_space<hbm>> -> memref<3200xf32, #tpu.memory_space<hbm>>
        %dma_wait3A_225 = tpu.memref_slice %arg6[%add3A_174, %mul3A_64] : memref<120x76800xf32, #tpu.memory_space<hbm>> -> memref<1x3200xf32, #tpu.memory_space<hbm>>
        %dma_wait3A_226 = tpu.memref_squeeze %dma_wait3A_225 : memref<1x3200xf32, #tpu.memory_space<hbm>> -> memref<3200xf32, #tpu.memory_space<hbm>>
        %dma_wait3A_227 = arith.constant 32000 : i32
        %dma_wait3A_228 = tpu.memref_slice %arg10[%dma_wait3A_227] : memref<96000xf32, #tpu.memory_space<vmem>> -> memref<3200xf32, #tpu.memory_space<vmem>>
        tpu.wait_dma2 semaphore(%run_scoped3A : memref<!tpu.dma_semaphore, #tpu.memory_space<semaphore_mem>>) src(%dma_wait3A_228 : memref<3200xf32, #tpu.memory_space<vmem>>) dst(%dma_wait3A_226 : memref<3200xf32, #tpu.memory_space<hbm>>)
        tpu.yield
      }) : () -> ()
      %add3A_175 = arith.constant 11 : i32
      %add3A_176 = arith.addi %mul3A_152, %add3A_175 : i32
      "tpu.region"() ({
        %run_scoped3A = tpu.sem_alloc : memref<!tpu.dma_semaphore, #tpu.memory_space<semaphore_mem>>
        %dma_start3A_214 = arith.constant 35200 : i32
        %dma_start3A_215 = tpu.memref_slice %arg10[%dma_start3A_214] : memref<96000xf32, #tpu.memory_space<vmem>> -> memref<3200xf32, #tpu.memory_space<vmem>>
        %dma_start3A_216 = tpu.memref_slice %arg6[%add3A_176, %mul3A_64] : memref<120x76800xf32, #tpu.memory_space<hbm>> -> memref<1x3200xf32, #tpu.memory_space<hbm>>
        %dma_start3A_217 = tpu.memref_squeeze %dma_start3A_216 : memref<1x3200xf32, #tpu.memory_space<hbm>> -> memref<3200xf32, #tpu.memory_space<hbm>>
        %dma_start3A_218 = tpu.memref_slice %arg6[%add3A_176, %mul3A_64] : memref<120x76800xf32, #tpu.memory_space<hbm>> -> memref<1x3200xf32, #tpu.memory_space<hbm>>
        %dma_start3A_219 = tpu.memref_squeeze %dma_start3A_218 : memref<1x3200xf32, #tpu.memory_space<hbm>> -> memref<3200xf32, #tpu.memory_space<hbm>>
        %dma_start3A_220 = arith.constant 35200 : i32
        %dma_start3A_221 = tpu.memref_slice %arg10[%dma_start3A_220] : memref<96000xf32, #tpu.memory_space<vmem>> -> memref<3200xf32, #tpu.memory_space<vmem>>
        tpu.enqueue_dma source(%dma_start3A_221 : memref<3200xf32, #tpu.memory_space<vmem>>) target(%dma_start3A_219 : memref<3200xf32, #tpu.memory_space<hbm>>) target_semaphore(%run_scoped3A : memref<!tpu.dma_semaphore, #tpu.memory_space<semaphore_mem>>)
        %dma_wait3A = arith.constant 35200 : i32
        %dma_wait3A_222 = tpu.memref_slice %arg10[%dma_wait3A] : memref<96000xf32, #tpu.memory_space<vmem>> -> memref<3200xf32, #tpu.memory_space<vmem>>
        %dma_wait3A_223 = tpu.memref_slice %arg6[%add3A_176, %mul3A_64] : memref<120x76800xf32, #tpu.memory_space<hbm>> -> memref<1x3200xf32, #tpu.memory_space<hbm>>
        %dma_wait3A_224 = tpu.memref_squeeze %dma_wait3A_223 : memref<1x3200xf32, #tpu.memory_space<hbm>> -> memref<3200xf32, #tpu.memory_space<hbm>>
        %dma_wait3A_225 = tpu.memref_slice %arg6[%add3A_176, %mul3A_64] : memref<120x76800xf32, #tpu.memory_space<hbm>> -> memref<1x3200xf32, #tpu.memory_space<hbm>>
        %dma_wait3A_226 = tpu.memref_squeeze %dma_wait3A_225 : memref<1x3200xf32, #tpu.memory_space<hbm>> -> memref<3200xf32, #tpu.memory_space<hbm>>
        %dma_wait3A_227 = arith.constant 35200 : i32
        %dma_wait3A_228 = tpu.memref_slice %arg10[%dma_wait3A_227] : memref<96000xf32, #tpu.memory_space<vmem>> -> memref<3200xf32, #tpu.memory_space<vmem>>
        tpu.wait_dma2 semaphore(%run_scoped3A : memref<!tpu.dma_semaphore, #tpu.memory_space<semaphore_mem>>) src(%dma_wait3A_228 : memref<3200xf32, #tpu.memory_space<vmem>>) dst(%dma_wait3A_226 : memref<3200xf32, #tpu.memory_space<hbm>>)
        tpu.yield
      }) : () -> ()
      %add3A_177 = arith.constant 12 : i32
      %add3A_178 = arith.addi %mul3A_152, %add3A_177 : i32
      "tpu.region"() ({
        %run_scoped3A = tpu.sem_alloc : memref<!tpu.dma_semaphore, #tpu.memory_space<semaphore_mem>>
        %dma_start3A_214 = arith.constant 38400 : i32
        %dma_start3A_215 = tpu.memref_slice %arg10[%dma_start3A_214] : memref<96000xf32, #tpu.memory_space<vmem>> -> memref<3200xf32, #tpu.memory_space<vmem>>
        %dma_start3A_216 = tpu.memref_slice %arg6[%add3A_178, %mul3A_64] : memref<120x76800xf32, #tpu.memory_space<hbm>> -> memref<1x3200xf32, #tpu.memory_space<hbm>>
        %dma_start3A_217 = tpu.memref_squeeze %dma_start3A_216 : memref<1x3200xf32, #tpu.memory_space<hbm>> -> memref<3200xf32, #tpu.memory_space<hbm>>
        %dma_start3A_218 = tpu.memref_slice %arg6[%add3A_178, %mul3A_64] : memref<120x76800xf32, #tpu.memory_space<hbm>> -> memref<1x3200xf32, #tpu.memory_space<hbm>>
        %dma_start3A_219 = tpu.memref_squeeze %dma_start3A_218 : memref<1x3200xf32, #tpu.memory_space<hbm>> -> memref<3200xf32, #tpu.memory_space<hbm>>
        %dma_start3A_220 = arith.constant 38400 : i32
        %dma_start3A_221 = tpu.memref_slice %arg10[%dma_start3A_220] : memref<96000xf32, #tpu.memory_space<vmem>> -> memref<3200xf32, #tpu.memory_space<vmem>>
        tpu.enqueue_dma source(%dma_start3A_221 : memref<3200xf32, #tpu.memory_space<vmem>>) target(%dma_start3A_219 : memref<3200xf32, #tpu.memory_space<hbm>>) target_semaphore(%run_scoped3A : memref<!tpu.dma_semaphore, #tpu.memory_space<semaphore_mem>>)
        %dma_wait3A = arith.constant 38400 : i32
        %dma_wait3A_222 = tpu.memref_slice %arg10[%dma_wait3A] : memref<96000xf32, #tpu.memory_space<vmem>> -> memref<3200xf32, #tpu.memory_space<vmem>>
        %dma_wait3A_223 = tpu.memref_slice %arg6[%add3A_178, %mul3A_64] : memref<120x76800xf32, #tpu.memory_space<hbm>> -> memref<1x3200xf32, #tpu.memory_space<hbm>>
        %dma_wait3A_224 = tpu.memref_squeeze %dma_wait3A_223 : memref<1x3200xf32, #tpu.memory_space<hbm>> -> memref<3200xf32, #tpu.memory_space<hbm>>
        %dma_wait3A_225 = tpu.memref_slice %arg6[%add3A_178, %mul3A_64] : memref<120x76800xf32, #tpu.memory_space<hbm>> -> memref<1x3200xf32, #tpu.memory_space<hbm>>
        %dma_wait3A_226 = tpu.memref_squeeze %dma_wait3A_225 : memref<1x3200xf32, #tpu.memory_space<hbm>> -> memref<3200xf32, #tpu.memory_space<hbm>>
        %dma_wait3A_227 = arith.constant 38400 : i32
        %dma_wait3A_228 = tpu.memref_slice %arg10[%dma_wait3A_227] : memref<96000xf32, #tpu.memory_space<vmem>> -> memref<3200xf32, #tpu.memory_space<vmem>>
        tpu.wait_dma2 semaphore(%run_scoped3A : memref<!tpu.dma_semaphore, #tpu.memory_space<semaphore_mem>>) src(%dma_wait3A_228 : memref<3200xf32, #tpu.memory_space<vmem>>) dst(%dma_wait3A_226 : memref<3200xf32, #tpu.memory_space<hbm>>)
        tpu.yield
      }) : () -> ()
      %add3A_179 = arith.constant 13 : i32
      %add3A_180 = arith.addi %mul3A_152, %add3A_179 : i32
      "tpu.region"() ({
        %run_scoped3A = tpu.sem_alloc : memref<!tpu.dma_semaphore, #tpu.memory_space<semaphore_mem>>
        %dma_start3A_214 = arith.constant 41600 : i32
        %dma_start3A_215 = tpu.memref_slice %arg10[%dma_start3A_214] : memref<96000xf32, #tpu.memory_space<vmem>> -> memref<3200xf32, #tpu.memory_space<vmem>>
        %dma_start3A_216 = tpu.memref_slice %arg6[%add3A_180, %mul3A_64] : memref<120x76800xf32, #tpu.memory_space<hbm>> -> memref<1x3200xf32, #tpu.memory_space<hbm>>
        %dma_start3A_217 = tpu.memref_squeeze %dma_start3A_216 : memref<1x3200xf32, #tpu.memory_space<hbm>> -> memref<3200xf32, #tpu.memory_space<hbm>>
        %dma_start3A_218 = tpu.memref_slice %arg6[%add3A_180, %mul3A_64] : memref<120x76800xf32, #tpu.memory_space<hbm>> -> memref<1x3200xf32, #tpu.memory_space<hbm>>
        %dma_start3A_219 = tpu.memref_squeeze %dma_start3A_218 : memref<1x3200xf32, #tpu.memory_space<hbm>> -> memref<3200xf32, #tpu.memory_space<hbm>>
        %dma_start3A_220 = arith.constant 41600 : i32
        %dma_start3A_221 = tpu.memref_slice %arg10[%dma_start3A_220] : memref<96000xf32, #tpu.memory_space<vmem>> -> memref<3200xf32, #tpu.memory_space<vmem>>
        tpu.enqueue_dma source(%dma_start3A_221 : memref<3200xf32, #tpu.memory_space<vmem>>) target(%dma_start3A_219 : memref<3200xf32, #tpu.memory_space<hbm>>) target_semaphore(%run_scoped3A : memref<!tpu.dma_semaphore, #tpu.memory_space<semaphore_mem>>)
        %dma_wait3A = arith.constant 41600 : i32
        %dma_wait3A_222 = tpu.memref_slice %arg10[%dma_wait3A] : memref<96000xf32, #tpu.memory_space<vmem>> -> memref<3200xf32, #tpu.memory_space<vmem>>
        %dma_wait3A_223 = tpu.memref_slice %arg6[%add3A_180, %mul3A_64] : memref<120x76800xf32, #tpu.memory_space<hbm>> -> memref<1x3200xf32, #tpu.memory_space<hbm>>
        %dma_wait3A_224 = tpu.memref_squeeze %dma_wait3A_223 : memref<1x3200xf32, #tpu.memory_space<hbm>> -> memref<3200xf32, #tpu.memory_space<hbm>>
        %dma_wait3A_225 = tpu.memref_slice %arg6[%add3A_180, %mul3A_64] : memref<120x76800xf32, #tpu.memory_space<hbm>> -> memref<1x3200xf32, #tpu.memory_space<hbm>>
        %dma_wait3A_226 = tpu.memref_squeeze %dma_wait3A_225 : memref<1x3200xf32, #tpu.memory_space<hbm>> -> memref<3200xf32, #tpu.memory_space<hbm>>
        %dma_wait3A_227 = arith.constant 41600 : i32
        %dma_wait3A_228 = tpu.memref_slice %arg10[%dma_wait3A_227] : memref<96000xf32, #tpu.memory_space<vmem>> -> memref<3200xf32, #tpu.memory_space<vmem>>
        tpu.wait_dma2 semaphore(%run_scoped3A : memref<!tpu.dma_semaphore, #tpu.memory_space<semaphore_mem>>) src(%dma_wait3A_228 : memref<3200xf32, #tpu.memory_space<vmem>>) dst(%dma_wait3A_226 : memref<3200xf32, #tpu.memory_space<hbm>>)
        tpu.yield
      }) : () -> ()
      %add3A_181 = arith.constant 14 : i32
      %add3A_182 = arith.addi %mul3A_152, %add3A_181 : i32
      "tpu.region"() ({
        %run_scoped3A = tpu.sem_alloc : memref<!tpu.dma_semaphore, #tpu.memory_space<semaphore_mem>>
        %dma_start3A_214 = arith.constant 44800 : i32
        %dma_start3A_215 = tpu.memref_slice %arg10[%dma_start3A_214] : memref<96000xf32, #tpu.memory_space<vmem>> -> memref<3200xf32, #tpu.memory_space<vmem>>
        %dma_start3A_216 = tpu.memref_slice %arg6[%add3A_182, %mul3A_64] : memref<120x76800xf32, #tpu.memory_space<hbm>> -> memref<1x3200xf32, #tpu.memory_space<hbm>>
        %dma_start3A_217 = tpu.memref_squeeze %dma_start3A_216 : memref<1x3200xf32, #tpu.memory_space<hbm>> -> memref<3200xf32, #tpu.memory_space<hbm>>
        %dma_start3A_218 = tpu.memref_slice %arg6[%add3A_182, %mul3A_64] : memref<120x76800xf32, #tpu.memory_space<hbm>> -> memref<1x3200xf32, #tpu.memory_space<hbm>>
        %dma_start3A_219 = tpu.memref_squeeze %dma_start3A_218 : memref<1x3200xf32, #tpu.memory_space<hbm>> -> memref<3200xf32, #tpu.memory_space<hbm>>
        %dma_start3A_220 = arith.constant 44800 : i32
        %dma_start3A_221 = tpu.memref_slice %arg10[%dma_start3A_220] : memref<96000xf32, #tpu.memory_space<vmem>> -> memref<3200xf32, #tpu.memory_space<vmem>>
        tpu.enqueue_dma source(%dma_start3A_221 : memref<3200xf32, #tpu.memory_space<vmem>>) target(%dma_start3A_219 : memref<3200xf32, #tpu.memory_space<hbm>>) target_semaphore(%run_scoped3A : memref<!tpu.dma_semaphore, #tpu.memory_space<semaphore_mem>>)
        %dma_wait3A = arith.constant 44800 : i32
        %dma_wait3A_222 = tpu.memref_slice %arg10[%dma_wait3A] : memref<96000xf32, #tpu.memory_space<vmem>> -> memref<3200xf32, #tpu.memory_space<vmem>>
        %dma_wait3A_223 = tpu.memref_slice %arg6[%add3A_182, %mul3A_64] : memref<120x76800xf32, #tpu.memory_space<hbm>> -> memref<1x3200xf32, #tpu.memory_space<hbm>>
        %dma_wait3A_224 = tpu.memref_squeeze %dma_wait3A_223 : memref<1x3200xf32, #tpu.memory_space<hbm>> -> memref<3200xf32, #tpu.memory_space<hbm>>
        %dma_wait3A_225 = tpu.memref_slice %arg6[%add3A_182, %mul3A_64] : memref<120x76800xf32, #tpu.memory_space<hbm>> -> memref<1x3200xf32, #tpu.memory_space<hbm>>
        %dma_wait3A_226 = tpu.memref_squeeze %dma_wait3A_225 : memref<1x3200xf32, #tpu.memory_space<hbm>> -> memref<3200xf32, #tpu.memory_space<hbm>>
        %dma_wait3A_227 = arith.constant 44800 : i32
        %dma_wait3A_228 = tpu.memref_slice %arg10[%dma_wait3A_227] : memref<96000xf32, #tpu.memory_space<vmem>> -> memref<3200xf32, #tpu.memory_space<vmem>>
        tpu.wait_dma2 semaphore(%run_scoped3A : memref<!tpu.dma_semaphore, #tpu.memory_space<semaphore_mem>>) src(%dma_wait3A_228 : memref<3200xf32, #tpu.memory_space<vmem>>) dst(%dma_wait3A_226 : memref<3200xf32, #tpu.memory_space<hbm>>)
        tpu.yield
      }) : () -> ()
      %add3A_183 = arith.constant 15 : i32
      %add3A_184 = arith.addi %mul3A_152, %add3A_183 : i32
      "tpu.region"() ({
        %run_scoped3A = tpu.sem_alloc : memref<!tpu.dma_semaphore, #tpu.memory_space<semaphore_mem>>
        %dma_start3A_214 = arith.constant 48000 : i32
        %dma_start3A_215 = tpu.memref_slice %arg10[%dma_start3A_214] : memref<96000xf32, #tpu.memory_space<vmem>> -> memref<3200xf32, #tpu.memory_space<vmem>>
        %dma_start3A_216 = tpu.memref_slice %arg6[%add3A_184, %mul3A_64] : memref<120x76800xf32, #tpu.memory_space<hbm>> -> memref<1x3200xf32, #tpu.memory_space<hbm>>
        %dma_start3A_217 = tpu.memref_squeeze %dma_start3A_216 : memref<1x3200xf32, #tpu.memory_space<hbm>> -> memref<3200xf32, #tpu.memory_space<hbm>>
        %dma_start3A_218 = tpu.memref_slice %arg6[%add3A_184, %mul3A_64] : memref<120x76800xf32, #tpu.memory_space<hbm>> -> memref<1x3200xf32, #tpu.memory_space<hbm>>
        %dma_start3A_219 = tpu.memref_squeeze %dma_start3A_218 : memref<1x3200xf32, #tpu.memory_space<hbm>> -> memref<3200xf32, #tpu.memory_space<hbm>>
        %dma_start3A_220 = arith.constant 48000 : i32
        %dma_start3A_221 = tpu.memref_slice %arg10[%dma_start3A_220] : memref<96000xf32, #tpu.memory_space<vmem>> -> memref<3200xf32, #tpu.memory_space<vmem>>
        tpu.enqueue_dma source(%dma_start3A_221 : memref<3200xf32, #tpu.memory_space<vmem>>) target(%dma_start3A_219 : memref<3200xf32, #tpu.memory_space<hbm>>) target_semaphore(%run_scoped3A : memref<!tpu.dma_semaphore, #tpu.memory_space<semaphore_mem>>)
        %dma_wait3A = arith.constant 48000 : i32
        %dma_wait3A_222 = tpu.memref_slice %arg10[%dma_wait3A] : memref<96000xf32, #tpu.memory_space<vmem>> -> memref<3200xf32, #tpu.memory_space<vmem>>
        %dma_wait3A_223 = tpu.memref_slice %arg6[%add3A_184, %mul3A_64] : memref<120x76800xf32, #tpu.memory_space<hbm>> -> memref<1x3200xf32, #tpu.memory_space<hbm>>
        %dma_wait3A_224 = tpu.memref_squeeze %dma_wait3A_223 : memref<1x3200xf32, #tpu.memory_space<hbm>> -> memref<3200xf32, #tpu.memory_space<hbm>>
        %dma_wait3A_225 = tpu.memref_slice %arg6[%add3A_184, %mul3A_64] : memref<120x76800xf32, #tpu.memory_space<hbm>> -> memref<1x3200xf32, #tpu.memory_space<hbm>>
        %dma_wait3A_226 = tpu.memref_squeeze %dma_wait3A_225 : memref<1x3200xf32, #tpu.memory_space<hbm>> -> memref<3200xf32, #tpu.memory_space<hbm>>
        %dma_wait3A_227 = arith.constant 48000 : i32
        %dma_wait3A_228 = tpu.memref_slice %arg10[%dma_wait3A_227] : memref<96000xf32, #tpu.memory_space<vmem>> -> memref<3200xf32, #tpu.memory_space<vmem>>
        tpu.wait_dma2 semaphore(%run_scoped3A : memref<!tpu.dma_semaphore, #tpu.memory_space<semaphore_mem>>) src(%dma_wait3A_228 : memref<3200xf32, #tpu.memory_space<vmem>>) dst(%dma_wait3A_226 : memref<3200xf32, #tpu.memory_space<hbm>>)
        tpu.yield
      }) : () -> ()
      %add3A_185 = arith.constant 16 : i32
      %add3A_186 = arith.addi %mul3A_152, %add3A_185 : i32
      "tpu.region"() ({
        %run_scoped3A = tpu.sem_alloc : memref<!tpu.dma_semaphore, #tpu.memory_space<semaphore_mem>>
        %dma_start3A_214 = arith.constant 51200 : i32
        %dma_start3A_215 = tpu.memref_slice %arg10[%dma_start3A_214] : memref<96000xf32, #tpu.memory_space<vmem>> -> memref<3200xf32, #tpu.memory_space<vmem>>
        %dma_start3A_216 = tpu.memref_slice %arg6[%add3A_186, %mul3A_64] : memref<120x76800xf32, #tpu.memory_space<hbm>> -> memref<1x3200xf32, #tpu.memory_space<hbm>>
        %dma_start3A_217 = tpu.memref_squeeze %dma_start3A_216 : memref<1x3200xf32, #tpu.memory_space<hbm>> -> memref<3200xf32, #tpu.memory_space<hbm>>
        %dma_start3A_218 = tpu.memref_slice %arg6[%add3A_186, %mul3A_64] : memref<120x76800xf32, #tpu.memory_space<hbm>> -> memref<1x3200xf32, #tpu.memory_space<hbm>>
        %dma_start3A_219 = tpu.memref_squeeze %dma_start3A_218 : memref<1x3200xf32, #tpu.memory_space<hbm>> -> memref<3200xf32, #tpu.memory_space<hbm>>
        %dma_start3A_220 = arith.constant 51200 : i32
        %dma_start3A_221 = tpu.memref_slice %arg10[%dma_start3A_220] : memref<96000xf32, #tpu.memory_space<vmem>> -> memref<3200xf32, #tpu.memory_space<vmem>>
        tpu.enqueue_dma source(%dma_start3A_221 : memref<3200xf32, #tpu.memory_space<vmem>>) target(%dma_start3A_219 : memref<3200xf32, #tpu.memory_space<hbm>>) target_semaphore(%run_scoped3A : memref<!tpu.dma_semaphore, #tpu.memory_space<semaphore_mem>>)
        %dma_wait3A = arith.constant 51200 : i32
        %dma_wait3A_222 = tpu.memref_slice %arg10[%dma_wait3A] : memref<96000xf32, #tpu.memory_space<vmem>> -> memref<3200xf32, #tpu.memory_space<vmem>>
        %dma_wait3A_223 = tpu.memref_slice %arg6[%add3A_186, %mul3A_64] : memref<120x76800xf32, #tpu.memory_space<hbm>> -> memref<1x3200xf32, #tpu.memory_space<hbm>>
        %dma_wait3A_224 = tpu.memref_squeeze %dma_wait3A_223 : memref<1x3200xf32, #tpu.memory_space<hbm>> -> memref<3200xf32, #tpu.memory_space<hbm>>
        %dma_wait3A_225 = tpu.memref_slice %arg6[%add3A_186, %mul3A_64] : memref<120x76800xf32, #tpu.memory_space<hbm>> -> memref<1x3200xf32, #tpu.memory_space<hbm>>
        %dma_wait3A_226 = tpu.memref_squeeze %dma_wait3A_225 : memref<1x3200xf32, #tpu.memory_space<hbm>> -> memref<3200xf32, #tpu.memory_space<hbm>>
        %dma_wait3A_227 = arith.constant 51200 : i32
        %dma_wait3A_228 = tpu.memref_slice %arg10[%dma_wait3A_227] : memref<96000xf32, #tpu.memory_space<vmem>> -> memref<3200xf32, #tpu.memory_space<vmem>>
        tpu.wait_dma2 semaphore(%run_scoped3A : memref<!tpu.dma_semaphore, #tpu.memory_space<semaphore_mem>>) src(%dma_wait3A_228 : memref<3200xf32, #tpu.memory_space<vmem>>) dst(%dma_wait3A_226 : memref<3200xf32, #tpu.memory_space<hbm>>)
        tpu.yield
      }) : () -> ()
      %add3A_187 = arith.constant 17 : i32
      %add3A_188 = arith.addi %mul3A_152, %add3A_187 : i32
      "tpu.region"() ({
        %run_scoped3A = tpu.sem_alloc : memref<!tpu.dma_semaphore, #tpu.memory_space<semaphore_mem>>
        %dma_start3A_214 = arith.constant 54400 : i32
        %dma_start3A_215 = tpu.memref_slice %arg10[%dma_start3A_214] : memref<96000xf32, #tpu.memory_space<vmem>> -> memref<3200xf32, #tpu.memory_space<vmem>>
        %dma_start3A_216 = tpu.memref_slice %arg6[%add3A_188, %mul3A_64] : memref<120x76800xf32, #tpu.memory_space<hbm>> -> memref<1x3200xf32, #tpu.memory_space<hbm>>
        %dma_start3A_217 = tpu.memref_squeeze %dma_start3A_216 : memref<1x3200xf32, #tpu.memory_space<hbm>> -> memref<3200xf32, #tpu.memory_space<hbm>>
        %dma_start3A_218 = tpu.memref_slice %arg6[%add3A_188, %mul3A_64] : memref<120x76800xf32, #tpu.memory_space<hbm>> -> memref<1x3200xf32, #tpu.memory_space<hbm>>
        %dma_start3A_219 = tpu.memref_squeeze %dma_start3A_218 : memref<1x3200xf32, #tpu.memory_space<hbm>> -> memref<3200xf32, #tpu.memory_space<hbm>>
        %dma_start3A_220 = arith.constant 54400 : i32
        %dma_start3A_221 = tpu.memref_slice %arg10[%dma_start3A_220] : memref<96000xf32, #tpu.memory_space<vmem>> -> memref<3200xf32, #tpu.memory_space<vmem>>
        tpu.enqueue_dma source(%dma_start3A_221 : memref<3200xf32, #tpu.memory_space<vmem>>) target(%dma_start3A_219 : memref<3200xf32, #tpu.memory_space<hbm>>) target_semaphore(%run_scoped3A : memref<!tpu.dma_semaphore, #tpu.memory_space<semaphore_mem>>)
        %dma_wait3A = arith.constant 54400 : i32
        %dma_wait3A_222 = tpu.memref_slice %arg10[%dma_wait3A] : memref<96000xf32, #tpu.memory_space<vmem>> -> memref<3200xf32, #tpu.memory_space<vmem>>
        %dma_wait3A_223 = tpu.memref_slice %arg6[%add3A_188, %mul3A_64] : memref<120x76800xf32, #tpu.memory_space<hbm>> -> memref<1x3200xf32, #tpu.memory_space<hbm>>
        %dma_wait3A_224 = tpu.memref_squeeze %dma_wait3A_223 : memref<1x3200xf32, #tpu.memory_space<hbm>> -> memref<3200xf32, #tpu.memory_space<hbm>>
        %dma_wait3A_225 = tpu.memref_slice %arg6[%add3A_188, %mul3A_64] : memref<120x76800xf32, #tpu.memory_space<hbm>> -> memref<1x3200xf32, #tpu.memory_space<hbm>>
        %dma_wait3A_226 = tpu.memref_squeeze %dma_wait3A_225 : memref<1x3200xf32, #tpu.memory_space<hbm>> -> memref<3200xf32, #tpu.memory_space<hbm>>
        %dma_wait3A_227 = arith.constant 54400 : i32
        %dma_wait3A_228 = tpu.memref_slice %arg10[%dma_wait3A_227] : memref<96000xf32, #tpu.memory_space<vmem>> -> memref<3200xf32, #tpu.memory_space<vmem>>
        tpu.wait_dma2 semaphore(%run_scoped3A : memref<!tpu.dma_semaphore, #tpu.memory_space<semaphore_mem>>) src(%dma_wait3A_228 : memref<3200xf32, #tpu.memory_space<vmem>>) dst(%dma_wait3A_226 : memref<3200xf32, #tpu.memory_space<hbm>>)
        tpu.yield
      }) : () -> ()
      %add3A_189 = arith.constant 18 : i32
      %add3A_190 = arith.addi %mul3A_152, %add3A_189 : i32
      "tpu.region"() ({
        %run_scoped3A = tpu.sem_alloc : memref<!tpu.dma_semaphore, #tpu.memory_space<semaphore_mem>>
        %dma_start3A_214 = arith.constant 57600 : i32
        %dma_start3A_215 = tpu.memref_slice %arg10[%dma_start3A_214] : memref<96000xf32, #tpu.memory_space<vmem>> -> memref<3200xf32, #tpu.memory_space<vmem>>
        %dma_start3A_216 = tpu.memref_slice %arg6[%add3A_190, %mul3A_64] : memref<120x76800xf32, #tpu.memory_space<hbm>> -> memref<1x3200xf32, #tpu.memory_space<hbm>>
        %dma_start3A_217 = tpu.memref_squeeze %dma_start3A_216 : memref<1x3200xf32, #tpu.memory_space<hbm>> -> memref<3200xf32, #tpu.memory_space<hbm>>
        %dma_start3A_218 = tpu.memref_slice %arg6[%add3A_190, %mul3A_64] : memref<120x76800xf32, #tpu.memory_space<hbm>> -> memref<1x3200xf32, #tpu.memory_space<hbm>>
        %dma_start3A_219 = tpu.memref_squeeze %dma_start3A_218 : memref<1x3200xf32, #tpu.memory_space<hbm>> -> memref<3200xf32, #tpu.memory_space<hbm>>
        %dma_start3A_220 = arith.constant 57600 : i32
        %dma_start3A_221 = tpu.memref_slice %arg10[%dma_start3A_220] : memref<96000xf32, #tpu.memory_space<vmem>> -> memref<3200xf32, #tpu.memory_space<vmem>>
        tpu.enqueue_dma source(%dma_start3A_221 : memref<3200xf32, #tpu.memory_space<vmem>>) target(%dma_start3A_219 : memref<3200xf32, #tpu.memory_space<hbm>>) target_semaphore(%run_scoped3A : memref<!tpu.dma_semaphore, #tpu.memory_space<semaphore_mem>>)
        %dma_wait3A = arith.constant 57600 : i32
        %dma_wait3A_222 = tpu.memref_slice %arg10[%dma_wait3A] : memref<96000xf32, #tpu.memory_space<vmem>> -> memref<3200xf32, #tpu.memory_space<vmem>>
        %dma_wait3A_223 = tpu.memref_slice %arg6[%add3A_190, %mul3A_64] : memref<120x76800xf32, #tpu.memory_space<hbm>> -> memref<1x3200xf32, #tpu.memory_space<hbm>>
        %dma_wait3A_224 = tpu.memref_squeeze %dma_wait3A_223 : memref<1x3200xf32, #tpu.memory_space<hbm>> -> memref<3200xf32, #tpu.memory_space<hbm>>
        %dma_wait3A_225 = tpu.memref_slice %arg6[%add3A_190, %mul3A_64] : memref<120x76800xf32, #tpu.memory_space<hbm>> -> memref<1x3200xf32, #tpu.memory_space<hbm>>
        %dma_wait3A_226 = tpu.memref_squeeze %dma_wait3A_225 : memref<1x3200xf32, #tpu.memory_space<hbm>> -> memref<3200xf32, #tpu.memory_space<hbm>>
        %dma_wait3A_227 = arith.constant 57600 : i32
        %dma_wait3A_228 = tpu.memref_slice %arg10[%dma_wait3A_227] : memref<96000xf32, #tpu.memory_space<vmem>> -> memref<3200xf32, #tpu.memory_space<vmem>>
        tpu.wait_dma2 semaphore(%run_scoped3A : memref<!tpu.dma_semaphore, #tpu.memory_space<semaphore_mem>>) src(%dma_wait3A_228 : memref<3200xf32, #tpu.memory_space<vmem>>) dst(%dma_wait3A_226 : memref<3200xf32, #tpu.memory_space<hbm>>)
        tpu.yield
      }) : () -> ()
      %add3A_191 = arith.constant 19 : i32
      %add3A_192 = arith.addi %mul3A_152, %add3A_191 : i32
      "tpu.region"() ({
        %run_scoped3A = tpu.sem_alloc : memref<!tpu.dma_semaphore, #tpu.memory_space<semaphore_mem>>
        %dma_start3A_214 = arith.constant 60800 : i32
        %dma_start3A_215 = tpu.memref_slice %arg10[%dma_start3A_214] : memref<96000xf32, #tpu.memory_space<vmem>> -> memref<3200xf32, #tpu.memory_space<vmem>>
        %dma_start3A_216 = tpu.memref_slice %arg6[%add3A_192, %mul3A_64] : memref<120x76800xf32, #tpu.memory_space<hbm>> -> memref<1x3200xf32, #tpu.memory_space<hbm>>
        %dma_start3A_217 = tpu.memref_squeeze %dma_start3A_216 : memref<1x3200xf32, #tpu.memory_space<hbm>> -> memref<3200xf32, #tpu.memory_space<hbm>>
        %dma_start3A_218 = tpu.memref_slice %arg6[%add3A_192, %mul3A_64] : memref<120x76800xf32, #tpu.memory_space<hbm>> -> memref<1x3200xf32, #tpu.memory_space<hbm>>
        %dma_start3A_219 = tpu.memref_squeeze %dma_start3A_218 : memref<1x3200xf32, #tpu.memory_space<hbm>> -> memref<3200xf32, #tpu.memory_space<hbm>>
        %dma_start3A_220 = arith.constant 60800 : i32
        %dma_start3A_221 = tpu.memref_slice %arg10[%dma_start3A_220] : memref<96000xf32, #tpu.memory_space<vmem>> -> memref<3200xf32, #tpu.memory_space<vmem>>
        tpu.enqueue_dma source(%dma_start3A_221 : memref<3200xf32, #tpu.memory_space<vmem>>) target(%dma_start3A_219 : memref<3200xf32, #tpu.memory_space<hbm>>) target_semaphore(%run_scoped3A : memref<!tpu.dma_semaphore, #tpu.memory_space<semaphore_mem>>)
        %dma_wait3A = arith.constant 60800 : i32
        %dma_wait3A_222 = tpu.memref_slice %arg10[%dma_wait3A] : memref<96000xf32, #tpu.memory_space<vmem>> -> memref<3200xf32, #tpu.memory_space<vmem>>
        %dma_wait3A_223 = tpu.memref_slice %arg6[%add3A_192, %mul3A_64] : memref<120x76800xf32, #tpu.memory_space<hbm>> -> memref<1x3200xf32, #tpu.memory_space<hbm>>
        %dma_wait3A_224 = tpu.memref_squeeze %dma_wait3A_223 : memref<1x3200xf32, #tpu.memory_space<hbm>> -> memref<3200xf32, #tpu.memory_space<hbm>>
        %dma_wait3A_225 = tpu.memref_slice %arg6[%add3A_192, %mul3A_64] : memref<120x76800xf32, #tpu.memory_space<hbm>> -> memref<1x3200xf32, #tpu.memory_space<hbm>>
        %dma_wait3A_226 = tpu.memref_squeeze %dma_wait3A_225 : memref<1x3200xf32, #tpu.memory_space<hbm>> -> memref<3200xf32, #tpu.memory_space<hbm>>
        %dma_wait3A_227 = arith.constant 60800 : i32
        %dma_wait3A_228 = tpu.memref_slice %arg10[%dma_wait3A_227] : memref<96000xf32, #tpu.memory_space<vmem>> -> memref<3200xf32, #tpu.memory_space<vmem>>
        tpu.wait_dma2 semaphore(%run_scoped3A : memref<!tpu.dma_semaphore, #tpu.memory_space<semaphore_mem>>) src(%dma_wait3A_228 : memref<3200xf32, #tpu.memory_space<vmem>>) dst(%dma_wait3A_226 : memref<3200xf32, #tpu.memory_space<hbm>>)
        tpu.yield
      }) : () -> ()
      %add3A_193 = arith.constant 20 : i32
      %add3A_194 = arith.addi %mul3A_152, %add3A_193 : i32
      "tpu.region"() ({
        %run_scoped3A = tpu.sem_alloc : memref<!tpu.dma_semaphore, #tpu.memory_space<semaphore_mem>>
        %dma_start3A_214 = arith.constant 64000 : i32
        %dma_start3A_215 = tpu.memref_slice %arg10[%dma_start3A_214] : memref<96000xf32, #tpu.memory_space<vmem>> -> memref<3200xf32, #tpu.memory_space<vmem>>
        %dma_start3A_216 = tpu.memref_slice %arg6[%add3A_194, %mul3A_64] : memref<120x76800xf32, #tpu.memory_space<hbm>> -> memref<1x3200xf32, #tpu.memory_space<hbm>>
        %dma_start3A_217 = tpu.memref_squeeze %dma_start3A_216 : memref<1x3200xf32, #tpu.memory_space<hbm>> -> memref<3200xf32, #tpu.memory_space<hbm>>
        %dma_start3A_218 = tpu.memref_slice %arg6[%add3A_194, %mul3A_64] : memref<120x76800xf32, #tpu.memory_space<hbm>> -> memref<1x3200xf32, #tpu.memory_space<hbm>>
        %dma_start3A_219 = tpu.memref_squeeze %dma_start3A_218 : memref<1x3200xf32, #tpu.memory_space<hbm>> -> memref<3200xf32, #tpu.memory_space<hbm>>
        %dma_start3A_220 = arith.constant 64000 : i32
        %dma_start3A_221 = tpu.memref_slice %arg10[%dma_start3A_220] : memref<96000xf32, #tpu.memory_space<vmem>> -> memref<3200xf32, #tpu.memory_space<vmem>>
        tpu.enqueue_dma source(%dma_start3A_221 : memref<3200xf32, #tpu.memory_space<vmem>>) target(%dma_start3A_219 : memref<3200xf32, #tpu.memory_space<hbm>>) target_semaphore(%run_scoped3A : memref<!tpu.dma_semaphore, #tpu.memory_space<semaphore_mem>>)
        %dma_wait3A = arith.constant 64000 : i32
        %dma_wait3A_222 = tpu.memref_slice %arg10[%dma_wait3A] : memref<96000xf32, #tpu.memory_space<vmem>> -> memref<3200xf32, #tpu.memory_space<vmem>>
        %dma_wait3A_223 = tpu.memref_slice %arg6[%add3A_194, %mul3A_64] : memref<120x76800xf32, #tpu.memory_space<hbm>> -> memref<1x3200xf32, #tpu.memory_space<hbm>>
        %dma_wait3A_224 = tpu.memref_squeeze %dma_wait3A_223 : memref<1x3200xf32, #tpu.memory_space<hbm>> -> memref<3200xf32, #tpu.memory_space<hbm>>
        %dma_wait3A_225 = tpu.memref_slice %arg6[%add3A_194, %mul3A_64] : memref<120x76800xf32, #tpu.memory_space<hbm>> -> memref<1x3200xf32, #tpu.memory_space<hbm>>
        %dma_wait3A_226 = tpu.memref_squeeze %dma_wait3A_225 : memref<1x3200xf32, #tpu.memory_space<hbm>> -> memref<3200xf32, #tpu.memory_space<hbm>>
        %dma_wait3A_227 = arith.constant 64000 : i32
        %dma_wait3A_228 = tpu.memref_slice %arg10[%dma_wait3A_227] : memref<96000xf32, #tpu.memory_space<vmem>> -> memref<3200xf32, #tpu.memory_space<vmem>>
        tpu.wait_dma2 semaphore(%run_scoped3A : memref<!tpu.dma_semaphore, #tpu.memory_space<semaphore_mem>>) src(%dma_wait3A_228 : memref<3200xf32, #tpu.memory_space<vmem>>) dst(%dma_wait3A_226 : memref<3200xf32, #tpu.memory_space<hbm>>)
        tpu.yield
      }) : () -> ()
      %add3A_195 = arith.constant 21 : i32
      %add3A_196 = arith.addi %mul3A_152, %add3A_195 : i32
      "tpu.region"() ({
        %run_scoped3A = tpu.sem_alloc : memref<!tpu.dma_semaphore, #tpu.memory_space<semaphore_mem>>
        %dma_start3A_214 = arith.constant 67200 : i32
        %dma_start3A_215 = tpu.memref_slice %arg10[%dma_start3A_214] : memref<96000xf32, #tpu.memory_space<vmem>> -> memref<3200xf32, #tpu.memory_space<vmem>>
        %dma_start3A_216 = tpu.memref_slice %arg6[%add3A_196, %mul3A_64] : memref<120x76800xf32, #tpu.memory_space<hbm>> -> memref<1x3200xf32, #tpu.memory_space<hbm>>
        %dma_start3A_217 = tpu.memref_squeeze %dma_start3A_216 : memref<1x3200xf32, #tpu.memory_space<hbm>> -> memref<3200xf32, #tpu.memory_space<hbm>>
        %dma_start3A_218 = tpu.memref_slice %arg6[%add3A_196, %mul3A_64] : memref<120x76800xf32, #tpu.memory_space<hbm>> -> memref<1x3200xf32, #tpu.memory_space<hbm>>
        %dma_start3A_219 = tpu.memref_squeeze %dma_start3A_218 : memref<1x3200xf32, #tpu.memory_space<hbm>> -> memref<3200xf32, #tpu.memory_space<hbm>>
        %dma_start3A_220 = arith.constant 67200 : i32
        %dma_start3A_221 = tpu.memref_slice %arg10[%dma_start3A_220] : memref<96000xf32, #tpu.memory_space<vmem>> -> memref<3200xf32, #tpu.memory_space<vmem>>
        tpu.enqueue_dma source(%dma_start3A_221 : memref<3200xf32, #tpu.memory_space<vmem>>) target(%dma_start3A_219 : memref<3200xf32, #tpu.memory_space<hbm>>) target_semaphore(%run_scoped3A : memref<!tpu.dma_semaphore, #tpu.memory_space<semaphore_mem>>)
        %dma_wait3A = arith.constant 67200 : i32
        %dma_wait3A_222 = tpu.memref_slice %arg10[%dma_wait3A] : memref<96000xf32, #tpu.memory_space<vmem>> -> memref<3200xf32, #tpu.memory_space<vmem>>
        %dma_wait3A_223 = tpu.memref_slice %arg6[%add3A_196, %mul3A_64] : memref<120x76800xf32, #tpu.memory_space<hbm>> -> memref<1x3200xf32, #tpu.memory_space<hbm>>
        %dma_wait3A_224 = tpu.memref_squeeze %dma_wait3A_223 : memref<1x3200xf32, #tpu.memory_space<hbm>> -> memref<3200xf32, #tpu.memory_space<hbm>>
        %dma_wait3A_225 = tpu.memref_slice %arg6[%add3A_196, %mul3A_64] : memref<120x76800xf32, #tpu.memory_space<hbm>> -> memref<1x3200xf32, #tpu.memory_space<hbm>>
        %dma_wait3A_226 = tpu.memref_squeeze %dma_wait3A_225 : memref<1x3200xf32, #tpu.memory_space<hbm>> -> memref<3200xf32, #tpu.memory_space<hbm>>
        %dma_wait3A_227 = arith.constant 67200 : i32
        %dma_wait3A_228 = tpu.memref_slice %arg10[%dma_wait3A_227] : memref<96000xf32, #tpu.memory_space<vmem>> -> memref<3200xf32, #tpu.memory_space<vmem>>
        tpu.wait_dma2 semaphore(%run_scoped3A : memref<!tpu.dma_semaphore, #tpu.memory_space<semaphore_mem>>) src(%dma_wait3A_228 : memref<3200xf32, #tpu.memory_space<vmem>>) dst(%dma_wait3A_226 : memref<3200xf32, #tpu.memory_space<hbm>>)
        tpu.yield
      }) : () -> ()
      %add3A_197 = arith.constant 22 : i32
      %add3A_198 = arith.addi %mul3A_152, %add3A_197 : i32
      "tpu.region"() ({
        %run_scoped3A = tpu.sem_alloc : memref<!tpu.dma_semaphore, #tpu.memory_space<semaphore_mem>>
        %dma_start3A_214 = arith.constant 70400 : i32
        %dma_start3A_215 = tpu.memref_slice %arg10[%dma_start3A_214] : memref<96000xf32, #tpu.memory_space<vmem>> -> memref<3200xf32, #tpu.memory_space<vmem>>
        %dma_start3A_216 = tpu.memref_slice %arg6[%add3A_198, %mul3A_64] : memref<120x76800xf32, #tpu.memory_space<hbm>> -> memref<1x3200xf32, #tpu.memory_space<hbm>>
        %dma_start3A_217 = tpu.memref_squeeze %dma_start3A_216 : memref<1x3200xf32, #tpu.memory_space<hbm>> -> memref<3200xf32, #tpu.memory_space<hbm>>
        %dma_start3A_218 = tpu.memref_slice %arg6[%add3A_198, %mul3A_64] : memref<120x76800xf32, #tpu.memory_space<hbm>> -> memref<1x3200xf32, #tpu.memory_space<hbm>>
        %dma_start3A_219 = tpu.memref_squeeze %dma_start3A_218 : memref<1x3200xf32, #tpu.memory_space<hbm>> -> memref<3200xf32, #tpu.memory_space<hbm>>
        %dma_start3A_220 = arith.constant 70400 : i32
        %dma_start3A_221 = tpu.memref_slice %arg10[%dma_start3A_220] : memref<96000xf32, #tpu.memory_space<vmem>> -> memref<3200xf32, #tpu.memory_space<vmem>>
        tpu.enqueue_dma source(%dma_start3A_221 : memref<3200xf32, #tpu.memory_space<vmem>>) target(%dma_start3A_219 : memref<3200xf32, #tpu.memory_space<hbm>>) target_semaphore(%run_scoped3A : memref<!tpu.dma_semaphore, #tpu.memory_space<semaphore_mem>>)
        %dma_wait3A = arith.constant 70400 : i32
        %dma_wait3A_222 = tpu.memref_slice %arg10[%dma_wait3A] : memref<96000xf32, #tpu.memory_space<vmem>> -> memref<3200xf32, #tpu.memory_space<vmem>>
        %dma_wait3A_223 = tpu.memref_slice %arg6[%add3A_198, %mul3A_64] : memref<120x76800xf32, #tpu.memory_space<hbm>> -> memref<1x3200xf32, #tpu.memory_space<hbm>>
        %dma_wait3A_224 = tpu.memref_squeeze %dma_wait3A_223 : memref<1x3200xf32, #tpu.memory_space<hbm>> -> memref<3200xf32, #tpu.memory_space<hbm>>
        %dma_wait3A_225 = tpu.memref_slice %arg6[%add3A_198, %mul3A_64] : memref<120x76800xf32, #tpu.memory_space<hbm>> -> memref<1x3200xf32, #tpu.memory_space<hbm>>
        %dma_wait3A_226 = tpu.memref_squeeze %dma_wait3A_225 : memref<1x3200xf32, #tpu.memory_space<hbm>> -> memref<3200xf32, #tpu.memory_space<hbm>>
        %dma_wait3A_227 = arith.constant 70400 : i32
        %dma_wait3A_228 = tpu.memref_slice %arg10[%dma_wait3A_227] : memref<96000xf32, #tpu.memory_space<vmem>> -> memref<3200xf32, #tpu.memory_space<vmem>>
        tpu.wait_dma2 semaphore(%run_scoped3A : memref<!tpu.dma_semaphore, #tpu.memory_space<semaphore_mem>>) src(%dma_wait3A_228 : memref<3200xf32, #tpu.memory_space<vmem>>) dst(%dma_wait3A_226 : memref<3200xf32, #tpu.memory_space<hbm>>)
        tpu.yield
      }) : () -> ()
      %add3A_199 = arith.constant 23 : i32
      %add3A_200 = arith.addi %mul3A_152, %add3A_199 : i32
      "tpu.region"() ({
        %run_scoped3A = tpu.sem_alloc : memref<!tpu.dma_semaphore, #tpu.memory_space<semaphore_mem>>
        %dma_start3A_214 = arith.constant 73600 : i32
        %dma_start3A_215 = tpu.memref_slice %arg10[%dma_start3A_214] : memref<96000xf32, #tpu.memory_space<vmem>> -> memref<3200xf32, #tpu.memory_space<vmem>>
        %dma_start3A_216 = tpu.memref_slice %arg6[%add3A_200, %mul3A_64] : memref<120x76800xf32, #tpu.memory_space<hbm>> -> memref<1x3200xf32, #tpu.memory_space<hbm>>
        %dma_start3A_217 = tpu.memref_squeeze %dma_start3A_216 : memref<1x3200xf32, #tpu.memory_space<hbm>> -> memref<3200xf32, #tpu.memory_space<hbm>>
        %dma_start3A_218 = tpu.memref_slice %arg6[%add3A_200, %mul3A_64] : memref<120x76800xf32, #tpu.memory_space<hbm>> -> memref<1x3200xf32, #tpu.memory_space<hbm>>
        %dma_start3A_219 = tpu.memref_squeeze %dma_start3A_218 : memref<1x3200xf32, #tpu.memory_space<hbm>> -> memref<3200xf32, #tpu.memory_space<hbm>>
        %dma_start3A_220 = arith.constant 73600 : i32
        %dma_start3A_221 = tpu.memref_slice %arg10[%dma_start3A_220] : memref<96000xf32, #tpu.memory_space<vmem>> -> memref<3200xf32, #tpu.memory_space<vmem>>
        tpu.enqueue_dma source(%dma_start3A_221 : memref<3200xf32, #tpu.memory_space<vmem>>) target(%dma_start3A_219 : memref<3200xf32, #tpu.memory_space<hbm>>) target_semaphore(%run_scoped3A : memref<!tpu.dma_semaphore, #tpu.memory_space<semaphore_mem>>)
        %dma_wait3A = arith.constant 73600 : i32
        %dma_wait3A_222 = tpu.memref_slice %arg10[%dma_wait3A] : memref<96000xf32, #tpu.memory_space<vmem>> -> memref<3200xf32, #tpu.memory_space<vmem>>
        %dma_wait3A_223 = tpu.memref_slice %arg6[%add3A_200, %mul3A_64] : memref<120x76800xf32, #tpu.memory_space<hbm>> -> memref<1x3200xf32, #tpu.memory_space<hbm>>
        %dma_wait3A_224 = tpu.memref_squeeze %dma_wait3A_223 : memref<1x3200xf32, #tpu.memory_space<hbm>> -> memref<3200xf32, #tpu.memory_space<hbm>>
        %dma_wait3A_225 = tpu.memref_slice %arg6[%add3A_200, %mul3A_64] : memref<120x76800xf32, #tpu.memory_space<hbm>> -> memref<1x3200xf32, #tpu.memory_space<hbm>>
        %dma_wait3A_226 = tpu.memref_squeeze %dma_wait3A_225 : memref<1x3200xf32, #tpu.memory_space<hbm>> -> memref<3200xf32, #tpu.memory_space<hbm>>
        %dma_wait3A_227 = arith.constant 73600 : i32
        %dma_wait3A_228 = tpu.memref_slice %arg10[%dma_wait3A_227] : memref<96000xf32, #tpu.memory_space<vmem>> -> memref<3200xf32, #tpu.memory_space<vmem>>
        tpu.wait_dma2 semaphore(%run_scoped3A : memref<!tpu.dma_semaphore, #tpu.memory_space<semaphore_mem>>) src(%dma_wait3A_228 : memref<3200xf32, #tpu.memory_space<vmem>>) dst(%dma_wait3A_226 : memref<3200xf32, #tpu.memory_space<hbm>>)
        tpu.yield
      }) : () -> ()
      %add3A_201 = arith.constant 24 : i32
      %add3A_202 = arith.addi %mul3A_152, %add3A_201 : i32
      "tpu.region"() ({
        %run_scoped3A = tpu.sem_alloc : memref<!tpu.dma_semaphore, #tpu.memory_space<semaphore_mem>>
        %dma_start3A_214 = arith.constant 76800 : i32
        %dma_start3A_215 = tpu.memref_slice %arg10[%dma_start3A_214] : memref<96000xf32, #tpu.memory_space<vmem>> -> memref<3200xf32, #tpu.memory_space<vmem>>
        %dma_start3A_216 = tpu.memref_slice %arg6[%add3A_202, %mul3A_64] : memref<120x76800xf32, #tpu.memory_space<hbm>> -> memref<1x3200xf32, #tpu.memory_space<hbm>>
        %dma_start3A_217 = tpu.memref_squeeze %dma_start3A_216 : memref<1x3200xf32, #tpu.memory_space<hbm>> -> memref<3200xf32, #tpu.memory_space<hbm>>
        %dma_start3A_218 = tpu.memref_slice %arg6[%add3A_202, %mul3A_64] : memref<120x76800xf32, #tpu.memory_space<hbm>> -> memref<1x3200xf32, #tpu.memory_space<hbm>>
        %dma_start3A_219 = tpu.memref_squeeze %dma_start3A_218 : memref<1x3200xf32, #tpu.memory_space<hbm>> -> memref<3200xf32, #tpu.memory_space<hbm>>
        %dma_start3A_220 = arith.constant 76800 : i32
        %dma_start3A_221 = tpu.memref_slice %arg10[%dma_start3A_220] : memref<96000xf32, #tpu.memory_space<vmem>> -> memref<3200xf32, #tpu.memory_space<vmem>>
        tpu.enqueue_dma source(%dma_start3A_221 : memref<3200xf32, #tpu.memory_space<vmem>>) target(%dma_start3A_219 : memref<3200xf32, #tpu.memory_space<hbm>>) target_semaphore(%run_scoped3A : memref<!tpu.dma_semaphore, #tpu.memory_space<semaphore_mem>>)
        %dma_wait3A = arith.constant 76800 : i32
        %dma_wait3A_222 = tpu.memref_slice %arg10[%dma_wait3A] : memref<96000xf32, #tpu.memory_space<vmem>> -> memref<3200xf32, #tpu.memory_space<vmem>>
        %dma_wait3A_223 = tpu.memref_slice %arg6[%add3A_202, %mul3A_64] : memref<120x76800xf32, #tpu.memory_space<hbm>> -> memref<1x3200xf32, #tpu.memory_space<hbm>>
        %dma_wait3A_224 = tpu.memref_squeeze %dma_wait3A_223 : memref<1x3200xf32, #tpu.memory_space<hbm>> -> memref<3200xf32, #tpu.memory_space<hbm>>
        %dma_wait3A_225 = tpu.memref_slice %arg6[%add3A_202, %mul3A_64] : memref<120x76800xf32, #tpu.memory_space<hbm>> -> memref<1x3200xf32, #tpu.memory_space<hbm>>
        %dma_wait3A_226 = tpu.memref_squeeze %dma_wait3A_225 : memref<1x3200xf32, #tpu.memory_space<hbm>> -> memref<3200xf32, #tpu.memory_space<hbm>>
        %dma_wait3A_227 = arith.constant 76800 : i32
        %dma_wait3A_228 = tpu.memref_slice %arg10[%dma_wait3A_227] : memref<96000xf32, #tpu.memory_space<vmem>> -> memref<3200xf32, #tpu.memory_space<vmem>>
        tpu.wait_dma2 semaphore(%run_scoped3A : memref<!tpu.dma_semaphore, #tpu.memory_space<semaphore_mem>>) src(%dma_wait3A_228 : memref<3200xf32, #tpu.memory_space<vmem>>) dst(%dma_wait3A_226 : memref<3200xf32, #tpu.memory_space<hbm>>)
        tpu.yield
      }) : () -> ()
      %add3A_203 = arith.constant 25 : i32
      %add3A_204 = arith.addi %mul3A_152, %add3A_203 : i32
      "tpu.region"() ({
        %run_scoped3A = tpu.sem_alloc : memref<!tpu.dma_semaphore, #tpu.memory_space<semaphore_mem>>
        %dma_start3A_214 = arith.constant 80000 : i32
        %dma_start3A_215 = tpu.memref_slice %arg10[%dma_start3A_214] : memref<96000xf32, #tpu.memory_space<vmem>> -> memref<3200xf32, #tpu.memory_space<vmem>>
        %dma_start3A_216 = tpu.memref_slice %arg6[%add3A_204, %mul3A_64] : memref<120x76800xf32, #tpu.memory_space<hbm>> -> memref<1x3200xf32, #tpu.memory_space<hbm>>
        %dma_start3A_217 = tpu.memref_squeeze %dma_start3A_216 : memref<1x3200xf32, #tpu.memory_space<hbm>> -> memref<3200xf32, #tpu.memory_space<hbm>>
        %dma_start3A_218 = tpu.memref_slice %arg6[%add3A_204, %mul3A_64] : memref<120x76800xf32, #tpu.memory_space<hbm>> -> memref<1x3200xf32, #tpu.memory_space<hbm>>
        %dma_start3A_219 = tpu.memref_squeeze %dma_start3A_218 : memref<1x3200xf32, #tpu.memory_space<hbm>> -> memref<3200xf32, #tpu.memory_space<hbm>>
        %dma_start3A_220 = arith.constant 80000 : i32
        %dma_start3A_221 = tpu.memref_slice %arg10[%dma_start3A_220] : memref<96000xf32, #tpu.memory_space<vmem>> -> memref<3200xf32, #tpu.memory_space<vmem>>
        tpu.enqueue_dma source(%dma_start3A_221 : memref<3200xf32, #tpu.memory_space<vmem>>) target(%dma_start3A_219 : memref<3200xf32, #tpu.memory_space<hbm>>) target_semaphore(%run_scoped3A : memref<!tpu.dma_semaphore, #tpu.memory_space<semaphore_mem>>)
        %dma_wait3A = arith.constant 80000 : i32
        %dma_wait3A_222 = tpu.memref_slice %arg10[%dma_wait3A] : memref<96000xf32, #tpu.memory_space<vmem>> -> memref<3200xf32, #tpu.memory_space<vmem>>
        %dma_wait3A_223 = tpu.memref_slice %arg6[%add3A_204, %mul3A_64] : memref<120x76800xf32, #tpu.memory_space<hbm>> -> memref<1x3200xf32, #tpu.memory_space<hbm>>
        %dma_wait3A_224 = tpu.memref_squeeze %dma_wait3A_223 : memref<1x3200xf32, #tpu.memory_space<hbm>> -> memref<3200xf32, #tpu.memory_space<hbm>>
        %dma_wait3A_225 = tpu.memref_slice %arg6[%add3A_204, %mul3A_64] : memref<120x76800xf32, #tpu.memory_space<hbm>> -> memref<1x3200xf32, #tpu.memory_space<hbm>>
        %dma_wait3A_226 = tpu.memref_squeeze %dma_wait3A_225 : memref<1x3200xf32, #tpu.memory_space<hbm>> -> memref<3200xf32, #tpu.memory_space<hbm>>
        %dma_wait3A_227 = arith.constant 80000 : i32
        %dma_wait3A_228 = tpu.memref_slice %arg10[%dma_wait3A_227] : memref<96000xf32, #tpu.memory_space<vmem>> -> memref<3200xf32, #tpu.memory_space<vmem>>
        tpu.wait_dma2 semaphore(%run_scoped3A : memref<!tpu.dma_semaphore, #tpu.memory_space<semaphore_mem>>) src(%dma_wait3A_228 : memref<3200xf32, #tpu.memory_space<vmem>>) dst(%dma_wait3A_226 : memref<3200xf32, #tpu.memory_space<hbm>>)
        tpu.yield
      }) : () -> ()
      %add3A_205 = arith.constant 26 : i32
      %add3A_206 = arith.addi %mul3A_152, %add3A_205 : i32
      "tpu.region"() ({
        %run_scoped3A = tpu.sem_alloc : memref<!tpu.dma_semaphore, #tpu.memory_space<semaphore_mem>>
        %dma_start3A_214 = arith.constant 83200 : i32
        %dma_start3A_215 = tpu.memref_slice %arg10[%dma_start3A_214] : memref<96000xf32, #tpu.memory_space<vmem>> -> memref<3200xf32, #tpu.memory_space<vmem>>
        %dma_start3A_216 = tpu.memref_slice %arg6[%add3A_206, %mul3A_64] : memref<120x76800xf32, #tpu.memory_space<hbm>> -> memref<1x3200xf32, #tpu.memory_space<hbm>>
        %dma_start3A_217 = tpu.memref_squeeze %dma_start3A_216 : memref<1x3200xf32, #tpu.memory_space<hbm>> -> memref<3200xf32, #tpu.memory_space<hbm>>
        %dma_start3A_218 = tpu.memref_slice %arg6[%add3A_206, %mul3A_64] : memref<120x76800xf32, #tpu.memory_space<hbm>> -> memref<1x3200xf32, #tpu.memory_space<hbm>>
        %dma_start3A_219 = tpu.memref_squeeze %dma_start3A_218 : memref<1x3200xf32, #tpu.memory_space<hbm>> -> memref<3200xf32, #tpu.memory_space<hbm>>
        %dma_start3A_220 = arith.constant 83200 : i32
        %dma_start3A_221 = tpu.memref_slice %arg10[%dma_start3A_220] : memref<96000xf32, #tpu.memory_space<vmem>> -> memref<3200xf32, #tpu.memory_space<vmem>>
        tpu.enqueue_dma source(%dma_start3A_221 : memref<3200xf32, #tpu.memory_space<vmem>>) target(%dma_start3A_219 : memref<3200xf32, #tpu.memory_space<hbm>>) target_semaphore(%run_scoped3A : memref<!tpu.dma_semaphore, #tpu.memory_space<semaphore_mem>>)
        %dma_wait3A = arith.constant 83200 : i32
        %dma_wait3A_222 = tpu.memref_slice %arg10[%dma_wait3A] : memref<96000xf32, #tpu.memory_space<vmem>> -> memref<3200xf32, #tpu.memory_space<vmem>>
        %dma_wait3A_223 = tpu.memref_slice %arg6[%add3A_206, %mul3A_64] : memref<120x76800xf32, #tpu.memory_space<hbm>> -> memref<1x3200xf32, #tpu.memory_space<hbm>>
        %dma_wait3A_224 = tpu.memref_squeeze %dma_wait3A_223 : memref<1x3200xf32, #tpu.memory_space<hbm>> -> memref<3200xf32, #tpu.memory_space<hbm>>
        %dma_wait3A_225 = tpu.memref_slice %arg6[%add3A_206, %mul3A_64] : memref<120x76800xf32, #tpu.memory_space<hbm>> -> memref<1x3200xf32, #tpu.memory_space<hbm>>
        %dma_wait3A_226 = tpu.memref_squeeze %dma_wait3A_225 : memref<1x3200xf32, #tpu.memory_space<hbm>> -> memref<3200xf32, #tpu.memory_space<hbm>>
        %dma_wait3A_227 = arith.constant 83200 : i32
        %dma_wait3A_228 = tpu.memref_slice %arg10[%dma_wait3A_227] : memref<96000xf32, #tpu.memory_space<vmem>> -> memref<3200xf32, #tpu.memory_space<vmem>>
        tpu.wait_dma2 semaphore(%run_scoped3A : memref<!tpu.dma_semaphore, #tpu.memory_space<semaphore_mem>>) src(%dma_wait3A_228 : memref<3200xf32, #tpu.memory_space<vmem>>) dst(%dma_wait3A_226 : memref<3200xf32, #tpu.memory_space<hbm>>)
        tpu.yield
      }) : () -> ()
      %add3A_207 = arith.constant 27 : i32
      %add3A_208 = arith.addi %mul3A_152, %add3A_207 : i32
      "tpu.region"() ({
        %run_scoped3A = tpu.sem_alloc : memref<!tpu.dma_semaphore, #tpu.memory_space<semaphore_mem>>
        %dma_start3A_214 = arith.constant 86400 : i32
        %dma_start3A_215 = tpu.memref_slice %arg10[%dma_start3A_214] : memref<96000xf32, #tpu.memory_space<vmem>> -> memref<3200xf32, #tpu.memory_space<vmem>>
        %dma_start3A_216 = tpu.memref_slice %arg6[%add3A_208, %mul3A_64] : memref<120x76800xf32, #tpu.memory_space<hbm>> -> memref<1x3200xf32, #tpu.memory_space<hbm>>
        %dma_start3A_217 = tpu.memref_squeeze %dma_start3A_216 : memref<1x3200xf32, #tpu.memory_space<hbm>> -> memref<3200xf32, #tpu.memory_space<hbm>>
        %dma_start3A_218 = tpu.memref_slice %arg6[%add3A_208, %mul3A_64] : memref<120x76800xf32, #tpu.memory_space<hbm>> -> memref<1x3200xf32, #tpu.memory_space<hbm>>
        %dma_start3A_219 = tpu.memref_squeeze %dma_start3A_218 : memref<1x3200xf32, #tpu.memory_space<hbm>> -> memref<3200xf32, #tpu.memory_space<hbm>>
        %dma_start3A_220 = arith.constant 86400 : i32
        %dma_start3A_221 = tpu.memref_slice %arg10[%dma_start3A_220] : memref<96000xf32, #tpu.memory_space<vmem>> -> memref<3200xf32, #tpu.memory_space<vmem>>
        tpu.enqueue_dma source(%dma_start3A_221 : memref<3200xf32, #tpu.memory_space<vmem>>) target(%dma_start3A_219 : memref<3200xf32, #tpu.memory_space<hbm>>) target_semaphore(%run_scoped3A : memref<!tpu.dma_semaphore, #tpu.memory_space<semaphore_mem>>)
        %dma_wait3A = arith.constant 86400 : i32
        %dma_wait3A_222 = tpu.memref_slice %arg10[%dma_wait3A] : memref<96000xf32, #tpu.memory_space<vmem>> -> memref<3200xf32, #tpu.memory_space<vmem>>
        %dma_wait3A_223 = tpu.memref_slice %arg6[%add3A_208, %mul3A_64] : memref<120x76800xf32, #tpu.memory_space<hbm>> -> memref<1x3200xf32, #tpu.memory_space<hbm>>
        %dma_wait3A_224 = tpu.memref_squeeze %dma_wait3A_223 : memref<1x3200xf32, #tpu.memory_space<hbm>> -> memref<3200xf32, #tpu.memory_space<hbm>>
        %dma_wait3A_225 = tpu.memref_slice %arg6[%add3A_208, %mul3A_64] : memref<120x76800xf32, #tpu.memory_space<hbm>> -> memref<1x3200xf32, #tpu.memory_space<hbm>>
        %dma_wait3A_226 = tpu.memref_squeeze %dma_wait3A_225 : memref<1x3200xf32, #tpu.memory_space<hbm>> -> memref<3200xf32, #tpu.memory_space<hbm>>
        %dma_wait3A_227 = arith.constant 86400 : i32
        %dma_wait3A_228 = tpu.memref_slice %arg10[%dma_wait3A_227] : memref<96000xf32, #tpu.memory_space<vmem>> -> memref<3200xf32, #tpu.memory_space<vmem>>
        tpu.wait_dma2 semaphore(%run_scoped3A : memref<!tpu.dma_semaphore, #tpu.memory_space<semaphore_mem>>) src(%dma_wait3A_228 : memref<3200xf32, #tpu.memory_space<vmem>>) dst(%dma_wait3A_226 : memref<3200xf32, #tpu.memory_space<hbm>>)
        tpu.yield
      }) : () -> ()
      %add3A_209 = arith.constant 28 : i32
      %add3A_210 = arith.addi %mul3A_152, %add3A_209 : i32
      "tpu.region"() ({
        %run_scoped3A = tpu.sem_alloc : memref<!tpu.dma_semaphore, #tpu.memory_space<semaphore_mem>>
        %dma_start3A_214 = arith.constant 89600 : i32
        %dma_start3A_215 = tpu.memref_slice %arg10[%dma_start3A_214] : memref<96000xf32, #tpu.memory_space<vmem>> -> memref<3200xf32, #tpu.memory_space<vmem>>
        %dma_start3A_216 = tpu.memref_slice %arg6[%add3A_210, %mul3A_64] : memref<120x76800xf32, #tpu.memory_space<hbm>> -> memref<1x3200xf32, #tpu.memory_space<hbm>>
        %dma_start3A_217 = tpu.memref_squeeze %dma_start3A_216 : memref<1x3200xf32, #tpu.memory_space<hbm>> -> memref<3200xf32, #tpu.memory_space<hbm>>
        %dma_start3A_218 = tpu.memref_slice %arg6[%add3A_210, %mul3A_64] : memref<120x76800xf32, #tpu.memory_space<hbm>> -> memref<1x3200xf32, #tpu.memory_space<hbm>>
        %dma_start3A_219 = tpu.memref_squeeze %dma_start3A_218 : memref<1x3200xf32, #tpu.memory_space<hbm>> -> memref<3200xf32, #tpu.memory_space<hbm>>
        %dma_start3A_220 = arith.constant 89600 : i32
        %dma_start3A_221 = tpu.memref_slice %arg10[%dma_start3A_220] : memref<96000xf32, #tpu.memory_space<vmem>> -> memref<3200xf32, #tpu.memory_space<vmem>>
        tpu.enqueue_dma source(%dma_start3A_221 : memref<3200xf32, #tpu.memory_space<vmem>>) target(%dma_start3A_219 : memref<3200xf32, #tpu.memory_space<hbm>>) target_semaphore(%run_scoped3A : memref<!tpu.dma_semaphore, #tpu.memory_space<semaphore_mem>>)
        %dma_wait3A = arith.constant 89600 : i32
        %dma_wait3A_222 = tpu.memref_slice %arg10[%dma_wait3A] : memref<96000xf32, #tpu.memory_space<vmem>> -> memref<3200xf32, #tpu.memory_space<vmem>>
        %dma_wait3A_223 = tpu.memref_slice %arg6[%add3A_210, %mul3A_64] : memref<120x76800xf32, #tpu.memory_space<hbm>> -> memref<1x3200xf32, #tpu.memory_space<hbm>>
        %dma_wait3A_224 = tpu.memref_squeeze %dma_wait3A_223 : memref<1x3200xf32, #tpu.memory_space<hbm>> -> memref<3200xf32, #tpu.memory_space<hbm>>
        %dma_wait3A_225 = tpu.memref_slice %arg6[%add3A_210, %mul3A_64] : memref<120x76800xf32, #tpu.memory_space<hbm>> -> memref<1x3200xf32, #tpu.memory_space<hbm>>
        %dma_wait3A_226 = tpu.memref_squeeze %dma_wait3A_225 : memref<1x3200xf32, #tpu.memory_space<hbm>> -> memref<3200xf32, #tpu.memory_space<hbm>>
        %dma_wait3A_227 = arith.constant 89600 : i32
        %dma_wait3A_228 = tpu.memref_slice %arg10[%dma_wait3A_227] : memref<96000xf32, #tpu.memory_space<vmem>> -> memref<3200xf32, #tpu.memory_space<vmem>>
        tpu.wait_dma2 semaphore(%run_scoped3A : memref<!tpu.dma_semaphore, #tpu.memory_space<semaphore_mem>>) src(%dma_wait3A_228 : memref<3200xf32, #tpu.memory_space<vmem>>) dst(%dma_wait3A_226 : memref<3200xf32, #tpu.memory_space<hbm>>)
        tpu.yield
      }) : () -> ()
      %add3A_211 = arith.constant 29 : i32
      %add3A_212 = arith.addi %mul3A_152, %add3A_211 : i32
      "tpu.region"() ({
        %run_scoped3A = tpu.sem_alloc : memref<!tpu.dma_semaphore, #tpu.memory_space<semaphore_mem>>
        %dma_start3A_214 = arith.constant 92800 : i32
        %dma_start3A_215 = tpu.memref_slice %arg10[%dma_start3A_214] : memref<96000xf32, #tpu.memory_space<vmem>> -> memref<3200xf32, #tpu.memory_space<vmem>>
        %dma_start3A_216 = tpu.memref_slice %arg6[%add3A_212, %mul3A_64] : memref<120x76800xf32, #tpu.memory_space<hbm>> -> memref<1x3200xf32, #tpu.memory_space<hbm>>
        %dma_start3A_217 = tpu.memref_squeeze %dma_start3A_216 : memref<1x3200xf32, #tpu.memory_space<hbm>> -> memref<3200xf32, #tpu.memory_space<hbm>>
        %dma_start3A_218 = tpu.memref_slice %arg6[%add3A_212, %mul3A_64] : memref<120x76800xf32, #tpu.memory_space<hbm>> -> memref<1x3200xf32, #tpu.memory_space<hbm>>
        %dma_start3A_219 = tpu.memref_squeeze %dma_start3A_218 : memref<1x3200xf32, #tpu.memory_space<hbm>> -> memref<3200xf32, #tpu.memory_space<hbm>>
        %dma_start3A_220 = arith.constant 92800 : i32
        %dma_start3A_221 = tpu.memref_slice %arg10[%dma_start3A_220] : memref<96000xf32, #tpu.memory_space<vmem>> -> memref<3200xf32, #tpu.memory_space<vmem>>
        tpu.enqueue_dma source(%dma_start3A_221 : memref<3200xf32, #tpu.memory_space<vmem>>) target(%dma_start3A_219 : memref<3200xf32, #tpu.memory_space<hbm>>) target_semaphore(%run_scoped3A : memref<!tpu.dma_semaphore, #tpu.memory_space<semaphore_mem>>)
        %dma_wait3A = arith.constant 92800 : i32
        %dma_wait3A_222 = tpu.memref_slice %arg10[%dma_wait3A] : memref<96000xf32, #tpu.memory_space<vmem>> -> memref<3200xf32, #tpu.memory_space<vmem>>
        %dma_wait3A_223 = tpu.memref_slice %arg6[%add3A_212, %mul3A_64] : memref<120x76800xf32, #tpu.memory_space<hbm>> -> memref<1x3200xf32, #tpu.memory_space<hbm>>
        %dma_wait3A_224 = tpu.memref_squeeze %dma_wait3A_223 : memref<1x3200xf32, #tpu.memory_space<hbm>> -> memref<3200xf32, #tpu.memory_space<hbm>>
        %dma_wait3A_225 = tpu.memref_slice %arg6[%add3A_212, %mul3A_64] : memref<120x76800xf32, #tpu.memory_space<hbm>> -> memref<1x3200xf32, #tpu.memory_space<hbm>>
        %dma_wait3A_226 = tpu.memref_squeeze %dma_wait3A_225 : memref<1x3200xf32, #tpu.memory_space<hbm>> -> memref<3200xf32, #tpu.memory_space<hbm>>
        %dma_wait3A_227 = arith.constant 92800 : i32
        %dma_wait3A_228 = tpu.memref_slice %arg10[%dma_wait3A_227] : memref<96000xf32, #tpu.memory_space<vmem>> -> memref<3200xf32, #tpu.memory_space<vmem>>
        tpu.wait_dma2 semaphore(%run_scoped3A : memref<!tpu.dma_semaphore, #tpu.memory_space<semaphore_mem>>) src(%dma_wait3A_228 : memref<3200xf32, #tpu.memory_space<vmem>>) dst(%dma_wait3A_226 : memref<3200xf32, #tpu.memory_space<hbm>>)
        tpu.yield
      }) : () -> ()
      %scan3A_213 = arith.constant 0 : i32
      scf.yield %scan3A_213 : i32
    }
    %scan3A_36 = arith.constant 3 : i32
    return
  }
}

module attributes {stable_mosaic.version = 14 : i64} {
  func.func @_boundspass_body(%arg0: i32, %arg1: memref<5x80000xf32, #tpu.memory_space<vmem>>, %arg2: memref<16xf32, #tpu.memory_space<smem>>) attributes {dimension_semantics = [#tpu.dimension_semantics<arbitrary>], iteration_bounds = array<i64: 25>, scalar_prefetch = 0 : i64, scratch_operands = 0 : i64, tpu.core_type = #tpu.core_type<tc>, window_params = [{transform_indices = @transform_0, window_bounds = array<i64: 5, 80000>}, {transform_indices = @transform_1, window_bounds = array<i64: 16>}]} {
    %get3A = arith.constant 2 : index
    %get3A_0 = arith.constant 0 : index
    %get3A_1 = vector.load %arg1[%get3A, %get3A_0] : memref<5x80000xf32, #tpu.memory_space<vmem>>, vector<1x80000xf32>
    %get3A_2 = vector.shape_cast %get3A_1 : vector<1x80000xf32> to vector<80000xf32>
    %get3A_3 = arith.constant 4 : index
    %get3A_4 = arith.constant 0 : index
    %get3A_5 = vector.load %arg1[%get3A_3, %get3A_4] : memref<5x80000xf32, #tpu.memory_space<vmem>>, vector<1x80000xf32>
    %get3A_6 = vector.shape_cast %get3A_5 : vector<1x80000xf32> to vector<80000xf32>
    %eq3A = arith.constant 0 : i32
    %eq3A_7 = arith.cmpi eq, %arg0, %eq3A : i32
    %convert_element_type3A = arith.extui %eq3A_7 : i1 to i32
    %cond3A = arith.constant 0 : i32
    %cond3A_8 = arith.cmpi ne, %convert_element_type3A, %cond3A : i32
    scf.if %cond3A_8 {
      %swap3A_58 = arith.constant 0.000000e+00 : f32
      %swap3A_59 = arith.constant 0 : index
      %swap3A_60 = memref.load %arg2[%swap3A_59] : memref<16xf32, #tpu.memory_space<smem>>
      memref.store %swap3A_58, %arg2[%swap3A_59] : memref<16xf32, #tpu.memory_space<smem>>
      %swap3A_61 = arith.constant 0.000000e+00 : f32
      %swap3A_62 = arith.constant 1 : index
      %swap3A_63 = memref.load %arg2[%swap3A_62] : memref<16xf32, #tpu.memory_space<smem>>
      memref.store %swap3A_61, %arg2[%swap3A_62] : memref<16xf32, #tpu.memory_space<smem>>
      %swap3A_64 = arith.constant 0.000000e+00 : f32
      %swap3A_65 = arith.constant 2 : index
      %swap3A_66 = memref.load %arg2[%swap3A_65] : memref<16xf32, #tpu.memory_space<smem>>
      memref.store %swap3A_64, %arg2[%swap3A_65] : memref<16xf32, #tpu.memory_space<smem>>
      %swap3A_67 = arith.constant 0.000000e+00 : f32
      %swap3A_68 = arith.constant 3 : index
      %swap3A_69 = memref.load %arg2[%swap3A_68] : memref<16xf32, #tpu.memory_space<smem>>
      memref.store %swap3A_67, %arg2[%swap3A_68] : memref<16xf32, #tpu.memory_space<smem>>
      %swap3A_70 = arith.constant 0.000000e+00 : f32
      %swap3A_71 = arith.constant 4 : index
      %swap3A_72 = memref.load %arg2[%swap3A_71] : memref<16xf32, #tpu.memory_space<smem>>
      memref.store %swap3A_70, %arg2[%swap3A_71] : memref<16xf32, #tpu.memory_space<smem>>
      %swap3A_73 = arith.constant 0.000000e+00 : f32
      %swap3A_74 = arith.constant 5 : index
      %swap3A_75 = memref.load %arg2[%swap3A_74] : memref<16xf32, #tpu.memory_space<smem>>
      memref.store %swap3A_73, %arg2[%swap3A_74] : memref<16xf32, #tpu.memory_space<smem>>
      %swap3A_76 = arith.constant 0.000000e+00 : f32
      %swap3A_77 = arith.constant 6 : index
      %swap3A_78 = memref.load %arg2[%swap3A_77] : memref<16xf32, #tpu.memory_space<smem>>
      memref.store %swap3A_76, %arg2[%swap3A_77] : memref<16xf32, #tpu.memory_space<smem>>
      %swap3A_79 = arith.constant 0.000000e+00 : f32
      %swap3A_80 = arith.constant 7 : index
      %swap3A_81 = memref.load %arg2[%swap3A_80] : memref<16xf32, #tpu.memory_space<smem>>
      memref.store %swap3A_79, %arg2[%swap3A_80] : memref<16xf32, #tpu.memory_space<smem>>
      %swap3A_82 = arith.constant 0.000000e+00 : f32
      %swap3A_83 = arith.constant 8 : index
      %swap3A_84 = memref.load %arg2[%swap3A_83] : memref<16xf32, #tpu.memory_space<smem>>
      memref.store %swap3A_82, %arg2[%swap3A_83] : memref<16xf32, #tpu.memory_space<smem>>
      %swap3A_85 = arith.constant 0.000000e+00 : f32
      %swap3A_86 = arith.constant 9 : index
      %swap3A_87 = memref.load %arg2[%swap3A_86] : memref<16xf32, #tpu.memory_space<smem>>
      memref.store %swap3A_85, %arg2[%swap3A_86] : memref<16xf32, #tpu.memory_space<smem>>
      %swap3A_88 = arith.constant 0.000000e+00 : f32
      %swap3A_89 = arith.constant 10 : index
      %swap3A_90 = memref.load %arg2[%swap3A_89] : memref<16xf32, #tpu.memory_space<smem>>
      memref.store %swap3A_88, %arg2[%swap3A_89] : memref<16xf32, #tpu.memory_space<smem>>
      %swap3A_91 = arith.constant 0.000000e+00 : f32
      %swap3A_92 = arith.constant 11 : index
      %swap3A_93 = memref.load %arg2[%swap3A_92] : memref<16xf32, #tpu.memory_space<smem>>
      memref.store %swap3A_91, %arg2[%swap3A_92] : memref<16xf32, #tpu.memory_space<smem>>
      %swap3A_94 = arith.constant 0.000000e+00 : f32
      %swap3A_95 = arith.constant 12 : index
      %swap3A_96 = memref.load %arg2[%swap3A_95] : memref<16xf32, #tpu.memory_space<smem>>
      memref.store %swap3A_94, %arg2[%swap3A_95] : memref<16xf32, #tpu.memory_space<smem>>
      %swap3A_97 = arith.constant 0.000000e+00 : f32
      %swap3A_98 = arith.constant 13 : index
      %swap3A_99 = memref.load %arg2[%swap3A_98] : memref<16xf32, #tpu.memory_space<smem>>
      memref.store %swap3A_97, %arg2[%swap3A_98] : memref<16xf32, #tpu.memory_space<smem>>
      %swap3A_100 = arith.constant 0.000000e+00 : f32
      %swap3A_101 = arith.constant 14 : index
      %swap3A_102 = memref.load %arg2[%swap3A_101] : memref<16xf32, #tpu.memory_space<smem>>
      memref.store %swap3A_100, %arg2[%swap3A_101] : memref<16xf32, #tpu.memory_space<smem>>
      %swap3A_103 = arith.constant 0.000000e+00 : f32
      %swap3A_104 = arith.constant 15 : index
      %swap3A_105 = memref.load %arg2[%swap3A_104] : memref<16xf32, #tpu.memory_space<smem>>
      memref.store %swap3A_103, %arg2[%swap3A_104] : memref<16xf32, #tpu.memory_space<smem>>
    } else {
    }
    %get3A_9 = arith.constant 0 : index
    %get3A_10 = memref.load %arg2[%get3A_9] : memref<16xf32, #tpu.memory_space<smem>>
    %reduce_max3A = vector.shape_cast %get3A_2 : vector<80000xf32> to vector<1x80000xf32>
    %reduce_max3A_11 = arith.constant dense<0xFF800000> : vector<1xf32>
    %reduce_max3A_12 = vector.multi_reduction <maximumf>, %reduce_max3A, %reduce_max3A_11 [1] : vector<1x80000xf32> to vector<1xf32>
    %reduce_max3A_13 = vector.shape_cast %reduce_max3A_12 : vector<1xf32> to vector<1x1xf32>
    %reduce_max3A_14 = vector.extract %reduce_max3A_13[0, 0] : f32 from vector<1x1xf32>
    %max3A = arith.maximumf %get3A_10, %reduce_max3A_14 : f32
    %swap3A = arith.constant 0 : index
    %swap3A_15 = memref.load %arg2[%swap3A] : memref<16xf32, #tpu.memory_space<smem>>
    memref.store %max3A, %arg2[%swap3A] : memref<16xf32, #tpu.memory_space<smem>>
    %get3A_16 = arith.constant 1 : index
    %get3A_17 = memref.load %arg2[%get3A_16] : memref<16xf32, #tpu.memory_space<smem>>
    %lt3A = arith.constant 1.000000e+00 : f32
    %lt3A_18 = vector.broadcast %lt3A : f32 to vector<80000xf32>
    %lt3A_19 = arith.cmpf olt, %get3A_6, %lt3A_18 : vector<80000xf32>
    %convert_element_type3A_20 = arith.extui %lt3A_19 : vector<80000xi1> to vector<80000xi32>
    %convert_element_type3A_21 = arith.sitofp %convert_element_type3A_20 : vector<80000xi32> to vector<80000xf32>
    %reduce_sum3A = vector.shape_cast %convert_element_type3A_21 : vector<80000xf32> to vector<1x80000xf32>
    %reduce_sum3A_22 = arith.constant dense<0.000000e+00> : vector<1xf32>
    %reduce_sum3A_23 = vector.multi_reduction <add>, %reduce_sum3A, %reduce_sum3A_22 [1] : vector<1x80000xf32> to vector<1xf32>
    %reduce_sum3A_24 = vector.shape_cast %reduce_sum3A_23 : vector<1xf32> to vector<1x1xf32>
    %reduce_sum3A_25 = vector.extract %reduce_sum3A_24[0, 0] : f32 from vector<1x1xf32>
    %add3A = arith.addf %get3A_17, %reduce_sum3A_25 : f32
    %swap3A_26 = arith.constant 1 : index
    %swap3A_27 = memref.load %arg2[%swap3A_26] : memref<16xf32, #tpu.memory_space<smem>>
    memref.store %add3A, %arg2[%swap3A_26] : memref<16xf32, #tpu.memory_space<smem>>
    %get3A_28 = arith.constant 2 : index
    %get3A_29 = memref.load %arg2[%get3A_28] : memref<16xf32, #tpu.memory_space<smem>>
    %lt3A_30 = arith.constant 2.000000e+00 : f32
    %lt3A_31 = vector.broadcast %lt3A_30 : f32 to vector<80000xf32>
    %lt3A_32 = arith.cmpf olt, %get3A_6, %lt3A_31 : vector<80000xf32>
    %convert_element_type3A_33 = arith.extui %lt3A_32 : vector<80000xi1> to vector<80000xi32>
    %convert_element_type3A_34 = arith.sitofp %convert_element_type3A_33 : vector<80000xi32> to vector<80000xf32>
    %reduce_sum3A_35 = vector.shape_cast %convert_element_type3A_34 : vector<80000xf32> to vector<1x80000xf32>
    %reduce_sum3A_36 = arith.constant dense<0.000000e+00> : vector<1xf32>
    %reduce_sum3A_37 = vector.multi_reduction <add>, %reduce_sum3A_35, %reduce_sum3A_36 [1] : vector<1x80000xf32> to vector<1xf32>
    %reduce_sum3A_38 = vector.shape_cast %reduce_sum3A_37 : vector<1xf32> to vector<1x1xf32>
    %reduce_sum3A_39 = vector.extract %reduce_sum3A_38[0, 0] : f32 from vector<1x1xf32>
    %add3A_40 = arith.addf %get3A_29, %reduce_sum3A_39 : f32
    %swap3A_41 = arith.constant 2 : index
    %swap3A_42 = memref.load %arg2[%swap3A_41] : memref<16xf32, #tpu.memory_space<smem>>
    memref.store %add3A_40, %arg2[%swap3A_41] : memref<16xf32, #tpu.memory_space<smem>>
    %get3A_43 = arith.constant 3 : index
    %get3A_44 = memref.load %arg2[%get3A_43] : memref<16xf32, #tpu.memory_space<smem>>
    %lt3A_45 = arith.constant 3.000000e+00 : f32
    %lt3A_46 = vector.broadcast %lt3A_45 : f32 to vector<80000xf32>
    %lt3A_47 = arith.cmpf olt, %get3A_6, %lt3A_46 : vector<80000xf32>
    %convert_element_type3A_48 = arith.extui %lt3A_47 : vector<80000xi1> to vector<80000xi32>
    %convert_element_type3A_49 = arith.sitofp %convert_element_type3A_48 : vector<80000xi32> to vector<80000xf32>
    %reduce_sum3A_50 = vector.shape_cast %convert_element_type3A_49 : vector<80000xf32> to vector<1x80000xf32>
    %reduce_sum3A_51 = arith.constant dense<0.000000e+00> : vector<1xf32>
    %reduce_sum3A_52 = vector.multi_reduction <add>, %reduce_sum3A_50, %reduce_sum3A_51 [1] : vector<1x80000xf32> to vector<1xf32>
    %reduce_sum3A_53 = vector.shape_cast %reduce_sum3A_52 : vector<1xf32> to vector<1x1xf32>
    %reduce_sum3A_54 = vector.extract %reduce_sum3A_53[0, 0] : f32 from vector<1x1xf32>
    %add3A_55 = arith.addf %get3A_44, %reduce_sum3A_54 : f32
    %swap3A_56 = arith.constant 3 : index
    %swap3A_57 = memref.load %arg2[%swap3A_56] : memref<16xf32, #tpu.memory_space<smem>>
    memref.store %add3A_55, %arg2[%swap3A_56] : memref<16xf32, #tpu.memory_space<smem>>
    return
  }
  func.func @transform_0(%arg0: i32) -> (i32, i32) {
    %c0_i32 = arith.constant 0 : i32
    %c0_i32_0 = arith.constant 0 : i32
    return %c0_i32, %arg0 : i32, i32
  }
  func.func @transform_1(%arg0: i32) -> i32 {
    %c0_i32 = arith.constant 0 : i32
    %c0_i32_0 = arith.constant 0 : i32
    return %c0_i32 : i32
  }
}

module attributes {stable_mosaic.version = 14 : i64} {
  func.func @_packpass_body(%arg0: i32, %arg1: memref<5x80000xf32, #tpu.memory_space<vmem>>, %arg2: memref<16xf32, #tpu.memory_space<smem>>, %arg3: memref<1x1x80000xi32, #tpu.memory_space<vmem>>, %arg4: memref<1x1x80000xf32, #tpu.memory_space<vmem>>, %arg5: memref<1x1x80000xf32, #tpu.memory_space<vmem>>) attributes {dimension_semantics = [#tpu.dimension_semantics<arbitrary>], iteration_bounds = array<i64: 25>, scalar_prefetch = 0 : i64, scratch_operands = 0 : i64, tpu.core_type = #tpu.core_type<tc>, window_params = [{transform_indices = @transform_0, window_bounds = array<i64: 5, 80000>}, {transform_indices = @transform_1, window_bounds = array<i64: 16>}, {transform_indices = @transform_2, window_bounds = array<i64: 1, 1, 80000>}, {transform_indices = @transform_3, window_bounds = array<i64: 1, 1, 80000>}, {transform_indices = @transform_4, window_bounds = array<i64: 1, 1, 80000>}]} {
    %get3A = arith.constant 0 : index
    %get3A_0 = arith.constant 0 : index
    %get3A_1 = vector.load %arg1[%get3A, %get3A_0] : memref<5x80000xf32, #tpu.memory_space<vmem>>, vector<1x80000xf32>
    %get3A_2 = vector.shape_cast %get3A_1 : vector<1x80000xf32> to vector<80000xf32>
    %get3A_3 = arith.constant 1 : index
    %get3A_4 = arith.constant 0 : index
    %get3A_5 = vector.load %arg1[%get3A_3, %get3A_4] : memref<5x80000xf32, #tpu.memory_space<vmem>>, vector<1x80000xf32>
    %get3A_6 = vector.shape_cast %get3A_5 : vector<1x80000xf32> to vector<80000xf32>
    %get3A_7 = arith.constant 2 : index
    %get3A_8 = arith.constant 0 : index
    %get3A_9 = vector.load %arg1[%get3A_7, %get3A_8] : memref<5x80000xf32, #tpu.memory_space<vmem>>, vector<1x80000xf32>
    %get3A_10 = vector.shape_cast %get3A_9 : vector<1x80000xf32> to vector<80000xf32>
    %get3A_11 = arith.constant 3 : index
    %get3A_12 = arith.constant 0 : index
    %get3A_13 = vector.load %arg1[%get3A_11, %get3A_12] : memref<5x80000xf32, #tpu.memory_space<vmem>>, vector<1x80000xf32>
    %get3A_14 = vector.shape_cast %get3A_13 : vector<1x80000xf32> to vector<80000xf32>
    %get3A_15 = arith.constant 4 : index
    %get3A_16 = arith.constant 0 : index
    %get3A_17 = vector.load %arg1[%get3A_15, %get3A_16] : memref<5x80000xf32, #tpu.memory_space<vmem>>, vector<1x80000xf32>
    %get3A_18 = vector.shape_cast %get3A_17 : vector<1x80000xf32> to vector<80000xf32>
    %get3A_19 = arith.constant 0 : index
    %get3A_20 = memref.load %arg2[%get3A_19] : memref<16xf32, #tpu.memory_space<smem>>
    %div3A = vector.broadcast %get3A_20 : f32 to vector<80000xf32>
    %div3A_21 = arith.divf %get3A_10, %div3A : vector<80000xf32>
    %mul3A = arith.constant 8.000000e+00 : f32
    %mul3A_22 = vector.broadcast %mul3A : f32 to vector<80000xf32>
    %mul3A_23 = arith.mulf %div3A_21, %mul3A_22 : vector<80000xf32>
    %floor3A = math.floor %mul3A_23 : vector<80000xf32>
    %mul3A_24 = arith.constant 1.250000e-01 : f32
    %mul3A_25 = vector.broadcast %mul3A_24 : f32 to vector<80000xf32>
    %mul3A_26 = arith.mulf %floor3A, %mul3A_25 : vector<80000xf32>
    %sub3A = arith.subf %div3A_21, %mul3A_26 : vector<80000xf32>
    %add3A = arith.constant 1.000000e+00 : f32
    %add3A_27 = vector.broadcast %add3A : f32 to vector<80000xf32>
    %add3A_28 = arith.addf %floor3A, %add3A_27 : vector<80000xf32>
    %mul3A_29 = arith.constant 1.250000e-01 : f32
    %mul3A_30 = vector.broadcast %mul3A_29 : f32 to vector<80000xf32>
    %mul3A_31 = arith.mulf %add3A_28, %mul3A_30 : vector<80000xf32>
    %sub3A_32 = arith.subf %div3A_21, %mul3A_31 : vector<80000xf32>
    %gt3A = arith.constant 0.000000e+00 : f32
    %gt3A_33 = vector.broadcast %gt3A : f32 to vector<80000xf32>
    %gt3A_34 = arith.cmpf ogt, %sub3A, %gt3A_33 : vector<80000xf32>
    %mul3A_35 = arith.constant 8.000000e+00 : f32
    %mul3A_36 = vector.broadcast %mul3A_35 : f32 to vector<80000xf32>
    %mul3A_37 = arith.mulf %mul3A_36, %sub3A : vector<80000xf32>
    %sub3A_38 = arith.constant 1.000000e+00 : f32
    %sub3A_39 = vector.broadcast %sub3A_38 : f32 to vector<80000xf32>
    %sub3A_40 = arith.subf %sub3A_39, %mul3A_37 : vector<80000xf32>
    %jit3A = arith.constant 0.000000e+00 : f32
    %broadcast_in_dim3A = vector.broadcast %jit3A : f32 to vector<80000xf32>
    %select_n3A = arith.select %gt3A_34, %sub3A_40, %broadcast_in_dim3A : vector<80000xi1>, vector<80000xf32>
    %lt3A = arith.constant 0.000000e+00 : f32
    %lt3A_41 = vector.broadcast %lt3A : f32 to vector<80000xf32>
    %lt3A_42 = arith.cmpf olt, %sub3A_32, %lt3A_41 : vector<80000xf32>
    %mul3A_43 = arith.constant 8.000000e+00 : f32
    %mul3A_44 = vector.broadcast %mul3A_43 : f32 to vector<80000xf32>
    %mul3A_45 = arith.mulf %mul3A_44, %sub3A_32 : vector<80000xf32>
    %add3A_46 = arith.constant 1.000000e+00 : f32
    %add3A_47 = vector.broadcast %add3A_46 : f32 to vector<80000xf32>
    %add3A_48 = arith.addf %mul3A_45, %add3A_47 : vector<80000xf32>
    %jit3A_49 = arith.constant 0.000000e+00 : f32
    %broadcast_in_dim3A_50 = vector.broadcast %jit3A_49 : f32 to vector<80000xf32>
    %select_n3A_51 = arith.select %lt3A_42, %add3A_48, %broadcast_in_dim3A_50 : vector<80000xi1>, vector<80000xf32>
    %mul3A_52 = arith.mulf %div3A_21, %select_n3A : vector<80000xf32>
    %swap3A = arith.constant 0 : index
    %swap3A_53 = arith.constant 0 : index
    %swap3A_54 = arith.constant 0 : index
    %swap3A_55 = vector.load %arg4[%swap3A, %swap3A_53, %swap3A_54] : memref<1x1x80000xf32, #tpu.memory_space<vmem>>, vector<1x1x80000xf32>
    %swap3A_56 = vector.shape_cast %swap3A_55 : vector<1x1x80000xf32> to vector<80000xf32>
    %swap3A_57 = vector.shape_cast %mul3A_52 : vector<80000xf32> to vector<1x1x80000xf32>
    tpu.vector_store %arg4[%swap3A, %swap3A_53, %swap3A_54], %swap3A_57 {strides = array<i32>} : memref<1x1x80000xf32, #tpu.memory_space<vmem>>, vector<1x1x80000xf32>,
    %mul3A_58 = arith.mulf %div3A_21, %select_n3A_51 : vector<80000xf32>
    %swap3A_59 = arith.constant 0 : index
    %swap3A_60 = arith.constant 0 : index
    %swap3A_61 = arith.constant 0 : index
    %swap3A_62 = vector.load %arg5[%swap3A_59, %swap3A_60, %swap3A_61] : memref<1x1x80000xf32, #tpu.memory_space<vmem>>, vector<1x1x80000xf32>
    %swap3A_63 = vector.shape_cast %swap3A_62 : vector<1x1x80000xf32> to vector<80000xf32>
    %swap3A_64 = vector.shape_cast %mul3A_58 : vector<80000xf32> to vector<1x1x80000xf32>
    tpu.vector_store %arg5[%swap3A_59, %swap3A_60, %swap3A_61], %swap3A_64 {strides = array<i32>} : memref<1x1x80000xf32, #tpu.memory_space<vmem>>, vector<1x1x80000xf32>,
    %mul3A_65 = arith.constant 9.000000e+00 : f32
    %mul3A_66 = vector.broadcast %mul3A_65 : f32 to vector<80000xf32>
    %mul3A_67 = arith.mulf %div3A_21, %mul3A_66 : vector<80000xf32>
    %floor3A_68 = math.floor %mul3A_67 : vector<80000xf32>
    %jit3A_69 = arith.constant 0.000000e+00 : f32
    %jit3A_70 = arith.constant 8.000000e+00 : f32
    %max3A = vector.broadcast %jit3A_69 : f32 to vector<80000xf32>
    %max3A_71 = arith.maximumf %max3A, %floor3A_68 : vector<80000xf32>
    %min3A = vector.broadcast %jit3A_70 : f32 to vector<80000xf32>
    %min3A_72 = arith.minimumf %min3A, %max3A_71 : vector<80000xf32>
    %div3A_73 = arith.constant 9.000000e+00 : f32
    %div3A_74 = vector.broadcast %div3A_73 : f32 to vector<80000xf32>
    %div3A_75 = arith.divf %min3A_72, %div3A_74 : vector<80000xf32>
    %add3A_76 = arith.constant 1.000000e+00 : f32
    %add3A_77 = vector.broadcast %add3A_76 : f32 to vector<80000xf32>
    %add3A_78 = arith.addf %min3A_72, %add3A_77 : vector<80000xf32>
    %div3A_79 = arith.constant 9.000000e+00 : f32
    %div3A_80 = vector.broadcast %div3A_79 : f32 to vector<80000xf32>
    %div3A_81 = arith.divf %add3A_78, %div3A_80 : vector<80000xf32>
    %le3A = arith.cmpf ole, %div3A_21, %div3A_75 : vector<80000xf32>
    %sub3A_82 = arith.constant 1.000000e+00 : f32
    %sub3A_83 = vector.broadcast %sub3A_82 : f32 to vector<80000xf32>
    %sub3A_84 = arith.subf %min3A_72, %sub3A_83 : vector<80000xf32>
    %gt3A_85 = arith.cmpf ogt, %div3A_21, %div3A_81 : vector<80000xf32>
    %add3A_86 = arith.constant 1.000000e+00 : f32
    %add3A_87 = vector.broadcast %add3A_86 : f32 to vector<80000xf32>
    %add3A_88 = arith.addf %min3A_72, %add3A_87 : vector<80000xf32>
    %select_n3A_89 = arith.select %gt3A_85, %add3A_88, %min3A_72 : vector<80000xi1>, vector<80000xf32>
    %select_n3A_90 = arith.select %le3A, %sub3A_84, %select_n3A_89 : vector<80000xi1>, vector<80000xf32>
    %mul3A_91 = arith.constant 3.200000e+02 : f32
    %mul3A_92 = vector.broadcast %mul3A_91 : f32 to vector<80000xf32>
    %mul3A_93 = arith.mulf %mul3A_92, %get3A_6 : vector<80000xf32>
    %add3A_94 = arith.addf %get3A_2, %mul3A_93 : vector<80000xf32>
    %convert_element_type3A = arith.fptosi %add3A_94 : vector<80000xf32> to vector<80000xi32>
    %convert_element_type3A_95 = arith.fptosi %get3A_18 : vector<80000xf32> to vector<80000xi32>
    %mul3A_96 = arith.constant 131072 : i32
    %mul3A_97 = vector.broadcast %mul3A_96 : i32 to vector<80000xi32>
    %mul3A_98 = arith.muli %convert_element_type3A_95, %mul3A_97 : vector<80000xi32>
    %add3A_99 = arith.addi %convert_element_type3A, %mul3A_98 : vector<80000xi32>
    %convert_element_type3A_100 = arith.fptosi %get3A_14 : vector<80000xf32> to vector<80000xi32>
    %mul3A_101 = arith.constant 524288 : i32
    %mul3A_102 = vector.broadcast %mul3A_101 : i32 to vector<80000xi32>
    %mul3A_103 = arith.muli %convert_element_type3A_100, %mul3A_102 : vector<80000xi32>
    %add3A_104 = arith.addi %add3A_99, %mul3A_103 : vector<80000xi32>
    %convert_element_type3A_105 = arith.fptosi %floor3A : vector<80000xf32> to vector<80000xi32>
    %mul3A_106 = arith.constant 1048576 : i32
    %mul3A_107 = vector.broadcast %mul3A_106 : i32 to vector<80000xi32>
    %mul3A_108 = arith.muli %convert_element_type3A_105, %mul3A_107 : vector<80000xi32>
    %add3A_109 = arith.addi %add3A_104, %mul3A_108 : vector<80000xi32>
    %convert_element_type3A_110 = arith.fptosi %select_n3A_90 : vector<80000xf32> to vector<80000xi32>
    %mul3A_111 = arith.constant 16777216 : i32
    %mul3A_112 = vector.broadcast %mul3A_111 : i32 to vector<80000xi32>
    %mul3A_113 = arith.muli %convert_element_type3A_110, %mul3A_112 : vector<80000xi32>
    %add3A_114 = arith.addi %add3A_109, %mul3A_113 : vector<80000xi32>
    %swap3A_115 = arith.constant 0 : index
    %swap3A_116 = arith.constant 0 : index
    %swap3A_117 = arith.constant 0 : index
    %swap3A_118 = vector.load %arg3[%swap3A_115, %swap3A_116, %swap3A_117] : memref<1x1x80000xi32, #tpu.memory_space<vmem>>, vector<1x1x80000xi32>
    %swap3A_119 = vector.shape_cast %swap3A_118 : vector<1x1x80000xi32> to vector<80000xi32>
    %swap3A_120 = vector.shape_cast %add3A_114 : vector<80000xi32> to vector<1x1x80000xi32>
    tpu.vector_store %arg3[%swap3A_115, %swap3A_116, %swap3A_117], %swap3A_120 {strides = array<i32>} : memref<1x1x80000xi32, #tpu.memory_space<vmem>>, vector<1x1x80000xi32>,
    return
  }
  func.func @transform_0(%arg0: i32) -> (i32, i32) {
    %c0_i32 = arith.constant 0 : i32
    %c0_i32_0 = arith.constant 0 : i32
    return %c0_i32, %arg0 : i32, i32
  }
  func.func @transform_1(%arg0: i32) -> i32 {
    %c0_i32 = arith.constant 0 : i32
    %c0_i32_0 = arith.constant 0 : i32
    return %c0_i32 : i32
  }
  func.func @transform_2(%arg0: i32) -> (i32, i32, i32) {
    %c0_i32 = arith.constant 0 : i32
    %c0_i32_0 = arith.constant 0 : i32
    %c0_i32_1 = arith.constant 0 : i32
    return %arg0, %c0_i32, %c0_i32_0 : i32, i32, i32
  }
  func.func @transform_3(%arg0: i32) -> (i32, i32, i32) {
    %c0_i32 = arith.constant 0 : i32
    %c0_i32_0 = arith.constant 0 : i32
    %c0_i32_1 = arith.constant 0 : i32
    return %arg0, %c0_i32, %c0_i32_0 : i32, i32, i32
  }
  func.func @transform_4(%arg0: i32) -> (i32, i32, i32) {
    %c0_i32 = arith.constant 0 : i32
    %c0_i32_0 = arith.constant 0 : i32
    %c0_i32_1 = arith.constant 0 : i32
    return %arg0, %c0_i32, %c0_i32_0 : i32, i32, i32
  }
}

</mosaic_0001>

<sc_bundles>
// kernel: kernel.5.cloned.1.call-start
scs
__scs_entry_jumppad:
0x0: {  	(pc) =	sbr.rel $0x88, $3  }
0x1: {  	(tag) =	ssettag $0x0;
	lr =	simm.s32 $0x1  }
0x2: {  	[smem:$0x3FA0] =	sst lr;
	_ =	strace $0xD0000000  }
0x3: {  	_ = 	snop  }
0x4: {  	_ = 	snop  }
0x5: {  	_ = 	snop  }
0x6: {  	_ = 	snop  }
0x7: {  	_ = 	snop  }
__scs_overlays_trampoline_lowered:
0x8: {  	[smem:$0x3FAF] =	sst s0  }
0x9: {  	[smem:$0x3FB0] =	sst s1  }
0xa: {  	[smem:$0x3FB1] =	sst s2  }
0xb: {  	[smem:$0x3FB2] =	sst s3  }
0xc: {  	[smem:$0x3FB3] =	sst s4  }
0xd: {  	[smem:$0x3FB4] =	sst s5  }
0xe: {  	[smem:$0x3FB5] =	sst s6  }
0xf: {  	[smem:$0x3FB6] =	sst s7  }
0x10: {  	[smem:$0x3FB7] =	sst s8  }
0x11: {  	[smem:$0x3FB8] =	sst s9;
	s0 =	simm.s32 @!p0 $0x0  }
0x12: {  	s1 =	sld [smem:$0x3F9E];
	s0 =	simm.s32 @p0 $0x1  }
0x13: {  	[smem:$0x3FB9] =	sst s0;
	s0 =	simm.s32 @!p1 $0x0  }
0x14: {  	s2 =	sld [smem:$0x3F9D];
	s0 =	simm.s32 @p1 $0x1  }
0x15: {  	[smem:$0x3FBA] =	sst s0;
	s0 =	simm.s32 @!p2 $0x0  }
0x16: {  	s3 =	sld [smem:$0x3FDB];
	s0 =	simm.s32 @p2 $0x1  }
0x17: {  	s4 =	simm.s32 $0x1BF5;
	[smem:$0x3FBC] =	sst s0  }
0x18: {  	s0 =	sld [smem:$0x3F9F];
	_ =	swait.ge [sflag:s4], $0x0  }
0x19: {  	s7 =	sld [smem:$0x3FA0]  }
0x1a: {  	s8 =	sadd.s32 $0xFFFFE003, lr  }
0x1b: {  	s9 =	sadd.s32 $0xFFFFFEF7, lr;
	s5 =	simm.s32 $0xFFFFFFFF;
	p2 =	slt.u32 s8, $0xFFFFF086  }
0x1c: {  	p1 =	slt.u32 s9, $0xF7A;
	s5 =	simm.s32 @!p2 $0x0  }
0x1d: {  	s5 =	simm.s32 @p1 $0x1;
	p0 =	seq.s32 s7, s2  }
0x1e: {  	s7 =	smul.u32 @!p0 $0xF7A, s2;
	p2 =	seq.s32 @!p0 s5, $0x0  }
0x1f: {  	s9 =	smul.u32 $0xF7A, s1;
	s8 =	simm.s32 @!p0 $0x1BF5;
	p2 =	por !p2, p0  }
0x20: {  	[sflag:s8] =	ssyncset.s32 @!p0 $0xFFFFF086;
	s6 =	sadd.s32 @!p0 s3, s7;
	s7 =	simm.s32 @!p0 $0x108  }
0x21: {  	s3 =	sadd.s32 s3, s9;
	s6 =	sadd.s32 @!p0 $0x88, s6;
	s7 =	simm.s32 @p2 $0x1082  }
0x22: {  	[simem:s7], [sflag:s8] =	dma.local @!p0 [hbm:s6], $0xF7A  }
0x23: {  	s9 =	sor.u32 $0xD0000000, s2;
	s6 =	simm.s32 $0x108;
	_ =	swait.ge @!p0 [sflag:s8], $0x0  }
0x24: {  	s3 =	sadd.s32 $0x88, s3;
	s6 =	simm.s32 @!p1 $0x1082;
	[sflag:s4] =	ssyncset.s32 $0xFFFFF086  }
0x25: {  	[simem:s6], [sflag:s4] =	dma.local [hbm:s3], $0xF7A  }
0x26: {  	[smem:$0x3FA0] =	sst s1;
	(tag) =	ssettag s2;
	_ =	strace s9  }
0x27: {  	s1 =	sld [smem:$0x3FB0]  }
0x28: {  	s2 =	sld [smem:$0x3FB1]  }
0x29: {  	s4 =	sld [smem:$0x3FB3]  }
0x2a: {  	p0 =	seq.s32 s5, $0x0;
	s5 =	sld [smem:$0x3FB4]  }
0x2b: {  	s6 =	sld [smem:$0x3FB5]  }
0x2c: {  	s7 =	sld [smem:$0x3FB6]  }
0x2d: {  	s3 =	simm.s32 $0x108;
	s8 =	sld [smem:$0x3FB7]  }
0x2e: {  	s3 =	simm.s32 @!p0 $0x1082;
	s9 =	sld [smem:$0x3FB8]  }
0x2f: {  	lr =	sadd.s32 s0, s3;
	s0 =	sld [smem:$0x3FAF]  }
0x30: {  	s3 =	sld [smem:$0x3FB2]  }
0x31: {  	[smem:$0x3FBB] =	sst s10  }
0x32: {  	s10 =	sld [smem:$0x3FB9];
	_ =	sdelay $0x3  }
0x33: {  	p0 =	seq.s32 s10, $0x1;
	s10 =	sld [smem:$0x3FBB];
	_ =	sdelay $0x3  }
0x34: {  	[smem:$0x3FBB] =	sst s10  }
0x35: {  	s10 =	sld [smem:$0x3FBA];
	_ =	sdelay $0x3  }
0x36: {  	p1 =	seq.s32 s10, $0x1;
	s10 =	sld [smem:$0x3FBB];
	_ =	sdelay $0x3  }
0x37: {  	[smem:$0x3FBB] =	sst s10  }
0x38: {  	s10 =	sld [smem:$0x3FBC]  }
0x39: {  	_ = 	snop;
	(pc) =	sbr.ind lr, $3  }
0x3a: {  	_ = 	snop  }
0x3b: {  	_ = 	snop  }
0x3c: {  	p2 =	seq.s32 s10, $0x1;
	s10 =	sld [smem:$0x3FBB]  }
0x3d: {  	_ =	shalt  }
0x3e: {  	_ =	shalt  }
0x3f: {  	_ =	shalt  }
0x40: {  	_ =	shalt  }
0x41: {  	_ =	shalt  }
0x42: {  	_ =	shalt  }
0x43: {  	_ =	shalt  }
0x44: {  	_ =	shalt  }
0x45: {  	_ =	shalt  }
0x46: {  	_ =	shalt  }
0x47: {  	_ =	shalt  }
0x48: {  	_ =	shalt  }
0x49: {  	_ =	shalt  }
0x4a: {  	_ =	shalt  }
0x4b: {  	_ =	shalt  }
0x4c: {  	_ =	shalt  }
0x4d: {  	_ =	shalt  }
0x4e: {  	_ =	shalt  }
0x4f: {  	_ =	shalt  }
0x50: {  	_ =	shalt  }
0x51: {  	_ =	shalt  }
0x52: {  	_ =	shalt  }
0x53: {  	_ =	shalt  }
0x54: {  	_ =	shalt  }
0x55: {  	_ =	shalt  }
0x56: {  	_ =	shalt  }
0x57: {  	_ =	shalt  }
0x58: {  	_ =	shalt  }
0x59: {  	_ =	shalt  }
0x5a: {  	_ =	shalt  }
0x5b: {  	_ =	shalt  }
0x5c: {  	_ =	shalt  }
0x5d: {  	_ =	shalt  }
0x5e: {  	_ =	shalt  }
0x5f: {  	_ =	shalt  }
0x60: {  	_ =	shalt  }
0x61: {  	_ =	shalt  }
0x62: {  	_ =	shalt  }
0x63: {  	_ =	shalt  }
0x64: {  	_ =	shalt  }
0x65: {  	_ =	shalt  }
0x66: {  	_ =	shalt  }
0x67: {  	_ =	shalt  }
0x68: {  	_ =	shalt  }
0x69: {  	_ =	shalt  }
0x6a: {  	_ =	shalt  }
0x6b: {  	_ =	shalt  }
0x6c: {  	_ =	shalt  }
0x6d: {  	_ =	shalt  }
0x6e: {  	_ =	shalt  }
0x6f: {  	_ =	shalt  }
0x70: {  	_ =	shalt  }
0x71: {  	_ =	shalt  }
0x72: {  	_ =	shalt  }
0x73: {  	_ =	shalt  }
0x74: {  	_ =	shalt  }
0x75: {  	_ =	shalt  }
0x76: {  	_ =	shalt  }
0x77: {  	_ =	shalt  }
0x78: {  	_ =	shalt  }
0x79: {  	_ =	shalt  }
0x7a: {  	_ =	shalt  }
0x7b: {  	_ =	shalt  }
0x7c: {  	_ =	shalt  }
0x7d: {  	_ =	shalt  }
0x7e: {  	_ =	shalt  }
0x7f: {  	_ =	shalt  }
0x80: {  	_ =	shalt  }
0x81: {  	_ =	shalt  }
0x82: {  	_ =	shalt  }
0x83: {  	_ =	shalt  }
0x84: {  	_ =	shalt  }
0x85: {  	_ =	shalt  }
0x86: {  	_ =	shalt  }
0x87: {  	_ =	shalt  }
.Lfunc_end0:
.L_simem_size_0:
called_computation.1_lowered:
.L_overlay_start_0:
0x88: {  	s2 =	sld [smem:$0x3FD9]  }
0x89: {  	s3 =	sld [smem:$0x3FFE];
	_ =	sdelay $0x1  }
0x8a: {  	s1 =	srdreg.scid  }
0x8b: {  	s0 =	sand.u32 $0x1, s1  }
0x8c: {  	s17 =	sshll.u32 s0, $0xA;
	s2 =	sadd.s32 s3, s2  }
0x8d: {  	s2 =	sadd.s32 s2, s17  }
0x8e: {  	[smem:$0x3FC7] =	sst s2  }
0x8f: {  	_ = 	snop  }
0x90: {  	s2 =	sld [smem:$0x3FD0];
	(tm) =	ssettm $0x1  }
0x91: {  	s18 =	sld [smem:$0x3FFB];
	_ =	sdelay $0x3  }
0x92: {  	_ =	strace s18  }
0x93: {  	s3 =	sld [smem:$0x3FFC];
	_ =	sdelay $0x3  }
0x94: {  	_ =	strace s3  }
0x95: {  	s3 =	sld [smem:$0x3FFD];
	_ =	sdelay $0x3  }
0x96: {  	_ =	strace s3  }
0x97: {  	_ =	strace $0x8FFFFFFF  }
0x98: {  	s19 =	sld [smem:$0x3FDB];
	_ =	sdelay $0x1  }
0x99: {  	s4 =	simm.s32 $_scs_section_size  }
0x9a: {  	s5 =	simm.s32 $_size__tile_overlayer_lowered;
	s6 =	simm.s32 $_tile_overlayer_lowered  }
0x9b: {  	s22 =	simm.s32 $0x1BFF;
	s21 =	sshll.u32 s6, $0x1;
	s3 =	sadd.s32 s4, s19  }
0x9c: {  	s7 =	simm.s32 $0x0;
	s20 =	sshll.u32 s5, $0x1;
	s5 =	sadd.s32 s21, s3  }
0x9d: {  	[timem:s7], [sflag:s22] =	dma.local [hbm:s5], s20  }
0x9e: {  	_ =	swait.ge [sflag:s22], s20  }
0x9f: {  	s4 =	ssub.s32 $0x0, s20;
	[sflag:s22] =	ssyncset.done $0x0  }
0xa0: {  	[sflag:s22] =	ssyncadd.s32 s4;
	_ =	sdelay $0x1  }
0xa1: {  	s23 =	simm.s32 $0x1B8B  }
0xa2: {  	_ =	swait.ge [sflag:s23], $0x1  }
0xa3: {  	[sflag:s23] =	ssyncset.done $0x0  }
0xa4: {  	s25 =	simm.s32 $0x1B8E;
	s24 =	sld [smem:$0x3FFE];
	[sflag:s23] =	ssyncadd.s32 $0xFFFFFFFF  }
0xa5: {  	s26 =	simm.s32 $execute0_lowered;
	[smem:$0x3FD2] =	sst s25  }
0xa6: {  	s5 =	sshll.u32 s26, $0x1;
	_ =	strace $0x80000046;
	[dreg:$0x1] =	wrdreg $0xFFFFFFFF  }
0xa7: {  	s28 =	simm.s32 $_size_execute0_lowered;
	s3 =	sadd.s32 s3, s5;
	[dreg:$0x0] =	wrdreg $0x0  }
0xa8: {  	s5 =	sshll.u32 s28, $0x1;
	[dreg:$0x2] =	wrdreg s3  }
0xa9: {  	[dreg:$0x3] =	wrdreg s5  }
0xaa: {  	[dreg:$0x4] =	wrdreg $0xC0  }
0xab: {  	_ =	task [dreg:s7], $0x5FFFF  }
0xac: {  	[dreg:$0x1] =	wrdreg $0xFFFFFFFF  }
0xad: {  	[dreg:$0x0] =	wrdreg $0x60  }
0xae: {  	[dreg:$0x2] =	wrdreg s24  }
0xaf: {  	[dreg:$0x3] =	wrdreg s2  }
0xb0: {  	[dreg:$0x4] =	wrdreg $0x9  }
0xb1: {  	_ =	task.clear_ibuf [dreg:s7], $0x5FFFF;
	_ =	strace $0x90000046  }
0xb2: {  	s29 =	simm.s32 $0x9;
	_ =	strace $0x80000048  }
0xb3: {  	_ =	swait.ge [sflag:s29], $0x1  }
0xb4: {  	[sflag:s29] =	ssyncadd.s32 $0xFFFFFFFF  }
0xb5: {  	_ =	strace $0x90000048  }
0xb6: {  	_ =	sfence  }
0xb7: {  	s30 =	sld [smem:$0x0];
	_ =	sdelay $0x2  }
0xb8: {  	s31 =	sshll.u32 s1, $0xD;
	s1 =	sshrl.u32 s1, $0x2  }
0xb9: {  	s3 =	sand.u32 $0x4000, s31;
	s1 =	sadd.s32 s1, s30  }
0xba: {  	s0 =	sor.u32 s3, s0;
	s1 =	sshll.u32 s1, $0x11  }
0xbb: {  	s0 =	sor.u32 s1, s0  }
0xbc: {  	s0 =	sadd.s32 $0x8F2B, s0  }
0xbd: {  	[sflag:s0] =	ssyncadd.remote.s32 $0x1  }
0xbe: {  	_ =	sfence.sel $0xFFFF  }
0xbf: {  	[dreg:$0x0] =	wrdreg $0xFFFFFFFF;
	(pc) =	sbr.abs _section_cstart, $3  }
0xc0: {  	[dreg:$0x1] =	wrdreg $0xFFFFFFFF  }
0xc1: {  	_ =	task.clear_ibuf [dreg:s7], $0x2FFFF;
	_ =	strace $0x9FFFFFFF  }
0xc2: {  	(tm) =	ssettm $0x7FFFFFFF  }
0xc3: {  	_ =	shalt  }
tec
execute0_lowered:
.L_overlay_start_1:
0x0: {  	(tag) =	ssettag $0x1  }
0x1: {  	s0 =	rddreg [dreg:$0x0]  }
0x2: {  	s1 =	rddreg [dreg:$0x1]  }
0x3: {  	s2 =	simm.s32 $0x0;
	s3 =	srdreg.scid;
	s9 =	stileid.u32  }
0x4: {  	s12 =	simm.s32 $0x2;
	s15 =	simm.s32 $0x1;
	s16 =	simm.s32 $0x3000  }
0x5: {  	s17 =	simm.s32 $0x80;
	s18 =	simm.s32 $0x400;
	s25 =	simm.s32 $0x17500  }
0x6: {  	s26 =	simm.s32 $0x18180;
	s28 =	simm.s32 $0x18E00;
	s3 =	sand.u32 $0x1, s3  }
0x7: {  	s29 =	simm.s32 $0x19A80;
	[smem:$0x7FF] =	sst s2;
	s4 =	ssub.s32 $0x2, s3  }
0x8: {  	s5 =	sadd.s32 $0x600, s0;
	s6 =	sadd.s32 $0x3D800, s0;
	s8 =	sshrl.u32 s4, $0x1  }
0x9: {  	s7 =	sadd.s32 $0x7AA00, s0;
	s0 =	sadd.s32 $0x400, s0;
	s31 =	ssub.s32 s4, s8  }
0xa: {  	vm0 =	vcmask $0x308;
	vm1 =	vcmask $0x70C;
	vm2 =	vcmask $0xB10;
	_ =	strace $0x80000047;
	[dreg:$0x3] =	wrdreg s0;
	s0 =	smax.u32 s31, $0x1  }
0xb: {  	v0 =	vimm.f32 $0.0e+00;
	v1 =	vimm.s32 $0xC80;
	v2 =	vimm.f32 $1.000000000e+00;
	s9 =	sshll.u32 s9, $0x1;
	s4 =	simm.s32 $0x0;
	[dreg:$0x4] =	wrdreg s0  }
.LBB2_1:
0xc: {  	[dreg:$0x5] =	wrdreg s4  }
0xd: {  	s0 =	rddreg [dreg:$0x3];
	s24 =	simm.s32 $0x1A700  }
0xe: {  	[tilespmem:s24], [sflag:$0x2] =	stream.linear.gather [hbm4b:s0+s2], $0x80, $0x38;
	[tilespmem:$0x1A780] =	vst v63  }
0xf: {  	_ =	swait.ge [sflag:s12], $0x80  }
0x10: {  	[sflag:s12] =	ssyncset.done $0x0  }
0x11: {  	[sflag:s12] =	ssyncadd.s32 $0xFFFFFF80  }
0x12: {  	v3 =	vld [tilespmem:$0x1A700];
	_ =	sdelay $0x4  }
0x13: {  	v4 =	vsel vm0, $0x0, v3  }
0x14: {  	v63 =	vsel vm1, $0x0, v3;
	(xrf0) =	vmax.scan.msk.f32 $0xffff, v4  }
0x15: {  	v3 =	vsel vm2, $0x0, v3;
	(xrf0) =	vmax.scan.msk.f32 $0xffff, v63  }
0x16: {  	(xrf0) =	vmax.scan.msk.f32 $0xffff, v3;
	_ =	sdelay $0x3  }
0x17: {  	v3, _, _ =	vpop (xrf0)  }
0x18: {  	v4, _, _ =	vpop (xrf0);
	(v2sf) =	vpush v3, $0xF  }
0x19: {  	(v2sf) =	vpush v4, $0xF;
	v3, _, _ =	vpop (xrf0)  }
0x1a: {  	(v2sf) =	vpush v3, $0xF;
	_ =	sdelay $0xc  }
0x1b: {  	s30 =	spop (v2sf)  }
0x1c: {  	s31 =	spop (v2sf)  }
0x1d: {  	s4 =	simm.s32 $0x0;
	s0 =	spop (v2sf)  }
.LBB2_2:
0x1e: {  	s10 =	simm.s32 $0x40;
	s8 =	simm.s32 $0x0  }
.LBB2_3:
0x1f: {  	p0 =	sne.s32 s10, $0x5DBC0;
	[tilespmem:s8+$0x3000] =	vst v0;
	s8 =	smov.u32 s10;
	s10 =	sadd.s32 $0x40, s10  }
.Ltmp0:
0x20: {  	(pc) =	sbr.rel @p0 .LBB2_3-.Ltmp0, $2  }
0x21: {  	_ =	sdelay $0x2  }
0x22: {  	s8 =	sshra.s32 s8, $0x2  }
0x23: {  	s10 =	sshll.u32 s4, $0x5  }
0x24: {  	s19 =	sor.u32 s9, s10  }
0x25: {  	s10 =	sadd.s32 $0xFFFFFFD0, s19  }
0x26: {  	s11 =	sadd.s32 $0xFFFFFFE8, s19;
	p0 =	slt.u32 s10, $0x18;
	s10 =	smov.u32 s0  }
0x27: {  	p1 =	slt.u32 s11, $0x18;
	s10 =	smov.u32 @p0 s31  }
0x28: {  	s10 =	smov.u32 @p1 s30  }
0x29: {  	s10 =	smul.f32 $5.000000240e-04, s10  }
0x2a: {  	s11 =	smov.u32 s0  }
0x2b: {  	s11 =	simm.s32 @!p0 $0x49F42400;
	s10 =	scvt.f32.s32 s10  }
0x2c: {  	p0 =	slt.u32 s19, $0x18;
	s11 =	smov.u32 @p1 s31  }
0x2d: {  	s11 =	smov.u32 @p0 s30;
	s14 =	sadd.s32 $0xFFFFFFFF, s10  }
0x2e: {  	s11 =	smul.f32 $5.000000240e-04, s11;
	p1 =	sgt.s32 s14, $0x0  }
0x2f: {  	s14 =	simm.s32 @!p1 $0x0  }
0x30: {  	s10 =	scvt.f32.s32 s11;
	s14 =	simm.s32 @p0 $0x0  }
0x31: {  	s13 =	smul.u32 $0x7D0, s14  }
0x32: {  	s10 =	sadd.s32 $0x2, s10  }
0x33: {  	p0 =	slt.s32 s10, $0x3E8;
	s13 =	sshrl.u32 s13, $0x3  }
0x34: {  	s10 =	simm.s32 @!p0 $0x3E8;
	s20 =	sadd.s32 s5, s13  }
0x35: {  	[tilespmem:s8+$0x3000] =	vst v0;
	s11 =	sadd.s32 s6, s13;
	s22 =	sadd.s32 s7, s13;
	s13 =	ssub.s32 s10, s14  }
0x36: {  	[tilespmem:s2], [sflag:$0x1] =	stream.linear.gather [hbm4b:s20+s2], $0x7D0, $0x38;
	[tilespmem:$0x1A780] =	vst v63  }
0x37: {  	s21 =	smulhi.u32 $0x2AAAAAAB, s19;
	s20 =	simm.s32 $0x1000;
	p0 =	slt.s32 s13, $0x1  }
0x38: {  	[tilespmem:s20], [sflag:$0x1] =	stream.linear.gather [hbm4b:s11+s2], $0x7D0, $0x38;
	[tilespmem:$0x1A780] =	vst v63  }
.Ltmp1:
0x39: {  	_ = 	snop;
	(pc) =	sbr.rel @p0 .LBB2_9-.Ltmp1, $4  }
0x3a: {  	s11 =	sshrl.u32 s21, $0x2  }
0x3b: {  	s23 =	simm.s32 $0x2000;
	s19 =	sor.u32 s3, s19;
	s24 =	smul.u32 $0xFFFFFFE8, s11  }
0x3c: {  	[tilespmem:s23], [sflag:$0x1] =	stream.linear.gather [hbm4b:s22+s2], $0x7D0, $0x38;
	[tilespmem:$0x1A780] =	vst v63  }
0x3d: {  	s8 =	sadd.s32 s19, s24  }
0x3e: {  	s19 =	smul.u32 $0xC80, s8  }
0x3f: {  	s20 =	sshll.u32 s11, $0x11  }
0x40: {  	s19 =	sadd.s32 s20, s19  }
0x41: {  	s14 =	sadd.s32 $0x1, s14;
	p0 =	por $0x0, $0x0;
	v3 =	vmov s19;
	s19 =	simm.s32 $0x0  }
.LBB2_6:
0x42: {  	s20 =	sadd.s32 s19, s14  }
0x43: {  	p1 =	sge.s32 s20, s10  }
0x44: {  	s21 =	sand.u32 $0x1, s19;
	s20 =	smul.u32 @!p1 $0x7D0, s20  }
0x45: {  	s21 =	sxor.u32 @!p1 $0x1, s21  }
0x46: {  	s21 =	smul.u32 @!p1 $0x7D0, s21;
	s20 =	sshrl.u32 @!p1 s20, $0x3  }
0x47: {  	s23 =	simm.s32 @!p1 $0x0;
	s22 =	sadd.s32 @!p1 s5, s20  }
0x48: {  	[tilespmem:s21], [sflag:$0x1] =	stream.linear.gather @!p1 [hbm4b:s22+s23], $0x7D0, $0x38;
	[tilespmem:$0x1A780] =	vst v63  }
0x49: {  	s24 =	sadd.s32 @!p1 s6, s20;
	s22 =	sor.u32 @!p1 $0x1000, s21  }
0x4a: {  	[tilespmem:s22], [sflag:$0x1] =	stream.linear.gather @!p1 [hbm4b:s24+s23], $0x7D0, $0x38;
	[tilespmem:$0x1A780] =	vst v63  }
0x4b: {  	s20 =	sadd.s32 @!p1 s7, s20;
	s21 =	sor.u32 @!p1 $0x2000, s21  }
0x4c: {  	[tilespmem:s21], [sflag:$0x1] =	stream.linear.gather @!p1 [hbm4b:s20+s23], $0x7D0, $0x38;
	[tilespmem:$0x1A780] =	vst v63  }
0x4d: {  	_ =	swait.ge [sflag:s15], $0x7D0  }
0x4e: {  	[sflag:s15] =	ssyncset.done $0x0  }
0x4f: {  	s20 =	simm.s32 $0x1;
	[sflag:s15] =	ssyncadd.s32 $0xFFFFF830  }
0x50: {  	s20 =	simm.s32 @!p0 $0x0;
	_ =	swait.ge [sflag:s15], $0x7D0  }
0x51: {  	s20 =	smul.u32 $0x1F40, s20;
	[sflag:s15] =	ssyncset.done $0x0  }
0x52: {  	[sflag:s15] =	ssyncadd.s32 $0xFFFFF830  }
0x53: {  	s24 =	sshrl.u32 s20, $0x2;
	_ =	swait.ge [sflag:s15], $0x7D0  }
0x54: {  	s23 =	simm.s32 $0xFFFFFFE7;
	s20 =	sadd.s32 $0xC0, s24;
	[sflag:s15] =	ssyncset.done $0x0  }
0x55: {  	s21 =	sadd.s32 $0x10C0, s24;
	s22 =	sadd.s32 $0x20C0, s24;
	[sflag:s15] =	ssyncadd.s32 $0xFFFFF830  }
.LBB2_7:
0x56: {  	v4 =	vld [tilespmem:s20+$0xFFFFFF40];
	_ =	sdelay $0x4  }
0x57: {  	v5 =	vshrl.u32 v4, $0x14;
	v6 =	vand.u32 $0x80000, v4  }
0x58: {  	v5 =	vand.u32 $0xF, v5;
	vm3 =	veq.s32 v6, $0x0  }
0x59: {  	v25 =	vand.u32 $0x7FFFF, v4;
	v7 =	vsel vm3, $0x0, v1;
	v5 =	vmul.u32 $0xC80, v5  }
0x5a: {  	v8 =	vshra.s32 v4, $0x18;
	v6 =	vsub.s32 v25, v3;
	v9 =	vmul.u32 $0x9, v7  }
0x5b: {  	v8 =	vmul.u32 $0xC80, v8;
	v5 =	vadd.s32 v6, v5  }
0x5c: {  	v4 =	vand.u32 $0x7F, v4;
	v5 =	vadd.s32 v9, v5  }
0x5d: {  	vm3 =	vlt.u32 v6, $0xC80;
	v8 =	vadd.s32 v8, v6;
	v5 =	vand.u32 $0xFFFFFF80, v5  }
0x5e: {  	v26 =	vld [tilespmem:s21+$0xFFFFFF40];
	v8 =	vadd.s32 $0xE100, v8;
	v6 =	vadd.s32 v7, v6;
	v5 =	vor.u32 v4, v5  }
0x5f: {  	v27 =	vld [tilespmem:s22+$0xFFFFFF40];
	v6 =	vadd.s32 $0x15E00, v6;
	v8 =	vand.u32 $0xFFFFFF80, v8;
	v10 =	vadd.s32 $0xC80, v5  }
0x60: {  	v8 =	vor.u32 v4, v8;
	v6 =	vand.u32 $0xFFFFFF80, v6  }
0x61: {  	v4 =	vor.u32 v4, v6;
	_ =	sdelay $0x1  }
0x62: {  	[tilespmem:v5+s16+$0x0] =	vst.idx.add.f32.msk vm3, v26  }
0x63: {  	[tilespmem:v10+s16+$0x0] =	vst.idx.add.f32.msk vm3, v27  }
0x64: {  	[tilespmem:v8+s16+$0x0] =	vst.idx.add.f32.msk vm3, v2  }
0x65: {  	[tilespmem:v4+s16+$0x0] =	vst.idx.add.f32.msk vm3, v2  }
0x66: {  	v4 =	vld [tilespmem:s20+$0xFFFFFF50];
	_ =	sdelay $0x4  }
0x67: {  	v5 =	vshrl.u32 v4, $0x14;
	v28 =	vand.u32 $0x80000, v4  }
0x68: {  	v5 =	vand.u32 $0xF, v5;
	vm3 =	veq.s32 v28, $0x0  }
0x69: {  	v29 =	vand.u32 $0x7FFFF, v4;
	v30 =	vsel vm3, $0x0, v1;
	v5 =	vmul.u32 $0xC80, v5  }
0x6a: {  	v31 =	vshra.s32 v4, $0x18;
	v6 =	vsub.s32 v29, v3;
	v32 =	vmul.u32 $0x9, v30  }
0x6b: {  	v8 =	vmul.u32 $0xC80, v31;
	v5 =	vadd.s32 v6, v5  }
0x6c: {  	v4 =	vand.u32 $0x7F, v4;
	v5 =	vadd.s32 v32, v5  }
0x6d: {  	vm3 =	vlt.u32 v6, $0xC80;
	v8 =	vadd.s32 v8, v6;
	v5 =	vand.u32 $0xFFFFFF80, v5  }
0x6e: {  	v33 =	vld [tilespmem:s21+$0xFFFFFF50];
	v8 =	vadd.s32 $0xE100, v8;
	v6 =	vadd.s32 v30, v6;
	v5 =	vor.u32 v4, v5  }
0x6f: {  	v34 =	vld [tilespmem:s22+$0xFFFFFF50];
	v6 =	vadd.s32 $0x15E00, v6;
	v8 =	vand.u32 $0xFFFFFF80, v8;
	v35 =	vadd.s32 $0xC80, v5  }
0x70: {  	v8 =	vor.u32 v4, v8;
	v6 =	vand.u32 $0xFFFFFF80, v6  }
0x71: {  	v4 =	vor.u32 v4, v6;
	_ =	sdelay $0x1  }
0x72: {  	[tilespmem:v5+s16+$0x0] =	vst.idx.add.f32.msk vm3, v33  }
0x73: {  	[tilespmem:v35+s16+$0x0] =	vst.idx.add.f32.msk vm3, v34  }
0x74: {  	[tilespmem:v8+s16+$0x0] =	vst.idx.add.f32.msk vm3, v2  }
0x75: {  	[tilespmem:v4+s16+$0x0] =	vst.idx.add.f32.msk vm3, v2  }
0x76: {  	v4 =	vld [tilespmem:s20+$0xFFFFFF60];
	_ =	sdelay $0x4  }
0x77: {  	v5 =	vshrl.u32 v4, $0x14;
	v36 =	vand.u32 $0x80000, v4  }
0x78: {  	v5 =	vand.u32 $0xF, v5;
	vm3 =	veq.s32 v36, $0x0  }
0x79: {  	v37 =	vand.u32 $0x7FFFF, v4;
	v38 =	vsel vm3, $0x0, v1;
	v5 =	vmul.u32 $0xC80, v5  }
0x7a: {  	v39 =	vshra.s32 v4, $0x18;
	v6 =	vsub.s32 v37, v3;
	v40 =	vmul.u32 $0x9, v38  }
0x7b: {  	v8 =	vmul.u32 $0xC80, v39;
	v5 =	vadd.s32 v6, v5  }
0x7c: {  	v4 =	vand.u32 $0x7F, v4;
	v5 =	vadd.s32 v40, v5  }
0x7d: {  	vm3 =	vlt.u32 v6, $0xC80;
	v8 =	vadd.s32 v8, v6;
	v5 =	vand.u32 $0xFFFFFF80, v5  }
0x7e: {  	v41 =	vld [tilespmem:s21+$0xFFFFFF60];
	v8 =	vadd.s32 $0xE100, v8;
	v6 =	vadd.s32 v38, v6;
	v5 =	vor.u32 v4, v5  }
0x7f: {  	v42 =	vld [tilespmem:s22+$0xFFFFFF60];
	v6 =	vadd.s32 $0x15E00, v6;
	v8 =	vand.u32 $0xFFFFFF80, v8;
	v43 =	vadd.s32 $0xC80, v5  }
0x80: {  	v8 =	vor.u32 v4, v8;
	v6 =	vand.u32 $0xFFFFFF80, v6  }
0x81: {  	v4 =	vor.u32 v4, v6;
	_ =	sdelay $0x1  }
0x82: {  	[tilespmem:v5+s16+$0x0] =	vst.idx.add.f32.msk vm3, v41  }
0x83: {  	[tilespmem:v43+s16+$0x0] =	vst.idx.add.f32.msk vm3, v42  }
0x84: {  	[tilespmem:v8+s16+$0x0] =	vst.idx.add.f32.msk vm3, v2  }
0x85: {  	[tilespmem:v4+s16+$0x0] =	vst.idx.add.f32.msk vm3, v2  }
0x86: {  	v4 =	vld [tilespmem:s20+$0xFFFFFF70];
	_ =	sdelay $0x4  }
0x87: {  	v5 =	vshrl.u32 v4, $0x14;
	v44 =	vand.u32 $0x80000, v4  }
0x88: {  	v5 =	vand.u32 $0xF, v5;
	vm3 =	veq.s32 v44, $0x0  }
0x89: {  	v45 =	vand.u32 $0x7FFFF, v4;
	v46 =	vsel vm3, $0x0, v1;
	v5 =	vmul.u32 $0xC80, v5  }
0x8a: {  	v47 =	vshra.s32 v4, $0x18;
	v6 =	vsub.s32 v45, v3;
	v48 =	vmul.u32 $0x9, v46  }
0x8b: {  	v8 =	vmul.u32 $0xC80, v47;
	v5 =	vadd.s32 v6, v5  }
0x8c: {  	v4 =	vand.u32 $0x7F, v4;
	v5 =	vadd.s32 v48, v5  }
0x8d: {  	vm3 =	vlt.u32 v6, $0xC80;
	v8 =	vadd.s32 v8, v6;
	v5 =	vand.u32 $0xFFFFFF80, v5  }
0x8e: {  	v49 =	vld [tilespmem:s21+$0xFFFFFF70];
	v8 =	vadd.s32 $0xE100, v8;
	v6 =	vadd.s32 v46, v6;
	v5 =	vor.u32 v4, v5  }
0x8f: {  	v50 =	vld [tilespmem:s22+$0xFFFFFF70];
	v6 =	vadd.s32 $0x15E00, v6;
	v8 =	vand.u32 $0xFFFFFF80, v8;
	v51 =	vadd.s32 $0xC80, v5  }
0x90: {  	v8 =	vor.u32 v4, v8;
	v6 =	vand.u32 $0xFFFFFF80, v6  }
0x91: {  	v4 =	vor.u32 v4, v6;
	_ =	sdelay $0x1  }
0x92: {  	[tilespmem:v5+s16+$0x0] =	vst.idx.add.f32.msk vm3, v49  }
0x93: {  	[tilespmem:v51+s16+$0x0] =	vst.idx.add.f32.msk vm3, v50  }
0x94: {  	[tilespmem:v8+s16+$0x0] =	vst.idx.add.f32.msk vm3, v2  }
0x95: {  	[tilespmem:v4+s16+$0x0] =	vst.idx.add.f32.msk vm3, v2  }
0x96: {  	v4 =	vld [tilespmem:s20+$0xFFFFFF80];
	_ =	sdelay $0x4  }
0x97: {  	v5 =	vshrl.u32 v4, $0x14;
	v52 =	vand.u32 $0x80000, v4  }
0x98: {  	v5 =	vand.u32 $0xF, v5;
	vm3 =	veq.s32 v52, $0x0  }
0x99: {  	v53 =	vand.u32 $0x7FFFF, v4;
	v54 =	vsel vm3, $0x0, v1;
	v5 =	vmul.u32 $0xC80, v5  }
0x9a: {  	v55 =	vshra.s32 v4, $0x18;
	v6 =	vsub.s32 v53, v3;
	v56 =	vmul.u32 $0x9, v54  }
0x9b: {  	v8 =	vmul.u32 $0xC80, v55;
	v5 =	vadd.s32 v6, v5  }
0x9c: {  	v4 =	vand.u32 $0x7F, v4;
	v5 =	vadd.s32 v56, v5  }
0x9d: {  	vm3 =	vlt.u32 v6, $0xC80;
	v8 =	vadd.s32 v8, v6;
	v5 =	vand.u32 $0xFFFFFF80, v5  }
0x9e: {  	v57 =	vld [tilespmem:s21+$0xFFFFFF80];
	v8 =	vadd.s32 $0xE100, v8;
	v6 =	vadd.s32 v54, v6;
	v5 =	vor.u32 v4, v5  }
0x9f: {  	v58 =	vld [tilespmem:s22+$0xFFFFFF80];
	v6 =	vadd.s32 $0x15E00, v6;
	v8 =	vand.u32 $0xFFFFFF80, v8;
	v59 =	vadd.s32 $0xC80, v5  }
0xa0: {  	v8 =	vor.u32 v4, v8;
	v6 =	vand.u32 $0xFFFFFF80, v6  }
0xa1: {  	v4 =	vor.u32 v4, v6;
	_ =	sdelay $0x1  }
0xa2: {  	[tilespmem:v5+s16+$0x0] =	vst.idx.add.f32.msk vm3, v57  }
0xa3: {  	[tilespmem:v59+s16+$0x0] =	vst.idx.add.f32.msk vm3, v58  }
0xa4: {  	[tilespmem:v8+s16+$0x0] =	vst.idx.add.f32.msk vm3, v2  }
0xa5: {  	[tilespmem:v4+s16+$0x0] =	vst.idx.add.f32.msk vm3, v2  }
0xa6: {  	v4 =	vld [tilespmem:s20+$0xFFFFFF90];
	_ =	sdelay $0x4  }
0xa7: {  	v5 =	vshrl.u32 v4, $0x14;
	v60 =	vand.u32 $0x80000, v4  }
0xa8: {  	v5 =	vand.u32 $0xF, v5;
	vm3 =	veq.s32 v60, $0x0  }
0xa9: {  	v61 =	vand.u32 $0x7FFFF, v4;
	v62 =	vsel vm3, $0x0, v1;
	v5 =	vmul.u32 $0xC80, v5  }
0xaa: {  	v63 =	vshra.s32 v4, $0x18;
	v6 =	vsub.s32 v61, v3;
	v12 =	vmul.u32 $0x9, v62  }
0xab: {  	v8 =	vmul.u32 $0xC80, v63;
	v5 =	vadd.s32 v6, v5  }
0xac: {  	v4 =	vand.u32 $0x7F, v4;
	v5 =	vadd.s32 v12, v5  }
0xad: {  	vm3 =	vlt.u32 v6, $0xC80;
	v8 =	vadd.s32 v8, v6;
	v5 =	vand.u32 $0xFFFFFF80, v5  }
0xae: {  	v13 =	vld [tilespmem:s21+$0xFFFFFF90];
	v8 =	vadd.s32 $0xE100, v8;
	v6 =	vadd.s32 v62, v6;
	v5 =	vor.u32 v4, v5  }
0xaf: {  	v14 =	vld [tilespmem:s22+$0xFFFFFF90];
	v6 =	vadd.s32 $0x15E00, v6;
	v8 =	vand.u32 $0xFFFFFF80, v8;
	v15 =	vadd.s32 $0xC80, v5  }
0xb0: {  	v8 =	vor.u32 v4, v8;
	v6 =	vand.u32 $0xFFFFFF80, v6  }
0xb1: {  	v4 =	vor.u32 v4, v6;
	_ =	sdelay $0x1  }
0xb2: {  	[tilespmem:v5+s16+$0x0] =	vst.idx.add.f32.msk vm3, v13  }
0xb3: {  	[tilespmem:v15+s16+$0x0] =	vst.idx.add.f32.msk vm3, v14  }
0xb4: {  	[tilespmem:v8+s16+$0x0] =	vst.idx.add.f32.msk vm3, v2  }
0xb5: {  	[tilespmem:v4+s16+$0x0] =	vst.idx.add.f32.msk vm3, v2  }
0xb6: {  	v4 =	vld [tilespmem:s20+$0xFFFFFFA0];
	_ =	sdelay $0x4  }
0xb7: {  	v5 =	vshrl.u32 v4, $0x14;
	v16 =	vand.u32 $0x80000, v4  }
0xb8: {  	v5 =	vand.u32 $0xF, v5;
	vm3 =	veq.s32 v16, $0x0  }
0xb9: {  	v17 =	vand.u32 $0x7FFFF, v4;
	v18 =	vsel vm3, $0x0, v1;
	v5 =	vmul.u32 $0xC80, v5  }
0xba: {  	v19 =	vshra.s32 v4, $0x18;
	v6 =	vsub.s32 v17, v3;
	v20 =	vmul.u32 $0x9, v18  }
0xbb: {  	v8 =	vmul.u32 $0xC80, v19;
	v5 =	vadd.s32 v6, v5  }
0xbc: {  	v4 =	vand.u32 $0x7F, v4;
	v5 =	vadd.s32 v20, v5  }
0xbd: {  	vm3 =	vlt.u32 v6, $0xC80;
	v8 =	vadd.s32 v8, v6;
	v5 =	vand.u32 $0xFFFFFF80, v5  }
0xbe: {  	v21 =	vld [tilespmem:s21+$0xFFFFFFA0];
	v8 =	vadd.s32 $0xE100, v8;
	v6 =	vadd.s32 v18, v6;
	v5 =	vor.u32 v4, v5  }
0xbf: {  	v22 =	vld [tilespmem:s22+$0xFFFFFFA0];
	v6 =	vadd.s32 $0x15E00, v6;
	v8 =	vand.u32 $0xFFFFFF80, v8;
	v23 =	vadd.s32 $0xC80, v5  }
0xc0: {  	v8 =	vor.u32 v4, v8;
	v6 =	vand.u32 $0xFFFFFF80, v6  }
0xc1: {  	v4 =	vor.u32 v4, v6;
	_ =	sdelay $0x1  }
0xc2: {  	[tilespmem:v5+s16+$0x0] =	vst.idx.add.f32.msk vm3, v21  }
0xc3: {  	[tilespmem:v23+s16+$0x0] =	vst.idx.add.f32.msk vm3, v22  }
0xc4: {  	[tilespmem:v8+s16+$0x0] =	vst.idx.add.f32.msk vm3, v2  }
0xc5: {  	[tilespmem:v4+s16+$0x0] =	vst.idx.add.f32.msk vm3, v2  }
0xc6: {  	v4 =	vld [tilespmem:s20+$0xFFFFFFB0];
	_ =	sdelay $0x4  }
0xc7: {  	v5 =	vshrl.u32 v4, $0x14;
	v24 =	vand.u32 $0x80000, v4  }
0xc8: {  	v5 =	vand.u32 $0xF, v5;
	vm3 =	veq.s32 v24, $0x0  }
0xc9: {  	v25 =	vand.u32 $0x7FFFF, v4;
	v26 =	vsel vm3, $0x0, v1;
	v5 =	vmul.u32 $0xC80, v5  }
0xca: {  	v27 =	vshra.s32 v4, $0x18;
	v6 =	vsub.s32 v25, v3;
	v28 =	vmul.u32 $0x9, v26  }
0xcb: {  	v8 =	vmul.u32 $0xC80, v27;
	v5 =	vadd.s32 v6, v5  }
0xcc: {  	v4 =	vand.u32 $0x7F, v4;
	v5 =	vadd.s32 v28, v5  }
0xcd: {  	vm3 =	vlt.u32 v6, $0xC80;
	v8 =	vadd.s32 v8, v6;
	v5 =	vand.u32 $0xFFFFFF80, v5  }
0xce: {  	v29 =	vld [tilespmem:s21+$0xFFFFFFB0];
	v8 =	vadd.s32 $0xE100, v8;
	v6 =	vadd.s32 v26, v6;
	v5 =	vor.u32 v4, v5  }
0xcf: {  	v30 =	vld [tilespmem:s22+$0xFFFFFFB0];
	v6 =	vadd.s32 $0x15E00, v6;
	v8 =	vand.u32 $0xFFFFFF80, v8;
	v31 =	vadd.s32 $0xC80, v5  }
0xd0: {  	v8 =	vor.u32 v4, v8;
	v6 =	vand.u32 $0xFFFFFF80, v6  }
0xd1: {  	v4 =	vor.u32 v4, v6;
	_ =	sdelay $0x1  }
0xd2: {  	[tilespmem:v5+s16+$0x0] =	vst.idx.add.f32.msk vm3, v29  }
0xd3: {  	[tilespmem:v31+s16+$0x0] =	vst.idx.add.f32.msk vm3, v30  }
0xd4: {  	[tilespmem:v8+s16+$0x0] =	vst.idx.add.f32.msk vm3, v2  }
0xd5: {  	[tilespmem:v4+s16+$0x0] =	vst.idx.add.f32.msk vm3, v2  }
0xd6: {  	v4 =	vld [tilespmem:s20+$0xFFFFFFC0];
	_ =	sdelay $0x4  }
0xd7: {  	v5 =	vshrl.u32 v4, $0x14;
	v32 =	vand.u32 $0x80000, v4  }
0xd8: {  	v5 =	vand.u32 $0xF, v5;
	vm3 =	veq.s32 v32, $0x0  }
0xd9: {  	v33 =	vand.u32 $0x7FFFF, v4;
	v34 =	vsel vm3, $0x0, v1;
	v5 =	vmul.u32 $0xC80, v5  }
0xda: {  	v35 =	vshra.s32 v4, $0x18;
	v6 =	vsub.s32 v33, v3;
	v36 =	vmul.u32 $0x9, v34  }
0xdb: {  	v8 =	vmul.u32 $0xC80, v35;
	v5 =	vadd.s32 v6, v5  }
0xdc: {  	v4 =	vand.u32 $0x7F, v4;
	v5 =	vadd.s32 v36, v5  }
0xdd: {  	vm3 =	vlt.u32 v6, $0xC80;
	v8 =	vadd.s32 v8, v6;
	v5 =	vand.u32 $0xFFFFFF80, v5  }
0xde: {  	v37 =	vld [tilespmem:s21+$0xFFFFFFC0];
	v8 =	vadd.s32 $0xE100, v8;
	v6 =	vadd.s32 v34, v6;
	v5 =	vor.u32 v4, v5  }
0xdf: {  	v38 =	vld [tilespmem:s22+$0xFFFFFFC0];
	v6 =	vadd.s32 $0x15E00, v6;
	v8 =	vand.u32 $0xFFFFFF80, v8;
	v39 =	vadd.s32 $0xC80, v5  }
0xe0: {  	v8 =	vor.u32 v4, v8;
	v6 =	vand.u32 $0xFFFFFF80, v6  }
0xe1: {  	v4 =	vor.u32 v4, v6;
	_ =	sdelay $0x1  }
0xe2: {  	[tilespmem:v5+s16+$0x0] =	vst.idx.add.f32.msk vm3, v37  }
0xe3: {  	[tilespmem:v39+s16+$0x0] =	vst.idx.add.f32.msk vm3, v38  }
0xe4: {  	[tilespmem:v8+s16+$0x0] =	vst.idx.add.f32.msk vm3, v2  }
0xe5: {  	[tilespmem:v4+s16+$0x0] =	vst.idx.add.f32.msk vm3, v2  }
0xe6: {  	v4 =	vld [tilespmem:s20+$0xFFFFFFD0];
	_ =	sdelay $0x4  }
0xe7: {  	v5 =	vshrl.u32 v4, $0x14;
	v40 =	vand.u32 $0x80000, v4  }
0xe8: {  	v5 =	vand.u32 $0xF, v5;
	vm3 =	veq.s32 v40, $0x0  }
0xe9: {  	v41 =	vand.u32 $0x7FFFF, v4;
	v42 =	vsel vm3, $0x0, v1;
	v5 =	vmul.u32 $0xC80, v5  }
0xea: {  	v43 =	vshra.s32 v4, $0x18;
	v6 =	vsub.s32 v41, v3;
	v44 =	vmul.u32 $0x9, v42  }
0xeb: {  	v8 =	vmul.u32 $0xC80, v43;
	v5 =	vadd.s32 v6, v5  }
0xec: {  	v4 =	vand.u32 $0x7F, v4;
	v5 =	vadd.s32 v44, v5  }
0xed: {  	vm3 =	vlt.u32 v6, $0xC80;
	v8 =	vadd.s32 v8, v6;
	v5 =	vand.u32 $0xFFFFFF80, v5  }
0xee: {  	v45 =	vld [tilespmem:s21+$0xFFFFFFD0];
	v8 =	vadd.s32 $0xE100, v8;
	v6 =	vadd.s32 v42, v6;
	v5 =	vor.u32 v4, v5  }
0xef: {  	v46 =	vld [tilespmem:s22+$0xFFFFFFD0];
	v6 =	vadd.s32 $0x15E00, v6;
	v8 =	vand.u32 $0xFFFFFF80, v8;
	v47 =	vadd.s32 $0xC80, v5  }
0xf0: {  	v8 =	vor.u32 v4, v8;
	v6 =	vand.u32 $0xFFFFFF80, v6  }
0xf1: {  	v4 =	vor.u32 v4, v6;
	_ =	sdelay $0x1  }
0xf2: {  	[tilespmem:v5+s16+$0x0] =	vst.idx.add.f32.msk vm3, v45  }
0xf3: {  	[tilespmem:v47+s16+$0x0] =	vst.idx.add.f32.msk vm3, v46  }
0xf4: {  	[tilespmem:v8+s16+$0x0] =	vst.idx.add.f32.msk vm3, v2  }
0xf5: {  	[tilespmem:v4+s16+$0x0] =	vst.idx.add.f32.msk vm3, v2  }
0xf6: {  	v4 =	vld [tilespmem:s20+$0xFFFFFFE0];
	_ =	sdelay $0x4  }
0xf7: {  	v5 =	vshrl.u32 v4, $0x14;
	v48 =	vand.u32 $0x80000, v4  }
0xf8: {  	v5 =	vand.u32 $0xF, v5;
	vm3 =	veq.s32 v48, $0x0  }
0xf9: {  	v49 =	vand.u32 $0x7FFFF, v4;
	v50 =	vsel vm3, $0x0, v1;
	v5 =	vmul.u32 $0xC80, v5  }
0xfa: {  	v51 =	vshra.s32 v4, $0x18;
	v6 =	vsub.s32 v49, v3;
	v52 =	vmul.u32 $0x9, v50  }
0xfb: {  	v8 =	vmul.u32 $0xC80, v51;
	v5 =	vadd.s32 v6, v5  }
0xfc: {  	v4 =	vand.u32 $0x7F, v4;
	v5 =	vadd.s32 v52, v5  }
0xfd: {  	vm3 =	vlt.u32 v6, $0xC80;
	v8 =	vadd.s32 v8, v6;
	v5 =	vand.u32 $0xFFFFFF80, v5  }
0xfe: {  	v53 =	vld [tilespmem:s21+$0xFFFFFFE0];
	v8 =	vadd.s32 $0xE100, v8;
	v6 =	vadd.s32 v50, v6;
	v5 =	vor.u32 v4, v5  }
0xff: {  	v54 =	vld [tilespmem:s22+$0xFFFFFFE0];
	v6 =	vadd.s32 $0x15E00, v6;
	v8 =	vand.u32 $0xFFFFFF80, v8;
	v55 =	vadd.s32 $0xC80, v5  }
0x100: {  	v8 =	vor.u32 v4, v8;
	v6 =	vand.u32 $0xFFFFFF80, v6  }
0x101: {  	v4 =	vor.u32 v4, v6;
	_ =	sdelay $0x1  }
0x102: {  	[tilespmem:v5+s16+$0x0] =	vst.idx.add.f32.msk vm3, v53  }
0x103: {  	[tilespmem:v55+s16+$0x0] =	vst.idx.add.f32.msk vm3, v54  }
0x104: {  	[tilespmem:v8+s16+$0x0] =	vst.idx.add.f32.msk vm3, v2  }
0x105: {  	[tilespmem:v4+s16+$0x0] =	vst.idx.add.f32.msk vm3, v2  }
0x106: {  	v4 =	vld [tilespmem:s20+$0xFFFFFFF0];
	_ =	sdelay $0x4  }
0x107: {  	v5 =	vshrl.u32 v4, $0x14;
	v56 =	vand.u32 $0x80000, v4  }
0x108: {  	v5 =	vand.u32 $0xF, v5;
	vm3 =	veq.s32 v56, $0x0  }
0x109: {  	v57 =	vand.u32 $0x7FFFF, v4;
	v58 =	vsel vm3, $0x0, v1;
	v5 =	vmul.u32 $0xC80, v5  }
0x10a: {  	v59 =	vshra.s32 v4, $0x18;
	v6 =	vsub.s32 v57, v3;
	v60 =	vmul.u32 $0x9, v58  }
0x10b: {  	v8 =	vmul.u32 $0xC80, v59;
	v5 =	vadd.s32 v6, v5  }
0x10c: {  	v4 =	vand.u32 $0x7F, v4;
	v5 =	vadd.s32 v60, v5  }
0x10d: {  	vm3 =	vlt.u32 v6, $0xC80;
	v8 =	vadd.s32 v8, v6;
	v5 =	vand.u32 $0xFFFFFF80, v5  }
0x10e: {  	v61 =	vld [tilespmem:s21+$0xFFFFFFF0];
	v8 =	vadd.s32 $0xE100, v8;
	v6 =	vadd.s32 v58, v6;
	v5 =	vor.u32 v4, v5  }
0x10f: {  	v62 =	vld [tilespmem:s22+$0xFFFFFFF0];
	v6 =	vadd.s32 $0x15E00, v6;
	v8 =	vand.u32 $0xFFFFFF80, v8;
	v63 =	vadd.s32 $0xC80, v5  }
0x110: {  	v8 =	vor.u32 v4, v8;
	v6 =	vand.u32 $0xFFFFFF80, v6  }
0x111: {  	v4 =	vor.u32 v4, v6;
	_ =	sdelay $0x1  }
0x112: {  	[tilespmem:v5+s16+$0x0] =	vst.idx.add.f32.msk vm3, v61  }
0x113: {  	[tilespmem:v63+s16+$0x0] =	vst.idx.add.f32.msk vm3, v62  }
0x114: {  	[tilespmem:v8+s16+$0x0] =	vst.idx.add.f32.msk vm3, v2  }
0x115: {  	[tilespmem:v4+s16+$0x0] =	vst.idx.add.f32.msk vm3, v2  }
0x116: {  	v4 =	vld [tilespmem:s20+$0x0];
	_ =	sdelay $0x4  }
0x117: {  	v5 =	vshrl.u32 v4, $0x14;
	v12 =	vand.u32 $0x80000, v4  }
0x118: {  	v5 =	vand.u32 $0xF, v5;
	vm3 =	veq.s32 v12, $0x0  }
0x119: {  	v13 =	vand.u32 $0x7FFFF, v4;
	v14 =	vsel vm3, $0x0, v1;
	v5 =	vmul.u32 $0xC80, v5  }
0x11a: {  	v15 =	vshra.s32 v4, $0x18;
	v6 =	vsub.s32 v13, v3;
	v16 =	vmul.u32 $0x9, v14  }
0x11b: {  	v8 =	vmul.u32 $0xC80, v15;
	v5 =	vadd.s32 v6, v5  }
0x11c: {  	v4 =	vand.u32 $0x7F, v4;
	v5 =	vadd.s32 v16, v5  }
0x11d: {  	vm3 =	vlt.u32 v6, $0xC80;
	v8 =	vadd.s32 v8, v6;
	v5 =	vand.u32 $0xFFFFFF80, v5  }
0x11e: {  	v17 =	vld [tilespmem:s21+$0x0];
	v8 =	vadd.s32 $0xE100, v8;
	v6 =	vadd.s32 v14, v6;
	v5 =	vor.u32 v4, v5  }
0x11f: {  	v18 =	vld [tilespmem:s22+$0x0];
	v6 =	vadd.s32 $0x15E00, v6;
	v8 =	vand.u32 $0xFFFFFF80, v8;
	v19 =	vadd.s32 $0xC80, v5  }
0x120: {  	v8 =	vor.u32 v4, v8;
	v6 =	vand.u32 $0xFFFFFF80, v6  }
0x121: {  	v4 =	vor.u32 v4, v6;
	_ =	sdelay $0x1  }
0x122: {  	[tilespmem:v5+s16+$0x0] =	vst.idx.add.f32.msk vm3, v17  }
0x123: {  	[tilespmem:v19+s16+$0x0] =	vst.idx.add.f32.msk vm3, v18  }
0x124: {  	[tilespmem:v8+s16+$0x0] =	vst.idx.add.f32.msk vm3, v2  }
0x125: {  	[tilespmem:v4+s16+$0x0] =	vst.idx.add.f32.msk vm3, v2  }
0x126: {  	v4 =	vld [tilespmem:s20+$0x10];
	_ =	sdelay $0x4  }
0x127: {  	v5 =	vshrl.u32 v4, $0x14;
	v20 =	vand.u32 $0x80000, v4  }
0x128: {  	v5 =	vand.u32 $0xF, v5;
	vm3 =	veq.s32 v20, $0x0  }
0x129: {  	v21 =	vand.u32 $0x7FFFF, v4;
	v22 =	vsel vm3, $0x0, v1;
	v5 =	vmul.u32 $0xC80, v5  }
0x12a: {  	v23 =	vshra.s32 v4, $0x18;
	v6 =	vsub.s32 v21, v3;
	v24 =	vmul.u32 $0x9, v22  }
0x12b: {  	v8 =	vmul.u32 $0xC80, v23;
	v5 =	vadd.s32 v6, v5  }
0x12c: {  	v4 =	vand.u32 $0x7F, v4;
	v5 =	vadd.s32 v24, v5  }
0x12d: {  	vm3 =	vlt.u32 v6, $0xC80;
	v8 =	vadd.s32 v8, v6;
	v5 =	vand.u32 $0xFFFFFF80, v5  }
0x12e: {  	v25 =	vld [tilespmem:s21+$0x10];
	v8 =	vadd.s32 $0xE100, v8;
	v6 =	vadd.s32 v22, v6;
	v5 =	vor.u32 v4, v5  }
0x12f: {  	v26 =	vld [tilespmem:s22+$0x10];
	v6 =	vadd.s32 $0x15E00, v6;
	v8 =	vand.u32 $0xFFFFFF80, v8;
	v27 =	vadd.s32 $0xC80, v5  }
0x130: {  	v8 =	vor.u32 v4, v8;
	v6 =	vand.u32 $0xFFFFFF80, v6  }
0x131: {  	v4 =	vor.u32 v4, v6;
	_ =	sdelay $0x1  }
0x132: {  	[tilespmem:v5+s16+$0x0] =	vst.idx.add.f32.msk vm3, v25  }
0x133: {  	[tilespmem:v27+s16+$0x0] =	vst.idx.add.f32.msk vm3, v26  }
0x134: {  	[tilespmem:v8+s16+$0x0] =	vst.idx.add.f32.msk vm3, v2  }
0x135: {  	[tilespmem:v4+s16+$0x0] =	vst.idx.add.f32.msk vm3, v2  }
0x136: {  	v4 =	vld [tilespmem:s20+$0x20];
	_ =	sdelay $0x4  }
0x137: {  	v5 =	vshrl.u32 v4, $0x14;
	v28 =	vand.u32 $0x80000, v4  }
0x138: {  	v5 =	vand.u32 $0xF, v5;
	vm3 =	veq.s32 v28, $0x0  }
0x139: {  	v29 =	vand.u32 $0x7FFFF, v4;
	v30 =	vsel vm3, $0x0, v1;
	v5 =	vmul.u32 $0xC80, v5  }
0x13a: {  	v31 =	vshra.s32 v4, $0x18;
	v6 =	vsub.s32 v29, v3;
	v32 =	vmul.u32 $0x9, v30  }
0x13b: {  	v8 =	vmul.u32 $0xC80, v31;
	v5 =	vadd.s32 v6, v5  }
0x13c: {  	v4 =	vand.u32 $0x7F, v4;
	v5 =	vadd.s32 v32, v5  }
0x13d: {  	vm3 =	vlt.u32 v6, $0xC80;
	v8 =	vadd.s32 v8, v6;
	v5 =	vand.u32 $0xFFFFFF80, v5  }
0x13e: {  	v33 =	vld [tilespmem:s21+$0x20];
	v8 =	vadd.s32 $0xE100, v8;
	v6 =	vadd.s32 v30, v6;
	v5 =	vor.u32 v4, v5  }
0x13f: {  	v34 =	vld [tilespmem:s22+$0x20];
	v6 =	vadd.s32 $0x15E00, v6;
	v8 =	vand.u32 $0xFFFFFF80, v8;
	v35 =	vadd.s32 $0xC80, v5  }
0x140: {  	v8 =	vor.u32 v4, v8;
	v6 =	vand.u32 $0xFFFFFF80, v6  }
0x141: {  	v4 =	vor.u32 v4, v6;
	_ =	sdelay $0x1  }
0x142: {  	[tilespmem:v5+s16+$0x0] =	vst.idx.add.f32.msk vm3, v33  }
0x143: {  	[tilespmem:v35+s16+$0x0] =	vst.idx.add.f32.msk vm3, v34  }
0x144: {  	[tilespmem:v8+s16+$0x0] =	vst.idx.add.f32.msk vm3, v2  }
0x145: {  	[tilespmem:v4+s16+$0x0] =	vst.idx.add.f32.msk vm3, v2  }
0x146: {  	v4 =	vld [tilespmem:s20+$0x30];
	_ =	sdelay $0x4  }
0x147: {  	v5 =	vshrl.u32 v4, $0x14;
	v36 =	vand.u32 $0x80000, v4  }
0x148: {  	v5 =	vand.u32 $0xF, v5;
	vm3 =	veq.s32 v36, $0x0  }
0x149: {  	v37 =	vand.u32 $0x7FFFF, v4;
	v38 =	vsel vm3, $0x0, v1;
	v5 =	vmul.u32 $0xC80, v5  }
0x14a: {  	v39 =	vshra.s32 v4, $0x18;
	v6 =	vsub.s32 v37, v3;
	v40 =	vmul.u32 $0x9, v38  }
0x14b: {  	v8 =	vmul.u32 $0xC80, v39;
	v5 =	vadd.s32 v6, v5  }
0x14c: {  	v4 =	vand.u32 $0x7F, v4;
	v5 =	vadd.s32 v40, v5  }
0x14d: {  	vm3 =	vlt.u32 v6, $0xC80;
	v8 =	vadd.s32 v8, v6;
	v5 =	vand.u32 $0xFFFFFF80, v5  }
0x14e: {  	v41 =	vld [tilespmem:s21+$0x30];
	v8 =	vadd.s32 $0xE100, v8;
	v6 =	vadd.s32 v38, v6;
	v5 =	vor.u32 v4, v5  }
0x14f: {  	v42 =	vld [tilespmem:s22+$0x30];
	v6 =	vadd.s32 $0x15E00, v6;
	v8 =	vand.u32 $0xFFFFFF80, v8;
	v43 =	vadd.s32 $0xC80, v5  }
0x150: {  	v8 =	vor.u32 v4, v8;
	v6 =	vand.u32 $0xFFFFFF80, v6  }
0x151: {  	v4 =	vor.u32 v4, v6;
	_ =	sdelay $0x1  }
0x152: {  	[tilespmem:v5+s16+$0x0] =	vst.idx.add.f32.msk vm3, v41  }
0x153: {  	[tilespmem:v43+s16+$0x0] =	vst.idx.add.f32.msk vm3, v42  }
0x154: {  	[tilespmem:v8+s16+$0x0] =	vst.idx.add.f32.msk vm3, v2  }
0x155: {  	[tilespmem:v4+s16+$0x0] =	vst.idx.add.f32.msk vm3, v2  }
0x156: {  	v4 =	vld [tilespmem:s20+$0x40];
	_ =	sdelay $0x4  }
0x157: {  	v5 =	vshrl.u32 v4, $0x14;
	v44 =	vand.u32 $0x80000, v4  }
0x158: {  	v5 =	vand.u32 $0xF, v5;
	vm3 =	veq.s32 v44, $0x0  }
0x159: {  	v45 =	vand.u32 $0x7FFFF, v4;
	v46 =	vsel vm3, $0x0, v1;
	v5 =	vmul.u32 $0xC80, v5  }
0x15a: {  	v47 =	vshra.s32 v4, $0x18;
	v6 =	vsub.s32 v45, v3;
	v48 =	vmul.u32 $0x9, v46  }
0x15b: {  	v8 =	vmul.u32 $0xC80, v47;
	v5 =	vadd.s32 v6, v5  }
0x15c: {  	v4 =	vand.u32 $0x7F, v4;
	v5 =	vadd.s32 v48, v5  }
0x15d: {  	vm3 =	vlt.u32 v6, $0xC80;
	v8 =	vadd.s32 v8, v6;
	v5 =	vand.u32 $0xFFFFFF80, v5  }
0x15e: {  	v49 =	vld [tilespmem:s21+$0x40];
	v8 =	vadd.s32 $0xE100, v8;
	v6 =	vadd.s32 v46, v6;
	v5 =	vor.u32 v4, v5  }
0x15f: {  	v50 =	vld [tilespmem:s22+$0x40];
	v6 =	vadd.s32 $0x15E00, v6;
	v8 =	vand.u32 $0xFFFFFF80, v8;
	v51 =	vadd.s32 $0xC80, v5  }
0x160: {  	v8 =	vor.u32 v4, v8;
	v6 =	vand.u32 $0xFFFFFF80, v6  }
0x161: {  	v4 =	vor.u32 v4, v6;
	_ =	sdelay $0x1  }
0x162: {  	[tilespmem:v5+s16+$0x0] =	vst.idx.add.f32.msk vm3, v49  }
0x163: {  	[tilespmem:v51+s16+$0x0] =	vst.idx.add.f32.msk vm3, v50  }
0x164: {  	[tilespmem:v8+s16+$0x0] =	vst.idx.add.f32.msk vm3, v2  }
0x165: {  	[tilespmem:v4+s16+$0x0] =	vst.idx.add.f32.msk vm3, v2  }
0x166: {  	v4 =	vld [tilespmem:s20+$0x50];
	_ =	sdelay $0x4  }
0x167: {  	v5 =	vshrl.u32 v4, $0x14;
	v52 =	vand.u32 $0x80000, v4  }
0x168: {  	v5 =	vand.u32 $0xF, v5;
	vm3 =	veq.s32 v52, $0x0  }
0x169: {  	v53 =	vand.u32 $0x7FFFF, v4;
	v54 =	vsel vm3, $0x0, v1;
	v5 =	vmul.u32 $0xC80, v5  }
0x16a: {  	v55 =	vshra.s32 v4, $0x18;
	v6 =	vsub.s32 v53, v3;
	v56 =	vmul.u32 $0x9, v54  }
0x16b: {  	v8 =	vmul.u32 $0xC80, v55;
	v5 =	vadd.s32 v6, v5  }
0x16c: {  	v4 =	vand.u32 $0x7F, v4;
	v5 =	vadd.s32 v56, v5  }
0x16d: {  	vm3 =	vlt.u32 v6, $0xC80;
	v8 =	vadd.s32 v8, v6;
	v5 =	vand.u32 $0xFFFFFF80, v5  }
0x16e: {  	v57 =	vld [tilespmem:s21+$0x50];
	v8 =	vadd.s32 $0xE100, v8;
	v6 =	vadd.s32 v54, v6;
	v5 =	vor.u32 v4, v5  }
0x16f: {  	v58 =	vld [tilespmem:s22+$0x50];
	v6 =	vadd.s32 $0x15E00, v6;
	v8 =	vand.u32 $0xFFFFFF80, v8;
	v59 =	vadd.s32 $0xC80, v5  }
0x170: {  	v8 =	vor.u32 v4, v8;
	v6 =	vand.u32 $0xFFFFFF80, v6  }
0x171: {  	v4 =	vor.u32 v4, v6;
	_ =	sdelay $0x1  }
0x172: {  	[tilespmem:v5+s16+$0x0] =	vst.idx.add.f32.msk vm3, v57  }
0x173: {  	[tilespmem:v59+s16+$0x0] =	vst.idx.add.f32.msk vm3, v58  }
0x174: {  	[tilespmem:v8+s16+$0x0] =	vst.idx.add.f32.msk vm3, v2  }
0x175: {  	[tilespmem:v4+s16+$0x0] =	vst.idx.add.f32.msk vm3, v2  }
0x176: {  	v4 =	vld [tilespmem:s20+$0x60];
	_ =	sdelay $0x4  }
0x177: {  	v5 =	vshrl.u32 v4, $0x14;
	v60 =	vand.u32 $0x80000, v4  }
0x178: {  	v5 =	vand.u32 $0xF, v5;
	vm3 =	veq.s32 v60, $0x0  }
0x179: {  	v61 =	vand.u32 $0x7FFFF, v4;
	v62 =	vsel vm3, $0x0, v1;
	v5 =	vmul.u32 $0xC80, v5  }
0x17a: {  	v63 =	vshra.s32 v4, $0x18;
	v6 =	vsub.s32 v61, v3;
	v12 =	vmul.u32 $0x9, v62  }
0x17b: {  	v8 =	vmul.u32 $0xC80, v63;
	v5 =	vadd.s32 v6, v5  }
0x17c: {  	v4 =	vand.u32 $0x7F, v4;
	v5 =	vadd.s32 v12, v5  }
0x17d: {  	vm3 =	vlt.u32 v6, $0xC80;
	v8 =	vadd.s32 v8, v6;
	v5 =	vand.u32 $0xFFFFFF80, v5  }
0x17e: {  	v13 =	vld [tilespmem:s21+$0x60];
	v8 =	vadd.s32 $0xE100, v8;
	v6 =	vadd.s32 v62, v6;
	v5 =	vor.u32 v4, v5  }
0x17f: {  	v14 =	vld [tilespmem:s22+$0x60];
	v6 =	vadd.s32 $0x15E00, v6;
	v8 =	vand.u32 $0xFFFFFF80, v8;
	v15 =	vadd.s32 $0xC80, v5  }
0x180: {  	v8 =	vor.u32 v4, v8;
	v6 =	vand.u32 $0xFFFFFF80, v6  }
0x181: {  	v4 =	vor.u32 v4, v6;
	_ =	sdelay $0x1  }
0x182: {  	[tilespmem:v5+s16+$0x0] =	vst.idx.add.f32.msk vm3, v13  }
0x183: {  	[tilespmem:v15+s16+$0x0] =	vst.idx.add.f32.msk vm3, v14  }
0x184: {  	[tilespmem:v8+s16+$0x0] =	vst.idx.add.f32.msk vm3, v2  }
0x185: {  	[tilespmem:v4+s16+$0x0] =	vst.idx.add.f32.msk vm3, v2  }
0x186: {  	v4 =	vld [tilespmem:s20+$0x70];
	_ =	sdelay $0x4  }
0x187: {  	v5 =	vshrl.u32 v4, $0x14;
	v16 =	vand.u32 $0x80000, v4  }
0x188: {  	v5 =	vand.u32 $0xF, v5;
	vm3 =	veq.s32 v16, $0x0  }
0x189: {  	v17 =	vand.u32 $0x7FFFF, v4;
	v18 =	vsel vm3, $0x0, v1;
	v5 =	vmul.u32 $0xC80, v5  }
0x18a: {  	v19 =	vshra.s32 v4, $0x18;
	v6 =	vsub.s32 v17, v3;
	v20 =	vmul.u32 $0x9, v18  }
0x18b: {  	v8 =	vmul.u32 $0xC80, v19;
	v5 =	vadd.s32 v6, v5  }
0x18c: {  	v4 =	vand.u32 $0x7F, v4;
	v5 =	vadd.s32 v20, v5  }
0x18d: {  	vm3 =	vlt.u32 v6, $0xC80;
	v8 =	vadd.s32 v8, v6;
	v5 =	vand.u32 $0xFFFFFF80, v5  }
0x18e: {  	v21 =	vld [tilespmem:s21+$0x70];
	v8 =	vadd.s32 $0xE100, v8;
	v6 =	vadd.s32 v18, v6;
	v5 =	vor.u32 v4, v5  }
0x18f: {  	v22 =	vld [tilespmem:s22+$0x70];
	v6 =	vadd.s32 $0x15E00, v6;
	v8 =	vand.u32 $0xFFFFFF80, v8;
	v23 =	vadd.s32 $0xC80, v5  }
0x190: {  	v8 =	vor.u32 v4, v8;
	v6 =	vand.u32 $0xFFFFFF80, v6  }
0x191: {  	v4 =	vor.u32 v4, v6;
	_ =	sdelay $0x1  }
0x192: {  	[tilespmem:v5+s16+$0x0] =	vst.idx.add.f32.msk vm3, v21  }
0x193: {  	[tilespmem:v23+s16+$0x0] =	vst.idx.add.f32.msk vm3, v22  }
0x194: {  	[tilespmem:v8+s16+$0x0] =	vst.idx.add.f32.msk vm3, v2  }
0x195: {  	[tilespmem:v4+s16+$0x0] =	vst.idx.add.f32.msk vm3, v2  }
0x196: {  	v4 =	vld [tilespmem:s20+$0x80];
	_ =	sdelay $0x4  }
0x197: {  	v5 =	vshrl.u32 v4, $0x14;
	v24 =	vand.u32 $0x80000, v4  }
0x198: {  	v5 =	vand.u32 $0xF, v5;
	vm3 =	veq.s32 v24, $0x0  }
0x199: {  	v25 =	vand.u32 $0x7FFFF, v4;
	v26 =	vsel vm3, $0x0, v1;
	v5 =	vmul.u32 $0xC80, v5  }
0x19a: {  	v27 =	vshra.s32 v4, $0x18;
	v6 =	vsub.s32 v25, v3;
	v28 =	vmul.u32 $0x9, v26  }
0x19b: {  	v8 =	vmul.u32 $0xC80, v27;
	v5 =	vadd.s32 v6, v5  }
0x19c: {  	v4 =	vand.u32 $0x7F, v4;
	v5 =	vadd.s32 v28, v5  }
0x19d: {  	vm3 =	vlt.u32 v6, $0xC80;
	v8 =	vadd.s32 v8, v6;
	v5 =	vand.u32 $0xFFFFFF80, v5  }
0x19e: {  	v29 =	vld [tilespmem:s21+$0x80];
	v8 =	vadd.s32 $0xE100, v8;
	v6 =	vadd.s32 v26, v6;
	v5 =	vor.u32 v4, v5  }
0x19f: {  	v30 =	vld [tilespmem:s22+$0x80];
	v6 =	vadd.s32 $0x15E00, v6;
	v8 =	vand.u32 $0xFFFFFF80, v8;
	v31 =	vadd.s32 $0xC80, v5  }
0x1a0: {  	v8 =	vor.u32 v4, v8;
	v6 =	vand.u32 $0xFFFFFF80, v6  }
0x1a1: {  	v4 =	vor.u32 v4, v6;
	_ =	sdelay $0x1  }
0x1a2: {  	[tilespmem:v5+s16+$0x0] =	vst.idx.add.f32.msk vm3, v29  }
0x1a3: {  	[tilespmem:v31+s16+$0x0] =	vst.idx.add.f32.msk vm3, v30  }
0x1a4: {  	[tilespmem:v8+s16+$0x0] =	vst.idx.add.f32.msk vm3, v2  }
0x1a5: {  	[tilespmem:v4+s16+$0x0] =	vst.idx.add.f32.msk vm3, v2  }
0x1a6: {  	v4 =	vld [tilespmem:s20+$0x90];
	_ =	sdelay $0x4  }
0x1a7: {  	v5 =	vshrl.u32 v4, $0x14;
	v32 =	vand.u32 $0x80000, v4  }
0x1a8: {  	v5 =	vand.u32 $0xF, v5;
	vm3 =	veq.s32 v32, $0x0  }
0x1a9: {  	v33 =	vand.u32 $0x7FFFF, v4;
	v34 =	vsel vm3, $0x0, v1;
	v5 =	vmul.u32 $0xC80, v5  }
0x1aa: {  	v35 =	vshra.s32 v4, $0x18;
	v6 =	vsub.s32 v33, v3;
	v36 =	vmul.u32 $0x9, v34  }
0x1ab: {  	v8 =	vmul.u32 $0xC80, v35;
	v5 =	vadd.s32 v6, v5  }
0x1ac: {  	v4 =	vand.u32 $0x7F, v4;
	v5 =	vadd.s32 v36, v5  }
0x1ad: {  	vm3 =	vlt.u32 v6, $0xC80;
	v8 =	vadd.s32 v8, v6;
	v5 =	vand.u32 $0xFFFFFF80, v5  }
0x1ae: {  	v37 =	vld [tilespmem:s21+$0x90];
	v8 =	vadd.s32 $0xE100, v8;
	v6 =	vadd.s32 v34, v6;
	v5 =	vor.u32 v4, v5  }
0x1af: {  	v38 =	vld [tilespmem:s22+$0x90];
	v6 =	vadd.s32 $0x15E00, v6;
	v8 =	vand.u32 $0xFFFFFF80, v8;
	v39 =	vadd.s32 $0xC80, v5  }
0x1b0: {  	v8 =	vor.u32 v4, v8;
	v6 =	vand.u32 $0xFFFFFF80, v6  }
0x1b1: {  	v4 =	vor.u32 v4, v6;
	_ =	sdelay $0x1  }
0x1b2: {  	[tilespmem:v5+s16+$0x0] =	vst.idx.add.f32.msk vm3, v37  }
0x1b3: {  	[tilespmem:v39+s16+$0x0] =	vst.idx.add.f32.msk vm3, v38  }
0x1b4: {  	[tilespmem:v8+s16+$0x0] =	vst.idx.add.f32.msk vm3, v2  }
0x1b5: {  	[tilespmem:v4+s16+$0x0] =	vst.idx.add.f32.msk vm3, v2  }
0x1b6: {  	v4 =	vld [tilespmem:s20+$0xA0];
	_ =	sdelay $0x4  }
0x1b7: {  	v5 =	vshrl.u32 v4, $0x14;
	v40 =	vand.u32 $0x80000, v4  }
0x1b8: {  	v5 =	vand.u32 $0xF, v5;
	vm3 =	veq.s32 v40, $0x0  }
0x1b9: {  	v41 =	vand.u32 $0x7FFFF, v4;
	v42 =	vsel vm3, $0x0, v1;
	v5 =	vmul.u32 $0xC80, v5  }
0x1ba: {  	v43 =	vshra.s32 v4, $0x18;
	v6 =	vsub.s32 v41, v3;
	v44 =	vmul.u32 $0x9, v42  }
0x1bb: {  	v8 =	vmul.u32 $0xC80, v43;
	v5 =	vadd.s32 v6, v5  }
0x1bc: {  	v4 =	vand.u32 $0x7F, v4;
	v5 =	vadd.s32 v44, v5  }
0x1bd: {  	vm3 =	vlt.u32 v6, $0xC80;
	v8 =	vadd.s32 v8, v6;
	v5 =	vand.u32 $0xFFFFFF80, v5  }
0x1be: {  	v45 =	vld [tilespmem:s21+$0xA0];
	v8 =	vadd.s32 $0xE100, v8;
	v6 =	vadd.s32 v42, v6;
	v5 =	vor.u32 v4, v5  }
0x1bf: {  	v46 =	vld [tilespmem:s22+$0xA0];
	v6 =	vadd.s32 $0x15E00, v6;
	v8 =	vand.u32 $0xFFFFFF80, v8;
	v47 =	vadd.s32 $0xC80, v5  }
0x1c0: {  	v8 =	vor.u32 v4, v8;
	v6 =	vand.u32 $0xFFFFFF80, v6  }
0x1c1: {  	v4 =	vor.u32 v4, v6;
	_ =	sdelay $0x1  }
0x1c2: {  	[tilespmem:v5+s16+$0x0] =	vst.idx.add.f32.msk vm3, v45  }
0x1c3: {  	[tilespmem:v47+s16+$0x0] =	vst.idx.add.f32.msk vm3, v46  }
0x1c4: {  	[tilespmem:v8+s16+$0x0] =	vst.idx.add.f32.msk vm3, v2  }
0x1c5: {  	[tilespmem:v4+s16+$0x0] =	vst.idx.add.f32.msk vm3, v2  }
0x1c6: {  	v4 =	vld [tilespmem:s20+$0xB0];
	_ =	sdelay $0x4  }
0x1c7: {  	v5 =	vshrl.u32 v4, $0x14;
	v48 =	vand.u32 $0x80000, v4  }
0x1c8: {  	v5 =	vand.u32 $0xF, v5;
	vm3 =	veq.s32 v48, $0x0  }
0x1c9: {  	v49 =	vand.u32 $0x7FFFF, v4;
	v50 =	vsel vm3, $0x0, v1;
	v5 =	vmul.u32 $0xC80, v5  }
0x1ca: {  	v51 =	vshra.s32 v4, $0x18;
	v6 =	vsub.s32 v49, v3;
	v52 =	vmul.u32 $0x9, v50  }
0x1cb: {  	v8 =	vmul.u32 $0xC80, v51;
	v5 =	vadd.s32 v6, v5  }
0x1cc: {  	v4 =	vand.u32 $0x7F, v4;
	v5 =	vadd.s32 v52, v5  }
0x1cd: {  	vm3 =	vlt.u32 v6, $0xC80;
	v8 =	vadd.s32 v8, v6;
	v5 =	vand.u32 $0xFFFFFF80, v5  }
0x1ce: {  	v53 =	vld [tilespmem:s21+$0xB0];
	v8 =	vadd.s32 $0xE100, v8;
	v6 =	vadd.s32 v50, v6;
	v5 =	vor.u32 v4, v5  }
0x1cf: {  	v54 =	vld [tilespmem:s22+$0xB0];
	v6 =	vadd.s32 $0x15E00, v6;
	v8 =	vand.u32 $0xFFFFFF80, v8;
	v55 =	vadd.s32 $0xC80, v5  }
0x1d0: {  	v8 =	vor.u32 v4, v8;
	v6 =	vand.u32 $0xFFFFFF80, v6  }
0x1d1: {  	v4 =	vor.u32 v4, v6;
	_ =	sdelay $0x1  }
0x1d2: {  	[tilespmem:v5+s16+$0x0] =	vst.idx.add.f32.msk vm3, v53  }
0x1d3: {  	[tilespmem:v55+s16+$0x0] =	vst.idx.add.f32.msk vm3, v54  }
0x1d4: {  	[tilespmem:v8+s16+$0x0] =	vst.idx.add.f32.msk vm3, v2  }
0x1d5: {  	[tilespmem:v4+s16+$0x0] =	vst.idx.add.f32.msk vm3, v2  }
0x1d6: {  	v4 =	vld [tilespmem:s20+$0xC0];
	_ =	sdelay $0x4  }
0x1d7: {  	v5 =	vshrl.u32 v4, $0x14;
	v56 =	vand.u32 $0x80000, v4  }
0x1d8: {  	v5 =	vand.u32 $0xF, v5;
	vm3 =	veq.s32 v56, $0x0  }
0x1d9: {  	v57 =	vand.u32 $0x7FFFF, v4;
	v58 =	vsel vm3, $0x0, v1;
	v5 =	vmul.u32 $0xC80, v5  }
0x1da: {  	v59 =	vshra.s32 v4, $0x18;
	v6 =	vsub.s32 v57, v3;
	v60 =	vmul.u32 $0x9, v58  }
0x1db: {  	v8 =	vmul.u32 $0xC80, v59;
	v5 =	vadd.s32 v6, v5  }
0x1dc: {  	v4 =	vand.u32 $0x7F, v4;
	v5 =	vadd.s32 v60, v5  }
0x1dd: {  	vm3 =	vlt.u32 v6, $0xC80;
	v8 =	vadd.s32 v8, v6;
	v5 =	vand.u32 $0xFFFFFF80, v5  }
0x1de: {  	v61 =	vld [tilespmem:s21+$0xC0];
	v8 =	vadd.s32 $0xE100, v8;
	v6 =	vadd.s32 v58, v6;
	v5 =	vor.u32 v4, v5  }
0x1df: {  	v62 =	vld [tilespmem:s22+$0xC0];
	v6 =	vadd.s32 $0x15E00, v6;
	v8 =	vand.u32 $0xFFFFFF80, v8;
	v63 =	vadd.s32 $0xC80, v5  }
0x1e0: {  	s23 =	sadd.s32 $0x19, s23;
	v8 =	vor.u32 v4, v8;
	v6 =	vand.u32 $0xFFFFFF80, v6  }
0x1e1: {  	p1 =	slt.u32 s23, $0x64;
	v4 =	vor.u32 v4, v6  }
.Ltmp2:
0x1e2: {  	_ = 	snop;
	(pc) =	sbr.rel @p1 .LBB2_7-.Ltmp2, $4  }
0x1e3: {  	[tilespmem:v5+s16+$0x0] =	vst.idx.add.f32.msk vm3, v61  }
0x1e4: {  	[tilespmem:v63+s16+$0x0] =	vst.idx.add.f32.msk vm3, v62  }
0x1e5: {  	[tilespmem:v8+s16+$0x0] =	vst.idx.add.f32.msk vm3, v2  }
0x1e6: {  	s20 =	sadd.s32 $0x190, s20;
	s21 =	sadd.s32 $0x190, s21;
	s22 =	sadd.s32 $0x190, s22;
	[tilespmem:v4+s16+$0x0] =	vst.idx.add.f32.msk vm3, v2  }
0x1e7: {  	s19 =	sadd.s32 $0x1, s19  }
0x1e8: {  	p1 =	sne.s32 s19, s13  }
.Ltmp3:
0x1e9: {  	_ = 	snop;
	(pc) =	sbr.rel @p1 .LBB2_6-.Ltmp3, $2  }
0x1ea: {  	_ =	sdelay $0x2  }
0x1eb: {  	p0 =	por !p0, !p0  }
.LBB2_9:
0x1ec: {  	s10 =	simm.s32 $0x0  }
0x1ed: {  	s14 =	simm.s32 $0x10;
	s13 =	sand.u32 $0x7FF0, s10  }
.LBB2_10:
0x1ee: {  	p0 =	sne.s32 s14, $0x7070;
	v3 =	vld [tilespmem:s13+$0x11100];
	_ =	sdelay $0x2  }
.Ltmp4:
0x1ef: {  	(pc) =	sbr.rel @p0 .LBB2_10-.Ltmp4, $4  }
0x1f0: {  	_ = 	snop  }
0x1f1: {  	vm3 =	vgt.f32 v3, $0.0e+00  }
0x1f2: {  	v3 =	vsel vm3, $0x3F800000, v3  }
0x1f3: {  	[tilespmem:s13+$0x11100] =	vst v3;
	s13 =	sand.u32 $0x7FF0, s14;
	s14 =	sadd.s32 $0x10, s14  }
0x1f4: {  	v3 =	vld [tilespmem:s13+$0x11100];
	_ =	sdelay $0x4  }
0x1f5: {  	vm3 =	vgt.f32 v3, $0.0e+00  }
0x1f6: {  	v3 =	vsel vm3, $0x3F800000, v3  }
0x1f7: {  	s14 =	sand.u32 $0xFF0, s10;
	[tilespmem:s13+$0x11100] =	vst v3  }
0x1f8: {  	v3 =	vld [tilespmem:s14+$0x18E00]  }
0x1f9: {  	s10 =	simm.s32 $0x10;
	v4 =	vld [tilespmem:s14+$0x19A80]  }
.LBB2_12:
0x1fa: {  	_ = 	snop  }
0x1fb: {  	p0 =	sne.s32 s10, $0xC70  }
.Ltmp5:
0x1fc: {  	_ = 	snop;
	(pc) =	sbr.rel @p0 .LBB2_12-.Ltmp5, $4  }
0x1fd: {  	_ = 	snop  }
0x1fe: {  	s13 =	sand.u32 $0xFF0, s10;
	v5 =	vadd.f32 v4, v3  }
0x1ff: {  	v3 =	vld [tilespmem:s13+$0x18E00]  }
0x200: {  	s10 =	sadd.s32 $0x10, s10;
	v4 =	vld [tilespmem:s13+$0x19A80];
	[tilespmem:s14+$0x18180] =	vst v5;
	s14 =	smov.u32 s13  }
0x201: {  	s10 =	smul.u32 $0x1E, s11  }
0x202: {  	s8 =	smul.u32 $0x6400, s8  }
0x203: {  	s21 =	smul.u32 $0x300, s11;
	s13 =	sshrl.u32 s10, $0x3  }
0x204: {  	s13 =	smul.u32 $0x96000, s13;
	_ =	sdelay $0x1  }
0x205: {  	s11 =	sand.u32 $0x300, s21;
	s13 =	sadd.s32 s8, s13  }
0x206: {  	v3 =	vadd.f32 v4, v3;
	s13 =	sor.u32 s11, s13  }
0x207: {  	s19 =	sshrl.u32 s13, $0x3  }
0x208: {  	[tilespmem:s14+$0x18180] =	vst v3;
	s22 =	sadd.s32 s1, s19  }
0x209: {  	[hbm4b:s22+s17] =	stream.strided.scatter [tilespmem:s16], [sflag:$0x2], $0xC80, s18, s17, $0x38;
	[tilespmem:$0x1A780] =	vst v63  }
0x20a: {  	s24 =	sadd.s32 $0x2, s10;
	_ =	swait.ge [sflag:s12], $0xC80  }
0x20b: {  	s23 =	simm.s32 $0x3C80;
	s20 =	sshrl.u32 s24, $0x3;
	[sflag:s12] =	ssyncset.done $0x0  }
0x20c: {  	s19 =	smul.u32 $0x96000, s20;
	s14 =	sadd.s32 $0x10, s22;
	[sflag:s12] =	ssyncadd.s32 $0xFFFFF380  }
0x20d: {  	[hbm4b:s14+s17] =	stream.strided.scatter [tilespmem:s23], [sflag:$0x2], $0xC80, s18, s17, $0x38;
	[tilespmem:$0x1A780] =	vst v63  }
0x20e: {  	s14 =	sshll.u32 s24, $0x7  }
0x20f: {  	s21 =	simm.s32 $0x4900;
	s19 =	sadd.s32 s8, s19;
	s14 =	sand.u32 $0x300, s14  }
0x210: {  	s22 =	sadd.s32 $0x3, s10;
	_ =	swait.ge [sflag:s12], $0xC80;
	s14 =	sor.u32 s14, s19  }
0x211: {  	s23 =	sshrl.u32 s22, $0x3;
	[sflag:s12] =	ssyncset.done $0x0;
	s14 =	sshrl.u32 s14, $0x3  }
0x212: {  	s19 =	smul.u32 $0x96000, s23;
	[sflag:s12] =	ssyncadd.s32 $0xFFFFF380;
	s14 =	sadd.s32 s1, s14  }
0x213: {  	[hbm4b:s14+s17] =	stream.strided.scatter [tilespmem:s21], [sflag:$0x2], $0xC80, s18, s17, $0x38;
	[tilespmem:$0x1A780] =	vst v63  }
0x214: {  	s14 =	sshll.u32 s22, $0x7  }
0x215: {  	s20 =	sadd.s32 $0x4, s10;
	s19 =	sadd.s32 s8, s19;
	s14 =	sand.u32 $0x380, s14  }
0x216: {  	s24 =	simm.s32 $0x5580;
	_ =	swait.ge [sflag:s12], $0xC80;
	s14 =	sor.u32 s14, s19  }
0x217: {  	s21 =	sshrl.u32 s20, $0x3;
	[sflag:s12] =	ssyncset.done $0x0;
	s14 =	sshrl.u32 s14, $0x3  }
0x218: {  	s19 =	smul.u32 $0x96000, s21;
	[sflag:s12] =	ssyncadd.s32 $0xFFFFF380;
	s14 =	sadd.s32 s1, s14  }
0x219: {  	[hbm4b:s14+s17] =	stream.strided.scatter [tilespmem:s24], [sflag:$0x2], $0xC80, s18, s17, $0x38;
	[tilespmem:$0x1A780] =	vst v63  }
0x21a: {  	s14 =	sshll.u32 s20, $0x7  }
0x21b: {  	s23 =	sadd.s32 $0x5, s10;
	s19 =	sadd.s32 s8, s19;
	s14 =	sand.u32 $0x300, s14  }
0x21c: {  	s22 =	simm.s32 $0x6200;
	_ =	swait.ge [sflag:s12], $0xC80;
	s14 =	sor.u32 s14, s19  }
0x21d: {  	s24 =	sshrl.u32 s23, $0x3;
	[sflag:s12] =	ssyncset.done $0x0;
	s14 =	sshrl.u32 s14, $0x3  }
0x21e: {  	s19 =	smul.u32 $0x96000, s24;
	[sflag:s12] =	ssyncadd.s32 $0xFFFFF380;
	s14 =	sadd.s32 s1, s14  }
0x21f: {  	[hbm4b:s14+s17] =	stream.strided.scatter [tilespmem:s22], [sflag:$0x2], $0xC80, s18, s17, $0x38;
	[tilespmem:$0x1A780] =	vst v63  }
0x220: {  	s14 =	sshll.u32 s23, $0x7  }
0x221: {  	s21 =	sadd.s32 $0x6, s10;
	s19 =	sadd.s32 s8, s19;
	s14 =	sand.u32 $0x380, s14  }
0x222: {  	s20 =	simm.s32 $0x6E80;
	_ =	swait.ge [sflag:s12], $0xC80;
	s14 =	sor.u32 s14, s19  }
0x223: {  	s22 =	sshrl.u32 s21, $0x3;
	[sflag:s12] =	ssyncset.done $0x0;
	s14 =	sshrl.u32 s14, $0x3  }
0x224: {  	s19 =	smul.u32 $0x96000, s22;
	[sflag:s12] =	ssyncadd.s32 $0xFFFFF380;
	s14 =	sadd.s32 s1, s14  }
0x225: {  	[hbm4b:s14+s17] =	stream.strided.scatter [tilespmem:s20], [sflag:$0x2], $0xC80, s18, s17, $0x38;
	[tilespmem:$0x1A780] =	vst v63  }
0x226: {  	s14 =	sshll.u32 s21, $0x7  }
0x227: {  	s24 =	sadd.s32 $0x7, s10;
	s19 =	sadd.s32 s8, s19;
	s14 =	sand.u32 $0x300, s14  }
0x228: {  	s23 =	simm.s32 $0x7B00;
	_ =	swait.ge [sflag:s12], $0xC80;
	s14 =	sor.u32 s14, s19  }
0x229: {  	s20 =	sshrl.u32 s24, $0x3;
	[sflag:s12] =	ssyncset.done $0x0;
	s14 =	sshrl.u32 s14, $0x3  }
0x22a: {  	s19 =	smul.u32 $0x96000, s20;
	[sflag:s12] =	ssyncadd.s32 $0xFFFFF380;
	s14 =	sadd.s32 s1, s14  }
0x22b: {  	[hbm4b:s14+s17] =	stream.strided.scatter [tilespmem:s23], [sflag:$0x2], $0xC80, s18, s17, $0x38;
	[tilespmem:$0x1A780] =	vst v63  }
0x22c: {  	s14 =	sshll.u32 s24, $0x7  }
0x22d: {  	s21 =	sadd.s32 $0x8, s10;
	s19 =	sadd.s32 s8, s19;
	s14 =	sand.u32 $0x380, s14  }
0x22e: {  	s20 =	simm.s32 $0x8780;
	_ =	swait.ge [sflag:s12], $0xC80;
	s14 =	sor.u32 s14, s19  }
0x22f: {  	[sflag:s12] =	ssyncset.done $0x0;
	s19 =	sshrl.u32 s21, $0x3;
	s14 =	sshrl.u32 s14, $0x3  }
0x230: {  	[sflag:s12] =	ssyncadd.s32 $0xFFFFF380;
	s19 =	smul.u32 $0x96000, s19;
	s14 =	sadd.s32 s1, s14  }
0x231: {  	[hbm4b:s14+s17] =	stream.strided.scatter [tilespmem:s20], [sflag:$0x2], $0xC80, s18, s17, $0x38;
	[tilespmem:$0x1A780] =	vst v63  }
0x232: {  	s23 =	simm.s32 $0x9400;
	s22 =	sadd.s32 s8, s19  }
0x233: {  	s24 =	sadd.s32 $0x9, s10;
	_ =	swait.ge [sflag:s12], $0xC80;
	s14 =	sor.u32 s11, s22  }
0x234: {  	s20 =	sshrl.u32 s24, $0x3;
	[sflag:s12] =	ssyncset.done $0x0;
	s14 =	sshrl.u32 s14, $0x3  }
0x235: {  	s19 =	smul.u32 $0x96000, s20;
	[sflag:s12] =	ssyncadd.s32 $0xFFFFF380;
	s14 =	sadd.s32 s1, s14  }
0x236: {  	[hbm4b:s14+s17] =	stream.strided.scatter [tilespmem:s23], [sflag:$0x2], $0xC80, s18, s17, $0x38;
	[tilespmem:$0x1A780] =	vst v63  }
0x237: {  	s14 =	sshll.u32 s24, $0x7  }
0x238: {  	s21 =	simm.s32 $0xA080;
	s19 =	sadd.s32 s8, s19;
	s14 =	sand.u32 $0x380, s14  }
0x239: {  	s22 =	sadd.s32 $0xA, s10;
	_ =	swait.ge [sflag:s12], $0xC80;
	s14 =	sor.u32 s14, s19  }
0x23a: {  	s23 =	sshrl.u32 s22, $0x3;
	[sflag:s12] =	ssyncset.done $0x0;
	s14 =	sshrl.u32 s14, $0x3  }
0x23b: {  	s19 =	smul.u32 $0x96000, s23;
	[sflag:s12] =	ssyncadd.s32 $0xFFFFF380;
	s14 =	sadd.s32 s1, s14  }
0x23c: {  	[hbm4b:s14+s17] =	stream.strided.scatter [tilespmem:s21], [sflag:$0x2], $0xC80, s18, s17, $0x38;
	[tilespmem:$0x1A780] =	vst v63  }
0x23d: {  	s14 =	sshll.u32 s22, $0x7  }
0x23e: {  	s20 =	sadd.s32 $0xB, s10;
	s19 =	sadd.s32 s8, s19;
	s14 =	sand.u32 $0x300, s14  }
0x23f: {  	s24 =	simm.s32 $0xAD00;
	_ =	swait.ge [sflag:s12], $0xC80;
	s14 =	sor.u32 s14, s19  }
0x240: {  	s21 =	sshrl.u32 s20, $0x3;
	[sflag:s12] =	ssyncset.done $0x0;
	s14 =	sshrl.u32 s14, $0x3  }
0x241: {  	s19 =	smul.u32 $0x96000, s21;
	[sflag:s12] =	ssyncadd.s32 $0xFFFFF380;
	s14 =	sadd.s32 s1, s14  }
0x242: {  	[hbm4b:s14+s17] =	stream.strided.scatter [tilespmem:s24], [sflag:$0x2], $0xC80, s18, s17, $0x38;
	[tilespmem:$0x1A780] =	vst v63  }
0x243: {  	s14 =	sshll.u32 s20, $0x7  }
0x244: {  	s23 =	sadd.s32 $0xC, s10;
	s19 =	sadd.s32 s8, s19;
	s14 =	sand.u32 $0x380, s14  }
0x245: {  	s22 =	simm.s32 $0xB980;
	_ =	swait.ge [sflag:s12], $0xC80;
	s14 =	sor.u32 s14, s19  }
0x246: {  	s24 =	sshrl.u32 s23, $0x3;
	[sflag:s12] =	ssyncset.done $0x0;
	s14 =	sshrl.u32 s14, $0x3  }
0x247: {  	s19 =	smul.u32 $0x96000, s24;
	[sflag:s12] =	ssyncadd.s32 $0xFFFFF380;
	s14 =	sadd.s32 s1, s14  }
0x248: {  	[hbm4b:s14+s17] =	stream.strided.scatter [tilespmem:s22], [sflag:$0x2], $0xC80, s18, s17, $0x38;
	[tilespmem:$0x1A780] =	vst v63  }
0x249: {  	s14 =	sshll.u32 s23, $0x7  }
0x24a: {  	s21 =	sadd.s32 $0xD, s10;
	s19 =	sadd.s32 s8, s19;
	s14 =	sand.u32 $0x300, s14  }
0x24b: {  	s20 =	simm.s32 $0xC600;
	_ =	swait.ge [sflag:s12], $0xC80;
	s14 =	sor.u32 s14, s19  }
0x24c: {  	s22 =	sshrl.u32 s21, $0x3;
	[sflag:s12] =	ssyncset.done $0x0;
	s14 =	sshrl.u32 s14, $0x3  }
0x24d: {  	s19 =	smul.u32 $0x96000, s22;
	[sflag:s12] =	ssyncadd.s32 $0xFFFFF380;
	s14 =	sadd.s32 s1, s14  }
0x24e: {  	[hbm4b:s14+s17] =	stream.strided.scatter [tilespmem:s20], [sflag:$0x2], $0xC80, s18, s17, $0x38;
	[tilespmem:$0x1A780] =	vst v63  }
0x24f: {  	s14 =	sshll.u32 s21, $0x7  }
0x250: {  	s24 =	sadd.s32 $0xE, s10;
	s19 =	sadd.s32 s8, s19;
	s14 =	sand.u32 $0x380, s14  }
0x251: {  	s23 =	simm.s32 $0xD280;
	_ =	swait.ge [sflag:s12], $0xC80;
	s14 =	sor.u32 s14, s19  }
0x252: {  	s20 =	sshrl.u32 s24, $0x3;
	[sflag:s12] =	ssyncset.done $0x0;
	s14 =	sshrl.u32 s14, $0x3  }
0x253: {  	s19 =	smul.u32 $0x96000, s20;
	[sflag:s12] =	ssyncadd.s32 $0xFFFFF380;
	s14 =	sadd.s32 s1, s14  }
0x254: {  	[hbm4b:s14+s17] =	stream.strided.scatter [tilespmem:s23], [sflag:$0x2], $0xC80, s18, s17, $0x38;
	[tilespmem:$0x1A780] =	vst v63  }
0x255: {  	s14 =	sshll.u32 s24, $0x7  }
0x256: {  	s22 =	sadd.s32 $0xF, s10;
	s19 =	sadd.s32 s8, s19;
	s14 =	sand.u32 $0x300, s14  }
0x257: {  	s21 =	simm.s32 $0xDF00;
	_ =	swait.ge [sflag:s12], $0xC80;
	s14 =	sor.u32 s14, s19  }
0x258: {  	s23 =	sshrl.u32 s22, $0x3;
	[sflag:s12] =	ssyncset.done $0x0;
	s14 =	sshrl.u32 s14, $0x3  }
0x259: {  	s19 =	smul.u32 $0x96000, s23;
	[sflag:s12] =	ssyncadd.s32 $0xFFFFF380;
	s14 =	sadd.s32 s1, s14  }
0x25a: {  	[hbm4b:s14+s17] =	stream.strided.scatter [tilespmem:s21], [sflag:$0x2], $0xC80, s18, s17, $0x38;
	[tilespmem:$0x1A780] =	vst v63  }
0x25b: {  	s14 =	sshll.u32 s22, $0x7  }
0x25c: {  	s19 =	sadd.s32 s8, s19;
	s14 =	sand.u32 $0x380, s14  }
0x25d: {  	_ =	swait.ge [sflag:s12], $0xC80;
	s14 =	sor.u32 s14, s19  }
0x25e: {  	s13 =	sadd.s32 $0x12C000, s13;
	[sflag:s12] =	ssyncset.done $0x0;
	s14 =	sshrl.u32 s14, $0x3  }
0x25f: {  	s24 =	simm.s32 $0xEB80;
	[sflag:s12] =	ssyncadd.s32 $0xFFFFF380;
	s14 =	sadd.s32 s1, s14  }
0x260: {  	[hbm4b:s14+s17] =	stream.strided.scatter [tilespmem:s24], [sflag:$0x2], $0xC80, s18, s17, $0x38;
	[tilespmem:$0x1A780] =	vst v63  }
0x261: {  	s13 =	sshrl.u32 s13, $0x3;
	s21 =	sadd.s32 $0x11, s10;
	_ =	swait.ge [sflag:s12], $0xC80  }
0x262: {  	s13 =	sadd.s32 s1, s13;
	s22 =	sshrl.u32 s21, $0x3;
	[sflag:s12] =	ssyncset.done $0x0  }
0x263: {  	s20 =	simm.s32 $0xF800;
	s14 =	smul.u32 $0x96000, s22;
	[sflag:s12] =	ssyncadd.s32 $0xFFFFF380  }
0x264: {  	[hbm4b:s13+s17] =	stream.strided.scatter [tilespmem:s20], [sflag:$0x2], $0xC80, s18, s17, $0x38;
	[tilespmem:$0x1A780] =	vst v63  }
0x265: {  	s13 =	sshll.u32 s21, $0x7  }
0x266: {  	s23 =	simm.s32 $0x10480;
	s14 =	sadd.s32 s8, s14;
	s13 =	sand.u32 $0x380, s13  }
0x267: {  	s24 =	sadd.s32 $0x12, s10;
	_ =	swait.ge [sflag:s12], $0xC80;
	s13 =	sor.u32 s13, s14  }
0x268: {  	s19 =	sshrl.u32 s24, $0x3;
	[sflag:s12] =	ssyncset.done $0x0;
	s13 =	sshrl.u32 s13, $0x3  }
0x269: {  	s14 =	smul.u32 $0x96000, s19;
	[sflag:s12] =	ssyncadd.s32 $0xFFFFF380;
	s13 =	sadd.s32 s1, s13  }
0x26a: {  	[hbm4b:s13+s17] =	stream.strided.scatter [tilespmem:s23], [sflag:$0x2], $0xC80, s18, s17, $0x38;
	[tilespmem:$0x1A780] =	vst v63  }
0x26b: {  	s13 =	sshll.u32 s24, $0x7  }
0x26c: {  	s20 =	simm.s32 $0x11100;
	s14 =	sadd.s32 s8, s14;
	s13 =	sand.u32 $0x300, s13  }
0x26d: {  	s21 =	sadd.s32 $0x13, s10;
	_ =	swait.ge [sflag:s12], $0xC80;
	s13 =	sor.u32 s13, s14  }
0x26e: {  	s22 =	sshrl.u32 s21, $0x3;
	[sflag:s12] =	ssyncset.done $0x0;
	s13 =	sshrl.u32 s13, $0x3  }
0x26f: {  	s14 =	smul.u32 $0x96000, s22;
	[sflag:s12] =	ssyncadd.s32 $0xFFFFF380;
	s13 =	sadd.s32 s1, s13  }
0x270: {  	[hbm4b:s13+s17] =	stream.strided.scatter [tilespmem:s20], [sflag:$0x2], $0xC80, s18, s17, $0x38;
	[tilespmem:$0x1A780] =	vst v63  }
0x271: {  	s13 =	sshll.u32 s21, $0x7  }
0x272: {  	s23 =	simm.s32 $0x11D80;
	s14 =	sadd.s32 s8, s14;
	s13 =	sand.u32 $0x380, s13  }
0x273: {  	s24 =	sadd.s32 $0x14, s10;
	_ =	swait.ge [sflag:s12], $0xC80;
	s13 =	sor.u32 s13, s14  }
0x274: {  	s19 =	sshrl.u32 s24, $0x3;
	[sflag:s12] =	ssyncset.done $0x0;
	s13 =	sshrl.u32 s13, $0x3  }
0x275: {  	s14 =	smul.u32 $0x96000, s19;
	[sflag:s12] =	ssyncadd.s32 $0xFFFFF380;
	s13 =	sadd.s32 s1, s13  }
0x276: {  	[hbm4b:s13+s17] =	stream.strided.scatter [tilespmem:s23], [sflag:$0x2], $0xC80, s18, s17, $0x38;
	[tilespmem:$0x1A780] =	vst v63  }
0x277: {  	s13 =	sshll.u32 s24, $0x7  }
0x278: {  	s20 =	simm.s32 $0x12A00;
	s14 =	sadd.s32 s8, s14;
	s13 =	sand.u32 $0x300, s13  }
0x279: {  	s21 =	sadd.s32 $0x15, s10;
	_ =	swait.ge [sflag:s12], $0xC80;
	s13 =	sor.u32 s13, s14  }
0x27a: {  	s22 =	sshrl.u32 s21, $0x3;
	[sflag:s12] =	ssyncset.done $0x0;
	s13 =	sshrl.u32 s13, $0x3  }
0x27b: {  	s14 =	smul.u32 $0x96000, s22;
	[sflag:s12] =	ssyncadd.s32 $0xFFFFF380;
	s13 =	sadd.s32 s1, s13  }
0x27c: {  	[hbm4b:s13+s17] =	stream.strided.scatter [tilespmem:s20], [sflag:$0x2], $0xC80, s18, s17, $0x38;
	[tilespmem:$0x1A780] =	vst v63  }
0x27d: {  	s13 =	sshll.u32 s21, $0x7  }
0x27e: {  	s23 =	simm.s32 $0x13680;
	s14 =	sadd.s32 s8, s14;
	s13 =	sand.u32 $0x380, s13  }
0x27f: {  	s24 =	sadd.s32 $0x16, s10;
	_ =	swait.ge [sflag:s12], $0xC80;
	s13 =	sor.u32 s13, s14  }
0x280: {  	s19 =	sshrl.u32 s24, $0x3;
	[sflag:s12] =	ssyncset.done $0x0;
	s13 =	sshrl.u32 s13, $0x3  }
0x281: {  	s14 =	smul.u32 $0x96000, s19;
	[sflag:s12] =	ssyncadd.s32 $0xFFFFF380;
	s13 =	sadd.s32 s1, s13  }
0x282: {  	[hbm4b:s13+s17] =	stream.strided.scatter [tilespmem:s23], [sflag:$0x2], $0xC80, s18, s17, $0x38;
	[tilespmem:$0x1A780] =	vst v63  }
0x283: {  	s13 =	sshll.u32 s24, $0x7  }
0x284: {  	s20 =	simm.s32 $0x14300;
	s14 =	sadd.s32 s8, s14;
	s13 =	sand.u32 $0x300, s13  }
0x285: {  	s21 =	sadd.s32 $0x17, s10;
	_ =	swait.ge [sflag:s12], $0xC80;
	s13 =	sor.u32 s13, s14  }
0x286: {  	s22 =	sshrl.u32 s21, $0x3;
	[sflag:s12] =	ssyncset.done $0x0;
	s13 =	sshrl.u32 s13, $0x3  }
0x287: {  	s14 =	smul.u32 $0x96000, s22;
	[sflag:s12] =	ssyncadd.s32 $0xFFFFF380;
	s13 =	sadd.s32 s1, s13  }
0x288: {  	[hbm4b:s13+s17] =	stream.strided.scatter [tilespmem:s20], [sflag:$0x2], $0xC80, s18, s17, $0x38;
	[tilespmem:$0x1A780] =	vst v63  }
0x289: {  	s13 =	sshll.u32 s21, $0x7  }
0x28a: {  	s23 =	sadd.s32 $0x18, s10;
	s14 =	sadd.s32 s8, s14;
	s13 =	sand.u32 $0x380, s13  }
0x28b: {  	s24 =	simm.s32 $0x14F80;
	_ =	swait.ge [sflag:s12], $0xC80;
	s13 =	sor.u32 s13, s14  }
0x28c: {  	[sflag:s12] =	ssyncset.done $0x0;
	s14 =	sshrl.u32 s23, $0x3;
	s13 =	sshrl.u32 s13, $0x3  }
0x28d: {  	[sflag:s12] =	ssyncadd.s32 $0xFFFFF380;
	s14 =	smul.u32 $0x96000, s14;
	s13 =	sadd.s32 s1, s13  }
0x28e: {  	[hbm4b:s13+s17] =	stream.strided.scatter [tilespmem:s24], [sflag:$0x2], $0xC80, s18, s17, $0x38;
	[tilespmem:$0x1A780] =	vst v63  }
0x28f: {  	s22 =	sadd.s32 $0x19, s10;
	s20 =	sadd.s32 s8, s14  }
0x290: {  	s21 =	simm.s32 $0x15C00;
	_ =	swait.ge [sflag:s12], $0xC80;
	s11 =	sor.u32 s11, s20  }
0x291: {  	s23 =	sshrl.u32 s22, $0x3;
	[sflag:s12] =	ssyncset.done $0x0;
	s11 =	sshrl.u32 s11, $0x3  }
0x292: {  	s13 =	smul.u32 $0x96000, s23;
	[sflag:s12] =	ssyncadd.s32 $0xFFFFF380;
	s11 =	sadd.s32 s1, s11  }
0x293: {  	[hbm4b:s11+s17] =	stream.strided.scatter [tilespmem:s21], [sflag:$0x2], $0xC80, s18, s17, $0x38;
	[tilespmem:$0x1A780] =	vst v63  }
0x294: {  	s11 =	sshll.u32 s22, $0x7  }
0x295: {  	s24 =	simm.s32 $0x16880;
	s13 =	sadd.s32 s8, s13;
	s11 =	sand.u32 $0x380, s11  }
0x296: {  	s14 =	sadd.s32 $0x1A, s10;
	_ =	swait.ge [sflag:s12], $0xC80;
	s11 =	sor.u32 s11, s13  }
0x297: {  	s19 =	sshrl.u32 s14, $0x3;
	[sflag:s12] =	ssyncset.done $0x0;
	s11 =	sshrl.u32 s11, $0x3  }
0x298: {  	s13 =	smul.u32 $0x96000, s19;
	[sflag:s12] =	ssyncadd.s32 $0xFFFFF380;
	s11 =	sadd.s32 s1, s11  }
0x299: {  	[hbm4b:s11+s17] =	stream.strided.scatter [tilespmem:s24], [sflag:$0x2], $0xC80, s18, s17, $0x38;
	[tilespmem:$0x1A780] =	vst v63  }
0x29a: {  	s11 =	sshll.u32 s14, $0x7  }
0x29b: {  	s13 =	sadd.s32 s8, s13;
	s11 =	sand.u32 $0x300, s11  }
0x29c: {  	s20 =	sadd.s32 $0x1B, s10;
	_ =	swait.ge [sflag:s12], $0xC80;
	s11 =	sor.u32 s11, s13  }
0x29d: {  	s21 =	sshrl.u32 s20, $0x3;
	[sflag:s12] =	ssyncset.done $0x0;
	s11 =	sshrl.u32 s11, $0x3  }
0x29e: {  	s13 =	smul.u32 $0x96000, s21;
	[sflag:s12] =	ssyncadd.s32 $0xFFFFF380;
	s11 =	sadd.s32 s1, s11  }
0x29f: {  	[hbm4b:s11+s17] =	stream.strided.scatter [tilespmem:s25], [sflag:$0x2], $0xC80, s18, s17, $0x38;
	[tilespmem:$0x1A780] =	vst v63  }
0x2a0: {  	s11 =	sshll.u32 s20, $0x7  }
0x2a1: {  	s13 =	sadd.s32 s8, s13;
	s11 =	sand.u32 $0x380, s11  }
0x2a2: {  	s22 =	sadd.s32 $0x1C, s10;
	_ =	swait.ge [sflag:s12], $0xC80;
	s11 =	sor.u32 s11, s13  }
0x2a3: {  	s23 =	sshrl.u32 s22, $0x3;
	[sflag:s12] =	ssyncset.done $0x0;
	s11 =	sshrl.u32 s11, $0x3  }
0x2a4: {  	s13 =	smul.u32 $0x96000, s23;
	[sflag:s12] =	ssyncadd.s32 $0xFFFFF380;
	s11 =	sadd.s32 s1, s11  }
0x2a5: {  	[hbm4b:s11+s17] =	stream.strided.scatter [tilespmem:s26], [sflag:$0x2], $0xC80, s18, s17, $0x38;
	[tilespmem:$0x1A780] =	vst v63  }
0x2a6: {  	s11 =	sshll.u32 s22, $0x7  }
0x2a7: {  	s13 =	sadd.s32 s8, s13;
	s11 =	sand.u32 $0x300, s11  }
0x2a8: {  	_ =	swait.ge [sflag:s12], $0xC80;
	s11 =	sor.u32 s11, s13  }
0x2a9: {  	s10 =	sadd.s32 $0x1D, s10;
	[sflag:s12] =	ssyncset.done $0x0;
	s11 =	sshrl.u32 s11, $0x3  }
0x2aa: {  	s24 =	sshrl.u32 s10, $0x3;
	[sflag:s12] =	ssyncadd.s32 $0xFFFFF380;
	s11 =	sadd.s32 s1, s11  }
0x2ab: {  	[hbm4b:s11+s17] =	stream.strided.scatter [tilespmem:s28], [sflag:$0x2], $0xC80, s18, s17, $0x38;
	[tilespmem:$0x1A780] =	vst v63  }
0x2ac: {  	s11 =	smul.u32 $0x96000, s24  }
0x2ad: {  	s10 =	sshll.u32 s10, $0x7  }
0x2ae: {  	s10 =	sand.u32 $0x380, s10;
	s8 =	sadd.s32 s8, s11  }
0x2af: {  	s4 =	sadd.s32 $0x1, s4;
	_ =	swait.ge [sflag:s12], $0xC80;
	s8 =	sor.u32 s10, s8  }
0x2b0: {  	p0 =	sne.s32 s4, $0x3;
	[sflag:s12] =	ssyncset.done $0x0;
	s8 =	sshrl.u32 s8, $0x3  }
.Ltmp6:
0x2b1: {  	[sflag:s12] =	ssyncadd.s32 $0xFFFFF380;
	s8 =	sadd.s32 s1, s8;
	(pc) =	sbr.rel @p0 .LBB2_2-.Ltmp6, $4  }
0x2b2: {  	[hbm4b:s8+s17] =	stream.strided.scatter [tilespmem:s29], [sflag:$0x2], $0xC80, s18, s17, $0x38;
	[tilespmem:$0x1A780] =	vst v63  }
0x2b3: {  	_ =	swait.ge [sflag:s12], $0xC80  }
0x2b4: {  	[sflag:s12] =	ssyncset.done $0x0  }
0x2b5: {  	[sflag:s12] =	ssyncadd.s32 $0xFFFFF380  }
0x2b6: {  	s4 =	rddreg [dreg:$0x5]  }
0x2b7: {  	s0 =	rddreg [dreg:$0x4];
	s4 =	sadd.s32 $0x1, s4  }
0x2b8: {  	p0 =	sne.s32 s4, s0  }
.Ltmp7:
0x2b9: {  	_ = 	snop;
	(pc) =	sbr.rel @p0 .LBB2_1-.Ltmp7, $1  }
0x2ba: {  	_ =	sdelay $0x3  }
0x2bb: {  	_ =	sfence.sel $0x180000  }
0x2bc: {  	[bflag:$0x0] =	sbarrier.arrive $0xFFFF  }
0x2bd: {  	_ =	strace $0x90000047  }
0x2be: {  	s0 =	stileid.u32;
	[bflag:$0x2] =	sbarrier.arrive $0xFFFF  }
0x2bf: {  	p0 =	sne.s32 s0, $0x0;
	s0 =	rddreg [dreg:$0x2]  }
0x2c0: {  	s0 =	sadd.s32 @!p0 $0x100000, s0  }
0x2c1: {  	[sflag:s0] =	ssyncadd.tile.s32 @!p0 $0x1;
	_ =	shalt  }
.Lfunc_end2:
_tile_overlayer_lowered:
.L_overlay_start_2:
0x2c2: {  	(tag) =	ssettag $0x2  }
0x2c3: {  	s0 =	rddreg [dreg:$0x0];
	s2 =	stileid.u32  }
0x2c4: {  	s1 =	rddreg [dreg:$0x1];
	p0 =	sne.s32 s2, $0x0  }
0x2c5: {  	s3 =	rddreg [dreg:$0x2];
	[bflag:$0x3] =	sbarrier.arrive $0xFFFF;
	s2 =	simm.s32 @!p0 $0x1C02  }
0x2c6: {  	[timem:s3], [sflag:s2] =	dma.local @!p0 [hbm:s0], s1  }
0x2c7: {  	s0 =	simm.s32 @!p0 $0x2  }
0x2c8: {  	_ =	swait.ge @!p0 [sflag:s0], s1  }
0x2c9: {  	s1 =	ssub.s32 @!p0 $0x0, s1;
	[sflag:s0] =	ssyncset.done @!p0 $0x0  }
0x2ca: {  	[sflag:s0] =	ssyncadd.s32 @!p0 s1  }
0x2cb: {  	[bflag:$0x3] =	sbarrier.arrive $0xFFFF  }
0x2cc: {  	_ =	shalt  }

// kernel: sparse-core-data-format-call.cloned.1.call-start
scs
called_computation_lowered:
.L_overlay_start_0:
0x0: {  	s2 =	sld [smem:$0x3FD9]  }
0x1: {  	s3 =	sld [smem:$0x3FFE];
	_ =	sdelay $0x1  }
0x2: {  	s1 =	srdreg.scid  }
0x3: {  	s0 =	sand.u32 $0x1, s1  }
0x4: {  	s18 =	sshll.u32 s0, $0xA;
	s2 =	sadd.s32 s3, s2  }
0x5: {  	s2 =	sadd.s32 s2, s18  }
0x6: {  	[smem:$0x3FC7] =	sst s2  }
0x7: {  	_ = 	snop  }
0x8: {  	s2 =	sld [smem:$0x3FD0];
	(tm) =	ssettm $0x1  }
0x9: {  	s19 =	sld [smem:$0x3FFB];
	_ =	sdelay $0x3  }
0xa: {  	_ =	strace s19  }
0xb: {  	s3 =	sld [smem:$0x3FFC];
	_ =	sdelay $0x3  }
0xc: {  	_ =	strace s3  }
0xd: {  	s3 =	sld [smem:$0x3FFD];
	_ =	sdelay $0x3  }
0xe: {  	_ =	strace s3  }
0xf: {  	_ =	strace $0x8FFFFFFF  }
0x10: {  	s20 =	sld [smem:$0x3FDB];
	_ =	sdelay $0x1  }
0x11: {  	s4 =	simm.s32 $_scs_section_size  }
0x12: {  	s5 =	simm.s32 $_size__tile_overlayer_lowered;
	s6 =	simm.s32 $_tile_overlayer_lowered  }
0x13: {  	s23 =	simm.s32 $0x1BFF;
	s22 =	sshll.u32 s6, $0x1;
	s3 =	sadd.s32 s4, s20  }
0x14: {  	s7 =	simm.s32 $0x0;
	s21 =	sshll.u32 s5, $0x1;
	s5 =	sadd.s32 s22, s3  }
0x15: {  	[timem:s7], [sflag:s23] =	dma.local [hbm:s5], s21  }
0x16: {  	_ =	swait.ge [sflag:s23], s21  }
0x17: {  	s4 =	ssub.s32 $0x0, s21;
	[sflag:s23] =	ssyncset.done $0x0  }
0x18: {  	[sflag:s23] =	ssyncadd.s32 s4;
	_ =	sdelay $0x1  }
0x19: {  	s24 =	simm.s32 $0x1B8B  }
0x1a: {  	_ =	swait.ge [sflag:s24], $0x1  }
0x1b: {  	[sflag:s24] =	ssyncset.done $0x0  }
0x1c: {  	s26 =	simm.s32 $0x1B8E;
	s25 =	sld [smem:$0x3FFE];
	[sflag:s24] =	ssyncadd.s32 $0xFFFFFFFF  }
0x1d: {  	s27 =	simm.s32 $execute0_lowered;
	[smem:$0x3FD2] =	sst s26  }
0x1e: {  	s5 =	sshll.u32 s27, $0x1;
	_ =	strace $0x80000049;
	[dreg:$0x1] =	wrdreg $0xFFFFFFFF  }
0x1f: {  	s28 =	simm.s32 $_size_execute0_lowered;
	s3 =	sadd.s32 s3, s5;
	[dreg:$0x0] =	wrdreg $0x0  }
0x20: {  	s5 =	sshll.u32 s28, $0x1;
	[dreg:$0x2] =	wrdreg s3  }
0x21: {  	[dreg:$0x3] =	wrdreg s5  }
0x22: {  	[dreg:$0x4] =	wrdreg $0xC0  }
0x23: {  	_ =	task [dreg:s7], $0x5FFFF  }
0x24: {  	[dreg:$0x1] =	wrdreg $0xFFFFFFFF  }
0x25: {  	[dreg:$0x0] =	wrdreg $0x60  }
0x26: {  	[dreg:$0x2] =	wrdreg s25  }
0x27: {  	[dreg:$0x3] =	wrdreg s2  }
0x28: {  	[dreg:$0x4] =	wrdreg $0x9  }
0x29: {  	_ =	task.clear_ibuf [dreg:s7], $0x5FFFF;
	_ =	strace $0x90000049  }
0x2a: {  	s29 =	simm.s32 $0x9;
	_ =	strace $0x8000004B  }
0x2b: {  	_ =	swait.ge [sflag:s29], $0x1  }
0x2c: {  	[sflag:s29] =	ssyncadd.s32 $0xFFFFFFFF  }
0x2d: {  	_ =	strace $0x9000004B  }
0x2e: {  	_ =	sfence  }
0x2f: {  	s30 =	sld [smem:$0x0];
	_ =	sdelay $0x2  }
0x30: {  	s31 =	sshll.u32 s1, $0xD;
	s1 =	sshrl.u32 s1, $0x2  }
0x31: {  	s3 =	sand.u32 $0x4000, s31;
	s1 =	sadd.s32 s1, s30  }
0x32: {  	s0 =	sor.u32 s3, s0;
	s1 =	sshll.u32 s1, $0x11  }
0x33: {  	s0 =	sor.u32 s1, s0  }
0x34: {  	s0 =	sadd.s32 $0x8F2B, s0  }
0x35: {  	[sflag:s0] =	ssyncadd.remote.s32 $0x1  }
0x36: {  	_ =	sfence.sel $0xFFFF  }
0x37: {  	[dreg:$0x0] =	wrdreg $0xFFFFFFFF;
	(pc) =	sbr.abs _section_cstart, $3  }
0x38: {  	[dreg:$0x1] =	wrdreg $0xFFFFFFFF  }
0x39: {  	_ =	task.clear_ibuf [dreg:s7], $0x2FFFF;
	_ =	strace $0x9FFFFFFF  }
0x3a: {  	(tm) =	ssettm $0x7FFFFFFF  }
0x3b: {  	_ =	shalt  }
tec
execute0_lowered:
.L_overlay_start_1:
0x0: {  	(tag) =	ssettag $0x1  }
0x1: {  	s0 =	rddreg [dreg:$0x0]  }
0x2: {  	s2 =	stileid.u32;
	_ =	strace $0x8000004A;
	s29 =	srdreg.scid  }
0x3: {  	s30 =	simm.s32 $0x1;
	s31 =	simm.s32 $0x2;
	s23 =	simm.s32 $0x0  }
0x4: {  	s22 =	simm.s32 $0x0;
	s24 =	simm.s32 $0x0;
	s25 =	simm.s32 $0x0  }
0x5: {  	s13 =	simm.s32 $0x0;
	s14 =	simm.s32 $0x0;
	s15 =	simm.s32 $0x0  }
0x6: {  	s17 =	simm.s32 $0x0;
	s16 =	simm.s32 $0x0;
	s8 =	sshrl.u32 s2, $0x2  }
0x7: {  	s0 =	sadd.s32 $0x400, s0;
	s9 =	sand.u32 $0x3, s2;
	[sflag:s30] =	ssyncpa.u1 $0x0  }
0x8: {  	s1 =	ssub.s32 $0x21, s8;
	[dreg:$0x4] =	wrdreg s0;
	s0 =	sshll.u32 s29, $0x7  }
.Ltmp0:
0x9: {  	[dreg:$0x3] =	wrdreg s8;
	s1 =	sshrl.u32 s1, $0x2;
	(pc) =	sbr.rel .LBB1_1-.Ltmp0, $4  }
0xa: {  	[dreg:$0x5] =	wrdreg s9;
	s11 =	sand.u32 $0x80, s0;
	s10 =	smul.u32 $0x3, s1  }
0xb: {  	s21 =	simm.s32 $0x0;
	[sflag:s31] =	ssyncpa.u1 $0x0;
	[dreg:$0x7] =	wrdreg s11  }
0xc: {  	s19 =	smov.u32 s8;
	s12 =	sadd.s32 $0x1, s10;
	[dreg:$0x6] =	wrdreg s10  }
0xd: {  	s20 =	smov.u32 s9;
	s18 =	smov.u32 s11;
	[dreg:$0x8] =	wrdreg s12  }
.LBB1_18:
0xe: {  	s13 =	rddreg [dreg:$0x9]  }
0xf: {  	s14 =	rddreg [dreg:$0xa]  }
0x10: {  	s4 =	rddreg [dreg:$0x17]  }
0x11: {  	s5 =	rddreg [dreg:$0x18]  }
0x12: {  	s22 =	rddreg [dreg:$0x16]  }
0x13: {  	s17 =	rddreg [dreg:$0xd]  }
0x14: {  	s15 =	rddreg [dreg:$0xb]  }
0x15: {  	s26 =	rddreg [dreg:$0x1]  }
0x16: {  	s29 =	rddreg [dreg:$0x19]  }
0x17: {  	s8 =	rddreg [dreg:$0x3]  }
0x18: {  	s9 =	rddreg [dreg:$0x5]  }
0x19: {  	s10 =	rddreg [dreg:$0x6]  }
0x1a: {  	s11 =	rddreg [dreg:$0x7]  }
0x1b: {  	s12 =	rddreg [dreg:$0x8]  }
0x1c: {  	s16 =	rddreg [dreg:$0xc]  }
0x1d: {  	s18 =	rddreg [dreg:$0xe]  }
0x1e: {  	s31 =	simm.s32 $0x800;
	s19 =	rddreg [dreg:$0xf];
	s0 =	sshll.u32 s13, $0x8  }
0x1f: {  	s1 =	sshll.u32 s14, $0x3;
	s2 =	sshll.u32 s13, $0x7;
	p0 =	sgt.s32 s14, $0x80  }
0x20: {  	s3 =	smov.u32 s14;
	s23 =	sand.u32 $0x78, s14;
	s24 =	smul.u32 $0x4B000, s17  }
0x21: {  	s25 =	smul.u32 $0x2800, s15;
	s27 =	sand.u32 $0x7, s14;
	s0 =	sand.u32 $0xFFFFF800, s0  }
0x22: {  	s1 =	sand.u32 $0xFFFFFC00, s1;
	s20 =	sand.u32 $0x300, s2;
	s3 =	simm.s32 @!p0 $0x80  }
0x23: {  	p0 =	sgt.s32 s13, $0xC0;
	s2 =	sand.u32 $0x80, s2;
	s28 =	sshll.u32 s27, $0x12  }
0x24: {  	s0 =	sadd.s32 s1, s0;
	s1 =	smov.u32 s13;
	s3 =	sadd.s32 s4, s3  }
0x25: {  	s2 =	sor.u32 s23, s2;
	s23 =	rddreg [dreg:$0x13];
	s0 =	sor.u32 s20, s0  }
0x26: {  	s1 =	simm.s32 @!p0 $0xC0;
	s4 =	sadd.s32 $0xFFFFFF80, s3;
	s3 =	ssub.s32 $0x100, s3  }
0x27: {  	s20 =	rddreg [dreg:$0x10];
	s0 =	sshrl.u32 s0, $0x8;
	p0 =	sgt.s32 s4, $0x7F  }
0x28: {  	s1 =	sadd.s32 s5, s1;
	s21 =	smulhi.u32 $0xCCCCCD, s0;
	s3 =	simm.s32 @p0 $0x0  }
0x29: {  	s5 =	sadd.s32 $0xFFFFFF40, s1;
	s1 =	ssub.s32 $0x140, s1;
	s3 =	smul.u32 s22, s3  }
0x2a: {  	p0 =	sgt.s32 s5, $0x7F;
	s22 =	rddreg [dreg:$0x12];
	s4 =	smul.u32 $0x140, s21  }
0x2b: {  	s30 =	sor.u32 $0x400, s28;
	s1 =	simm.s32 @p0 $0x0;
	s21 =	rddreg [dreg:$0x11]  }
0x2c: {  	s1 =	smul.u32 s1, s3;
	s0 =	ssub.s32 s0, s4;
	s4 =	sadd.s32 s26, s24  }
0x2d: {  	s2 =	sshrl.u32 s2, $0x3;
	s24 =	rddreg [dreg:$0x14];
	s3 =	sadd.s32 s25, s4  }
0x2e: {  	s1 =	sand.u32 $0x3FFFFFFF, s1;
	s0 =	sshll.u32 s0, $0x5;
	s2 =	sadd.s32 s2, s3  }
0x2f: {  	s4 =	sor.u32 $0x8000, s29;
	s25 =	rddreg [dreg:$0x15];
	s0 =	sadd.s32 s0, s2  }
0x30: {  	[hbm4b:s0+s30] =	stream.strided.scatter [tilespmem:s4], [sflag:$0x2], s1, s31, s30, $0x20;
	[tilespmem:$0x10100] =	vst v63  }
.LBB1_19:
0x31: {  	p0 =	slt.u32 s21, $0x2  }
0x32: {  	s0 =	smov.u32 s25;
	s2 =	smov.u32 s24;
	s5 =	smov.u32 s22  }
0x33: {  	p1 =	sgt.s32 @!p0 s25, $0x3;
	s1 =	sshra.s32 @!p0 s25, $0x1F;
	s3 =	sshra.s32 @!p0 s24, $0x1F  }
0x34: {  	p3 =	sgt.s32 @!p0 s22, $0x80;
	s4 =	sshra.s32 @!p0 s22, $0x1F;
	p1 =	por !p1, p0  }
0x35: {  	s1 =	sand.u32 @!p0 s1, s25;
	s4 =	sand.u32 @!p0 s4, s22;
	s0 =	simm.s32 @p1 $0x3  }
0x36: {  	s22 =	smov.u32 s14;
	p1 =	sgt.s32 @!p0 s24, $0x1D;
	s0 =	ssub.s32 @!p0 s0, s1  }
0x37: {  	s25 =	smov.u32 s17;
	p1 =	por !p1, p0;
	s1 =	sadd.s32 @!p0 $0xFFFFFFFD, s0  }
0x38: {  	s2 =	simm.s32 @p1 $0x1D;
	p2 =	sgt.s32 @!p0 s1, $0x0;
	s1 =	sand.u32 @!p0 s3, s24  }
0x39: {  	s0 =	ssub.s32 @!p0 $0x4, s0;
	p1 =	por !p2, p0;
	s1 =	ssub.s32 @!p0 s2, s1  }
0x3a: {  	s3 =	smov.u32 s23;
	s0 =	simm.s32 @!p1 $0x0;
	s2 =	sadd.s32 @!p0 $0xFFFFFFE3, s1  }
0x3b: {  	p1 =	sgt.s32 @!p0 s23, $0xC0;
	p2 =	sgt.s32 @!p0 s2, $0x0;
	s2 =	sshra.s32 @!p0 s23, $0x1F  }
0x3c: {  	s1 =	ssub.s32 @!p0 $0x1E, s1;
	p1 =	por !p1, p0;
	s2 =	sand.u32 @!p0 s2, s23  }
0x3d: {  	s3 =	simm.s32 @p1 $0xC0;
	p1 =	por !p3, p0;
	p2 =	por !p2, p0  }
0x3e: {  	s5 =	simm.s32 @p1 $0x80;
	s1 =	simm.s32 @!p2 $0x0;
	s2 =	ssub.s32 @!p0 s3, s2  }
0x3f: {  	s3 =	ssub.s32 @!p0 s5, s4;
	s0 =	smul.u32 @!p0 s0, s1;
	s1 =	sadd.s32 @!p0 $0xFFFFFF40, s2  }
0x40: {  	s5 =	smov.u32 s18;
	s4 =	sadd.s32 @!p0 $0xFFFFFF80, s3;
	p1 =	sgt.s32 @!p0 s1, $0x7F  }
0x41: {  	s1 =	ssub.s32 @!p0 $0x140, s2;
	s2 =	ssub.s32 @!p0 $0x100, s3;
	p2 =	sgt.s32 @!p0 s4, $0x7F  }
0x42: {  	s3 =	sadd.s32 $0x80, s16;
	s4 =	sadd.s32 $0x100, s18;
	p2 =	por !p2, p0  }
0x43: {  	p1 =	por !p1, p0;
	s2 =	simm.s32 @!p2 $0x0;
	p2 =	sgt.s32 s3, $0x13F  }
0x44: {  	s1 =	simm.s32 @!p1 $0x0;
	s0 =	smul.u32 @!p0 s2, s0;
	s5 =	smov.u32 @p2 s4  }
0x45: {  	s2 =	sadd.s32 $0x4, s19;
	s4 =	smov.u32 s19;
	p1 =	sgt.s32 s5, $0xEF  }
0x46: {  	s3 =	simm.s32 @p2 $0x0;
	s0 =	smul.u32 @!p0 s1, s0;
	s4 =	smov.u32 @p1 s2  }
0x47: {  	s1 =	sadd.s32 $0x4, s20;
	s2 =	smov.u32 s20;
	p2 =	sgt.s32 s4, $0x1D  }
0x48: {  	s14 =	smov.u32 s18;
	s17 =	smov.u32 s20;
	s2 =	smov.u32 @p2 s1  }
0x49: {  	s24 =	smov.u32 s15;
	s5 =	smov.u32 @p1 s11;
	p1 =	sgt.s32 s2, $0x3  }
0x4a: {  	s15 =	smov.u32 s19;
	s2 =	smov.u32 @p1 s9;
	p1 =	sne.s32 s21, s12  }
.Ltmp1:
0x4b: {  	s23 =	smov.u32 s13;
	s13 =	smov.u32 s16;
	(pc) =	sbr.rel @!p1 .LBB1_20-.Ltmp1, $4  }
0x4c: {  	s16 =	smov.u32 s3;
	s0 =	sand.u32 @!p0 $0x3FFFFFFF, s0;
	s1 =	simm.s32 @!p0 $0x2  }
0x4d: {  	s18 =	smov.u32 s5;
	s4 =	smov.u32 @p2 s8;
	_ =	swait.ge @!p0 [sflag:s1], s0  }
0x4e: {  	s0 =	ssub.s32 @!p0 $0x0, s0;
	s19 =	smov.u32 s4;
	[sflag:s1] =	ssyncset.done @!p0 $0x0  }
0x4f: {  	s21 =	sadd.s32 $0x1, s21;
	[sflag:s1] =	ssyncadd.s32 @!p0 s0;
	s20 =	smov.u32 s2  }
.LBB1_1:
0x50: {  	p0 =	sge.u32 s21, s10  }
.Ltmp2:
0x51: {  	_ = 	snop;
	(pc) =	sbr.rel @p0 .LBB1_3-.Ltmp2, $1  }
0x52: {  	_ =	sdelay $0x3  }
0x53: {  	s0 =	sshrl.u32 s18, $0x3  }
0x54: {  	s1 =	sshll.u32 s16, $0x3;
	s0 =	smul.u32 $0xC00, s0  }
0x55: {  	s2 =	sshll.u32 s18, $0x7;
	s1 =	sand.u32 $0xFFFFFC00, s1  }
0x56: {  	s29 =	sand.u32 $0x380, s2;
	s0 =	sadd.s32 s0, s1  }
0x57: {  	s30 =	sand.u32 $0x7F, s16;
	p0 =	sgt.s32 s20, $0x3;
	s0 =	sor.u32 s29, s0  }
0x58: {  	s3 =	smov.u32 s20;
	s4 =	sshra.s32 s20, $0x1F;
	s1 =	sor.u32 s30, s0  }
0x59: {  	s5 =	sxor.u32 $0xFFFFFFFF, s21;
	s7 =	sshra.s32 s19, $0x1F;
	s2 =	smulhi.u32 $0xAAAAAAAB, s1  }
0x5a: {  	s28 =	sshra.s32 s16, $0x1F;
	s3 =	simm.s32 @!p0 $0x3;
	s4 =	sand.u32 s4, s20  }
0x5b: {  	s31 =	sshll.u32 s5, $0xE;
	s3 =	ssub.s32 s3, s4;
	s2 =	sshrl.u32 s2, $0x8  }
0x5c: {  	s5 =	sand.u32 s7, s19;
	s6 =	sadd.s32 $0xFFFFFFFD, s3;
	s2 =	smul.u32 $0x180, s2  }
0x5d: {  	p0 =	sgt.s32 s6, $0x0;
	s6 =	sshra.s32 s18, $0x1F;
	s0 =	smulhi.u32 $0xAAAAAAAB, s0  }
0x5e: {  	s6 =	sand.u32 s6, s18;
	s1 =	ssub.s32 s1, s2;
	s2 =	ssub.s32 $0x4, s3  }
0x5f: {  	s3 =	smov.u32 s19;
	s2 =	simm.s32 @p0 $0x0;
	p0 =	sgt.s32 s19, $0x1D  }
0x60: {  	s30 =	smul.u32 $0x54600, s20;
	s0 =	sshrl.u32 s0, $0x8;
	s3 =	simm.s32 @!p0 $0x1D  }
0x61: {  	p0 =	sgt.s32 s18, $0x70;
	s3 =	ssub.s32 s3, s5;
	s5 =	smov.u32 s18  }
0x62: {  	s26 =	smulhi.u32 $0x1111112, s0;
	s7 =	sadd.s32 $0xFFFFFFE3, s3;
	s5 =	simm.s32 @!p0 $0x70  }
0x63: {  	s3 =	ssub.s32 $0x1E, s3;
	p0 =	sgt.s32 s7, $0x0;
	s5 =	ssub.s32 s5, s6  }
0x64: {  	s6 =	smul.u32 $0xF0, s26;
	s3 =	simm.s32 @p0 $0x0;
	s27 =	sadd.s32 $0xFFFFFF90, s5  }
0x65: {  	s2 =	smul.u32 s2, s3;
	p0 =	sgt.s32 s27, $0x7F;
	s3 =	ssub.s32 $0xF0, s5  }
0x66: {  	s5 =	smov.u32 s16;
	s3 =	simm.s32 @p0 $0x0;
	p0 =	sgt.s32 s16, $0x100  }
0x67: {  	s7 =	sand.u32 s28, s16;
	s26 =	rddreg [dreg:$0x4];
	s5 =	simm.s32 @!p0 $0x100  }
0x68: {  	s28 =	sand.u32 $0x7, s1;
	s0 =	ssub.s32 s0, s6;
	s29 =	ssub.s32 s5, s7  }
0x69: {  	s2 =	smul.u32 s3, s2;
	s3 =	sand.u32 $0x4000, s31;
	s5 =	sadd.s32 $0xFFFFFF00, s29  }
0x6a: {  	s31 =	smul.u32 $0x2D00, s19;
	s4 =	ssub.s32 $0x180, s29;
	p0 =	sgt.s32 s5, $0x7F  }
0x6b: {  	s6 =	sadd.s32 s26, s30;
	s0 =	smul.u32 $0x30, s0;
	s4 =	simm.s32 @p0 $0x0  }
0x6c: {  	s1 =	sshrl.u32 s1, $0x3;
	s27 =	sadd.s32 s31, s6;
	s2 =	smul.u32 s4, s2  }
0x6d: {  	s29 =	sshll.u32 s28, $0x12;
	s31 =	simm.s32 $0xC00;
	s0 =	sadd.s32 s0, s27  }
0x6e: {  	s30 =	sor.u32 $0x400, s29;
	s0 =	sadd.s32 s1, s0;
	s2 =	sand.u32 $0x3FFFFFFF, s2  }
0x6f: {  	[tilespmem:s3], [sflag:$0x1] =	stream.strided.gather [hbm4b:s0+s30], s2, s31, s30, $0x38;
	[tilespmem:$0x10100] =	vst v63  }
.LBB1_3:
0x70: {  	s0 =	sadd.s32 $0xFFFFFFFF, s21  }
0x71: {  	p0 =	sge.u32 s0, s10  }
.Ltmp3:
0x72: {  	_ = 	snop;
	(pc) =	sbr.rel @p0 .LBB1_19-.Ltmp3, $1  }
0x73: {  	_ =	sdelay $0x3  }
0x74: {  	[dreg:$0x15] =	wrdreg s25  }
0x75: {  	[dreg:$0x14] =	wrdreg s24  }
0x76: {  	[dreg:$0x13] =	wrdreg s23  }
0x77: {  	[dreg:$0x12] =	wrdreg s22  }
0x78: {  	[dreg:$0x10] =	wrdreg s20  }
0x79: {  	[dreg:$0xf] =	wrdreg s19  }
0x7a: {  	[dreg:$0xe] =	wrdreg s18  }
0x7b: {  	[dreg:$0xc] =	wrdreg s16;
	p0 =	sgt.s32 s17, $0x3;
	s0 =	smov.u32 s17  }
0x7c: {  	s1 =	sshra.s32 s17, $0x1F;
	s2 =	sshra.s32 s15, $0x1F;
	s20 =	ssub.s32 $0x0, s14  }
0x7d: {  	s22 =	sshra.s32 s14, $0x1F;
	p1 =	sgt.s32 s14, $0x70;
	s4 =	smov.u32 s14  }
0x7e: {  	s25 =	ssub.s32 $0x0, s13;
	s26 =	sshra.s32 s13, $0x1F;
	s0 =	simm.s32 @!p0 $0x3  }
0x7f: {  	s1 =	sand.u32 s1, s17;
	p0 =	sgt.s32 s15, $0x1D;
	s2 =	sand.u32 s2, s15  }
0x80: {  	s4 =	simm.s32 @!p1 $0x70;
	s0 =	ssub.s32 s0, s1;
	s1 =	smov.u32 s15  }
0x81: {  	s3 =	sadd.s32 $0xFFFFFFFD, s0;
	s1 =	simm.s32 @!p0 $0x1D;
	s0 =	ssub.s32 $0x4, s0  }
0x82: {  	p0 =	sgt.s32 s3, $0x0;
	s1 =	ssub.s32 s1, s2;
	s2 =	sand.u32 s20, s22  }
0x83: {  	s3 =	smov.u32 s13;
	s5 =	sadd.s32 $0xFFFFFFE3, s1;
	s1 =	ssub.s32 $0x1E, s1  }
0x84: {  	[dreg:$0x17] =	wrdreg s2;
	s2 =	sadd.s32 s2, s4;
	s0 =	simm.s32 @p0 $0x0  }
0x85: {  	p1 =	sgt.s32 s5, $0x0;
	s23 =	sadd.s32 $0xFFFFFF90, s2;
	s2 =	ssub.s32 $0xF0, s2  }
0x86: {  	s1 =	simm.s32 @p1 $0x0;
	p0 =	sgt.s32 s23, $0x7F;
	p1 =	sgt.s32 s13, $0x100  }
0x87: {  	s24 =	smul.u32 s0, s1;
	s0 =	sand.u32 s25, s26;
	s3 =	simm.s32 @!p1 $0x100  }
0x88: {  	s2 =	simm.s32 @p0 $0x0;
	[dreg:$0x18] =	wrdreg s0;
	s0 =	sadd.s32 s0, s3  }
0x89: {  	[dreg:$0x9] =	wrdreg s13;
	s27 =	smul.u32 s2, s24;
	s28 =	sadd.s32 $0xFFFFFF00, s0  }
0x8a: {  	s0 =	ssub.s32 $0x180, s0;
	s2 =	sadd.s32 $0x1, s17;
	p0 =	sgt.s32 s28, $0x7F  }
0x8b: {  	s3 =	sadd.s32 $0x1, s15;
	s0 =	simm.s32 @p0 $0x0;
	p0 =	slt.s32 s2, $0x4  }
0x8c: {  	[dreg:$0xd] =	wrdreg s17;
	s2 =	simm.s32 @!p0 $0x4;
	p0 =	slt.s32 s3, $0x1E  }
0x8d: {  	s1 =	sadd.s32 $0x80, s14;
	s2 =	ssub.s32 s2, s17;
	s3 =	simm.s32 @!p0 $0x1E  }
0x8e: {  	p1 =	slt.s32 s1, $0xF0;
	s3 =	ssub.s32 s3, s15;
	p0 =	slt.s32 s2, $0x1  }
0x8f: {  	[dreg:$0xb] =	wrdreg s15;
	s1 =	simm.s32 @!p1 $0xF0;
	p1 =	slt.s32 @!p0 s3, $0x1  }
0x90: {  	[dreg:$0xa] =	wrdreg s14;
	s31 =	ssub.s32 s1, s14;
	p1 =	por p0, p1  }
0x91: {  	[dreg:$0x11] =	wrdreg s21;
	p2 =	slt.s32 @!p1 s31, $0x1  }
0x92: {  	[dreg:$0x16] =	wrdreg s24;
	s0 =	smul.u32 s0, s27;
	p1 =	por p1, p2  }
.Ltmp4:
0x93: {  	s29 =	simm.s32 $0x1;
	[dreg:$0x1a] =	wrdreg s2;
	(pc) =	sbr.rel @p1 .LBB1_18-.Ltmp4, $4  }
0x94: {  	s0 =	sand.u32 $0x3FFFFFFF, s0;
	s2 =	sand.u32 $0x1, s21;
	[dreg:$0x1b] =	wrdreg s3  }
0x95: {  	s30 =	smul.u32 $0x4080, s2;
	_ =	swait.ge [sflag:s29], s0  }
0x96: {  	s0 =	ssub.s32 $0x0, s0;
	[sflag:s29] =	ssyncset.done $0x0  }
0x97: {  	[dreg:$0x19] =	wrdreg s30;
	[sflag:s29] =	ssyncadd.s32 s0  }
0x98: {  	s1 =	rddreg [dreg:$0x9]  }
0x99: {  	s0 =	sadd.s32 $0x80, s1  }
0x9a: {  	p1 =	slt.s32 s0, $0x140  }
0x9b: {  	s0 =	simm.s32 @!p1 $0x140  }
.Ltmp5:
0x9c: {  	s0 =	ssub.s32 s0, s1;
	(pc) =	sbr.rel .LBB1_6-.Ltmp5, $4  }
0x9d: {  	s5 =	rddreg [dreg:$0x19];
	s3 =	sadd.s32 $0xF, s0  }
0x9e: {  	s2 =	sshll.u32 @!p0 s2, $0xE;
	s10 =	sor.u32 @!p0 $0x8000, s5;
	s0 =	sand.u32 $0xFFFFFFF0, s3  }
0x9f: {  	s1 =	sand.u32 @!p0 $0xFFFFFF00, s3;
	s4 =	sshll.u32 s3, $0x3;
	p0 =	slt.s32 s3, $0x100  }
0xa0: {  	s11 =	sand.u32 $0xFFFFF800, s4;
	s4 =	simm.s32 $0x0;
	p1 =	sge.s32 s1, s0  }
.LBB1_17:
0xa1: {  	s4 =	sadd.s32 $0x1, s4;
	s3 =	rddreg [dreg:$0x1a]  }
0xa2: {  	p2 =	sne.s32 s4, s3  }
.Ltmp6:
0xa3: {  	_ = 	snop;
	(pc) =	sbr.rel @!p2 .LBB1_18-.Ltmp6, $1  }
0xa4: {  	_ =	sdelay $0x3  }
.LBB1_6:
.Ltmp7:
0xa5: {  	(pc) =	sbr.rel .LBB1_7-.Ltmp7, $2  }
0xa6: {  	_ =	sdelay $0x2  }
0xa7: {  	s6 =	simm.s32 $0x0  }
.LBB1_16:
0xa8: {  	s6 =	sadd.s32 $0x1, s6;
	s3 =	rddreg [dreg:$0x1b]  }
0xa9: {  	p2 =	sne.s32 s6, s3  }
.Ltmp8:
0xaa: {  	_ = 	snop;
	(pc) =	sbr.rel @!p2 .LBB1_17-.Ltmp8, $1  }
0xab: {  	_ =	sdelay $0x3  }
.LBB1_7:
.Ltmp9:
0xac: {  	s3 =	sadd.s32 s4, s6;
	(pc) =	sbr.rel .LBB1_8-.Ltmp9, $3  }
0xad: {  	s5 =	sshll.u32 s3, $0x10;
	s3 =	smul.u32 $0x10200, s3;
	_ =	sdelay $0x1  }
0xae: {  	s8 =	simm.s32 $0x0;
	s5 =	sshra.s32 s5, $0x2;
	s3 =	sshra.s32 s3, $0x2  }
0xaf: {  	s9 =	sadd.s32 s5, s2;
	s5 =	sadd.s32 s3, s10;
	s3 =	simm.s32 $0x400  }
.LBB1_15:
0xb0: {  	s8 =	sadd.s32 $0x1, s8  }
0xb1: {  	p2 =	sne.s32 s8, s31  }
.Ltmp10:
0xb2: {  	_ = 	snop;
	(pc) =	sbr.rel @!p2 .LBB1_16-.Ltmp10, $2  }
0xb3: {  	_ =	sdelay $0x2  }
0xb4: {  	s3 =	sadd.s32 $0x80, s3  }
.LBB1_8:
.Ltmp11:
0xb5: {  	(pc) =	sbr.rel @p0 .LBB1_12-.Ltmp11, $2  }
0xb6: {  	_ =	sdelay $0x2  }
0xb7: {  	s7 =	sshll.u32 s8, $0x7;
	s28 =	sand.u32 $0x7F, s8  }
0xb8: {  	s13 =	sshll.u32 s8, $0x3;
	s17 =	sand.u32 $0x380, s7  }
0xb9: {  	s12 =	sshrl.u32 s13, $0x7;
	s15 =	sadd.s32 $0x800, s13;
	s18 =	sadd.s32 $0x1000, s13  }
0xba: {  	s20 =	sadd.s32 s17, s9;
	s22 =	sadd.s32 $0x1800, s13;
	s30 =	sadd.s32 $0x2800, s13  }
0xbb: {  	s19 =	sadd.s32 $0x3000, s13;
	s13 =	sadd.s32 $0x3800, s13;
	s14 =	sand.u32 $0x78, s12  }
0xbc: {  	s15 =	sshrl.u32 s15, $0x7;
	s21 =	sshrl.u32 s18, $0x7;
	s18 =	sshrl.u32 s22, $0x7  }
0xbd: {  	s13 =	sshrl.u32 s13, $0x7;
	s16 =	smul.u32 $0x204, s14;
	s15 =	sand.u32 $0x78, s15  }
0xbe: {  	v0 =	vmov s20;
	s20 =	sand.u32 $0x3C00, s3;
	s17 =	sand.u32 $0x78, s21;
	s15 =	smul.u32 $0x204, s15  }
0xbf: {  	s23 =	sand.u32 $0x78, s18;
	s14 =	sxor.u32 $0x40, s14;
	s17 =	smul.u32 $0x204, s17  }
0xc0: {  	s13 =	sand.u32 $0x78, s13;
	s14 =	smul.u32 $0x204, s14;
	s16 =	sshrl.u32 s16, $0x2  }
0xc1: {  	s18 =	sshrl.u32 s30, $0x7;
	s13 =	smul.u32 $0x204, s13;
	s16 =	sadd.s32 s16, s5  }
0xc2: {  	s15 =	sshrl.u32 s15, $0x2;
	s24 =	sshrl.u32 s17, $0x2;
	s14 =	sshrl.u32 s14, $0x2  }
0xc3: {  	s17 =	sadd.s32 $0x10, s12;
	s13 =	sshrl.u32 s13, $0x2;
	s15 =	sadd.s32 s15, s5  }
0xc4: {  	s25 =	sadd.s32 s28, s16;
	s16 =	sadd.s32 s24, s5;
	s26 =	sadd.s32 s28, s15  }
0xc5: {  	s15 =	smul.u32 $0x204, s23;
	s27 =	sadd.s32 s28, s16;
	s16 =	sand.u32 $0x78, s18  }
0xc6: {  	s14 =	sadd.s32 s14, s5;
	s13 =	sadd.s32 s13, s5;
	s16 =	smul.u32 $0x204, s16  }
0xc7: {  	s21 =	sadd.s32 s28, s14;
	s23 =	sshrl.u32 s19, $0x7;
	s15 =	sshrl.u32 s15, $0x2  }
0xc8: {  	s18 =	sadd.s32 $0x20, s12;
	s15 =	sadd.s32 s15, s5;
	s24 =	sshrl.u32 s16, $0x2  }
0xc9: {  	s14 =	sand.u32 $0x78, s23;
	s22 =	sadd.s32 s28, s15;
	s15 =	sadd.s32 s24, s5  }
0xca: {  	s30 =	smul.u32 $0x204, s14;
	s14 =	sadd.s32 s28, s15;
	s15 =	sand.u32 $0x78, s17  }
0xcb: {  	s19 =	sadd.s32 $0x30, s12;
	s23 =	sadd.s32 s28, s13;
	s15 =	smul.u32 $0x204, s15  }
0xcc: {  	s16 =	sshrl.u32 s30, $0x2;
	s24 =	sadd.s32 $0x50, s12;
	s17 =	sand.u32 $0x78, s18  }
0xcd: {  	s18 =	sand.u32 $0x78, s24;
	s17 =	smul.u32 $0x204, s17;
	s15 =	sshrl.u32 s15, $0x2  }
0xce: {  	v1 =	vld.idx.msk [tilespmem:v0+s20+$0x0 ss:$0x1], $0xffff;
	s13 =	sadd.s32 s15, s5;
	s15 =	sand.u32 $0x78, s19;
	s19 =	sadd.s32 $0x60, s12  }
0xcf: {  	s29 =	smul.u32 $0x204, s18;
	s17 =	sshrl.u32 s17, $0x2;
	s30 =	sand.u32 $0x78, s19  }
0xd0: {  	s17 =	sadd.s32 s17, s5;
	s19 =	smul.u32 $0x204, s30  }
0xd1: {  	s18 =	sadd.s32 s28, s13;
	s24 =	sadd.s32 s28, s17;
	s17 =	sshrl.u32 s29, $0x2  }
0xd2: {  	s13 =	sadd.s32 s17, s5;
	s30 =	sadd.s32 $0xFFFFFC00, s3;
	s19 =	sshrl.u32 s19, $0x2  }
0xd3: {  	[tilespmem:s25+$0x0 ss:$0x81] =	vst.msk $0xffff, v1;
	v1 =	vld.idx.msk [tilespmem:v0+s20+$0x20 ss:$0x1], $0xffff;
	s17 =	sadd.s32 s19, s5;
	s19 =	sadd.s32 s28, s13;
	s13 =	sand.u32 $0x3C00, s30  }
0xd4: {  	v2 =	vld.idx.msk [tilespmem:v0+s13+$0x70 ss:$0x1], $0xffff  }
0xd5: {  	v3 =	vld.idx.msk [tilespmem:v0+s13+$0x0 ss:$0x1], $0xffff  }
0xd6: {  	v4 =	vld.idx.msk [tilespmem:v0+s13+$0x10 ss:$0x1], $0xffff  }
0xd7: {  	v5 =	vld.idx.msk [tilespmem:v0+s13+$0x20 ss:$0x1], $0xffff  }
0xd8: {  	v6 =	vld.idx.msk [tilespmem:v0+s13+$0x30 ss:$0x1], $0xffff  }
0xd9: {  	s12 =	sadd.s32 $0x70, s12;
	v7 =	vld.idx.msk [tilespmem:v0+s13+$0x40 ss:$0x1], $0xffff;
	[tilespmem:s23+$0x0 ss:$0x81] =	vst.msk $0xffff, v2  }
0xda: {  	s15 =	smul.u32 $0x204, s15;
	s12 =	sand.u32 $0x78, s12;
	v8 =	vld.idx.msk [tilespmem:v0+s13+$0x50 ss:$0x1], $0xffff;
	[tilespmem:s25+$0x0 ss:$0x81] =	vst.msk $0xffff, v3  }
0xdb: {  	p2 =	sgt.s32 s1, $0x100;
	s12 =	smul.u32 $0x204, s12;
	v9 =	vld.idx.msk [tilespmem:v0+s13+$0x60 ss:$0x1], $0xffff;
	[tilespmem:s26+$0x0 ss:$0x81] =	vst.msk $0xffff, v4  }
.Ltmp12:
0xdc: {  	v4 =	vld.idx.msk [tilespmem:v0+s20+$0x10 ss:$0x1], $0xffff;
	[tilespmem:s27+$0x0 ss:$0x81] =	vst.msk $0xffff, v5;
	(pc) =	sbr.rel @!p2 .LBB1_11-.Ltmp12, $4  }
0xdd: {  	s16 =	sadd.s32 s16, s5;
	s15 =	sshrl.u32 s15, $0x2;
	[tilespmem:s22+$0x0 ss:$0x81] =	vst.msk $0xffff, v6;
	v2 =	vld.idx.msk [tilespmem:v0+s20+$0x30 ss:$0x1], $0xffff  }
0xde: {  	s16 =	sadd.s32 s28, s16;
	s15 =	sadd.s32 s15, s5;
	s12 =	sshrl.u32 s12, $0x2;
	[tilespmem:s21+$0x0 ss:$0x81] =	vst.msk $0xffff, v7;
	v3 =	vld.idx.msk [tilespmem:v0+s20+$0x40 ss:$0x1], $0xffff  }
0xdf: {  	s15 =	sadd.s32 s28, s15;
	s29 =	sadd.s32 s12, s5;
	s12 =	sadd.s32 s28, s17;
	[tilespmem:s14+$0x0 ss:$0x81] =	vst.msk $0xffff, v8;
	v5 =	vld.idx.msk [tilespmem:v0+s20+$0x50 ss:$0x1], $0xffff  }
0xe0: {  	s17 =	sadd.s32 s28, s29;
	s13 =	simm.s32 $0x100;
	s29 =	sadd.s32 $0x800, s3;
	[tilespmem:s16+$0x0 ss:$0x81] =	vst.msk $0xffff, v9;
	v6 =	vld.idx.msk [tilespmem:v0+s20+$0x60 ss:$0x1], $0xffff  }
.LBB1_10:
0xe1: {  	s30 =	sadd.s32 $0xFFFFFC00, s29;
	s13 =	sadd.s32 $0x100, s13;
	[tilespmem:s18+$0x0 ss:$0x81] =	vst.msk $0xffff, v4;
	v4 =	vld.idx.msk [tilespmem:v0+s20+$0x70 ss:$0x1], $0xffff;
	s20 =	sand.u32 $0x3C00, s29  }
0xe2: {  	s30 =	sand.u32 $0x3C00, s30;
	v7 =	vld.idx.msk [tilespmem:v0+s20+$0x0 ss:$0x1], $0xffff;
	p2 =	slt.s32 s13, s1;
	[tilespmem:s24+$0x0 ss:$0x81] =	vst.msk $0xffff, v1  }
0xe3: {  	v1 =	vld.idx.msk [tilespmem:v0+s30+$0x70 ss:$0x1], $0xffff;
	[tilespmem:s15+$0x0 ss:$0x81] =	vst.msk $0xffff, v2  }
0xe4: {  	v2 =	vld.idx.msk [tilespmem:v0+s30+$0x0 ss:$0x1], $0xffff;
	[tilespmem:s21+$0x0 ss:$0x81] =	vst.msk $0xffff, v3  }
0xe5: {  	v3 =	vld.idx.msk [tilespmem:v0+s30+$0x10 ss:$0x1], $0xffff;
	[tilespmem:s19+$0x0 ss:$0x81] =	vst.msk $0xffff, v5  }
0xe6: {  	v5 =	vld.idx.msk [tilespmem:v0+s30+$0x20 ss:$0x1], $0xffff;
	[tilespmem:s12+$0x0 ss:$0x81] =	vst.msk $0xffff, v6  }
0xe7: {  	v6 =	vld.idx.msk [tilespmem:v0+s30+$0x30 ss:$0x1], $0xffff;
	[tilespmem:s17+$0x0 ss:$0x81] =	vst.msk $0xffff, v4  }
0xe8: {  	v8 =	vld.idx.msk [tilespmem:v0+s30+$0x40 ss:$0x1], $0xffff;
	[tilespmem:s25+$0x0 ss:$0x81] =	vst.msk $0xffff, v7  }
0xe9: {  	v7 =	vld.idx.msk [tilespmem:v0+s30+$0x50 ss:$0x1], $0xffff;
	[tilespmem:s23+$0x0 ss:$0x81] =	vst.msk $0xffff, v1  }
0xea: {  	[tilespmem:s25+$0x0 ss:$0x81] =	vst.msk $0xffff, v2;
	v9 =	vld.idx.msk [tilespmem:v0+s30+$0x60 ss:$0x1], $0xffff  }
0xeb: {  	[tilespmem:s26+$0x0 ss:$0x81] =	vst.msk $0xffff, v3;
	v4 =	vld.idx.msk [tilespmem:v0+s20+$0x10 ss:$0x1], $0xffff  }
.Ltmp13:
0xec: {  	[tilespmem:s27+$0x0 ss:$0x81] =	vst.msk $0xffff, v5;
	v1 =	vld.idx.msk [tilespmem:v0+s20+$0x20 ss:$0x1], $0xffff;
	(pc) =	sbr.rel @p2 .LBB1_10-.Ltmp13, $4  }
0xed: {  	[tilespmem:s22+$0x0 ss:$0x81] =	vst.msk $0xffff, v6;
	v2 =	vld.idx.msk [tilespmem:v0+s20+$0x30 ss:$0x1], $0xffff  }
0xee: {  	[tilespmem:s21+$0x0 ss:$0x81] =	vst.msk $0xffff, v8;
	v3 =	vld.idx.msk [tilespmem:v0+s20+$0x40 ss:$0x1], $0xffff  }
0xef: {  	[tilespmem:s14+$0x0 ss:$0x81] =	vst.msk $0xffff, v7;
	v5 =	vld.idx.msk [tilespmem:v0+s20+$0x50 ss:$0x1], $0xffff  }
0xf0: {  	s29 =	sadd.s32 $0x800, s29;
	[tilespmem:s16+$0x0 ss:$0x81] =	vst.msk $0xffff, v9;
	v6 =	vld.idx.msk [tilespmem:v0+s20+$0x60 ss:$0x1], $0xffff  }
.LBB1_11:
0xf1: {  	_ =	sdelay $0x2  }
0xf2: {  	[tilespmem:s18+$0x0 ss:$0x81] =	vst.msk $0xffff, v4  }
0xf3: {  	v0 =	vld.idx.msk [tilespmem:v0+s20+$0x70 ss:$0x1], $0xffff;
	[tilespmem:s24+$0x0 ss:$0x81] =	vst.msk $0xffff, v1  }
0xf4: {  	[tilespmem:s15+$0x0 ss:$0x81] =	vst.msk $0xffff, v2  }
0xf5: {  	[tilespmem:s21+$0x0 ss:$0x81] =	vst.msk $0xffff, v3  }
0xf6: {  	[tilespmem:s19+$0x0 ss:$0x81] =	vst.msk $0xffff, v5  }
0xf7: {  	[tilespmem:s12+$0x0 ss:$0x81] =	vst.msk $0xffff, v6  }
0xf8: {  	[tilespmem:s17+$0x0 ss:$0x81] =	vst.msk $0xffff, v0  }
.LBB1_12:
.Ltmp14:
0xf9: {  	(pc) =	sbr.rel @p1 .LBB1_15-.Ltmp14, $1  }
0xfa: {  	_ =	sdelay $0x3  }
0xfb: {  	s13 =	sand.u32 $0x380, s7;
	s12 =	sshrl.u32 s8, $0x4;
	s14 =	sadd.s32 s28, s5  }
0xfc: {  	s15 =	smov.u32 s11;
	s16 =	smov.u32 s1;
	s13 =	sadd.s32 s13, s9  }
.LBB1_14:
0xfd: {  	s17 =	sand.u32 $0x3C00, s15  }
0xfe: {  	s17 =	sadd.s32 s7, s17  }
0xff: {  	s17 =	sand.u32 $0x3C00, s17  }
0x100: {  	s18 =	sand.u32 $0x70, s16;
	s29 =	sadd.s32 s16, s12;
	s17 =	sadd.s32 s17, s13  }
0x101: {  	s16 =	sadd.s32 $0x10, s16;
	s30 =	sand.u32 $0x78, s29;
	s17 =	sadd.s32 s18, s17  }
0x102: {  	p2 =	slt.s32 s16, s0;
	v0 =	vld [tilespmem:s17+$0x0];
	s17 =	smul.u32 $0x204, s30  }
.Ltmp15:
0x103: {  	_ = 	snop;
	(pc) =	sbr.rel @p2 .LBB1_14-.Ltmp15, $4  }
0x104: {  	_ = 	snop  }
0x105: {  	s17 =	sshrl.u32 s17, $0x2  }
0x106: {  	s17 =	sadd.s32 s17, s14  }
0x107: {  	s15 =	sadd.s32 $0x80, s15;
	[tilespmem:s17+$0x0 ss:$0x81] =	vst.msk $0xffff, v0  }
.Ltmp16:
0x108: {  	_ = 	snop;
	(pc) =	sbr.rel .LBB1_15-.Ltmp16, $1  }
0x109: {  	_ =	sdelay $0x3  }
.LBB1_20:
0x10a: {  	_ =	sfence.sel $0x180000  }
0x10b: {  	s0 =	simm.s32 $0x1;
	[bflag:$0x0] =	sbarrier.arrive $0xFFFF  }
0x10c: {  	s30 =	simm.s32 $0x2;
	[sflag:s0] =	ssyncpa.u1 $0x1  }
0x10d: {  	[sflag:s30] =	ssyncpa.u1 $0x1  }
0x10e: {  	_ =	strace $0x9000004A  }
0x10f: {  	s31 =	stileid.u32;
	[bflag:$0x2] =	sbarrier.arrive $0xFFFF  }
0x110: {  	p0 =	sne.s32 s31, $0x0;
	s0 =	rddreg [dreg:$0x2]  }
0x111: {  	s0 =	sadd.s32 @!p0 $0x100000, s0  }
0x112: {  	[sflag:s0] =	ssyncadd.tile.s32 @!p0 $0x1;
	_ =	shalt  }
.Lfunc_end1:
_tile_overlayer_lowered:
.L_overlay_start_2:
0x113: {  	(tag) =	ssettag $0x2  }
0x114: {  	s0 =	rddreg [dreg:$0x0];
	s2 =	stileid.u32  }
0x115: {  	s1 =	rddreg [dreg:$0x1];
	p0 =	sne.s32 s2, $0x0  }
0x116: {  	s3 =	rddreg [dreg:$0x2];
	[bflag:$0x3] =	sbarrier.arrive $0xFFFF;
	s2 =	simm.s32 @!p0 $0x1C01  }
0x117: {  	[timem:s3], [sflag:s2] =	dma.local @!p0 [hbm:s0], s1  }
0x118: {  	s0 =	simm.s32 @!p0 $0x1  }
0x119: {  	_ =	swait.ge @!p0 [sflag:s0], s1  }
0x11a: {  	s1 =	ssub.s32 @!p0 $0x0, s1;
	[sflag:s0] =	ssyncset.done @!p0 $0x0  }
0x11b: {  	[sflag:s0] =	ssyncadd.s32 @!p0 s1  }
0x11c: {  	[bflag:$0x3] =	sbarrier.arrive $0xFFFF  }
0x11d: {  	_ =	shalt  }

</sc_bundles>
